<compile_context>
chip_gen: v7x
topology: tpu7x:2x2x1
jax: 0.10.2.dev20260603
libtpu: 0.0.44.dev20260713+nightly
codegen_flags: <defaults>
</compile_context>

<pallas_src>
import jax
import jax.numpy as jnp
from jax import lax
from jax.experimental import pallas as pl
from jax.experimental.pallas import tpu as pltpu
from jax.experimental.pallas import tpu_sc as plsc

VOCAB = 49408
HIDDEN = 768
SEQ = 77
BATCH = 1024

NC = 2
NS = 16
NW = NC * NS

ROWS = BATCH * SEQ
RPW = ROWS // NW
R = 22
NBUF = 4
A = 2
NCH = RPW // R
G = HIDDEN // 16

assert RPW % R == 0 and NCH % NBUF == 0 and A <= NBUF


def _body(x_hbm, tok_hbm, pos_hbm, out_hbm, idx_v, pos_v, *rest):
  bufs = rest[:NBUF]
  sem_g, sem_s = rest[NBUF], rest[NBUF + 1]
  wid = lax.axis_index("s") * NC + lax.axis_index("c")
  base = wid * RPW

  pltpu.sync_copy(x_hbm.at[wid], idx_v)
  pltpu.sync_copy(pos_hbm, pos_v)

  def gather_start(c, b):
    pltpu.async_copy(tok_hbm.at[idx_v.at[c]], bufs[b], sem_g.at[b])

  def gather_wait(b):
    pltpu.make_async_copy(tok_hbm.at[pl.ds(0, R)], bufs[b], sem_g.at[b]).wait()

  def store_start(c, b):
    pltpu.async_copy(bufs[b], out_hbm.at[pl.ds(base + c * R, R)], sem_s.at[b])

  def store_wait(b):
    pltpu.make_async_copy(
        bufs[b], out_hbm.at[pl.ds(base, R)], sem_s.at[b]).wait()

  for c0 in range(A):
    gather_start(c0, c0 % NBUF)

  @pl.loop(0, NCH, step=NBUF)
  def _outer(g):
    for b in range(NBUF):
      c = g + b

      fb = (b + A) % NBUF

      @pl.when(c + A < NCH)
      def _fire():
        @pl.when(c >= NBUF - A)
        def _drain():
          store_wait(fb)

        gather_start(c + A, fb)

      gather_wait(b)

      off = lax.rem(c * R, SEQ)

      @plsc.parallel_loop(0, R, 1, unroll=2)
      def _row(r):
        p = off + r
        p = jnp.where(p >= SEQ, p - SEQ, p)
        for h in range(G):
          sl = pl.ds(h * 16, 16)
          plsc.addupdate(bufs[b].at[r, sl], pos_v[p, sl])

      store_start(c, b)

  for b in range(NBUF):
    store_wait(b)


@jax.jit
def kernel(x, token_embedding, position_embedding):
  xr = x.astype(jnp.int32).reshape(NW, NCH, R)
  mesh = plsc.VectorSubcoreMesh(
      core_axis_name="c", subcore_axis_name="s",
      num_cores=NC, num_subcores=NS)
  fn = pl.kernel(
      _body,
      out_type=jax.ShapeDtypeStruct((ROWS, HIDDEN), jnp.float32),
      mesh=mesh,
      scratch_types=(
          [pltpu.VMEM((NCH, R), jnp.int32),
           pltpu.VMEM((SEQ, HIDDEN), jnp.float32)]
          + [pltpu.VMEM((R, HIDDEN), jnp.float32) for _ in range(NBUF)]
          + [pltpu.SemaphoreType.DMA((NBUF,)),
             pltpu.SemaphoreType.DMA((NBUF,))]
      ),
      compiler_params=pltpu.CompilerParams(use_tc_tiling_on_sc=False),
  )
  out = fn(xr, token_embedding, position_embedding)
  return out.reshape(BATCH, SEQ, HIDDEN)

# --- scband reference (transcript-rebuilt; emitter-appended) ---
"""Pipeline reference for scband-cliphead-36498632081678 (READ-ONLY COPY).

The authoritative reference and input builder live on the scoring server;
editing this copy changes nothing except your own understanding.
"""

import jax, jax.numpy as jnp
import numpy as np

VOCAB = 49408
HIDDEN = 768
MAX_POS = 77
BATCH = 1024
SEQ = 77

def setup_inputs(seed: int = 0) -> dict:
    key = jax.random.key(seed)
    k1, k2, k3 = jax.random.split(key, 3)
    x = jax.random.randint(k1, (BATCH, SEQ), 0, VOCAB, dtype=jnp.int64 if jax.config.jax_enable_x64 else jnp.int32)
    token_embedding = jax.random.normal(k2, (VOCAB, HIDDEN), dtype=jnp.float32) * 0.02
    position_embedding = jax.random.normal(k3, (MAX_POS, HIDDEN), dtype=jnp.float32) * 0.02
    return {"x": x, "token_embedding": token_embedding, "position_embedding": position_embedding}

def reference(x, token_embedding, position_embedding):
    # CLIPTextEmbeddings.forward: token lookup + position embedding add
    seq_length = x.shape[-1]
    position_ids = jnp.arange(seq_length)[None, :]  # [1, seq]
    inputs_embeds = jnp.take(token_embedding, x, axis=0)  # [B, S, H]
    position_embeds = jnp.take(position_embedding, position_ids, axis=0)  # [1, S, H]
    embeddings = inputs_embeds + position_embeds
    return embeddings

if __name__ == "__main__":
    import jax
    _d = setup_inputs()
    print(jax.jit(kernel)(*tuple(_d.values())))

</pallas_src>

<mosaic_0001>
#map = affine_map<(d0, d1) -> (0, 0, 0)>
#map1 = affine_map<(d0, d1) -> (0, 0)>
module attributes {stable_mosaic.version = 14 : i64} {
  func.func @_body(%arg0: i32, %arg1: i32, %arg2: memref<32x112x22xi32, #tpu.memory_space<hbm>>, %arg3: memref<49408x768xf32, #tpu.memory_space<hbm>>, %arg4: memref<77x768xf32, #tpu.memory_space<hbm>>, %arg5: memref<78848x768xf32, #tpu.memory_space<hbm>>, %arg6: memref<112x22xi32, #tpu.memory_space<vmem>>, %arg7: memref<77x768xf32, #tpu.memory_space<vmem>>, %arg8: memref<22x768xf32, #tpu.memory_space<vmem>>, %arg9: memref<22x768xf32, #tpu.memory_space<vmem>>, %arg10: memref<22x768xf32, #tpu.memory_space<vmem>>, %arg11: memref<22x768xf32, #tpu.memory_space<vmem>>, %arg12: memref<4x!tpu.dma_semaphore, #tpu.memory_space<semaphore_mem>>, %arg13: memref<4x!tpu.dma_semaphore, #tpu.memory_space<semaphore_mem>>) attributes {dimension_semantics = [#tpu.dimension_semantics<core_parallel>, #tpu.dimension_semantics<subcore_parallel>], iteration_bounds = array<i64: 2, 16>, scalar_prefetch = 0 : i64, scratch_operands = 8 : i64, tpu.core_type = #tpu.core_type<sc_vector_subcore>, window_params = [{transform_indices = #map}, {transform_indices = #map1}, {transform_indices = #map1}, {transform_indices = #map1}]} {
    %mul3A = arith.constant 2 : i32
    %mul3A_0 = arith.muli %arg1, %mul3A : i32
    %add3A = arith.addi %mul3A_0, %arg0 : i32
    %mul3A_1 = arith.constant 2464 : i32
    %mul3A_2 = arith.muli %add3A, %mul3A_1 : i32
    "tpu.region"() ({
      %run_scoped3A = tpu.sem_alloc : memref<!tpu.dma_semaphore, #tpu.memory_space<semaphore_mem>>
      %dma_start3A_53 = arith.constant 0 : i32
      %dma_start3A_54 = arith.constant 0 : i32
      %dma_start3A_55 = tpu.memref_slice %arg2[%add3A, %dma_start3A_53, %dma_start3A_54] : memref<32x112x22xi32, #tpu.memory_space<hbm>> -> memref<1x112x22xi32, #tpu.memory_space<hbm>>
      %dma_start3A_56 = tpu.memref_squeeze %dma_start3A_55 : memref<1x112x22xi32, #tpu.memory_space<hbm>> -> memref<112x22xi32, #tpu.memory_space<hbm>>
      %dma_start3A_57 = arith.constant 0 : i32
      %dma_start3A_58 = arith.constant 0 : i32
      %dma_start3A_59 = tpu.memref_slice %arg2[%add3A, %dma_start3A_57, %dma_start3A_58] : memref<32x112x22xi32, #tpu.memory_space<hbm>> -> memref<1x112x22xi32, #tpu.memory_space<hbm>>
      %dma_start3A_60 = tpu.memref_squeeze %dma_start3A_59 : memref<1x112x22xi32, #tpu.memory_space<hbm>> -> memref<112x22xi32, #tpu.memory_space<hbm>>
      tpu.enqueue_dma source(%dma_start3A_60 : memref<112x22xi32, #tpu.memory_space<hbm>>) target(%arg6 : memref<112x22xi32, #tpu.memory_space<vmem>>) target_semaphore(%run_scoped3A : memref<!tpu.dma_semaphore, #tpu.memory_space<semaphore_mem>>)
      %dma_wait3A_61 = arith.constant 0 : i32
      %dma_wait3A_62 = arith.constant 0 : i32
      %dma_wait3A_63 = tpu.memref_slice %arg2[%add3A, %dma_wait3A_61, %dma_wait3A_62] : memref<32x112x22xi32, #tpu.memory_space<hbm>> -> memref<1x112x22xi32, #tpu.memory_space<hbm>>
      %dma_wait3A_64 = tpu.memref_squeeze %dma_wait3A_63 : memref<1x112x22xi32, #tpu.memory_space<hbm>> -> memref<112x22xi32, #tpu.memory_space<hbm>>
      %dma_wait3A_65 = arith.constant 0 : i32
      %dma_wait3A_66 = arith.constant 0 : i32
      %dma_wait3A_67 = tpu.memref_slice %arg2[%add3A, %dma_wait3A_65, %dma_wait3A_66] : memref<32x112x22xi32, #tpu.memory_space<hbm>> -> memref<1x112x22xi32, #tpu.memory_space<hbm>>
      %dma_wait3A_68 = tpu.memref_squeeze %dma_wait3A_67 : memref<1x112x22xi32, #tpu.memory_space<hbm>> -> memref<112x22xi32, #tpu.memory_space<hbm>>
      tpu.wait_dma2 semaphore(%run_scoped3A : memref<!tpu.dma_semaphore, #tpu.memory_space<semaphore_mem>>) src(%dma_wait3A_68 : memref<112x22xi32, #tpu.memory_space<hbm>>) dst(%arg6 : memref<112x22xi32, #tpu.memory_space<vmem>>)
      tpu.yield
    }) : () -> ()
    "tpu.region"() ({
      %run_scoped3A = tpu.sem_alloc : memref<!tpu.dma_semaphore, #tpu.memory_space<semaphore_mem>>
      tpu.enqueue_dma source(%arg4 : memref<77x768xf32, #tpu.memory_space<hbm>>) target(%arg7 : memref<77x768xf32, #tpu.memory_space<vmem>>) target_semaphore(%run_scoped3A : memref<!tpu.dma_semaphore, #tpu.memory_space<semaphore_mem>>)
      tpu.wait_dma2 semaphore(%run_scoped3A : memref<!tpu.dma_semaphore, #tpu.memory_space<semaphore_mem>>) src(%arg4 : memref<77x768xf32, #tpu.memory_space<hbm>>) dst(%arg7 : memref<77x768xf32, #tpu.memory_space<vmem>>)
      tpu.yield
    }) : () -> ()
    %dma_start3A = arith.constant 0 : i32
    %dma_start3A_3 = arith.constant 0 : i32
    %dma_start3A_4 = arith.constant 0 : i32
    %dma_start3A_5 = tpu.memref_slice %arg6[%dma_start3A, %dma_start3A_4] : memref<112x22xi32, #tpu.memory_space<vmem>> -> memref<1x22xi32, #tpu.memory_space<vmem>>
    %dma_start3A_6 = tpu.memref_squeeze %dma_start3A_5 : memref<1x22xi32, #tpu.memory_space<vmem>> -> memref<22xi32, #tpu.memory_space<vmem>>
    %dma_start3A_7 = arith.constant 0 : i32
    %dma_start3A_8 = arith.constant 0 : i32
    %dma_start3A_9 = tpu.memref_slice %arg3[%dma_start3A_7, %dma_start3A_8] : memref<49408x768xf32, #tpu.memory_space<hbm>> -> memref<49408x768xf32, #tpu.memory_space<hbm>>
    %dma_start3A_10 = tpu.memref_slice %arg12[%dma_start3A_3] : memref<4x!tpu.dma_semaphore, #tpu.memory_space<semaphore_mem>> -> memref<1x!tpu.dma_semaphore, #tpu.memory_space<semaphore_mem>>
    %dma_start3A_11 = tpu.memref_squeeze %dma_start3A_10 : memref<1x!tpu.dma_semaphore, #tpu.memory_space<semaphore_mem>> -> memref<!tpu.dma_semaphore, #tpu.memory_space<semaphore_mem>>
    tpu.enqueue_indirect_dma source(%dma_start3A_9 : memref<49408x768xf32, #tpu.memory_space<hbm>>) target(%arg8 : memref<22x768xf32, #tpu.memory_space<vmem>>) offsets(%dma_start3A_6 : memref<22xi32, #tpu.memory_space<vmem>>) semaphore(%dma_start3A_11 : memref<!tpu.dma_semaphore, #tpu.memory_space<semaphore_mem>>)
    %dma_start3A_12 = arith.constant 1 : i32
    %dma_start3A_13 = arith.constant 1 : i32
    %dma_start3A_14 = arith.constant 0 : i32
    %dma_start3A_15 = tpu.memref_slice %arg6[%dma_start3A_12, %dma_start3A_14] : memref<112x22xi32, #tpu.memory_space<vmem>> -> memref<1x22xi32, #tpu.memory_space<vmem>>
    %dma_start3A_16 = tpu.memref_squeeze %dma_start3A_15 : memref<1x22xi32, #tpu.memory_space<vmem>> -> memref<22xi32, #tpu.memory_space<vmem>>
    %dma_start3A_17 = arith.constant 0 : i32
    %dma_start3A_18 = arith.constant 0 : i32
    %dma_start3A_19 = tpu.memref_slice %arg3[%dma_start3A_17, %dma_start3A_18] : memref<49408x768xf32, #tpu.memory_space<hbm>> -> memref<49408x768xf32, #tpu.memory_space<hbm>>
    %dma_start3A_20 = tpu.memref_slice %arg12[%dma_start3A_13] : memref<4x!tpu.dma_semaphore, #tpu.memory_space<semaphore_mem>> -> memref<1x!tpu.dma_semaphore, #tpu.memory_space<semaphore_mem>>
    %dma_start3A_21 = tpu.memref_squeeze %dma_start3A_20 : memref<1x!tpu.dma_semaphore, #tpu.memory_space<semaphore_mem>> -> memref<!tpu.dma_semaphore, #tpu.memory_space<semaphore_mem>>
    tpu.enqueue_indirect_dma source(%dma_start3A_19 : memref<49408x768xf32, #tpu.memory_space<hbm>>) target(%arg9 : memref<22x768xf32, #tpu.memory_space<vmem>>) offsets(%dma_start3A_16 : memref<22xi32, #tpu.memory_space<vmem>>) semaphore(%dma_start3A_21 : memref<!tpu.dma_semaphore, #tpu.memory_space<semaphore_mem>>)
    %scan3A = arith.constant 0 : i32
    %scan3A_22 = arith.constant 28 : i32
    %scan3A_23 = arith.addi %scan3A, %scan3A_22 : i32
    %scan3A_24 = arith.constant 1 : i32
    scf.for %scan3A_53 = %scan3A to %scan3A_23 step %scan3A_24  : i32 {
      %mul3A_54 = arith.constant 4 : i32
      %mul3A_55 = arith.muli %scan3A_53, %mul3A_54 : i32
      %add3A_56 = arith.constant 0 : i32
      %add3A_57 = arith.addi %add3A_56, %mul3A_55 : i32
      %add3A_58 = arith.constant 0 : i32
      %add3A_59 = arith.addi %add3A_57, %add3A_58 : i32
      %add3A_60 = arith.constant 2 : i32
      %add3A_61 = arith.addi %add3A_59, %add3A_60 : i32
      %lt3A = arith.constant 112 : i32
      %lt3A_62 = arith.cmpi slt, %add3A_61, %lt3A : i32
      %convert_element_type3A = arith.extui %lt3A_62 : i1 to i32
      %cond3A = arith.constant 0 : i32
      %cond3A_63 = arith.cmpi ne, %convert_element_type3A, %cond3A : i32
      scf.if %cond3A_63 {
        %ge3A = arith.constant 2 : i32
        %ge3A_193 = arith.cmpi sge, %add3A_59, %ge3A : i32
        %convert_element_type3A_194 = arith.extui %ge3A_193 : i1 to i32
        %cond3A_195 = arith.constant 0 : i32
        %cond3A_196 = arith.cmpi ne, %convert_element_type3A_194, %cond3A_195 : i32
        scf.if %cond3A_196 {
          %dma_wait3A_208 = arith.constant 2 : i32
          %dma_wait3A_209 = arith.constant 0 : i32
          %dma_wait3A_210 = tpu.memref_slice %arg5[%mul3A_2, %dma_wait3A_209] : memref<78848x768xf32, #tpu.memory_space<hbm>> -> memref<22x768xf32, #tpu.memory_space<hbm>>
          %dma_wait3A_211 = tpu.memref_slice %arg13[%dma_wait3A_208] : memref<4x!tpu.dma_semaphore, #tpu.memory_space<semaphore_mem>> -> memref<1x!tpu.dma_semaphore, #tpu.memory_space<semaphore_mem>>
          %dma_wait3A_212 = tpu.memref_squeeze %dma_wait3A_211 : memref<1x!tpu.dma_semaphore, #tpu.memory_space<semaphore_mem>> -> memref<!tpu.dma_semaphore, #tpu.memory_space<semaphore_mem>>
          %dma_wait3A_213 = arith.constant 0 : i32
          %dma_wait3A_214 = tpu.memref_slice %arg5[%mul3A_2, %dma_wait3A_213] : memref<78848x768xf32, #tpu.memory_space<hbm>> -> memref<22x768xf32, #tpu.memory_space<hbm>>
          tpu.wait_dma2 semaphore(%dma_wait3A_212 : memref<!tpu.dma_semaphore, #tpu.memory_space<semaphore_mem>>) src(%arg10 : memref<22x768xf32, #tpu.memory_space<vmem>>) dst(%dma_wait3A_214 : memref<22x768xf32, #tpu.memory_space<hbm>>)
        } else {
        }
        %add3A_197 = arith.constant 2 : i32
        %add3A_198 = arith.addi %add3A_59, %add3A_197 : i32
        %dma_start3A_199 = arith.constant 2 : i32
        %dma_start3A_200 = arith.constant 0 : i32
        %dma_start3A_201 = tpu.memref_slice %arg6[%add3A_198, %dma_start3A_200] : memref<112x22xi32, #tpu.memory_space<vmem>> -> memref<1x22xi32, #tpu.memory_space<vmem>>
        %dma_start3A_202 = tpu.memref_squeeze %dma_start3A_201 : memref<1x22xi32, #tpu.memory_space<vmem>> -> memref<22xi32, #tpu.memory_space<vmem>>
        %dma_start3A_203 = arith.constant 0 : i32
        %dma_start3A_204 = arith.constant 0 : i32
        %dma_start3A_205 = tpu.memref_slice %arg3[%dma_start3A_203, %dma_start3A_204] : memref<49408x768xf32, #tpu.memory_space<hbm>> -> memref<49408x768xf32, #tpu.memory_space<hbm>>
        %dma_start3A_206 = tpu.memref_slice %arg12[%dma_start3A_199] : memref<4x!tpu.dma_semaphore, #tpu.memory_space<semaphore_mem>> -> memref<1x!tpu.dma_semaphore, #tpu.memory_space<semaphore_mem>>
        %dma_start3A_207 = tpu.memref_squeeze %dma_start3A_206 : memref<1x!tpu.dma_semaphore, #tpu.memory_space<semaphore_mem>> -> memref<!tpu.dma_semaphore, #tpu.memory_space<semaphore_mem>>
        tpu.enqueue_indirect_dma source(%dma_start3A_205 : memref<49408x768xf32, #tpu.memory_space<hbm>>) target(%arg10 : memref<22x768xf32, #tpu.memory_space<vmem>>) offsets(%dma_start3A_202 : memref<22xi32, #tpu.memory_space<vmem>>) semaphore(%dma_start3A_207 : memref<!tpu.dma_semaphore, #tpu.memory_space<semaphore_mem>>)
      } else {
      }
      %dma_wait3A_64 = arith.constant 0 : i32
      %dma_wait3A_65 = arith.constant 0 : i32
      %dma_wait3A_66 = arith.constant 0 : i32
      %dma_wait3A_67 = tpu.memref_slice %arg3[%dma_wait3A_65, %dma_wait3A_66] : memref<49408x768xf32, #tpu.memory_space<hbm>> -> memref<22x768xf32, #tpu.memory_space<hbm>>
      %dma_wait3A_68 = tpu.memref_slice %arg12[%dma_wait3A_64] : memref<4x!tpu.dma_semaphore, #tpu.memory_space<semaphore_mem>> -> memref<1x!tpu.dma_semaphore, #tpu.memory_space<semaphore_mem>>
      %dma_wait3A_69 = tpu.memref_squeeze %dma_wait3A_68 : memref<1x!tpu.dma_semaphore, #tpu.memory_space<semaphore_mem>> -> memref<!tpu.dma_semaphore, #tpu.memory_space<semaphore_mem>>
      %dma_wait3A_70 = arith.constant 0 : i32
      %dma_wait3A_71 = arith.constant 0 : i32
      %dma_wait3A_72 = tpu.memref_slice %arg3[%dma_wait3A_70, %dma_wait3A_71] : memref<49408x768xf32, #tpu.memory_space<hbm>> -> memref<22x768xf32, #tpu.memory_space<hbm>>
      tpu.wait_dma2 semaphore(%dma_wait3A_69 : memref<!tpu.dma_semaphore, #tpu.memory_space<semaphore_mem>>) src(%dma_wait3A_72 : memref<22x768xf32, #tpu.memory_space<hbm>>) dst(%arg8 : memref<22x768xf32, #tpu.memory_space<vmem>>)
      %mul3A_73 = arith.constant 22 : i32
      %mul3A_74 = arith.muli %add3A_59, %mul3A_73 : i32
      %rem3A = arith.constant 77 : i32
      %rem3A_75 = arith.remsi %mul3A_74, %rem3A : i32
      %parallel_loop3A = arith.constant 0 : i32
      %parallel_loop3A_76 = arith.constant 22 : i32
      %parallel_loop3A_77 = arith.constant 1 : i32
      scf.for %parallel_loop3A_193 = %parallel_loop3A to %parallel_loop3A_76 step %parallel_loop3A_77  : i32 {
        %parallel_loop3A_194 = arith.addi %rem3A_75, %parallel_loop3A_193 : i32
        %parallel_loop3A_195 = arith.constant 77 : i32
        %parallel_loop3A_196 = arith.cmpi sge, %parallel_loop3A_194, %parallel_loop3A_195 : i32
        %parallel_loop3A_197 = arith.constant 77 : i32
        %parallel_loop3A_198 = arith.subi %parallel_loop3A_194, %parallel_loop3A_197 : i32
        %parallel_loop3A_199 = arith.select %parallel_loop3A_196, %parallel_loop3A_198, %parallel_loop3A_194 : i32
        %parallel_loop3A_200 = arith.index_cast %parallel_loop3A_199 : i32 to index
        %parallel_loop3A_201 = arith.constant 0 : index
        %parallel_loop3A_202 = tpu.vector_load %arg7[%parallel_loop3A_200, %parallel_loop3A_201] {strides = array<i32>} : memref<77x768xf32, #tpu.memory_space<vmem>>, vector<1x16xf32>,
        %parallel_loop3A_203 = vector.shape_cast %parallel_loop3A_202 : vector<1x16xf32> to vector<16xf32>
        %parallel_loop3A_204 = arith.index_cast %parallel_loop3A_193 : i32 to index
        %parallel_loop3A_205 = arith.constant 0 : index
        %parallel_loop3A_206 = tpu.vector_load %arg8[%parallel_loop3A_204, %parallel_loop3A_205] {strides = array<i32>} : memref<22x768xf32, #tpu.memory_space<vmem>>, vector<1x16xf32>,
        %parallel_loop3A_207 = vector.shape_cast %parallel_loop3A_206 : vector<1x16xf32> to vector<16xf32>
        %parallel_loop3A_208 = vector.shape_cast %parallel_loop3A_203 : vector<16xf32> to vector<1x16xf32>
        tpu.vector_store %arg8[%parallel_loop3A_204, %parallel_loop3A_205], %parallel_loop3A_208 {add = true, strides = array<i32>} : memref<22x768xf32, #tpu.memory_space<vmem>>, vector<1x16xf32>,
        %parallel_loop3A_209 = arith.index_cast %parallel_loop3A_199 : i32 to index
        %parallel_loop3A_210 = arith.constant 16 : index
        %parallel_loop3A_211 = tpu.vector_load %arg7[%parallel_loop3A_209, %parallel_loop3A_210] {strides = array<i32>} : memref<77x768xf32, #tpu.memory_space<vmem>>, vector<1x16xf32>,
        %parallel_loop3A_212 = vector.shape_cast %parallel_loop3A_211 : vector<1x16xf32> to vector<16xf32>
        %parallel_loop3A_213 = arith.index_cast %parallel_loop3A_193 : i32 to index
        %parallel_loop3A_214 = arith.constant 16 : index
        %parallel_loop3A_215 = tpu.vector_load %arg8[%parallel_loop3A_213, %parallel_loop3A_214] {strides = array<i32>} : memref<22x768xf32, #tpu.memory_space<vmem>>, vector<1x16xf32>,
        %parallel_loop3A_216 = vector.shape_cast %parallel_loop3A_215 : vector<1x16xf32> to vector<16xf32>
        %parallel_loop3A_217 = vector.shape_cast %parallel_loop3A_212 : vector<16xf32> to vector<1x16xf32>
        tpu.vector_store %arg8[%parallel_loop3A_213, %parallel_loop3A_214], %parallel_loop3A_217 {add = true, strides = array<i32>} : memref<22x768xf32, #tpu.memory_space<vmem>>, vector<1x16xf32>,
        %parallel_loop3A_218 = arith.index_cast %parallel_loop3A_199 : i32 to index
        %parallel_loop3A_219 = arith.constant 32 : index
        %parallel_loop3A_220 = tpu.vector_load %arg7[%parallel_loop3A_218, %parallel_loop3A_219] {strides = array<i32>} : memref<77x768xf32, #tpu.memory_space<vmem>>, vector<1x16xf32>,
        %parallel_loop3A_221 = vector.shape_cast %parallel_loop3A_220 : vector<1x16xf32> to vector<16xf32>
        %parallel_loop3A_222 = arith.index_cast %parallel_loop3A_193 : i32 to index
        %parallel_loop3A_223 = arith.constant 32 : index
        %parallel_loop3A_224 = tpu.vector_load %arg8[%parallel_loop3A_222, %parallel_loop3A_223] {strides = array<i32>} : memref<22x768xf32, #tpu.memory_space<vmem>>, vector<1x16xf32>,
        %parallel_loop3A_225 = vector.shape_cast %parallel_loop3A_224 : vector<1x16xf32> to vector<16xf32>
        %parallel_loop3A_226 = vector.shape_cast %parallel_loop3A_221 : vector<16xf32> to vector<1x16xf32>
        tpu.vector_store %arg8[%parallel_loop3A_222, %parallel_loop3A_223], %parallel_loop3A_226 {add = true, strides = array<i32>} : memref<22x768xf32, #tpu.memory_space<vmem>>, vector<1x16xf32>,
        %parallel_loop3A_227 = arith.index_cast %parallel_loop3A_199 : i32 to index
        %parallel_loop3A_228 = arith.constant 48 : index
        %parallel_loop3A_229 = tpu.vector_load %arg7[%parallel_loop3A_227, %parallel_loop3A_228] {strides = array<i32>} : memref<77x768xf32, #tpu.memory_space<vmem>>, vector<1x16xf32>,
        %parallel_loop3A_230 = vector.shape_cast %parallel_loop3A_229 : vector<1x16xf32> to vector<16xf32>
        %parallel_loop3A_231 = arith.index_cast %parallel_loop3A_193 : i32 to index
        %parallel_loop3A_232 = arith.constant 48 : index
        %parallel_loop3A_233 = tpu.vector_load %arg8[%parallel_loop3A_231, %parallel_loop3A_232] {strides = array<i32>} : memref<22x768xf32, #tpu.memory_space<vmem>>, vector<1x16xf32>,
        %parallel_loop3A_234 = vector.shape_cast %parallel_loop3A_233 : vector<1x16xf32> to vector<16xf32>
        %parallel_loop3A_235 = vector.shape_cast %parallel_loop3A_230 : vector<16xf32> to vector<1x16xf32>
        tpu.vector_store %arg8[%parallel_loop3A_231, %parallel_loop3A_232], %parallel_loop3A_235 {add = true, strides = array<i32>} : memref<22x768xf32, #tpu.memory_space<vmem>>, vector<1x16xf32>,
        %parallel_loop3A_236 = arith.index_cast %parallel_loop3A_199 : i32 to index
        %parallel_loop3A_237 = arith.constant 64 : index
        %parallel_loop3A_238 = tpu.vector_load %arg7[%parallel_loop3A_236, %parallel_loop3A_237] {strides = array<i32>} : memref<77x768xf32, #tpu.memory_space<vmem>>, vector<1x16xf32>,
        %parallel_loop3A_239 = vector.shape_cast %parallel_loop3A_238 : vector<1x16xf32> to vector<16xf32>
        %parallel_loop3A_240 = arith.index_cast %parallel_loop3A_193 : i32 to index
        %parallel_loop3A_241 = arith.constant 64 : index
        %parallel_loop3A_242 = tpu.vector_load %arg8[%parallel_loop3A_240, %parallel_loop3A_241] {strides = array<i32>} : memref<22x768xf32, #tpu.memory_space<vmem>>, vector<1x16xf32>,
        %parallel_loop3A_243 = vector.shape_cast %parallel_loop3A_242 : vector<1x16xf32> to vector<16xf32>
        %parallel_loop3A_244 = vector.shape_cast %parallel_loop3A_239 : vector<16xf32> to vector<1x16xf32>
        tpu.vector_store %arg8[%parallel_loop3A_240, %parallel_loop3A_241], %parallel_loop3A_244 {add = true, strides = array<i32>} : memref<22x768xf32, #tpu.memory_space<vmem>>, vector<1x16xf32>,
        %parallel_loop3A_245 = arith.index_cast %parallel_loop3A_199 : i32 to index
        %parallel_loop3A_246 = arith.constant 80 : index
        %parallel_loop3A_247 = tpu.vector_load %arg7[%parallel_loop3A_245, %parallel_loop3A_246] {strides = array<i32>} : memref<77x768xf32, #tpu.memory_space<vmem>>, vector<1x16xf32>,
        %parallel_loop3A_248 = vector.shape_cast %parallel_loop3A_247 : vector<1x16xf32> to vector<16xf32>
        %parallel_loop3A_249 = arith.index_cast %parallel_loop3A_193 : i32 to index
        %parallel_loop3A_250 = arith.constant 80 : index
        %parallel_loop3A_251 = tpu.vector_load %arg8[%parallel_loop3A_249, %parallel_loop3A_250] {strides = array<i32>} : memref<22x768xf32, #tpu.memory_space<vmem>>, vector<1x16xf32>,
        %parallel_loop3A_252 = vector.shape_cast %parallel_loop3A_251 : vector<1x16xf32> to vector<16xf32>
        %parallel_loop3A_253 = vector.shape_cast %parallel_loop3A_248 : vector<16xf32> to vector<1x16xf32>
        tpu.vector_store %arg8[%parallel_loop3A_249, %parallel_loop3A_250], %parallel_loop3A_253 {add = true, strides = array<i32>} : memref<22x768xf32, #tpu.memory_space<vmem>>, vector<1x16xf32>,
        %parallel_loop3A_254 = arith.index_cast %parallel_loop3A_199 : i32 to index
        %parallel_loop3A_255 = arith.constant 96 : index
        %parallel_loop3A_256 = tpu.vector_load %arg7[%parallel_loop3A_254, %parallel_loop3A_255] {strides = array<i32>} : memref<77x768xf32, #tpu.memory_space<vmem>>, vector<1x16xf32>,
        %parallel_loop3A_257 = vector.shape_cast %parallel_loop3A_256 : vector<1x16xf32> to vector<16xf32>
        %parallel_loop3A_258 = arith.index_cast %parallel_loop3A_193 : i32 to index
        %parallel_loop3A_259 = arith.constant 96 : index
        %parallel_loop3A_260 = tpu.vector_load %arg8[%parallel_loop3A_258, %parallel_loop3A_259] {strides = array<i32>} : memref<22x768xf32, #tpu.memory_space<vmem>>, vector<1x16xf32>,
        %parallel_loop3A_261 = vector.shape_cast %parallel_loop3A_260 : vector<1x16xf32> to vector<16xf32>
        %parallel_loop3A_262 = vector.shape_cast %parallel_loop3A_257 : vector<16xf32> to vector<1x16xf32>
        tpu.vector_store %arg8[%parallel_loop3A_258, %parallel_loop3A_259], %parallel_loop3A_262 {add = true, strides = array<i32>} : memref<22x768xf32, #tpu.memory_space<vmem>>, vector<1x16xf32>,
        %parallel_loop3A_263 = arith.index_cast %parallel_loop3A_199 : i32 to index
        %parallel_loop3A_264 = arith.constant 112 : index
        %parallel_loop3A_265 = tpu.vector_load %arg7[%parallel_loop3A_263, %parallel_loop3A_264] {strides = array<i32>} : memref<77x768xf32, #tpu.memory_space<vmem>>, vector<1x16xf32>,
        %parallel_loop3A_266 = vector.shape_cast %parallel_loop3A_265 : vector<1x16xf32> to vector<16xf32>
        %parallel_loop3A_267 = arith.index_cast %parallel_loop3A_193 : i32 to index
        %parallel_loop3A_268 = arith.constant 112 : index
        %parallel_loop3A_269 = tpu.vector_load %arg8[%parallel_loop3A_267, %parallel_loop3A_268] {strides = array<i32>} : memref<22x768xf32, #tpu.memory_space<vmem>>, vector<1x16xf32>,
        %parallel_loop3A_270 = vector.shape_cast %parallel_loop3A_269 : vector<1x16xf32> to vector<16xf32>
        %parallel_loop3A_271 = vector.shape_cast %parallel_loop3A_266 : vector<16xf32> to vector<1x16xf32>
        tpu.vector_store %arg8[%parallel_loop3A_267, %parallel_loop3A_268], %parallel_loop3A_271 {add = true, strides = array<i32>} : memref<22x768xf32, #tpu.memory_space<vmem>>, vector<1x16xf32>,
        %parallel_loop3A_272 = arith.index_cast %parallel_loop3A_199 : i32 to index
        %parallel_loop3A_273 = arith.constant 128 : index
        %parallel_loop3A_274 = tpu.vector_load %arg7[%parallel_loop3A_272, %parallel_loop3A_273] {strides = array<i32>} : memref<77x768xf32, #tpu.memory_space<vmem>>, vector<1x16xf32>,
        %parallel_loop3A_275 = vector.shape_cast %parallel_loop3A_274 : vector<1x16xf32> to vector<16xf32>
        %parallel_loop3A_276 = arith.index_cast %parallel_loop3A_193 : i32 to index
        %parallel_loop3A_277 = arith.constant 128 : index
        %parallel_loop3A_278 = tpu.vector_load %arg8[%parallel_loop3A_276, %parallel_loop3A_277] {strides = array<i32>} : memref<22x768xf32, #tpu.memory_space<vmem>>, vector<1x16xf32>,
        %parallel_loop3A_279 = vector.shape_cast %parallel_loop3A_278 : vector<1x16xf32> to vector<16xf32>
        %parallel_loop3A_280 = vector.shape_cast %parallel_loop3A_275 : vector<16xf32> to vector<1x16xf32>
        tpu.vector_store %arg8[%parallel_loop3A_276, %parallel_loop3A_277], %parallel_loop3A_280 {add = true, strides = array<i32>} : memref<22x768xf32, #tpu.memory_space<vmem>>, vector<1x16xf32>,
        %parallel_loop3A_281 = arith.index_cast %parallel_loop3A_199 : i32 to index
        %parallel_loop3A_282 = arith.constant 144 : index
        %parallel_loop3A_283 = tpu.vector_load %arg7[%parallel_loop3A_281, %parallel_loop3A_282] {strides = array<i32>} : memref<77x768xf32, #tpu.memory_space<vmem>>, vector<1x16xf32>,
        %parallel_loop3A_284 = vector.shape_cast %parallel_loop3A_283 : vector<1x16xf32> to vector<16xf32>
        %parallel_loop3A_285 = arith.index_cast %parallel_loop3A_193 : i32 to index
        %parallel_loop3A_286 = arith.constant 144 : index
        %parallel_loop3A_287 = tpu.vector_load %arg8[%parallel_loop3A_285, %parallel_loop3A_286] {strides = array<i32>} : memref<22x768xf32, #tpu.memory_space<vmem>>, vector<1x16xf32>,
        %parallel_loop3A_288 = vector.shape_cast %parallel_loop3A_287 : vector<1x16xf32> to vector<16xf32>
        %parallel_loop3A_289 = vector.shape_cast %parallel_loop3A_284 : vector<16xf32> to vector<1x16xf32>
        tpu.vector_store %arg8[%parallel_loop3A_285, %parallel_loop3A_286], %parallel_loop3A_289 {add = true, strides = array<i32>} : memref<22x768xf32, #tpu.memory_space<vmem>>, vector<1x16xf32>,
        %parallel_loop3A_290 = arith.index_cast %parallel_loop3A_199 : i32 to index
        %parallel_loop3A_291 = arith.constant 160 : index
        %parallel_loop3A_292 = tpu.vector_load %arg7[%parallel_loop3A_290, %parallel_loop3A_291] {strides = array<i32>} : memref<77x768xf32, #tpu.memory_space<vmem>>, vector<1x16xf32>,
        %parallel_loop3A_293 = vector.shape_cast %parallel_loop3A_292 : vector<1x16xf32> to vector<16xf32>
        %parallel_loop3A_294 = arith.index_cast %parallel_loop3A_193 : i32 to index
        %parallel_loop3A_295 = arith.constant 160 : index
        %parallel_loop3A_296 = tpu.vector_load %arg8[%parallel_loop3A_294, %parallel_loop3A_295] {strides = array<i32>} : memref<22x768xf32, #tpu.memory_space<vmem>>, vector<1x16xf32>,
        %parallel_loop3A_297 = vector.shape_cast %parallel_loop3A_296 : vector<1x16xf32> to vector<16xf32>
        %parallel_loop3A_298 = vector.shape_cast %parallel_loop3A_293 : vector<16xf32> to vector<1x16xf32>
        tpu.vector_store %arg8[%parallel_loop3A_294, %parallel_loop3A_295], %parallel_loop3A_298 {add = true, strides = array<i32>} : memref<22x768xf32, #tpu.memory_space<vmem>>, vector<1x16xf32>,
        %parallel_loop3A_299 = arith.index_cast %parallel_loop3A_199 : i32 to index
        %parallel_loop3A_300 = arith.constant 176 : index
        %parallel_loop3A_301 = tpu.vector_load %arg7[%parallel_loop3A_299, %parallel_loop3A_300] {strides = array<i32>} : memref<77x768xf32, #tpu.memory_space<vmem>>, vector<1x16xf32>,
        %parallel_loop3A_302 = vector.shape_cast %parallel_loop3A_301 : vector<1x16xf32> to vector<16xf32>
        %parallel_loop3A_303 = arith.index_cast %parallel_loop3A_193 : i32 to index
        %parallel_loop3A_304 = arith.constant 176 : index
        %parallel_loop3A_305 = tpu.vector_load %arg8[%parallel_loop3A_303, %parallel_loop3A_304] {strides = array<i32>} : memref<22x768xf32, #tpu.memory_space<vmem>>, vector<1x16xf32>,
        %parallel_loop3A_306 = vector.shape_cast %parallel_loop3A_305 : vector<1x16xf32> to vector<16xf32>
        %parallel_loop3A_307 = vector.shape_cast %parallel_loop3A_302 : vector<16xf32> to vector<1x16xf32>
        tpu.vector_store %arg8[%parallel_loop3A_303, %parallel_loop3A_304], %parallel_loop3A_307 {add = true, strides = array<i32>} : memref<22x768xf32, #tpu.memory_space<vmem>>, vector<1x16xf32>,
        %parallel_loop3A_308 = arith.index_cast %parallel_loop3A_199 : i32 to index
        %parallel_loop3A_309 = arith.constant 192 : index
        %parallel_loop3A_310 = tpu.vector_load %arg7[%parallel_loop3A_308, %parallel_loop3A_309] {strides = array<i32>} : memref<77x768xf32, #tpu.memory_space<vmem>>, vector<1x16xf32>,
        %parallel_loop3A_311 = vector.shape_cast %parallel_loop3A_310 : vector<1x16xf32> to vector<16xf32>
        %parallel_loop3A_312 = arith.index_cast %parallel_loop3A_193 : i32 to index
        %parallel_loop3A_313 = arith.constant 192 : index
        %parallel_loop3A_314 = tpu.vector_load %arg8[%parallel_loop3A_312, %parallel_loop3A_313] {strides = array<i32>} : memref<22x768xf32, #tpu.memory_space<vmem>>, vector<1x16xf32>,
        %parallel_loop3A_315 = vector.shape_cast %parallel_loop3A_314 : vector<1x16xf32> to vector<16xf32>
        %parallel_loop3A_316 = vector.shape_cast %parallel_loop3A_311 : vector<16xf32> to vector<1x16xf32>
        tpu.vector_store %arg8[%parallel_loop3A_312, %parallel_loop3A_313], %parallel_loop3A_316 {add = true, strides = array<i32>} : memref<22x768xf32, #tpu.memory_space<vmem>>, vector<1x16xf32>,
        %parallel_loop3A_317 = arith.index_cast %parallel_loop3A_199 : i32 to index
        %parallel_loop3A_318 = arith.constant 208 : index
        %parallel_loop3A_319 = tpu.vector_load %arg7[%parallel_loop3A_317, %parallel_loop3A_318] {strides = array<i32>} : memref<77x768xf32, #tpu.memory_space<vmem>>, vector<1x16xf32>,
        %parallel_loop3A_320 = vector.shape_cast %parallel_loop3A_319 : vector<1x16xf32> to vector<16xf32>
        %parallel_loop3A_321 = arith.index_cast %parallel_loop3A_193 : i32 to index
        %parallel_loop3A_322 = arith.constant 208 : index
        %parallel_loop3A_323 = tpu.vector_load %arg8[%parallel_loop3A_321, %parallel_loop3A_322] {strides = array<i32>} : memref<22x768xf32, #tpu.memory_space<vmem>>, vector<1x16xf32>,
        %parallel_loop3A_324 = vector.shape_cast %parallel_loop3A_323 : vector<1x16xf32> to vector<16xf32>
        %parallel_loop3A_325 = vector.shape_cast %parallel_loop3A_320 : vector<16xf32> to vector<1x16xf32>
        tpu.vector_store %arg8[%parallel_loop3A_321, %parallel_loop3A_322], %parallel_loop3A_325 {add = true, strides = array<i32>} : memref<22x768xf32, #tpu.memory_space<vmem>>, vector<1x16xf32>,
        %parallel_loop3A_326 = arith.index_cast %parallel_loop3A_199 : i32 to index
        %parallel_loop3A_327 = arith.constant 224 : index
        %parallel_loop3A_328 = tpu.vector_load %arg7[%parallel_loop3A_326, %parallel_loop3A_327] {strides = array<i32>} : memref<77x768xf32, #tpu.memory_space<vmem>>, vector<1x16xf32>,
        %parallel_loop3A_329 = vector.shape_cast %parallel_loop3A_328 : vector<1x16xf32> to vector<16xf32>
        %parallel_loop3A_330 = arith.index_cast %parallel_loop3A_193 : i32 to index
        %parallel_loop3A_331 = arith.constant 224 : index
        %parallel_loop3A_332 = tpu.vector_load %arg8[%parallel_loop3A_330, %parallel_loop3A_331] {strides = array<i32>} : memref<22x768xf32, #tpu.memory_space<vmem>>, vector<1x16xf32>,
        %parallel_loop3A_333 = vector.shape_cast %parallel_loop3A_332 : vector<1x16xf32> to vector<16xf32>
        %parallel_loop3A_334 = vector.shape_cast %parallel_loop3A_329 : vector<16xf32> to vector<1x16xf32>
        tpu.vector_store %arg8[%parallel_loop3A_330, %parallel_loop3A_331], %parallel_loop3A_334 {add = true, strides = array<i32>} : memref<22x768xf32, #tpu.memory_space<vmem>>, vector<1x16xf32>,
        %parallel_loop3A_335 = arith.index_cast %parallel_loop3A_199 : i32 to index
        %parallel_loop3A_336 = arith.constant 240 : index
        %parallel_loop3A_337 = tpu.vector_load %arg7[%parallel_loop3A_335, %parallel_loop3A_336] {strides = array<i32>} : memref<77x768xf32, #tpu.memory_space<vmem>>, vector<1x16xf32>,
        %parallel_loop3A_338 = vector.shape_cast %parallel_loop3A_337 : vector<1x16xf32> to vector<16xf32>
        %parallel_loop3A_339 = arith.index_cast %parallel_loop3A_193 : i32 to index
        %parallel_loop3A_340 = arith.constant 240 : index
        %parallel_loop3A_341 = tpu.vector_load %arg8[%parallel_loop3A_339, %parallel_loop3A_340] {strides = array<i32>} : memref<22x768xf32, #tpu.memory_space<vmem>>, vector<1x16xf32>,
        %parallel_loop3A_342 = vector.shape_cast %parallel_loop3A_341 : vector<1x16xf32> to vector<16xf32>
        %parallel_loop3A_343 = vector.shape_cast %parallel_loop3A_338 : vector<16xf32> to vector<1x16xf32>
        tpu.vector_store %arg8[%parallel_loop3A_339, %parallel_loop3A_340], %parallel_loop3A_343 {add = true, strides = array<i32>} : memref<22x768xf32, #tpu.memory_space<vmem>>, vector<1x16xf32>,
        %parallel_loop3A_344 = arith.index_cast %parallel_loop3A_199 : i32 to index
        %parallel_loop3A_345 = arith.constant 256 : index
        %parallel_loop3A_346 = tpu.vector_load %arg7[%parallel_loop3A_344, %parallel_loop3A_345] {strides = array<i32>} : memref<77x768xf32, #tpu.memory_space<vmem>>, vector<1x16xf32>,
        %parallel_loop3A_347 = vector.shape_cast %parallel_loop3A_346 : vector<1x16xf32> to vector<16xf32>
        %parallel_loop3A_348 = arith.index_cast %parallel_loop3A_193 : i32 to index
        %parallel_loop3A_349 = arith.constant 256 : index
        %parallel_loop3A_350 = tpu.vector_load %arg8[%parallel_loop3A_348, %parallel_loop3A_349] {strides = array<i32>} : memref<22x768xf32, #tpu.memory_space<vmem>>, vector<1x16xf32>,
        %parallel_loop3A_351 = vector.shape_cast %parallel_loop3A_350 : vector<1x16xf32> to vector<16xf32>
        %parallel_loop3A_352 = vector.shape_cast %parallel_loop3A_347 : vector<16xf32> to vector<1x16xf32>
        tpu.vector_store %arg8[%parallel_loop3A_348, %parallel_loop3A_349], %parallel_loop3A_352 {add = true, strides = array<i32>} : memref<22x768xf32, #tpu.memory_space<vmem>>, vector<1x16xf32>,
        %parallel_loop3A_353 = arith.index_cast %parallel_loop3A_199 : i32 to index
        %parallel_loop3A_354 = arith.constant 272 : index
        %parallel_loop3A_355 = tpu.vector_load %arg7[%parallel_loop3A_353, %parallel_loop3A_354] {strides = array<i32>} : memref<77x768xf32, #tpu.memory_space<vmem>>, vector<1x16xf32>,
        %parallel_loop3A_356 = vector.shape_cast %parallel_loop3A_355 : vector<1x16xf32> to vector<16xf32>
        %parallel_loop3A_357 = arith.index_cast %parallel_loop3A_193 : i32 to index
        %parallel_loop3A_358 = arith.constant 272 : index
        %parallel_loop3A_359 = tpu.vector_load %arg8[%parallel_loop3A_357, %parallel_loop3A_358] {strides = array<i32>} : memref<22x768xf32, #tpu.memory_space<vmem>>, vector<1x16xf32>,
        %parallel_loop3A_360 = vector.shape_cast %parallel_loop3A_359 : vector<1x16xf32> to vector<16xf32>
        %parallel_loop3A_361 = vector.shape_cast %parallel_loop3A_356 : vector<16xf32> to vector<1x16xf32>
        tpu.vector_store %arg8[%parallel_loop3A_357, %parallel_loop3A_358], %parallel_loop3A_361 {add = true, strides = array<i32>} : memref<22x768xf32, #tpu.memory_space<vmem>>, vector<1x16xf32>,
        %parallel_loop3A_362 = arith.index_cast %parallel_loop3A_199 : i32 to index
        %parallel_loop3A_363 = arith.constant 288 : index
        %parallel_loop3A_364 = tpu.vector_load %arg7[%parallel_loop3A_362, %parallel_loop3A_363] {strides = array<i32>} : memref<77x768xf32, #tpu.memory_space<vmem>>, vector<1x16xf32>,
        %parallel_loop3A_365 = vector.shape_cast %parallel_loop3A_364 : vector<1x16xf32> to vector<16xf32>
        %parallel_loop3A_366 = arith.index_cast %parallel_loop3A_193 : i32 to index
        %parallel_loop3A_367 = arith.constant 288 : index
        %parallel_loop3A_368 = tpu.vector_load %arg8[%parallel_loop3A_366, %parallel_loop3A_367] {strides = array<i32>} : memref<22x768xf32, #tpu.memory_space<vmem>>, vector<1x16xf32>,
        %parallel_loop3A_369 = vector.shape_cast %parallel_loop3A_368 : vector<1x16xf32> to vector<16xf32>
        %parallel_loop3A_370 = vector.shape_cast %parallel_loop3A_365 : vector<16xf32> to vector<1x16xf32>
        tpu.vector_store %arg8[%parallel_loop3A_366, %parallel_loop3A_367], %parallel_loop3A_370 {add = true, strides = array<i32>} : memref<22x768xf32, #tpu.memory_space<vmem>>, vector<1x16xf32>,
        %parallel_loop3A_371 = arith.index_cast %parallel_loop3A_199 : i32 to index
        %parallel_loop3A_372 = arith.constant 304 : index
        %parallel_loop3A_373 = tpu.vector_load %arg7[%parallel_loop3A_371, %parallel_loop3A_372] {strides = array<i32>} : memref<77x768xf32, #tpu.memory_space<vmem>>, vector<1x16xf32>,
        %parallel_loop3A_374 = vector.shape_cast %parallel_loop3A_373 : vector<1x16xf32> to vector<16xf32>
        %parallel_loop3A_375 = arith.index_cast %parallel_loop3A_193 : i32 to index
        %parallel_loop3A_376 = arith.constant 304 : index
        %parallel_loop3A_377 = tpu.vector_load %arg8[%parallel_loop3A_375, %parallel_loop3A_376] {strides = array<i32>} : memref<22x768xf32, #tpu.memory_space<vmem>>, vector<1x16xf32>,
        %parallel_loop3A_378 = vector.shape_cast %parallel_loop3A_377 : vector<1x16xf32> to vector<16xf32>
        %parallel_loop3A_379 = vector.shape_cast %parallel_loop3A_374 : vector<16xf32> to vector<1x16xf32>
        tpu.vector_store %arg8[%parallel_loop3A_375, %parallel_loop3A_376], %parallel_loop3A_379 {add = true, strides = array<i32>} : memref<22x768xf32, #tpu.memory_space<vmem>>, vector<1x16xf32>,
        %parallel_loop3A_380 = arith.index_cast %parallel_loop3A_199 : i32 to index
        %parallel_loop3A_381 = arith.constant 320 : index
        %parallel_loop3A_382 = tpu.vector_load %arg7[%parallel_loop3A_380, %parallel_loop3A_381] {strides = array<i32>} : memref<77x768xf32, #tpu.memory_space<vmem>>, vector<1x16xf32>,
        %parallel_loop3A_383 = vector.shape_cast %parallel_loop3A_382 : vector<1x16xf32> to vector<16xf32>
        %parallel_loop3A_384 = arith.index_cast %parallel_loop3A_193 : i32 to index
        %parallel_loop3A_385 = arith.constant 320 : index
        %parallel_loop3A_386 = tpu.vector_load %arg8[%parallel_loop3A_384, %parallel_loop3A_385] {strides = array<i32>} : memref<22x768xf32, #tpu.memory_space<vmem>>, vector<1x16xf32>,
        %parallel_loop3A_387 = vector.shape_cast %parallel_loop3A_386 : vector<1x16xf32> to vector<16xf32>
        %parallel_loop3A_388 = vector.shape_cast %parallel_loop3A_383 : vector<16xf32> to vector<1x16xf32>
        tpu.vector_store %arg8[%parallel_loop3A_384, %parallel_loop3A_385], %parallel_loop3A_388 {add = true, strides = array<i32>} : memref<22x768xf32, #tpu.memory_space<vmem>>, vector<1x16xf32>,
        %parallel_loop3A_389 = arith.index_cast %parallel_loop3A_199 : i32 to index
        %parallel_loop3A_390 = arith.constant 336 : index
        %parallel_loop3A_391 = tpu.vector_load %arg7[%parallel_loop3A_389, %parallel_loop3A_390] {strides = array<i32>} : memref<77x768xf32, #tpu.memory_space<vmem>>, vector<1x16xf32>,
        %parallel_loop3A_392 = vector.shape_cast %parallel_loop3A_391 : vector<1x16xf32> to vector<16xf32>
        %parallel_loop3A_393 = arith.index_cast %parallel_loop3A_193 : i32 to index
        %parallel_loop3A_394 = arith.constant 336 : index
        %parallel_loop3A_395 = tpu.vector_load %arg8[%parallel_loop3A_393, %parallel_loop3A_394] {strides = array<i32>} : memref<22x768xf32, #tpu.memory_space<vmem>>, vector<1x16xf32>,
        %parallel_loop3A_396 = vector.shape_cast %parallel_loop3A_395 : vector<1x16xf32> to vector<16xf32>
        %parallel_loop3A_397 = vector.shape_cast %parallel_loop3A_392 : vector<16xf32> to vector<1x16xf32>
        tpu.vector_store %arg8[%parallel_loop3A_393, %parallel_loop3A_394], %parallel_loop3A_397 {add = true, strides = array<i32>} : memref<22x768xf32, #tpu.memory_space<vmem>>, vector<1x16xf32>,
        %parallel_loop3A_398 = arith.index_cast %parallel_loop3A_199 : i32 to index
        %parallel_loop3A_399 = arith.constant 352 : index
        %parallel_loop3A_400 = tpu.vector_load %arg7[%parallel_loop3A_398, %parallel_loop3A_399] {strides = array<i32>} : memref<77x768xf32, #tpu.memory_space<vmem>>, vector<1x16xf32>,
        %parallel_loop3A_401 = vector.shape_cast %parallel_loop3A_400 : vector<1x16xf32> to vector<16xf32>
        %parallel_loop3A_402 = arith.index_cast %parallel_loop3A_193 : i32 to index
        %parallel_loop3A_403 = arith.constant 352 : index
        %parallel_loop3A_404 = tpu.vector_load %arg8[%parallel_loop3A_402, %parallel_loop3A_403] {strides = array<i32>} : memref<22x768xf32, #tpu.memory_space<vmem>>, vector<1x16xf32>,
        %parallel_loop3A_405 = vector.shape_cast %parallel_loop3A_404 : vector<1x16xf32> to vector<16xf32>
        %parallel_loop3A_406 = vector.shape_cast %parallel_loop3A_401 : vector<16xf32> to vector<1x16xf32>
        tpu.vector_store %arg8[%parallel_loop3A_402, %parallel_loop3A_403], %parallel_loop3A_406 {add = true, strides = array<i32>} : memref<22x768xf32, #tpu.memory_space<vmem>>, vector<1x16xf32>,
        %parallel_loop3A_407 = arith.index_cast %parallel_loop3A_199 : i32 to index
        %parallel_loop3A_408 = arith.constant 368 : index
        %parallel_loop3A_409 = tpu.vector_load %arg7[%parallel_loop3A_407, %parallel_loop3A_408] {strides = array<i32>} : memref<77x768xf32, #tpu.memory_space<vmem>>, vector<1x16xf32>,
        %parallel_loop3A_410 = vector.shape_cast %parallel_loop3A_409 : vector<1x16xf32> to vector<16xf32>
        %parallel_loop3A_411 = arith.index_cast %parallel_loop3A_193 : i32 to index
        %parallel_loop3A_412 = arith.constant 368 : index
        %parallel_loop3A_413 = tpu.vector_load %arg8[%parallel_loop3A_411, %parallel_loop3A_412] {strides = array<i32>} : memref<22x768xf32, #tpu.memory_space<vmem>>, vector<1x16xf32>,
        %parallel_loop3A_414 = vector.shape_cast %parallel_loop3A_413 : vector<1x16xf32> to vector<16xf32>
        %parallel_loop3A_415 = vector.shape_cast %parallel_loop3A_410 : vector<16xf32> to vector<1x16xf32>
        tpu.vector_store %arg8[%parallel_loop3A_411, %parallel_loop3A_412], %parallel_loop3A_415 {add = true, strides = array<i32>} : memref<22x768xf32, #tpu.memory_space<vmem>>, vector<1x16xf32>,
        %parallel_loop3A_416 = arith.index_cast %parallel_loop3A_199 : i32 to index
        %parallel_loop3A_417 = arith.constant 384 : index
        %parallel_loop3A_418 = tpu.vector_load %arg7[%parallel_loop3A_416, %parallel_loop3A_417] {strides = array<i32>} : memref<77x768xf32, #tpu.memory_space<vmem>>, vector<1x16xf32>,
        %parallel_loop3A_419 = vector.shape_cast %parallel_loop3A_418 : vector<1x16xf32> to vector<16xf32>
        %parallel_loop3A_420 = arith.index_cast %parallel_loop3A_193 : i32 to index
        %parallel_loop3A_421 = arith.constant 384 : index
        %parallel_loop3A_422 = tpu.vector_load %arg8[%parallel_loop3A_420, %parallel_loop3A_421] {strides = array<i32>} : memref<22x768xf32, #tpu.memory_space<vmem>>, vector<1x16xf32>,
        %parallel_loop3A_423 = vector.shape_cast %parallel_loop3A_422 : vector<1x16xf32> to vector<16xf32>
        %parallel_loop3A_424 = vector.shape_cast %parallel_loop3A_419 : vector<16xf32> to vector<1x16xf32>
        tpu.vector_store %arg8[%parallel_loop3A_420, %parallel_loop3A_421], %parallel_loop3A_424 {add = true, strides = array<i32>} : memref<22x768xf32, #tpu.memory_space<vmem>>, vector<1x16xf32>,
        %parallel_loop3A_425 = arith.index_cast %parallel_loop3A_199 : i32 to index
        %parallel_loop3A_426 = arith.constant 400 : index
        %parallel_loop3A_427 = tpu.vector_load %arg7[%parallel_loop3A_425, %parallel_loop3A_426] {strides = array<i32>} : memref<77x768xf32, #tpu.memory_space<vmem>>, vector<1x16xf32>,
        %parallel_loop3A_428 = vector.shape_cast %parallel_loop3A_427 : vector<1x16xf32> to vector<16xf32>
        %parallel_loop3A_429 = arith.index_cast %parallel_loop3A_193 : i32 to index
        %parallel_loop3A_430 = arith.constant 400 : index
        %parallel_loop3A_431 = tpu.vector_load %arg8[%parallel_loop3A_429, %parallel_loop3A_430] {strides = array<i32>} : memref<22x768xf32, #tpu.memory_space<vmem>>, vector<1x16xf32>,
        %parallel_loop3A_432 = vector.shape_cast %parallel_loop3A_431 : vector<1x16xf32> to vector<16xf32>
        %parallel_loop3A_433 = vector.shape_cast %parallel_loop3A_428 : vector<16xf32> to vector<1x16xf32>
        tpu.vector_store %arg8[%parallel_loop3A_429, %parallel_loop3A_430], %parallel_loop3A_433 {add = true, strides = array<i32>} : memref<22x768xf32, #tpu.memory_space<vmem>>, vector<1x16xf32>,
        %parallel_loop3A_434 = arith.index_cast %parallel_loop3A_199 : i32 to index
        %parallel_loop3A_435 = arith.constant 416 : index
        %parallel_loop3A_436 = tpu.vector_load %arg7[%parallel_loop3A_434, %parallel_loop3A_435] {strides = array<i32>} : memref<77x768xf32, #tpu.memory_space<vmem>>, vector<1x16xf32>,
        %parallel_loop3A_437 = vector.shape_cast %parallel_loop3A_436 : vector<1x16xf32> to vector<16xf32>
        %parallel_loop3A_438 = arith.index_cast %parallel_loop3A_193 : i32 to index
        %parallel_loop3A_439 = arith.constant 416 : index
        %parallel_loop3A_440 = tpu.vector_load %arg8[%parallel_loop3A_438, %parallel_loop3A_439] {strides = array<i32>} : memref<22x768xf32, #tpu.memory_space<vmem>>, vector<1x16xf32>,
        %parallel_loop3A_441 = vector.shape_cast %parallel_loop3A_440 : vector<1x16xf32> to vector<16xf32>
        %parallel_loop3A_442 = vector.shape_cast %parallel_loop3A_437 : vector<16xf32> to vector<1x16xf32>
        tpu.vector_store %arg8[%parallel_loop3A_438, %parallel_loop3A_439], %parallel_loop3A_442 {add = true, strides = array<i32>} : memref<22x768xf32, #tpu.memory_space<vmem>>, vector<1x16xf32>,
        %parallel_loop3A_443 = arith.index_cast %parallel_loop3A_199 : i32 to index
        %parallel_loop3A_444 = arith.constant 432 : index
        %parallel_loop3A_445 = tpu.vector_load %arg7[%parallel_loop3A_443, %parallel_loop3A_444] {strides = array<i32>} : memref<77x768xf32, #tpu.memory_space<vmem>>, vector<1x16xf32>,
        %parallel_loop3A_446 = vector.shape_cast %parallel_loop3A_445 : vector<1x16xf32> to vector<16xf32>
        %parallel_loop3A_447 = arith.index_cast %parallel_loop3A_193 : i32 to index
        %parallel_loop3A_448 = arith.constant 432 : index
        %parallel_loop3A_449 = tpu.vector_load %arg8[%parallel_loop3A_447, %parallel_loop3A_448] {strides = array<i32>} : memref<22x768xf32, #tpu.memory_space<vmem>>, vector<1x16xf32>,
        %parallel_loop3A_450 = vector.shape_cast %parallel_loop3A_449 : vector<1x16xf32> to vector<16xf32>
        %parallel_loop3A_451 = vector.shape_cast %parallel_loop3A_446 : vector<16xf32> to vector<1x16xf32>
        tpu.vector_store %arg8[%parallel_loop3A_447, %parallel_loop3A_448], %parallel_loop3A_451 {add = true, strides = array<i32>} : memref<22x768xf32, #tpu.memory_space<vmem>>, vector<1x16xf32>,
        %parallel_loop3A_452 = arith.index_cast %parallel_loop3A_199 : i32 to index
        %parallel_loop3A_453 = arith.constant 448 : index
        %parallel_loop3A_454 = tpu.vector_load %arg7[%parallel_loop3A_452, %parallel_loop3A_453] {strides = array<i32>} : memref<77x768xf32, #tpu.memory_space<vmem>>, vector<1x16xf32>,
        %parallel_loop3A_455 = vector.shape_cast %parallel_loop3A_454 : vector<1x16xf32> to vector<16xf32>
        %parallel_loop3A_456 = arith.index_cast %parallel_loop3A_193 : i32 to index
        %parallel_loop3A_457 = arith.constant 448 : index
        %parallel_loop3A_458 = tpu.vector_load %arg8[%parallel_loop3A_456, %parallel_loop3A_457] {strides = array<i32>} : memref<22x768xf32, #tpu.memory_space<vmem>>, vector<1x16xf32>,
        %parallel_loop3A_459 = vector.shape_cast %parallel_loop3A_458 : vector<1x16xf32> to vector<16xf32>
        %parallel_loop3A_460 = vector.shape_cast %parallel_loop3A_455 : vector<16xf32> to vector<1x16xf32>
        tpu.vector_store %arg8[%parallel_loop3A_456, %parallel_loop3A_457], %parallel_loop3A_460 {add = true, strides = array<i32>} : memref<22x768xf32, #tpu.memory_space<vmem>>, vector<1x16xf32>,
        %parallel_loop3A_461 = arith.index_cast %parallel_loop3A_199 : i32 to index
        %parallel_loop3A_462 = arith.constant 464 : index
        %parallel_loop3A_463 = tpu.vector_load %arg7[%parallel_loop3A_461, %parallel_loop3A_462] {strides = array<i32>} : memref<77x768xf32, #tpu.memory_space<vmem>>, vector<1x16xf32>,
        %parallel_loop3A_464 = vector.shape_cast %parallel_loop3A_463 : vector<1x16xf32> to vector<16xf32>
        %parallel_loop3A_465 = arith.index_cast %parallel_loop3A_193 : i32 to index
        %parallel_loop3A_466 = arith.constant 464 : index
        %parallel_loop3A_467 = tpu.vector_load %arg8[%parallel_loop3A_465, %parallel_loop3A_466] {strides = array<i32>} : memref<22x768xf32, #tpu.memory_space<vmem>>, vector<1x16xf32>,
        %parallel_loop3A_468 = vector.shape_cast %parallel_loop3A_467 : vector<1x16xf32> to vector<16xf32>
        %parallel_loop3A_469 = vector.shape_cast %parallel_loop3A_464 : vector<16xf32> to vector<1x16xf32>
        tpu.vector_store %arg8[%parallel_loop3A_465, %parallel_loop3A_466], %parallel_loop3A_469 {add = true, strides = array<i32>} : memref<22x768xf32, #tpu.memory_space<vmem>>, vector<1x16xf32>,
        %parallel_loop3A_470 = arith.index_cast %parallel_loop3A_199 : i32 to index
        %parallel_loop3A_471 = arith.constant 480 : index
        %parallel_loop3A_472 = tpu.vector_load %arg7[%parallel_loop3A_470, %parallel_loop3A_471] {strides = array<i32>} : memref<77x768xf32, #tpu.memory_space<vmem>>, vector<1x16xf32>,
        %parallel_loop3A_473 = vector.shape_cast %parallel_loop3A_472 : vector<1x16xf32> to vector<16xf32>
        %parallel_loop3A_474 = arith.index_cast %parallel_loop3A_193 : i32 to index
        %parallel_loop3A_475 = arith.constant 480 : index
        %parallel_loop3A_476 = tpu.vector_load %arg8[%parallel_loop3A_474, %parallel_loop3A_475] {strides = array<i32>} : memref<22x768xf32, #tpu.memory_space<vmem>>, vector<1x16xf32>,
        %parallel_loop3A_477 = vector.shape_cast %parallel_loop3A_476 : vector<1x16xf32> to vector<16xf32>
        %parallel_loop3A_478 = vector.shape_cast %parallel_loop3A_473 : vector<16xf32> to vector<1x16xf32>
        tpu.vector_store %arg8[%parallel_loop3A_474, %parallel_loop3A_475], %parallel_loop3A_478 {add = true, strides = array<i32>} : memref<22x768xf32, #tpu.memory_space<vmem>>, vector<1x16xf32>,
        %parallel_loop3A_479 = arith.index_cast %parallel_loop3A_199 : i32 to index
        %parallel_loop3A_480 = arith.constant 496 : index
        %parallel_loop3A_481 = tpu.vector_load %arg7[%parallel_loop3A_479, %parallel_loop3A_480] {strides = array<i32>} : memref<77x768xf32, #tpu.memory_space<vmem>>, vector<1x16xf32>,
        %parallel_loop3A_482 = vector.shape_cast %parallel_loop3A_481 : vector<1x16xf32> to vector<16xf32>
        %parallel_loop3A_483 = arith.index_cast %parallel_loop3A_193 : i32 to index
        %parallel_loop3A_484 = arith.constant 496 : index
        %parallel_loop3A_485 = tpu.vector_load %arg8[%parallel_loop3A_483, %parallel_loop3A_484] {strides = array<i32>} : memref<22x768xf32, #tpu.memory_space<vmem>>, vector<1x16xf32>,
        %parallel_loop3A_486 = vector.shape_cast %parallel_loop3A_485 : vector<1x16xf32> to vector<16xf32>
        %parallel_loop3A_487 = vector.shape_cast %parallel_loop3A_482 : vector<16xf32> to vector<1x16xf32>
        tpu.vector_store %arg8[%parallel_loop3A_483, %parallel_loop3A_484], %parallel_loop3A_487 {add = true, strides = array<i32>} : memref<22x768xf32, #tpu.memory_space<vmem>>, vector<1x16xf32>,
        %parallel_loop3A_488 = arith.index_cast %parallel_loop3A_199 : i32 to index
        %parallel_loop3A_489 = arith.constant 512 : index
        %parallel_loop3A_490 = tpu.vector_load %arg7[%parallel_loop3A_488, %parallel_loop3A_489] {strides = array<i32>} : memref<77x768xf32, #tpu.memory_space<vmem>>, vector<1x16xf32>,
        %parallel_loop3A_491 = vector.shape_cast %parallel_loop3A_490 : vector<1x16xf32> to vector<16xf32>
        %parallel_loop3A_492 = arith.index_cast %parallel_loop3A_193 : i32 to index
        %parallel_loop3A_493 = arith.constant 512 : index
        %parallel_loop3A_494 = tpu.vector_load %arg8[%parallel_loop3A_492, %parallel_loop3A_493] {strides = array<i32>} : memref<22x768xf32, #tpu.memory_space<vmem>>, vector<1x16xf32>,
        %parallel_loop3A_495 = vector.shape_cast %parallel_loop3A_494 : vector<1x16xf32> to vector<16xf32>
        %parallel_loop3A_496 = vector.shape_cast %parallel_loop3A_491 : vector<16xf32> to vector<1x16xf32>
        tpu.vector_store %arg8[%parallel_loop3A_492, %parallel_loop3A_493], %parallel_loop3A_496 {add = true, strides = array<i32>} : memref<22x768xf32, #tpu.memory_space<vmem>>, vector<1x16xf32>,
        %parallel_loop3A_497 = arith.index_cast %parallel_loop3A_199 : i32 to index
        %parallel_loop3A_498 = arith.constant 528 : index
        %parallel_loop3A_499 = tpu.vector_load %arg7[%parallel_loop3A_497, %parallel_loop3A_498] {strides = array<i32>} : memref<77x768xf32, #tpu.memory_space<vmem>>, vector<1x16xf32>,
        %parallel_loop3A_500 = vector.shape_cast %parallel_loop3A_499 : vector<1x16xf32> to vector<16xf32>
        %parallel_loop3A_501 = arith.index_cast %parallel_loop3A_193 : i32 to index
        %parallel_loop3A_502 = arith.constant 528 : index
        %parallel_loop3A_503 = tpu.vector_load %arg8[%parallel_loop3A_501, %parallel_loop3A_502] {strides = array<i32>} : memref<22x768xf32, #tpu.memory_space<vmem>>, vector<1x16xf32>,
        %parallel_loop3A_504 = vector.shape_cast %parallel_loop3A_503 : vector<1x16xf32> to vector<16xf32>
        %parallel_loop3A_505 = vector.shape_cast %parallel_loop3A_500 : vector<16xf32> to vector<1x16xf32>
        tpu.vector_store %arg8[%parallel_loop3A_501, %parallel_loop3A_502], %parallel_loop3A_505 {add = true, strides = array<i32>} : memref<22x768xf32, #tpu.memory_space<vmem>>, vector<1x16xf32>,
        %parallel_loop3A_506 = arith.index_cast %parallel_loop3A_199 : i32 to index
        %parallel_loop3A_507 = arith.constant 544 : index
        %parallel_loop3A_508 = tpu.vector_load %arg7[%parallel_loop3A_506, %parallel_loop3A_507] {strides = array<i32>} : memref<77x768xf32, #tpu.memory_space<vmem>>, vector<1x16xf32>,
        %parallel_loop3A_509 = vector.shape_cast %parallel_loop3A_508 : vector<1x16xf32> to vector<16xf32>
        %parallel_loop3A_510 = arith.index_cast %parallel_loop3A_193 : i32 to index
        %parallel_loop3A_511 = arith.constant 544 : index
        %parallel_loop3A_512 = tpu.vector_load %arg8[%parallel_loop3A_510, %parallel_loop3A_511] {strides = array<i32>} : memref<22x768xf32, #tpu.memory_space<vmem>>, vector<1x16xf32>,
        %parallel_loop3A_513 = vector.shape_cast %parallel_loop3A_512 : vector<1x16xf32> to vector<16xf32>
        %parallel_loop3A_514 = vector.shape_cast %parallel_loop3A_509 : vector<16xf32> to vector<1x16xf32>
        tpu.vector_store %arg8[%parallel_loop3A_510, %parallel_loop3A_511], %parallel_loop3A_514 {add = true, strides = array<i32>} : memref<22x768xf32, #tpu.memory_space<vmem>>, vector<1x16xf32>,
        %parallel_loop3A_515 = arith.index_cast %parallel_loop3A_199 : i32 to index
        %parallel_loop3A_516 = arith.constant 560 : index
        %parallel_loop3A_517 = tpu.vector_load %arg7[%parallel_loop3A_515, %parallel_loop3A_516] {strides = array<i32>} : memref<77x768xf32, #tpu.memory_space<vmem>>, vector<1x16xf32>,
        %parallel_loop3A_518 = vector.shape_cast %parallel_loop3A_517 : vector<1x16xf32> to vector<16xf32>
        %parallel_loop3A_519 = arith.index_cast %parallel_loop3A_193 : i32 to index
        %parallel_loop3A_520 = arith.constant 560 : index
        %parallel_loop3A_521 = tpu.vector_load %arg8[%parallel_loop3A_519, %parallel_loop3A_520] {strides = array<i32>} : memref<22x768xf32, #tpu.memory_space<vmem>>, vector<1x16xf32>,
        %parallel_loop3A_522 = vector.shape_cast %parallel_loop3A_521 : vector<1x16xf32> to vector<16xf32>
        %parallel_loop3A_523 = vector.shape_cast %parallel_loop3A_518 : vector<16xf32> to vector<1x16xf32>
        tpu.vector_store %arg8[%parallel_loop3A_519, %parallel_loop3A_520], %parallel_loop3A_523 {add = true, strides = array<i32>} : memref<22x768xf32, #tpu.memory_space<vmem>>, vector<1x16xf32>,
        %parallel_loop3A_524 = arith.index_cast %parallel_loop3A_199 : i32 to index
        %parallel_loop3A_525 = arith.constant 576 : index
        %parallel_loop3A_526 = tpu.vector_load %arg7[%parallel_loop3A_524, %parallel_loop3A_525] {strides = array<i32>} : memref<77x768xf32, #tpu.memory_space<vmem>>, vector<1x16xf32>,
        %parallel_loop3A_527 = vector.shape_cast %parallel_loop3A_526 : vector<1x16xf32> to vector<16xf32>
        %parallel_loop3A_528 = arith.index_cast %parallel_loop3A_193 : i32 to index
        %parallel_loop3A_529 = arith.constant 576 : index
        %parallel_loop3A_530 = tpu.vector_load %arg8[%parallel_loop3A_528, %parallel_loop3A_529] {strides = array<i32>} : memref<22x768xf32, #tpu.memory_space<vmem>>, vector<1x16xf32>,
        %parallel_loop3A_531 = vector.shape_cast %parallel_loop3A_530 : vector<1x16xf32> to vector<16xf32>
        %parallel_loop3A_532 = vector.shape_cast %parallel_loop3A_527 : vector<16xf32> to vector<1x16xf32>
        tpu.vector_store %arg8[%parallel_loop3A_528, %parallel_loop3A_529], %parallel_loop3A_532 {add = true, strides = array<i32>} : memref<22x768xf32, #tpu.memory_space<vmem>>, vector<1x16xf32>,
        %parallel_loop3A_533 = arith.index_cast %parallel_loop3A_199 : i32 to index
        %parallel_loop3A_534 = arith.constant 592 : index
        %parallel_loop3A_535 = tpu.vector_load %arg7[%parallel_loop3A_533, %parallel_loop3A_534] {strides = array<i32>} : memref<77x768xf32, #tpu.memory_space<vmem>>, vector<1x16xf32>,
        %parallel_loop3A_536 = vector.shape_cast %parallel_loop3A_535 : vector<1x16xf32> to vector<16xf32>
        %parallel_loop3A_537 = arith.index_cast %parallel_loop3A_193 : i32 to index
        %parallel_loop3A_538 = arith.constant 592 : index
        %parallel_loop3A_539 = tpu.vector_load %arg8[%parallel_loop3A_537, %parallel_loop3A_538] {strides = array<i32>} : memref<22x768xf32, #tpu.memory_space<vmem>>, vector<1x16xf32>,
        %parallel_loop3A_540 = vector.shape_cast %parallel_loop3A_539 : vector<1x16xf32> to vector<16xf32>
        %parallel_loop3A_541 = vector.shape_cast %parallel_loop3A_536 : vector<16xf32> to vector<1x16xf32>
        tpu.vector_store %arg8[%parallel_loop3A_537, %parallel_loop3A_538], %parallel_loop3A_541 {add = true, strides = array<i32>} : memref<22x768xf32, #tpu.memory_space<vmem>>, vector<1x16xf32>,
        %parallel_loop3A_542 = arith.index_cast %parallel_loop3A_199 : i32 to index
        %parallel_loop3A_543 = arith.constant 608 : index
        %parallel_loop3A_544 = tpu.vector_load %arg7[%parallel_loop3A_542, %parallel_loop3A_543] {strides = array<i32>} : memref<77x768xf32, #tpu.memory_space<vmem>>, vector<1x16xf32>,
        %parallel_loop3A_545 = vector.shape_cast %parallel_loop3A_544 : vector<1x16xf32> to vector<16xf32>
        %parallel_loop3A_546 = arith.index_cast %parallel_loop3A_193 : i32 to index
        %parallel_loop3A_547 = arith.constant 608 : index
        %parallel_loop3A_548 = tpu.vector_load %arg8[%parallel_loop3A_546, %parallel_loop3A_547] {strides = array<i32>} : memref<22x768xf32, #tpu.memory_space<vmem>>, vector<1x16xf32>,
        %parallel_loop3A_549 = vector.shape_cast %parallel_loop3A_548 : vector<1x16xf32> to vector<16xf32>
        %parallel_loop3A_550 = vector.shape_cast %parallel_loop3A_545 : vector<16xf32> to vector<1x16xf32>
        tpu.vector_store %arg8[%parallel_loop3A_546, %parallel_loop3A_547], %parallel_loop3A_550 {add = true, strides = array<i32>} : memref<22x768xf32, #tpu.memory_space<vmem>>, vector<1x16xf32>,
        %parallel_loop3A_551 = arith.index_cast %parallel_loop3A_199 : i32 to index
        %parallel_loop3A_552 = arith.constant 624 : index
        %parallel_loop3A_553 = tpu.vector_load %arg7[%parallel_loop3A_551, %parallel_loop3A_552] {strides = array<i32>} : memref<77x768xf32, #tpu.memory_space<vmem>>, vector<1x16xf32>,
        %parallel_loop3A_554 = vector.shape_cast %parallel_loop3A_553 : vector<1x16xf32> to vector<16xf32>
        %parallel_loop3A_555 = arith.index_cast %parallel_loop3A_193 : i32 to index
        %parallel_loop3A_556 = arith.constant 624 : index
        %parallel_loop3A_557 = tpu.vector_load %arg8[%parallel_loop3A_555, %parallel_loop3A_556] {strides = array<i32>} : memref<22x768xf32, #tpu.memory_space<vmem>>, vector<1x16xf32>,
        %parallel_loop3A_558 = vector.shape_cast %parallel_loop3A_557 : vector<1x16xf32> to vector<16xf32>
        %parallel_loop3A_559 = vector.shape_cast %parallel_loop3A_554 : vector<16xf32> to vector<1x16xf32>
        tpu.vector_store %arg8[%parallel_loop3A_555, %parallel_loop3A_556], %parallel_loop3A_559 {add = true, strides = array<i32>} : memref<22x768xf32, #tpu.memory_space<vmem>>, vector<1x16xf32>,
        %parallel_loop3A_560 = arith.index_cast %parallel_loop3A_199 : i32 to index
        %parallel_loop3A_561 = arith.constant 640 : index
        %parallel_loop3A_562 = tpu.vector_load %arg7[%parallel_loop3A_560, %parallel_loop3A_561] {strides = array<i32>} : memref<77x768xf32, #tpu.memory_space<vmem>>, vector<1x16xf32>,
        %parallel_loop3A_563 = vector.shape_cast %parallel_loop3A_562 : vector<1x16xf32> to vector<16xf32>
        %parallel_loop3A_564 = arith.index_cast %parallel_loop3A_193 : i32 to index
        %parallel_loop3A_565 = arith.constant 640 : index
        %parallel_loop3A_566 = tpu.vector_load %arg8[%parallel_loop3A_564, %parallel_loop3A_565] {strides = array<i32>} : memref<22x768xf32, #tpu.memory_space<vmem>>, vector<1x16xf32>,
        %parallel_loop3A_567 = vector.shape_cast %parallel_loop3A_566 : vector<1x16xf32> to vector<16xf32>
        %parallel_loop3A_568 = vector.shape_cast %parallel_loop3A_563 : vector<16xf32> to vector<1x16xf32>
        tpu.vector_store %arg8[%parallel_loop3A_564, %parallel_loop3A_565], %parallel_loop3A_568 {add = true, strides = array<i32>} : memref<22x768xf32, #tpu.memory_space<vmem>>, vector<1x16xf32>,
        %parallel_loop3A_569 = arith.index_cast %parallel_loop3A_199 : i32 to index
        %parallel_loop3A_570 = arith.constant 656 : index
        %parallel_loop3A_571 = tpu.vector_load %arg7[%parallel_loop3A_569, %parallel_loop3A_570] {strides = array<i32>} : memref<77x768xf32, #tpu.memory_space<vmem>>, vector<1x16xf32>,
        %parallel_loop3A_572 = vector.shape_cast %parallel_loop3A_571 : vector<1x16xf32> to vector<16xf32>
        %parallel_loop3A_573 = arith.index_cast %parallel_loop3A_193 : i32 to index
        %parallel_loop3A_574 = arith.constant 656 : index
        %parallel_loop3A_575 = tpu.vector_load %arg8[%parallel_loop3A_573, %parallel_loop3A_574] {strides = array<i32>} : memref<22x768xf32, #tpu.memory_space<vmem>>, vector<1x16xf32>,
        %parallel_loop3A_576 = vector.shape_cast %parallel_loop3A_575 : vector<1x16xf32> to vector<16xf32>
        %parallel_loop3A_577 = vector.shape_cast %parallel_loop3A_572 : vector<16xf32> to vector<1x16xf32>
        tpu.vector_store %arg8[%parallel_loop3A_573, %parallel_loop3A_574], %parallel_loop3A_577 {add = true, strides = array<i32>} : memref<22x768xf32, #tpu.memory_space<vmem>>, vector<1x16xf32>,
        %parallel_loop3A_578 = arith.index_cast %parallel_loop3A_199 : i32 to index
        %parallel_loop3A_579 = arith.constant 672 : index
        %parallel_loop3A_580 = tpu.vector_load %arg7[%parallel_loop3A_578, %parallel_loop3A_579] {strides = array<i32>} : memref<77x768xf32, #tpu.memory_space<vmem>>, vector<1x16xf32>,
        %parallel_loop3A_581 = vector.shape_cast %parallel_loop3A_580 : vector<1x16xf32> to vector<16xf32>
        %parallel_loop3A_582 = arith.index_cast %parallel_loop3A_193 : i32 to index
        %parallel_loop3A_583 = arith.constant 672 : index
        %parallel_loop3A_584 = tpu.vector_load %arg8[%parallel_loop3A_582, %parallel_loop3A_583] {strides = array<i32>} : memref<22x768xf32, #tpu.memory_space<vmem>>, vector<1x16xf32>,
        %parallel_loop3A_585 = vector.shape_cast %parallel_loop3A_584 : vector<1x16xf32> to vector<16xf32>
        %parallel_loop3A_586 = vector.shape_cast %parallel_loop3A_581 : vector<16xf32> to vector<1x16xf32>
        tpu.vector_store %arg8[%parallel_loop3A_582, %parallel_loop3A_583], %parallel_loop3A_586 {add = true, strides = array<i32>} : memref<22x768xf32, #tpu.memory_space<vmem>>, vector<1x16xf32>,
        %parallel_loop3A_587 = arith.index_cast %parallel_loop3A_199 : i32 to index
        %parallel_loop3A_588 = arith.constant 688 : index
        %parallel_loop3A_589 = tpu.vector_load %arg7[%parallel_loop3A_587, %parallel_loop3A_588] {strides = array<i32>} : memref<77x768xf32, #tpu.memory_space<vmem>>, vector<1x16xf32>,
        %parallel_loop3A_590 = vector.shape_cast %parallel_loop3A_589 : vector<1x16xf32> to vector<16xf32>
        %parallel_loop3A_591 = arith.index_cast %parallel_loop3A_193 : i32 to index
        %parallel_loop3A_592 = arith.constant 688 : index
        %parallel_loop3A_593 = tpu.vector_load %arg8[%parallel_loop3A_591, %parallel_loop3A_592] {strides = array<i32>} : memref<22x768xf32, #tpu.memory_space<vmem>>, vector<1x16xf32>,
        %parallel_loop3A_594 = vector.shape_cast %parallel_loop3A_593 : vector<1x16xf32> to vector<16xf32>
        %parallel_loop3A_595 = vector.shape_cast %parallel_loop3A_590 : vector<16xf32> to vector<1x16xf32>
        tpu.vector_store %arg8[%parallel_loop3A_591, %parallel_loop3A_592], %parallel_loop3A_595 {add = true, strides = array<i32>} : memref<22x768xf32, #tpu.memory_space<vmem>>, vector<1x16xf32>,
        %parallel_loop3A_596 = arith.index_cast %parallel_loop3A_199 : i32 to index
        %parallel_loop3A_597 = arith.constant 704 : index
        %parallel_loop3A_598 = tpu.vector_load %arg7[%parallel_loop3A_596, %parallel_loop3A_597] {strides = array<i32>} : memref<77x768xf32, #tpu.memory_space<vmem>>, vector<1x16xf32>,
        %parallel_loop3A_599 = vector.shape_cast %parallel_loop3A_598 : vector<1x16xf32> to vector<16xf32>
        %parallel_loop3A_600 = arith.index_cast %parallel_loop3A_193 : i32 to index
        %parallel_loop3A_601 = arith.constant 704 : index
        %parallel_loop3A_602 = tpu.vector_load %arg8[%parallel_loop3A_600, %parallel_loop3A_601] {strides = array<i32>} : memref<22x768xf32, #tpu.memory_space<vmem>>, vector<1x16xf32>,
        %parallel_loop3A_603 = vector.shape_cast %parallel_loop3A_602 : vector<1x16xf32> to vector<16xf32>
        %parallel_loop3A_604 = vector.shape_cast %parallel_loop3A_599 : vector<16xf32> to vector<1x16xf32>
        tpu.vector_store %arg8[%parallel_loop3A_600, %parallel_loop3A_601], %parallel_loop3A_604 {add = true, strides = array<i32>} : memref<22x768xf32, #tpu.memory_space<vmem>>, vector<1x16xf32>,
        %parallel_loop3A_605 = arith.index_cast %parallel_loop3A_199 : i32 to index
        %parallel_loop3A_606 = arith.constant 720 : index
        %parallel_loop3A_607 = tpu.vector_load %arg7[%parallel_loop3A_605, %parallel_loop3A_606] {strides = array<i32>} : memref<77x768xf32, #tpu.memory_space<vmem>>, vector<1x16xf32>,
        %parallel_loop3A_608 = vector.shape_cast %parallel_loop3A_607 : vector<1x16xf32> to vector<16xf32>
        %parallel_loop3A_609 = arith.index_cast %parallel_loop3A_193 : i32 to index
        %parallel_loop3A_610 = arith.constant 720 : index
        %parallel_loop3A_611 = tpu.vector_load %arg8[%parallel_loop3A_609, %parallel_loop3A_610] {strides = array<i32>} : memref<22x768xf32, #tpu.memory_space<vmem>>, vector<1x16xf32>,
        %parallel_loop3A_612 = vector.shape_cast %parallel_loop3A_611 : vector<1x16xf32> to vector<16xf32>
        %parallel_loop3A_613 = vector.shape_cast %parallel_loop3A_608 : vector<16xf32> to vector<1x16xf32>
        tpu.vector_store %arg8[%parallel_loop3A_609, %parallel_loop3A_610], %parallel_loop3A_613 {add = true, strides = array<i32>} : memref<22x768xf32, #tpu.memory_space<vmem>>, vector<1x16xf32>,
        %parallel_loop3A_614 = arith.index_cast %parallel_loop3A_199 : i32 to index
        %parallel_loop3A_615 = arith.constant 736 : index
        %parallel_loop3A_616 = tpu.vector_load %arg7[%parallel_loop3A_614, %parallel_loop3A_615] {strides = array<i32>} : memref<77x768xf32, #tpu.memory_space<vmem>>, vector<1x16xf32>,
        %parallel_loop3A_617 = vector.shape_cast %parallel_loop3A_616 : vector<1x16xf32> to vector<16xf32>
        %parallel_loop3A_618 = arith.index_cast %parallel_loop3A_193 : i32 to index
        %parallel_loop3A_619 = arith.constant 736 : index
        %parallel_loop3A_620 = tpu.vector_load %arg8[%parallel_loop3A_618, %parallel_loop3A_619] {strides = array<i32>} : memref<22x768xf32, #tpu.memory_space<vmem>>, vector<1x16xf32>,
        %parallel_loop3A_621 = vector.shape_cast %parallel_loop3A_620 : vector<1x16xf32> to vector<16xf32>
        %parallel_loop3A_622 = vector.shape_cast %parallel_loop3A_617 : vector<16xf32> to vector<1x16xf32>
        tpu.vector_store %arg8[%parallel_loop3A_618, %parallel_loop3A_619], %parallel_loop3A_622 {add = true, strides = array<i32>} : memref<22x768xf32, #tpu.memory_space<vmem>>, vector<1x16xf32>,
        %parallel_loop3A_623 = arith.index_cast %parallel_loop3A_199 : i32 to index
        %parallel_loop3A_624 = arith.constant 752 : index
        %parallel_loop3A_625 = tpu.vector_load %arg7[%parallel_loop3A_623, %parallel_loop3A_624] {strides = array<i32>} : memref<77x768xf32, #tpu.memory_space<vmem>>, vector<1x16xf32>,
        %parallel_loop3A_626 = vector.shape_cast %parallel_loop3A_625 : vector<1x16xf32> to vector<16xf32>
        %parallel_loop3A_627 = arith.index_cast %parallel_loop3A_193 : i32 to index
        %parallel_loop3A_628 = arith.constant 752 : index
        %parallel_loop3A_629 = tpu.vector_load %arg8[%parallel_loop3A_627, %parallel_loop3A_628] {strides = array<i32>} : memref<22x768xf32, #tpu.memory_space<vmem>>, vector<1x16xf32>,
        %parallel_loop3A_630 = vector.shape_cast %parallel_loop3A_629 : vector<1x16xf32> to vector<16xf32>
        %parallel_loop3A_631 = vector.shape_cast %parallel_loop3A_626 : vector<16xf32> to vector<1x16xf32>
        tpu.vector_store %arg8[%parallel_loop3A_627, %parallel_loop3A_628], %parallel_loop3A_631 {add = true, strides = array<i32>} : memref<22x768xf32, #tpu.memory_space<vmem>>, vector<1x16xf32>,
      } {sc.loop_unroll_factor = 2 : i64, sc.parallel_access}
      %mul3A_78 = arith.constant 22 : i32
      %mul3A_79 = arith.muli %add3A_59, %mul3A_78 : i32
      %add3A_80 = arith.addi %mul3A_2, %mul3A_79 : i32
      %dma_start3A_81 = arith.constant 0 : i32
      %dma_start3A_82 = arith.constant 0 : i32
      %dma_start3A_83 = tpu.memref_slice %arg5[%add3A_80, %dma_start3A_82] : memref<78848x768xf32, #tpu.memory_space<hbm>> -> memref<22x768xf32, #tpu.memory_space<hbm>>
      %dma_start3A_84 = tpu.memref_slice %arg13[%dma_start3A_81] : memref<4x!tpu.dma_semaphore, #tpu.memory_space<semaphore_mem>> -> memref<1x!tpu.dma_semaphore, #tpu.memory_space<semaphore_mem>>
      %dma_start3A_85 = tpu.memref_squeeze %dma_start3A_84 : memref<1x!tpu.dma_semaphore, #tpu.memory_space<semaphore_mem>> -> memref<!tpu.dma_semaphore, #tpu.memory_space<semaphore_mem>>
      %dma_start3A_86 = arith.constant 0 : i32
      %dma_start3A_87 = tpu.memref_slice %arg5[%add3A_80, %dma_start3A_86] : memref<78848x768xf32, #tpu.memory_space<hbm>> -> memref<22x768xf32, #tpu.memory_space<hbm>>
      tpu.enqueue_dma source(%arg8 : memref<22x768xf32, #tpu.memory_space<vmem>>) target(%dma_start3A_87 : memref<22x768xf32, #tpu.memory_space<hbm>>) target_semaphore(%dma_start3A_85 : memref<!tpu.dma_semaphore, #tpu.memory_space<semaphore_mem>>)
      %add3A_88 = arith.constant 1 : i32
      %add3A_89 = arith.addi %add3A_57, %add3A_88 : i32
      %add3A_90 = arith.constant 2 : i32
      %add3A_91 = arith.addi %add3A_89, %add3A_90 : i32
      %lt3A_92 = arith.constant 112 : i32
      %lt3A_93 = arith.cmpi slt, %add3A_91, %lt3A_92 : i32
      %convert_element_type3A_94 = arith.extui %lt3A_93 : i1 to i32
      %cond3A_95 = arith.constant 0 : i32
      %cond3A_96 = arith.cmpi ne, %convert_element_type3A_94, %cond3A_95 : i32
      scf.if %cond3A_96 {
        %ge3A = arith.constant 2 : i32
        %ge3A_193 = arith.cmpi sge, %add3A_89, %ge3A : i32
        %convert_element_type3A_194 = arith.extui %ge3A_193 : i1 to i32
        %cond3A_195 = arith.constant 0 : i32
        %cond3A_196 = arith.cmpi ne, %convert_element_type3A_194, %cond3A_195 : i32
        scf.if %cond3A_196 {
          %dma_wait3A_208 = arith.constant 3 : i32
          %dma_wait3A_209 = arith.constant 0 : i32
          %dma_wait3A_210 = tpu.memref_slice %arg5[%mul3A_2, %dma_wait3A_209] : memref<78848x768xf32, #tpu.memory_space<hbm>> -> memref<22x768xf32, #tpu.memory_space<hbm>>
          %dma_wait3A_211 = tpu.memref_slice %arg13[%dma_wait3A_208] : memref<4x!tpu.dma_semaphore, #tpu.memory_space<semaphore_mem>> -> memref<1x!tpu.dma_semaphore, #tpu.memory_space<semaphore_mem>>
          %dma_wait3A_212 = tpu.memref_squeeze %dma_wait3A_211 : memref<1x!tpu.dma_semaphore, #tpu.memory_space<semaphore_mem>> -> memref<!tpu.dma_semaphore, #tpu.memory_space<semaphore_mem>>
          %dma_wait3A_213 = arith.constant 0 : i32
          %dma_wait3A_214 = tpu.memref_slice %arg5[%mul3A_2, %dma_wait3A_213] : memref<78848x768xf32, #tpu.memory_space<hbm>> -> memref<22x768xf32, #tpu.memory_space<hbm>>
          tpu.wait_dma2 semaphore(%dma_wait3A_212 : memref<!tpu.dma_semaphore, #tpu.memory_space<semaphore_mem>>) src(%arg11 : memref<22x768xf32, #tpu.memory_space<vmem>>) dst(%dma_wait3A_214 : memref<22x768xf32, #tpu.memory_space<hbm>>)
        } else {
        }
        %add3A_197 = arith.constant 2 : i32
        %add3A_198 = arith.addi %add3A_89, %add3A_197 : i32
        %dma_start3A_199 = arith.constant 3 : i32
        %dma_start3A_200 = arith.constant 0 : i32
        %dma_start3A_201 = tpu.memref_slice %arg6[%add3A_198, %dma_start3A_200] : memref<112x22xi32, #tpu.memory_space<vmem>> -> memref<1x22xi32, #tpu.memory_space<vmem>>
        %dma_start3A_202 = tpu.memref_squeeze %dma_start3A_201 : memref<1x22xi32, #tpu.memory_space<vmem>> -> memref<22xi32, #tpu.memory_space<vmem>>
        %dma_start3A_203 = arith.constant 0 : i32
        %dma_start3A_204 = arith.constant 0 : i32
        %dma_start3A_205 = tpu.memref_slice %arg3[%dma_start3A_203, %dma_start3A_204] : memref<49408x768xf32, #tpu.memory_space<hbm>> -> memref<49408x768xf32, #tpu.memory_space<hbm>>
        %dma_start3A_206 = tpu.memref_slice %arg12[%dma_start3A_199] : memref<4x!tpu.dma_semaphore, #tpu.memory_space<semaphore_mem>> -> memref<1x!tpu.dma_semaphore, #tpu.memory_space<semaphore_mem>>
        %dma_start3A_207 = tpu.memref_squeeze %dma_start3A_206 : memref<1x!tpu.dma_semaphore, #tpu.memory_space<semaphore_mem>> -> memref<!tpu.dma_semaphore, #tpu.memory_space<semaphore_mem>>
        tpu.enqueue_indirect_dma source(%dma_start3A_205 : memref<49408x768xf32, #tpu.memory_space<hbm>>) target(%arg11 : memref<22x768xf32, #tpu.memory_space<vmem>>) offsets(%dma_start3A_202 : memref<22xi32, #tpu.memory_space<vmem>>) semaphore(%dma_start3A_207 : memref<!tpu.dma_semaphore, #tpu.memory_space<semaphore_mem>>)
      } else {
      }
      %dma_wait3A_97 = arith.constant 1 : i32
      %dma_wait3A_98 = arith.constant 0 : i32
      %dma_wait3A_99 = arith.constant 0 : i32
      %dma_wait3A_100 = tpu.memref_slice %arg3[%dma_wait3A_98, %dma_wait3A_99] : memref<49408x768xf32, #tpu.memory_space<hbm>> -> memref<22x768xf32, #tpu.memory_space<hbm>>
      %dma_wait3A_101 = tpu.memref_slice %arg12[%dma_wait3A_97] : memref<4x!tpu.dma_semaphore, #tpu.memory_space<semaphore_mem>> -> memref<1x!tpu.dma_semaphore, #tpu.memory_space<semaphore_mem>>
      %dma_wait3A_102 = tpu.memref_squeeze %dma_wait3A_101 : memref<1x!tpu.dma_semaphore, #tpu.memory_space<semaphore_mem>> -> memref<!tpu.dma_semaphore, #tpu.memory_space<semaphore_mem>>
      %dma_wait3A_103 = arith.constant 0 : i32
      %dma_wait3A_104 = arith.constant 0 : i32
      %dma_wait3A_105 = tpu.memref_slice %arg3[%dma_wait3A_103, %dma_wait3A_104] : memref<49408x768xf32, #tpu.memory_space<hbm>> -> memref<22x768xf32, #tpu.memory_space<hbm>>
      tpu.wait_dma2 semaphore(%dma_wait3A_102 : memref<!tpu.dma_semaphore, #tpu.memory_space<semaphore_mem>>) src(%dma_wait3A_105 : memref<22x768xf32, #tpu.memory_space<hbm>>) dst(%arg9 : memref<22x768xf32, #tpu.memory_space<vmem>>)
      %mul3A_106 = arith.constant 22 : i32
      %mul3A_107 = arith.muli %add3A_89, %mul3A_106 : i32
      %rem3A_108 = arith.constant 77 : i32
      %rem3A_109 = arith.remsi %mul3A_107, %rem3A_108 : i32
      %parallel_loop3A_110 = arith.constant 0 : i32
      %parallel_loop3A_111 = arith.constant 22 : i32
      %parallel_loop3A_112 = arith.constant 1 : i32
      scf.for %parallel_loop3A_193 = %parallel_loop3A_110 to %parallel_loop3A_111 step %parallel_loop3A_112  : i32 {
        %parallel_loop3A_194 = arith.addi %rem3A_109, %parallel_loop3A_193 : i32
        %parallel_loop3A_195 = arith.constant 77 : i32
        %parallel_loop3A_196 = arith.cmpi sge, %parallel_loop3A_194, %parallel_loop3A_195 : i32
        %parallel_loop3A_197 = arith.constant 77 : i32
        %parallel_loop3A_198 = arith.subi %parallel_loop3A_194, %parallel_loop3A_197 : i32
        %parallel_loop3A_199 = arith.select %parallel_loop3A_196, %parallel_loop3A_198, %parallel_loop3A_194 : i32
        %parallel_loop3A_200 = arith.index_cast %parallel_loop3A_199 : i32 to index
        %parallel_loop3A_201 = arith.constant 0 : index
        %parallel_loop3A_202 = tpu.vector_load %arg7[%parallel_loop3A_200, %parallel_loop3A_201] {strides = array<i32>} : memref<77x768xf32, #tpu.memory_space<vmem>>, vector<1x16xf32>,
        %parallel_loop3A_203 = vector.shape_cast %parallel_loop3A_202 : vector<1x16xf32> to vector<16xf32>
        %parallel_loop3A_204 = arith.index_cast %parallel_loop3A_193 : i32 to index
        %parallel_loop3A_205 = arith.constant 0 : index
        %parallel_loop3A_206 = tpu.vector_load %arg9[%parallel_loop3A_204, %parallel_loop3A_205] {strides = array<i32>} : memref<22x768xf32, #tpu.memory_space<vmem>>, vector<1x16xf32>,
        %parallel_loop3A_207 = vector.shape_cast %parallel_loop3A_206 : vector<1x16xf32> to vector<16xf32>
        %parallel_loop3A_208 = vector.shape_cast %parallel_loop3A_203 : vector<16xf32> to vector<1x16xf32>
        tpu.vector_store %arg9[%parallel_loop3A_204, %parallel_loop3A_205], %parallel_loop3A_208 {add = true, strides = array<i32>} : memref<22x768xf32, #tpu.memory_space<vmem>>, vector<1x16xf32>,
        %parallel_loop3A_209 = arith.index_cast %parallel_loop3A_199 : i32 to index
        %parallel_loop3A_210 = arith.constant 16 : index
        %parallel_loop3A_211 = tpu.vector_load %arg7[%parallel_loop3A_209, %parallel_loop3A_210] {strides = array<i32>} : memref<77x768xf32, #tpu.memory_space<vmem>>, vector<1x16xf32>,
        %parallel_loop3A_212 = vector.shape_cast %parallel_loop3A_211 : vector<1x16xf32> to vector<16xf32>
        %parallel_loop3A_213 = arith.index_cast %parallel_loop3A_193 : i32 to index
        %parallel_loop3A_214 = arith.constant 16 : index
        %parallel_loop3A_215 = tpu.vector_load %arg9[%parallel_loop3A_213, %parallel_loop3A_214] {strides = array<i32>} : memref<22x768xf32, #tpu.memory_space<vmem>>, vector<1x16xf32>,
        %parallel_loop3A_216 = vector.shape_cast %parallel_loop3A_215 : vector<1x16xf32> to vector<16xf32>
        %parallel_loop3A_217 = vector.shape_cast %parallel_loop3A_212 : vector<16xf32> to vector<1x16xf32>
        tpu.vector_store %arg9[%parallel_loop3A_213, %parallel_loop3A_214], %parallel_loop3A_217 {add = true, strides = array<i32>} : memref<22x768xf32, #tpu.memory_space<vmem>>, vector<1x16xf32>,
        %parallel_loop3A_218 = arith.index_cast %parallel_loop3A_199 : i32 to index
        %parallel_loop3A_219 = arith.constant 32 : index
        %parallel_loop3A_220 = tpu.vector_load %arg7[%parallel_loop3A_218, %parallel_loop3A_219] {strides = array<i32>} : memref<77x768xf32, #tpu.memory_space<vmem>>, vector<1x16xf32>,
        %parallel_loop3A_221 = vector.shape_cast %parallel_loop3A_220 : vector<1x16xf32> to vector<16xf32>
        %parallel_loop3A_222 = arith.index_cast %parallel_loop3A_193 : i32 to index
        %parallel_loop3A_223 = arith.constant 32 : index
        %parallel_loop3A_224 = tpu.vector_load %arg9[%parallel_loop3A_222, %parallel_loop3A_223] {strides = array<i32>} : memref<22x768xf32, #tpu.memory_space<vmem>>, vector<1x16xf32>,
        %parallel_loop3A_225 = vector.shape_cast %parallel_loop3A_224 : vector<1x16xf32> to vector<16xf32>
        %parallel_loop3A_226 = vector.shape_cast %parallel_loop3A_221 : vector<16xf32> to vector<1x16xf32>
        tpu.vector_store %arg9[%parallel_loop3A_222, %parallel_loop3A_223], %parallel_loop3A_226 {add = true, strides = array<i32>} : memref<22x768xf32, #tpu.memory_space<vmem>>, vector<1x16xf32>,
        %parallel_loop3A_227 = arith.index_cast %parallel_loop3A_199 : i32 to index
        %parallel_loop3A_228 = arith.constant 48 : index
        %parallel_loop3A_229 = tpu.vector_load %arg7[%parallel_loop3A_227, %parallel_loop3A_228] {strides = array<i32>} : memref<77x768xf32, #tpu.memory_space<vmem>>, vector<1x16xf32>,
        %parallel_loop3A_230 = vector.shape_cast %parallel_loop3A_229 : vector<1x16xf32> to vector<16xf32>
        %parallel_loop3A_231 = arith.index_cast %parallel_loop3A_193 : i32 to index
        %parallel_loop3A_232 = arith.constant 48 : index
        %parallel_loop3A_233 = tpu.vector_load %arg9[%parallel_loop3A_231, %parallel_loop3A_232] {strides = array<i32>} : memref<22x768xf32, #tpu.memory_space<vmem>>, vector<1x16xf32>,
        %parallel_loop3A_234 = vector.shape_cast %parallel_loop3A_233 : vector<1x16xf32> to vector<16xf32>
        %parallel_loop3A_235 = vector.shape_cast %parallel_loop3A_230 : vector<16xf32> to vector<1x16xf32>
        tpu.vector_store %arg9[%parallel_loop3A_231, %parallel_loop3A_232], %parallel_loop3A_235 {add = true, strides = array<i32>} : memref<22x768xf32, #tpu.memory_space<vmem>>, vector<1x16xf32>,
        %parallel_loop3A_236 = arith.index_cast %parallel_loop3A_199 : i32 to index
        %parallel_loop3A_237 = arith.constant 64 : index
        %parallel_loop3A_238 = tpu.vector_load %arg7[%parallel_loop3A_236, %parallel_loop3A_237] {strides = array<i32>} : memref<77x768xf32, #tpu.memory_space<vmem>>, vector<1x16xf32>,
        %parallel_loop3A_239 = vector.shape_cast %parallel_loop3A_238 : vector<1x16xf32> to vector<16xf32>
        %parallel_loop3A_240 = arith.index_cast %parallel_loop3A_193 : i32 to index
        %parallel_loop3A_241 = arith.constant 64 : index
        %parallel_loop3A_242 = tpu.vector_load %arg9[%parallel_loop3A_240, %parallel_loop3A_241] {strides = array<i32>} : memref<22x768xf32, #tpu.memory_space<vmem>>, vector<1x16xf32>,
        %parallel_loop3A_243 = vector.shape_cast %parallel_loop3A_242 : vector<1x16xf32> to vector<16xf32>
        %parallel_loop3A_244 = vector.shape_cast %parallel_loop3A_239 : vector<16xf32> to vector<1x16xf32>
        tpu.vector_store %arg9[%parallel_loop3A_240, %parallel_loop3A_241], %parallel_loop3A_244 {add = true, strides = array<i32>} : memref<22x768xf32, #tpu.memory_space<vmem>>, vector<1x16xf32>,
        %parallel_loop3A_245 = arith.index_cast %parallel_loop3A_199 : i32 to index
        %parallel_loop3A_246 = arith.constant 80 : index
        %parallel_loop3A_247 = tpu.vector_load %arg7[%parallel_loop3A_245, %parallel_loop3A_246] {strides = array<i32>} : memref<77x768xf32, #tpu.memory_space<vmem>>, vector<1x16xf32>,
        %parallel_loop3A_248 = vector.shape_cast %parallel_loop3A_247 : vector<1x16xf32> to vector<16xf32>
        %parallel_loop3A_249 = arith.index_cast %parallel_loop3A_193 : i32 to index
        %parallel_loop3A_250 = arith.constant 80 : index
        %parallel_loop3A_251 = tpu.vector_load %arg9[%parallel_loop3A_249, %parallel_loop3A_250] {strides = array<i32>} : memref<22x768xf32, #tpu.memory_space<vmem>>, vector<1x16xf32>,
        %parallel_loop3A_252 = vector.shape_cast %parallel_loop3A_251 : vector<1x16xf32> to vector<16xf32>
        %parallel_loop3A_253 = vector.shape_cast %parallel_loop3A_248 : vector<16xf32> to vector<1x16xf32>
        tpu.vector_store %arg9[%parallel_loop3A_249, %parallel_loop3A_250], %parallel_loop3A_253 {add = true, strides = array<i32>} : memref<22x768xf32, #tpu.memory_space<vmem>>, vector<1x16xf32>,
        %parallel_loop3A_254 = arith.index_cast %parallel_loop3A_199 : i32 to index
        %parallel_loop3A_255 = arith.constant 96 : index
        %parallel_loop3A_256 = tpu.vector_load %arg7[%parallel_loop3A_254, %parallel_loop3A_255] {strides = array<i32>} : memref<77x768xf32, #tpu.memory_space<vmem>>, vector<1x16xf32>,
        %parallel_loop3A_257 = vector.shape_cast %parallel_loop3A_256 : vector<1x16xf32> to vector<16xf32>
        %parallel_loop3A_258 = arith.index_cast %parallel_loop3A_193 : i32 to index
        %parallel_loop3A_259 = arith.constant 96 : index
        %parallel_loop3A_260 = tpu.vector_load %arg9[%parallel_loop3A_258, %parallel_loop3A_259] {strides = array<i32>} : memref<22x768xf32, #tpu.memory_space<vmem>>, vector<1x16xf32>,
        %parallel_loop3A_261 = vector.shape_cast %parallel_loop3A_260 : vector<1x16xf32> to vector<16xf32>
        %parallel_loop3A_262 = vector.shape_cast %parallel_loop3A_257 : vector<16xf32> to vector<1x16xf32>
        tpu.vector_store %arg9[%parallel_loop3A_258, %parallel_loop3A_259], %parallel_loop3A_262 {add = true, strides = array<i32>} : memref<22x768xf32, #tpu.memory_space<vmem>>, vector<1x16xf32>,
        %parallel_loop3A_263 = arith.index_cast %parallel_loop3A_199 : i32 to index
        %parallel_loop3A_264 = arith.constant 112 : index
        %parallel_loop3A_265 = tpu.vector_load %arg7[%parallel_loop3A_263, %parallel_loop3A_264] {strides = array<i32>} : memref<77x768xf32, #tpu.memory_space<vmem>>, vector<1x16xf32>,
        %parallel_loop3A_266 = vector.shape_cast %parallel_loop3A_265 : vector<1x16xf32> to vector<16xf32>
        %parallel_loop3A_267 = arith.index_cast %parallel_loop3A_193 : i32 to index
        %parallel_loop3A_268 = arith.constant 112 : index
        %parallel_loop3A_269 = tpu.vector_load %arg9[%parallel_loop3A_267, %parallel_loop3A_268] {strides = array<i32>} : memref<22x768xf32, #tpu.memory_space<vmem>>, vector<1x16xf32>,
        %parallel_loop3A_270 = vector.shape_cast %parallel_loop3A_269 : vector<1x16xf32> to vector<16xf32>
        %parallel_loop3A_271 = vector.shape_cast %parallel_loop3A_266 : vector<16xf32> to vector<1x16xf32>
        tpu.vector_store %arg9[%parallel_loop3A_267, %parallel_loop3A_268], %parallel_loop3A_271 {add = true, strides = array<i32>} : memref<22x768xf32, #tpu.memory_space<vmem>>, vector<1x16xf32>,
        %parallel_loop3A_272 = arith.index_cast %parallel_loop3A_199 : i32 to index
        %parallel_loop3A_273 = arith.constant 128 : index
        %parallel_loop3A_274 = tpu.vector_load %arg7[%parallel_loop3A_272, %parallel_loop3A_273] {strides = array<i32>} : memref<77x768xf32, #tpu.memory_space<vmem>>, vector<1x16xf32>,
        %parallel_loop3A_275 = vector.shape_cast %parallel_loop3A_274 : vector<1x16xf32> to vector<16xf32>
        %parallel_loop3A_276 = arith.index_cast %parallel_loop3A_193 : i32 to index
        %parallel_loop3A_277 = arith.constant 128 : index
        %parallel_loop3A_278 = tpu.vector_load %arg9[%parallel_loop3A_276, %parallel_loop3A_277] {strides = array<i32>} : memref<22x768xf32, #tpu.memory_space<vmem>>, vector<1x16xf32>,
        %parallel_loop3A_279 = vector.shape_cast %parallel_loop3A_278 : vector<1x16xf32> to vector<16xf32>
        %parallel_loop3A_280 = vector.shape_cast %parallel_loop3A_275 : vector<16xf32> to vector<1x16xf32>
        tpu.vector_store %arg9[%parallel_loop3A_276, %parallel_loop3A_277], %parallel_loop3A_280 {add = true, strides = array<i32>} : memref<22x768xf32, #tpu.memory_space<vmem>>, vector<1x16xf32>,
        %parallel_loop3A_281 = arith.index_cast %parallel_loop3A_199 : i32 to index
        %parallel_loop3A_282 = arith.constant 144 : index
        %parallel_loop3A_283 = tpu.vector_load %arg7[%parallel_loop3A_281, %parallel_loop3A_282] {strides = array<i32>} : memref<77x768xf32, #tpu.memory_space<vmem>>, vector<1x16xf32>,
        %parallel_loop3A_284 = vector.shape_cast %parallel_loop3A_283 : vector<1x16xf32> to vector<16xf32>
        %parallel_loop3A_285 = arith.index_cast %parallel_loop3A_193 : i32 to index
        %parallel_loop3A_286 = arith.constant 144 : index
        %parallel_loop3A_287 = tpu.vector_load %arg9[%parallel_loop3A_285, %parallel_loop3A_286] {strides = array<i32>} : memref<22x768xf32, #tpu.memory_space<vmem>>, vector<1x16xf32>,
        %parallel_loop3A_288 = vector.shape_cast %parallel_loop3A_287 : vector<1x16xf32> to vector<16xf32>
        %parallel_loop3A_289 = vector.shape_cast %parallel_loop3A_284 : vector<16xf32> to vector<1x16xf32>
        tpu.vector_store %arg9[%parallel_loop3A_285, %parallel_loop3A_286], %parallel_loop3A_289 {add = true, strides = array<i32>} : memref<22x768xf32, #tpu.memory_space<vmem>>, vector<1x16xf32>,
        %parallel_loop3A_290 = arith.index_cast %parallel_loop3A_199 : i32 to index
        %parallel_loop3A_291 = arith.constant 160 : index
        %parallel_loop3A_292 = tpu.vector_load %arg7[%parallel_loop3A_290, %parallel_loop3A_291] {strides = array<i32>} : memref<77x768xf32, #tpu.memory_space<vmem>>, vector<1x16xf32>,
        %parallel_loop3A_293 = vector.shape_cast %parallel_loop3A_292 : vector<1x16xf32> to vector<16xf32>
        %parallel_loop3A_294 = arith.index_cast %parallel_loop3A_193 : i32 to index
        %parallel_loop3A_295 = arith.constant 160 : index
        %parallel_loop3A_296 = tpu.vector_load %arg9[%parallel_loop3A_294, %parallel_loop3A_295] {strides = array<i32>} : memref<22x768xf32, #tpu.memory_space<vmem>>, vector<1x16xf32>,
        %parallel_loop3A_297 = vector.shape_cast %parallel_loop3A_296 : vector<1x16xf32> to vector<16xf32>
        %parallel_loop3A_298 = vector.shape_cast %parallel_loop3A_293 : vector<16xf32> to vector<1x16xf32>
        tpu.vector_store %arg9[%parallel_loop3A_294, %parallel_loop3A_295], %parallel_loop3A_298 {add = true, strides = array<i32>} : memref<22x768xf32, #tpu.memory_space<vmem>>, vector<1x16xf32>,
        %parallel_loop3A_299 = arith.index_cast %parallel_loop3A_199 : i32 to index
        %parallel_loop3A_300 = arith.constant 176 : index
        %parallel_loop3A_301 = tpu.vector_load %arg7[%parallel_loop3A_299, %parallel_loop3A_300] {strides = array<i32>} : memref<77x768xf32, #tpu.memory_space<vmem>>, vector<1x16xf32>,
        %parallel_loop3A_302 = vector.shape_cast %parallel_loop3A_301 : vector<1x16xf32> to vector<16xf32>
        %parallel_loop3A_303 = arith.index_cast %parallel_loop3A_193 : i32 to index
        %parallel_loop3A_304 = arith.constant 176 : index
        %parallel_loop3A_305 = tpu.vector_load %arg9[%parallel_loop3A_303, %parallel_loop3A_304] {strides = array<i32>} : memref<22x768xf32, #tpu.memory_space<vmem>>, vector<1x16xf32>,
        %parallel_loop3A_306 = vector.shape_cast %parallel_loop3A_305 : vector<1x16xf32> to vector<16xf32>
        %parallel_loop3A_307 = vector.shape_cast %parallel_loop3A_302 : vector<16xf32> to vector<1x16xf32>
        tpu.vector_store %arg9[%parallel_loop3A_303, %parallel_loop3A_304], %parallel_loop3A_307 {add = true, strides = array<i32>} : memref<22x768xf32, #tpu.memory_space<vmem>>, vector<1x16xf32>,
        %parallel_loop3A_308 = arith.index_cast %parallel_loop3A_199 : i32 to index
        %parallel_loop3A_309 = arith.constant 192 : index
        %parallel_loop3A_310 = tpu.vector_load %arg7[%parallel_loop3A_308, %parallel_loop3A_309] {strides = array<i32>} : memref<77x768xf32, #tpu.memory_space<vmem>>, vector<1x16xf32>,
        %parallel_loop3A_311 = vector.shape_cast %parallel_loop3A_310 : vector<1x16xf32> to vector<16xf32>
        %parallel_loop3A_312 = arith.index_cast %parallel_loop3A_193 : i32 to index
        %parallel_loop3A_313 = arith.constant 192 : index
        %parallel_loop3A_314 = tpu.vector_load %arg9[%parallel_loop3A_312, %parallel_loop3A_313] {strides = array<i32>} : memref<22x768xf32, #tpu.memory_space<vmem>>, vector<1x16xf32>,
        %parallel_loop3A_315 = vector.shape_cast %parallel_loop3A_314 : vector<1x16xf32> to vector<16xf32>
        %parallel_loop3A_316 = vector.shape_cast %parallel_loop3A_311 : vector<16xf32> to vector<1x16xf32>
        tpu.vector_store %arg9[%parallel_loop3A_312, %parallel_loop3A_313], %parallel_loop3A_316 {add = true, strides = array<i32>} : memref<22x768xf32, #tpu.memory_space<vmem>>, vector<1x16xf32>,
        %parallel_loop3A_317 = arith.index_cast %parallel_loop3A_199 : i32 to index
        %parallel_loop3A_318 = arith.constant 208 : index
        %parallel_loop3A_319 = tpu.vector_load %arg7[%parallel_loop3A_317, %parallel_loop3A_318] {strides = array<i32>} : memref<77x768xf32, #tpu.memory_space<vmem>>, vector<1x16xf32>,
        %parallel_loop3A_320 = vector.shape_cast %parallel_loop3A_319 : vector<1x16xf32> to vector<16xf32>
        %parallel_loop3A_321 = arith.index_cast %parallel_loop3A_193 : i32 to index
        %parallel_loop3A_322 = arith.constant 208 : index
        %parallel_loop3A_323 = tpu.vector_load %arg9[%parallel_loop3A_321, %parallel_loop3A_322] {strides = array<i32>} : memref<22x768xf32, #tpu.memory_space<vmem>>, vector<1x16xf32>,
        %parallel_loop3A_324 = vector.shape_cast %parallel_loop3A_323 : vector<1x16xf32> to vector<16xf32>
        %parallel_loop3A_325 = vector.shape_cast %parallel_loop3A_320 : vector<16xf32> to vector<1x16xf32>
        tpu.vector_store %arg9[%parallel_loop3A_321, %parallel_loop3A_322], %parallel_loop3A_325 {add = true, strides = array<i32>} : memref<22x768xf32, #tpu.memory_space<vmem>>, vector<1x16xf32>,
        %parallel_loop3A_326 = arith.index_cast %parallel_loop3A_199 : i32 to index
        %parallel_loop3A_327 = arith.constant 224 : index
        %parallel_loop3A_328 = tpu.vector_load %arg7[%parallel_loop3A_326, %parallel_loop3A_327] {strides = array<i32>} : memref<77x768xf32, #tpu.memory_space<vmem>>, vector<1x16xf32>,
        %parallel_loop3A_329 = vector.shape_cast %parallel_loop3A_328 : vector<1x16xf32> to vector<16xf32>
        %parallel_loop3A_330 = arith.index_cast %parallel_loop3A_193 : i32 to index
        %parallel_loop3A_331 = arith.constant 224 : index
        %parallel_loop3A_332 = tpu.vector_load %arg9[%parallel_loop3A_330, %parallel_loop3A_331] {strides = array<i32>} : memref<22x768xf32, #tpu.memory_space<vmem>>, vector<1x16xf32>,
        %parallel_loop3A_333 = vector.shape_cast %parallel_loop3A_332 : vector<1x16xf32> to vector<16xf32>
        %parallel_loop3A_334 = vector.shape_cast %parallel_loop3A_329 : vector<16xf32> to vector<1x16xf32>
        tpu.vector_store %arg9[%parallel_loop3A_330, %parallel_loop3A_331], %parallel_loop3A_334 {add = true, strides = array<i32>} : memref<22x768xf32, #tpu.memory_space<vmem>>, vector<1x16xf32>,
        %parallel_loop3A_335 = arith.index_cast %parallel_loop3A_199 : i32 to index
        %parallel_loop3A_336 = arith.constant 240 : index
        %parallel_loop3A_337 = tpu.vector_load %arg7[%parallel_loop3A_335, %parallel_loop3A_336] {strides = array<i32>} : memref<77x768xf32, #tpu.memory_space<vmem>>, vector<1x16xf32>,
        %parallel_loop3A_338 = vector.shape_cast %parallel_loop3A_337 : vector<1x16xf32> to vector<16xf32>
        %parallel_loop3A_339 = arith.index_cast %parallel_loop3A_193 : i32 to index
        %parallel_loop3A_340 = arith.constant 240 : index
        %parallel_loop3A_341 = tpu.vector_load %arg9[%parallel_loop3A_339, %parallel_loop3A_340] {strides = array<i32>} : memref<22x768xf32, #tpu.memory_space<vmem>>, vector<1x16xf32>,
        %parallel_loop3A_342 = vector.shape_cast %parallel_loop3A_341 : vector<1x16xf32> to vector<16xf32>
        %parallel_loop3A_343 = vector.shape_cast %parallel_loop3A_338 : vector<16xf32> to vector<1x16xf32>
        tpu.vector_store %arg9[%parallel_loop3A_339, %parallel_loop3A_340], %parallel_loop3A_343 {add = true, strides = array<i32>} : memref<22x768xf32, #tpu.memory_space<vmem>>, vector<1x16xf32>,
        %parallel_loop3A_344 = arith.index_cast %parallel_loop3A_199 : i32 to index
        %parallel_loop3A_345 = arith.constant 256 : index
        %parallel_loop3A_346 = tpu.vector_load %arg7[%parallel_loop3A_344, %parallel_loop3A_345] {strides = array<i32>} : memref<77x768xf32, #tpu.memory_space<vmem>>, vector<1x16xf32>,
        %parallel_loop3A_347 = vector.shape_cast %parallel_loop3A_346 : vector<1x16xf32> to vector<16xf32>
        %parallel_loop3A_348 = arith.index_cast %parallel_loop3A_193 : i32 to index
        %parallel_loop3A_349 = arith.constant 256 : index
        %parallel_loop3A_350 = tpu.vector_load %arg9[%parallel_loop3A_348, %parallel_loop3A_349] {strides = array<i32>} : memref<22x768xf32, #tpu.memory_space<vmem>>, vector<1x16xf32>,
        %parallel_loop3A_351 = vector.shape_cast %parallel_loop3A_350 : vector<1x16xf32> to vector<16xf32>
        %parallel_loop3A_352 = vector.shape_cast %parallel_loop3A_347 : vector<16xf32> to vector<1x16xf32>
        tpu.vector_store %arg9[%parallel_loop3A_348, %parallel_loop3A_349], %parallel_loop3A_352 {add = true, strides = array<i32>} : memref<22x768xf32, #tpu.memory_space<vmem>>, vector<1x16xf32>,
        %parallel_loop3A_353 = arith.index_cast %parallel_loop3A_199 : i32 to index
        %parallel_loop3A_354 = arith.constant 272 : index
        %parallel_loop3A_355 = tpu.vector_load %arg7[%parallel_loop3A_353, %parallel_loop3A_354] {strides = array<i32>} : memref<77x768xf32, #tpu.memory_space<vmem>>, vector<1x16xf32>,
        %parallel_loop3A_356 = vector.shape_cast %parallel_loop3A_355 : vector<1x16xf32> to vector<16xf32>
        %parallel_loop3A_357 = arith.index_cast %parallel_loop3A_193 : i32 to index
        %parallel_loop3A_358 = arith.constant 272 : index
        %parallel_loop3A_359 = tpu.vector_load %arg9[%parallel_loop3A_357, %parallel_loop3A_358] {strides = array<i32>} : memref<22x768xf32, #tpu.memory_space<vmem>>, vector<1x16xf32>,
        %parallel_loop3A_360 = vector.shape_cast %parallel_loop3A_359 : vector<1x16xf32> to vector<16xf32>
        %parallel_loop3A_361 = vector.shape_cast %parallel_loop3A_356 : vector<16xf32> to vector<1x16xf32>
        tpu.vector_store %arg9[%parallel_loop3A_357, %parallel_loop3A_358], %parallel_loop3A_361 {add = true, strides = array<i32>} : memref<22x768xf32, #tpu.memory_space<vmem>>, vector<1x16xf32>,
        %parallel_loop3A_362 = arith.index_cast %parallel_loop3A_199 : i32 to index
        %parallel_loop3A_363 = arith.constant 288 : index
        %parallel_loop3A_364 = tpu.vector_load %arg7[%parallel_loop3A_362, %parallel_loop3A_363] {strides = array<i32>} : memref<77x768xf32, #tpu.memory_space<vmem>>, vector<1x16xf32>,
        %parallel_loop3A_365 = vector.shape_cast %parallel_loop3A_364 : vector<1x16xf32> to vector<16xf32>
        %parallel_loop3A_366 = arith.index_cast %parallel_loop3A_193 : i32 to index
        %parallel_loop3A_367 = arith.constant 288 : index
        %parallel_loop3A_368 = tpu.vector_load %arg9[%parallel_loop3A_366, %parallel_loop3A_367] {strides = array<i32>} : memref<22x768xf32, #tpu.memory_space<vmem>>, vector<1x16xf32>,
        %parallel_loop3A_369 = vector.shape_cast %parallel_loop3A_368 : vector<1x16xf32> to vector<16xf32>
        %parallel_loop3A_370 = vector.shape_cast %parallel_loop3A_365 : vector<16xf32> to vector<1x16xf32>
        tpu.vector_store %arg9[%parallel_loop3A_366, %parallel_loop3A_367], %parallel_loop3A_370 {add = true, strides = array<i32>} : memref<22x768xf32, #tpu.memory_space<vmem>>, vector<1x16xf32>,
        %parallel_loop3A_371 = arith.index_cast %parallel_loop3A_199 : i32 to index
        %parallel_loop3A_372 = arith.constant 304 : index
        %parallel_loop3A_373 = tpu.vector_load %arg7[%parallel_loop3A_371, %parallel_loop3A_372] {strides = array<i32>} : memref<77x768xf32, #tpu.memory_space<vmem>>, vector<1x16xf32>,
        %parallel_loop3A_374 = vector.shape_cast %parallel_loop3A_373 : vector<1x16xf32> to vector<16xf32>
        %parallel_loop3A_375 = arith.index_cast %parallel_loop3A_193 : i32 to index
        %parallel_loop3A_376 = arith.constant 304 : index
        %parallel_loop3A_377 = tpu.vector_load %arg9[%parallel_loop3A_375, %parallel_loop3A_376] {strides = array<i32>} : memref<22x768xf32, #tpu.memory_space<vmem>>, vector<1x16xf32>,
        %parallel_loop3A_378 = vector.shape_cast %parallel_loop3A_377 : vector<1x16xf32> to vector<16xf32>
        %parallel_loop3A_379 = vector.shape_cast %parallel_loop3A_374 : vector<16xf32> to vector<1x16xf32>
        tpu.vector_store %arg9[%parallel_loop3A_375, %parallel_loop3A_376], %parallel_loop3A_379 {add = true, strides = array<i32>} : memref<22x768xf32, #tpu.memory_space<vmem>>, vector<1x16xf32>,
        %parallel_loop3A_380 = arith.index_cast %parallel_loop3A_199 : i32 to index
        %parallel_loop3A_381 = arith.constant 320 : index
        %parallel_loop3A_382 = tpu.vector_load %arg7[%parallel_loop3A_380, %parallel_loop3A_381] {strides = array<i32>} : memref<77x768xf32, #tpu.memory_space<vmem>>, vector<1x16xf32>,
        %parallel_loop3A_383 = vector.shape_cast %parallel_loop3A_382 : vector<1x16xf32> to vector<16xf32>
        %parallel_loop3A_384 = arith.index_cast %parallel_loop3A_193 : i32 to index
        %parallel_loop3A_385 = arith.constant 320 : index
        %parallel_loop3A_386 = tpu.vector_load %arg9[%parallel_loop3A_384, %parallel_loop3A_385] {strides = array<i32>} : memref<22x768xf32, #tpu.memory_space<vmem>>, vector<1x16xf32>,
        %parallel_loop3A_387 = vector.shape_cast %parallel_loop3A_386 : vector<1x16xf32> to vector<16xf32>
        %parallel_loop3A_388 = vector.shape_cast %parallel_loop3A_383 : vector<16xf32> to vector<1x16xf32>
        tpu.vector_store %arg9[%parallel_loop3A_384, %parallel_loop3A_385], %parallel_loop3A_388 {add = true, strides = array<i32>} : memref<22x768xf32, #tpu.memory_space<vmem>>, vector<1x16xf32>,
        %parallel_loop3A_389 = arith.index_cast %parallel_loop3A_199 : i32 to index
        %parallel_loop3A_390 = arith.constant 336 : index
        %parallel_loop3A_391 = tpu.vector_load %arg7[%parallel_loop3A_389, %parallel_loop3A_390] {strides = array<i32>} : memref<77x768xf32, #tpu.memory_space<vmem>>, vector<1x16xf32>,
        %parallel_loop3A_392 = vector.shape_cast %parallel_loop3A_391 : vector<1x16xf32> to vector<16xf32>
        %parallel_loop3A_393 = arith.index_cast %parallel_loop3A_193 : i32 to index
        %parallel_loop3A_394 = arith.constant 336 : index
        %parallel_loop3A_395 = tpu.vector_load %arg9[%parallel_loop3A_393, %parallel_loop3A_394] {strides = array<i32>} : memref<22x768xf32, #tpu.memory_space<vmem>>, vector<1x16xf32>,
        %parallel_loop3A_396 = vector.shape_cast %parallel_loop3A_395 : vector<1x16xf32> to vector<16xf32>
        %parallel_loop3A_397 = vector.shape_cast %parallel_loop3A_392 : vector<16xf32> to vector<1x16xf32>
        tpu.vector_store %arg9[%parallel_loop3A_393, %parallel_loop3A_394], %parallel_loop3A_397 {add = true, strides = array<i32>} : memref<22x768xf32, #tpu.memory_space<vmem>>, vector<1x16xf32>,
        %parallel_loop3A_398 = arith.index_cast %parallel_loop3A_199 : i32 to index
        %parallel_loop3A_399 = arith.constant 352 : index
        %parallel_loop3A_400 = tpu.vector_load %arg7[%parallel_loop3A_398, %parallel_loop3A_399] {strides = array<i32>} : memref<77x768xf32, #tpu.memory_space<vmem>>, vector<1x16xf32>,
        %parallel_loop3A_401 = vector.shape_cast %parallel_loop3A_400 : vector<1x16xf32> to vector<16xf32>
        %parallel_loop3A_402 = arith.index_cast %parallel_loop3A_193 : i32 to index
        %parallel_loop3A_403 = arith.constant 352 : index
        %parallel_loop3A_404 = tpu.vector_load %arg9[%parallel_loop3A_402, %parallel_loop3A_403] {strides = array<i32>} : memref<22x768xf32, #tpu.memory_space<vmem>>, vector<1x16xf32>,
        %parallel_loop3A_405 = vector.shape_cast %parallel_loop3A_404 : vector<1x16xf32> to vector<16xf32>
        %parallel_loop3A_406 = vector.shape_cast %parallel_loop3A_401 : vector<16xf32> to vector<1x16xf32>
        tpu.vector_store %arg9[%parallel_loop3A_402, %parallel_loop3A_403], %parallel_loop3A_406 {add = true, strides = array<i32>} : memref<22x768xf32, #tpu.memory_space<vmem>>, vector<1x16xf32>,
        %parallel_loop3A_407 = arith.index_cast %parallel_loop3A_199 : i32 to index
        %parallel_loop3A_408 = arith.constant 368 : index
        %parallel_loop3A_409 = tpu.vector_load %arg7[%parallel_loop3A_407, %parallel_loop3A_408] {strides = array<i32>} : memref<77x768xf32, #tpu.memory_space<vmem>>, vector<1x16xf32>,
        %parallel_loop3A_410 = vector.shape_cast %parallel_loop3A_409 : vector<1x16xf32> to vector<16xf32>
        %parallel_loop3A_411 = arith.index_cast %parallel_loop3A_193 : i32 to index
        %parallel_loop3A_412 = arith.constant 368 : index
        %parallel_loop3A_413 = tpu.vector_load %arg9[%parallel_loop3A_411, %parallel_loop3A_412] {strides = array<i32>} : memref<22x768xf32, #tpu.memory_space<vmem>>, vector<1x16xf32>,
        %parallel_loop3A_414 = vector.shape_cast %parallel_loop3A_413 : vector<1x16xf32> to vector<16xf32>
        %parallel_loop3A_415 = vector.shape_cast %parallel_loop3A_410 : vector<16xf32> to vector<1x16xf32>
        tpu.vector_store %arg9[%parallel_loop3A_411, %parallel_loop3A_412], %parallel_loop3A_415 {add = true, strides = array<i32>} : memref<22x768xf32, #tpu.memory_space<vmem>>, vector<1x16xf32>,
        %parallel_loop3A_416 = arith.index_cast %parallel_loop3A_199 : i32 to index
        %parallel_loop3A_417 = arith.constant 384 : index
        %parallel_loop3A_418 = tpu.vector_load %arg7[%parallel_loop3A_416, %parallel_loop3A_417] {strides = array<i32>} : memref<77x768xf32, #tpu.memory_space<vmem>>, vector<1x16xf32>,
        %parallel_loop3A_419 = vector.shape_cast %parallel_loop3A_418 : vector<1x16xf32> to vector<16xf32>
        %parallel_loop3A_420 = arith.index_cast %parallel_loop3A_193 : i32 to index
        %parallel_loop3A_421 = arith.constant 384 : index
        %parallel_loop3A_422 = tpu.vector_load %arg9[%parallel_loop3A_420, %parallel_loop3A_421] {strides = array<i32>} : memref<22x768xf32, #tpu.memory_space<vmem>>, vector<1x16xf32>,
        %parallel_loop3A_423 = vector.shape_cast %parallel_loop3A_422 : vector<1x16xf32> to vector<16xf32>
        %parallel_loop3A_424 = vector.shape_cast %parallel_loop3A_419 : vector<16xf32> to vector<1x16xf32>
        tpu.vector_store %arg9[%parallel_loop3A_420, %parallel_loop3A_421], %parallel_loop3A_424 {add = true, strides = array<i32>} : memref<22x768xf32, #tpu.memory_space<vmem>>, vector<1x16xf32>,
        %parallel_loop3A_425 = arith.index_cast %parallel_loop3A_199 : i32 to index
        %parallel_loop3A_426 = arith.constant 400 : index
        %parallel_loop3A_427 = tpu.vector_load %arg7[%parallel_loop3A_425, %parallel_loop3A_426] {strides = array<i32>} : memref<77x768xf32, #tpu.memory_space<vmem>>, vector<1x16xf32>,
        %parallel_loop3A_428 = vector.shape_cast %parallel_loop3A_427 : vector<1x16xf32> to vector<16xf32>
        %parallel_loop3A_429 = arith.index_cast %parallel_loop3A_193 : i32 to index
        %parallel_loop3A_430 = arith.constant 400 : index
        %parallel_loop3A_431 = tpu.vector_load %arg9[%parallel_loop3A_429, %parallel_loop3A_430] {strides = array<i32>} : memref<22x768xf32, #tpu.memory_space<vmem>>, vector<1x16xf32>,
        %parallel_loop3A_432 = vector.shape_cast %parallel_loop3A_431 : vector<1x16xf32> to vector<16xf32>
        %parallel_loop3A_433 = vector.shape_cast %parallel_loop3A_428 : vector<16xf32> to vector<1x16xf32>
        tpu.vector_store %arg9[%parallel_loop3A_429, %parallel_loop3A_430], %parallel_loop3A_433 {add = true, strides = array<i32>} : memref<22x768xf32, #tpu.memory_space<vmem>>, vector<1x16xf32>,
        %parallel_loop3A_434 = arith.index_cast %parallel_loop3A_199 : i32 to index
        %parallel_loop3A_435 = arith.constant 416 : index
        %parallel_loop3A_436 = tpu.vector_load %arg7[%parallel_loop3A_434, %parallel_loop3A_435] {strides = array<i32>} : memref<77x768xf32, #tpu.memory_space<vmem>>, vector<1x16xf32>,
        %parallel_loop3A_437 = vector.shape_cast %parallel_loop3A_436 : vector<1x16xf32> to vector<16xf32>
        %parallel_loop3A_438 = arith.index_cast %parallel_loop3A_193 : i32 to index
        %parallel_loop3A_439 = arith.constant 416 : index
        %parallel_loop3A_440 = tpu.vector_load %arg9[%parallel_loop3A_438, %parallel_loop3A_439] {strides = array<i32>} : memref<22x768xf32, #tpu.memory_space<vmem>>, vector<1x16xf32>,
        %parallel_loop3A_441 = vector.shape_cast %parallel_loop3A_440 : vector<1x16xf32> to vector<16xf32>
        %parallel_loop3A_442 = vector.shape_cast %parallel_loop3A_437 : vector<16xf32> to vector<1x16xf32>
        tpu.vector_store %arg9[%parallel_loop3A_438, %parallel_loop3A_439], %parallel_loop3A_442 {add = true, strides = array<i32>} : memref<22x768xf32, #tpu.memory_space<vmem>>, vector<1x16xf32>,
        %parallel_loop3A_443 = arith.index_cast %parallel_loop3A_199 : i32 to index
        %parallel_loop3A_444 = arith.constant 432 : index
        %parallel_loop3A_445 = tpu.vector_load %arg7[%parallel_loop3A_443, %parallel_loop3A_444] {strides = array<i32>} : memref<77x768xf32, #tpu.memory_space<vmem>>, vector<1x16xf32>,
        %parallel_loop3A_446 = vector.shape_cast %parallel_loop3A_445 : vector<1x16xf32> to vector<16xf32>
        %parallel_loop3A_447 = arith.index_cast %parallel_loop3A_193 : i32 to index
        %parallel_loop3A_448 = arith.constant 432 : index
        %parallel_loop3A_449 = tpu.vector_load %arg9[%parallel_loop3A_447, %parallel_loop3A_448] {strides = array<i32>} : memref<22x768xf32, #tpu.memory_space<vmem>>, vector<1x16xf32>,
        %parallel_loop3A_450 = vector.shape_cast %parallel_loop3A_449 : vector<1x16xf32> to vector<16xf32>
        %parallel_loop3A_451 = vector.shape_cast %parallel_loop3A_446 : vector<16xf32> to vector<1x16xf32>
        tpu.vector_store %arg9[%parallel_loop3A_447, %parallel_loop3A_448], %parallel_loop3A_451 {add = true, strides = array<i32>} : memref<22x768xf32, #tpu.memory_space<vmem>>, vector<1x16xf32>,
        %parallel_loop3A_452 = arith.index_cast %parallel_loop3A_199 : i32 to index
        %parallel_loop3A_453 = arith.constant 448 : index
        %parallel_loop3A_454 = tpu.vector_load %arg7[%parallel_loop3A_452, %parallel_loop3A_453] {strides = array<i32>} : memref<77x768xf32, #tpu.memory_space<vmem>>, vector<1x16xf32>,
        %parallel_loop3A_455 = vector.shape_cast %parallel_loop3A_454 : vector<1x16xf32> to vector<16xf32>
        %parallel_loop3A_456 = arith.index_cast %parallel_loop3A_193 : i32 to index
        %parallel_loop3A_457 = arith.constant 448 : index
        %parallel_loop3A_458 = tpu.vector_load %arg9[%parallel_loop3A_456, %parallel_loop3A_457] {strides = array<i32>} : memref<22x768xf32, #tpu.memory_space<vmem>>, vector<1x16xf32>,
        %parallel_loop3A_459 = vector.shape_cast %parallel_loop3A_458 : vector<1x16xf32> to vector<16xf32>
        %parallel_loop3A_460 = vector.shape_cast %parallel_loop3A_455 : vector<16xf32> to vector<1x16xf32>
        tpu.vector_store %arg9[%parallel_loop3A_456, %parallel_loop3A_457], %parallel_loop3A_460 {add = true, strides = array<i32>} : memref<22x768xf32, #tpu.memory_space<vmem>>, vector<1x16xf32>,
        %parallel_loop3A_461 = arith.index_cast %parallel_loop3A_199 : i32 to index
        %parallel_loop3A_462 = arith.constant 464 : index
        %parallel_loop3A_463 = tpu.vector_load %arg7[%parallel_loop3A_461, %parallel_loop3A_462] {strides = array<i32>} : memref<77x768xf32, #tpu.memory_space<vmem>>, vector<1x16xf32>,
        %parallel_loop3A_464 = vector.shape_cast %parallel_loop3A_463 : vector<1x16xf32> to vector<16xf32>
        %parallel_loop3A_465 = arith.index_cast %parallel_loop3A_193 : i32 to index
        %parallel_loop3A_466 = arith.constant 464 : index
        %parallel_loop3A_467 = tpu.vector_load %arg9[%parallel_loop3A_465, %parallel_loop3A_466] {strides = array<i32>} : memref<22x768xf32, #tpu.memory_space<vmem>>, vector<1x16xf32>,
        %parallel_loop3A_468 = vector.shape_cast %parallel_loop3A_467 : vector<1x16xf32> to vector<16xf32>
        %parallel_loop3A_469 = vector.shape_cast %parallel_loop3A_464 : vector<16xf32> to vector<1x16xf32>
        tpu.vector_store %arg9[%parallel_loop3A_465, %parallel_loop3A_466], %parallel_loop3A_469 {add = true, strides = array<i32>} : memref<22x768xf32, #tpu.memory_space<vmem>>, vector<1x16xf32>,
        %parallel_loop3A_470 = arith.index_cast %parallel_loop3A_199 : i32 to index
        %parallel_loop3A_471 = arith.constant 480 : index
        %parallel_loop3A_472 = tpu.vector_load %arg7[%parallel_loop3A_470, %parallel_loop3A_471] {strides = array<i32>} : memref<77x768xf32, #tpu.memory_space<vmem>>, vector<1x16xf32>,
        %parallel_loop3A_473 = vector.shape_cast %parallel_loop3A_472 : vector<1x16xf32> to vector<16xf32>
        %parallel_loop3A_474 = arith.index_cast %parallel_loop3A_193 : i32 to index
        %parallel_loop3A_475 = arith.constant 480 : index
        %parallel_loop3A_476 = tpu.vector_load %arg9[%parallel_loop3A_474, %parallel_loop3A_475] {strides = array<i32>} : memref<22x768xf32, #tpu.memory_space<vmem>>, vector<1x16xf32>,
        %parallel_loop3A_477 = vector.shape_cast %parallel_loop3A_476 : vector<1x16xf32> to vector<16xf32>
        %parallel_loop3A_478 = vector.shape_cast %parallel_loop3A_473 : vector<16xf32> to vector<1x16xf32>
        tpu.vector_store %arg9[%parallel_loop3A_474, %parallel_loop3A_475], %parallel_loop3A_478 {add = true, strides = array<i32>} : memref<22x768xf32, #tpu.memory_space<vmem>>, vector<1x16xf32>,
        %parallel_loop3A_479 = arith.index_cast %parallel_loop3A_199 : i32 to index
        %parallel_loop3A_480 = arith.constant 496 : index
        %parallel_loop3A_481 = tpu.vector_load %arg7[%parallel_loop3A_479, %parallel_loop3A_480] {strides = array<i32>} : memref<77x768xf32, #tpu.memory_space<vmem>>, vector<1x16xf32>,
        %parallel_loop3A_482 = vector.shape_cast %parallel_loop3A_481 : vector<1x16xf32> to vector<16xf32>
        %parallel_loop3A_483 = arith.index_cast %parallel_loop3A_193 : i32 to index
        %parallel_loop3A_484 = arith.constant 496 : index
        %parallel_loop3A_485 = tpu.vector_load %arg9[%parallel_loop3A_483, %parallel_loop3A_484] {strides = array<i32>} : memref<22x768xf32, #tpu.memory_space<vmem>>, vector<1x16xf32>,
        %parallel_loop3A_486 = vector.shape_cast %parallel_loop3A_485 : vector<1x16xf32> to vector<16xf32>
        %parallel_loop3A_487 = vector.shape_cast %parallel_loop3A_482 : vector<16xf32> to vector<1x16xf32>
        tpu.vector_store %arg9[%parallel_loop3A_483, %parallel_loop3A_484], %parallel_loop3A_487 {add = true, strides = array<i32>} : memref<22x768xf32, #tpu.memory_space<vmem>>, vector<1x16xf32>,
        %parallel_loop3A_488 = arith.index_cast %parallel_loop3A_199 : i32 to index
        %parallel_loop3A_489 = arith.constant 512 : index
        %parallel_loop3A_490 = tpu.vector_load %arg7[%parallel_loop3A_488, %parallel_loop3A_489] {strides = array<i32>} : memref<77x768xf32, #tpu.memory_space<vmem>>, vector<1x16xf32>,
        %parallel_loop3A_491 = vector.shape_cast %parallel_loop3A_490 : vector<1x16xf32> to vector<16xf32>
        %parallel_loop3A_492 = arith.index_cast %parallel_loop3A_193 : i32 to index
        %parallel_loop3A_493 = arith.constant 512 : index
        %parallel_loop3A_494 = tpu.vector_load %arg9[%parallel_loop3A_492, %parallel_loop3A_493] {strides = array<i32>} : memref<22x768xf32, #tpu.memory_space<vmem>>, vector<1x16xf32>,
        %parallel_loop3A_495 = vector.shape_cast %parallel_loop3A_494 : vector<1x16xf32> to vector<16xf32>
        %parallel_loop3A_496 = vector.shape_cast %parallel_loop3A_491 : vector<16xf32> to vector<1x16xf32>
        tpu.vector_store %arg9[%parallel_loop3A_492, %parallel_loop3A_493], %parallel_loop3A_496 {add = true, strides = array<i32>} : memref<22x768xf32, #tpu.memory_space<vmem>>, vector<1x16xf32>,
        %parallel_loop3A_497 = arith.index_cast %parallel_loop3A_199 : i32 to index
        %parallel_loop3A_498 = arith.constant 528 : index
        %parallel_loop3A_499 = tpu.vector_load %arg7[%parallel_loop3A_497, %parallel_loop3A_498] {strides = array<i32>} : memref<77x768xf32, #tpu.memory_space<vmem>>, vector<1x16xf32>,
        %parallel_loop3A_500 = vector.shape_cast %parallel_loop3A_499 : vector<1x16xf32> to vector<16xf32>
        %parallel_loop3A_501 = arith.index_cast %parallel_loop3A_193 : i32 to index
        %parallel_loop3A_502 = arith.constant 528 : index
        %parallel_loop3A_503 = tpu.vector_load %arg9[%parallel_loop3A_501, %parallel_loop3A_502] {strides = array<i32>} : memref<22x768xf32, #tpu.memory_space<vmem>>, vector<1x16xf32>,
        %parallel_loop3A_504 = vector.shape_cast %parallel_loop3A_503 : vector<1x16xf32> to vector<16xf32>
        %parallel_loop3A_505 = vector.shape_cast %parallel_loop3A_500 : vector<16xf32> to vector<1x16xf32>
        tpu.vector_store %arg9[%parallel_loop3A_501, %parallel_loop3A_502], %parallel_loop3A_505 {add = true, strides = array<i32>} : memref<22x768xf32, #tpu.memory_space<vmem>>, vector<1x16xf32>,
        %parallel_loop3A_506 = arith.index_cast %parallel_loop3A_199 : i32 to index
        %parallel_loop3A_507 = arith.constant 544 : index
        %parallel_loop3A_508 = tpu.vector_load %arg7[%parallel_loop3A_506, %parallel_loop3A_507] {strides = array<i32>} : memref<77x768xf32, #tpu.memory_space<vmem>>, vector<1x16xf32>,
        %parallel_loop3A_509 = vector.shape_cast %parallel_loop3A_508 : vector<1x16xf32> to vector<16xf32>
        %parallel_loop3A_510 = arith.index_cast %parallel_loop3A_193 : i32 to index
        %parallel_loop3A_511 = arith.constant 544 : index
        %parallel_loop3A_512 = tpu.vector_load %arg9[%parallel_loop3A_510, %parallel_loop3A_511] {strides = array<i32>} : memref<22x768xf32, #tpu.memory_space<vmem>>, vector<1x16xf32>,
        %parallel_loop3A_513 = vector.shape_cast %parallel_loop3A_512 : vector<1x16xf32> to vector<16xf32>
        %parallel_loop3A_514 = vector.shape_cast %parallel_loop3A_509 : vector<16xf32> to vector<1x16xf32>
        tpu.vector_store %arg9[%parallel_loop3A_510, %parallel_loop3A_511], %parallel_loop3A_514 {add = true, strides = array<i32>} : memref<22x768xf32, #tpu.memory_space<vmem>>, vector<1x16xf32>,
        %parallel_loop3A_515 = arith.index_cast %parallel_loop3A_199 : i32 to index
        %parallel_loop3A_516 = arith.constant 560 : index
        %parallel_loop3A_517 = tpu.vector_load %arg7[%parallel_loop3A_515, %parallel_loop3A_516] {strides = array<i32>} : memref<77x768xf32, #tpu.memory_space<vmem>>, vector<1x16xf32>,
        %parallel_loop3A_518 = vector.shape_cast %parallel_loop3A_517 : vector<1x16xf32> to vector<16xf32>
        %parallel_loop3A_519 = arith.index_cast %parallel_loop3A_193 : i32 to index
        %parallel_loop3A_520 = arith.constant 560 : index
        %parallel_loop3A_521 = tpu.vector_load %arg9[%parallel_loop3A_519, %parallel_loop3A_520] {strides = array<i32>} : memref<22x768xf32, #tpu.memory_space<vmem>>, vector<1x16xf32>,
        %parallel_loop3A_522 = vector.shape_cast %parallel_loop3A_521 : vector<1x16xf32> to vector<16xf32>
        %parallel_loop3A_523 = vector.shape_cast %parallel_loop3A_518 : vector<16xf32> to vector<1x16xf32>
        tpu.vector_store %arg9[%parallel_loop3A_519, %parallel_loop3A_520], %parallel_loop3A_523 {add = true, strides = array<i32>} : memref<22x768xf32, #tpu.memory_space<vmem>>, vector<1x16xf32>,
        %parallel_loop3A_524 = arith.index_cast %parallel_loop3A_199 : i32 to index
        %parallel_loop3A_525 = arith.constant 576 : index
        %parallel_loop3A_526 = tpu.vector_load %arg7[%parallel_loop3A_524, %parallel_loop3A_525] {strides = array<i32>} : memref<77x768xf32, #tpu.memory_space<vmem>>, vector<1x16xf32>,
        %parallel_loop3A_527 = vector.shape_cast %parallel_loop3A_526 : vector<1x16xf32> to vector<16xf32>
        %parallel_loop3A_528 = arith.index_cast %parallel_loop3A_193 : i32 to index
        %parallel_loop3A_529 = arith.constant 576 : index
        %parallel_loop3A_530 = tpu.vector_load %arg9[%parallel_loop3A_528, %parallel_loop3A_529] {strides = array<i32>} : memref<22x768xf32, #tpu.memory_space<vmem>>, vector<1x16xf32>,
        %parallel_loop3A_531 = vector.shape_cast %parallel_loop3A_530 : vector<1x16xf32> to vector<16xf32>
        %parallel_loop3A_532 = vector.shape_cast %parallel_loop3A_527 : vector<16xf32> to vector<1x16xf32>
        tpu.vector_store %arg9[%parallel_loop3A_528, %parallel_loop3A_529], %parallel_loop3A_532 {add = true, strides = array<i32>} : memref<22x768xf32, #tpu.memory_space<vmem>>, vector<1x16xf32>,
        %parallel_loop3A_533 = arith.index_cast %parallel_loop3A_199 : i32 to index
        %parallel_loop3A_534 = arith.constant 592 : index
        %parallel_loop3A_535 = tpu.vector_load %arg7[%parallel_loop3A_533, %parallel_loop3A_534] {strides = array<i32>} : memref<77x768xf32, #tpu.memory_space<vmem>>, vector<1x16xf32>,
        %parallel_loop3A_536 = vector.shape_cast %parallel_loop3A_535 : vector<1x16xf32> to vector<16xf32>
        %parallel_loop3A_537 = arith.index_cast %parallel_loop3A_193 : i32 to index
        %parallel_loop3A_538 = arith.constant 592 : index
        %parallel_loop3A_539 = tpu.vector_load %arg9[%parallel_loop3A_537, %parallel_loop3A_538] {strides = array<i32>} : memref<22x768xf32, #tpu.memory_space<vmem>>, vector<1x16xf32>,
        %parallel_loop3A_540 = vector.shape_cast %parallel_loop3A_539 : vector<1x16xf32> to vector<16xf32>
        %parallel_loop3A_541 = vector.shape_cast %parallel_loop3A_536 : vector<16xf32> to vector<1x16xf32>
        tpu.vector_store %arg9[%parallel_loop3A_537, %parallel_loop3A_538], %parallel_loop3A_541 {add = true, strides = array<i32>} : memref<22x768xf32, #tpu.memory_space<vmem>>, vector<1x16xf32>,
        %parallel_loop3A_542 = arith.index_cast %parallel_loop3A_199 : i32 to index
        %parallel_loop3A_543 = arith.constant 608 : index
        %parallel_loop3A_544 = tpu.vector_load %arg7[%parallel_loop3A_542, %parallel_loop3A_543] {strides = array<i32>} : memref<77x768xf32, #tpu.memory_space<vmem>>, vector<1x16xf32>,
        %parallel_loop3A_545 = vector.shape_cast %parallel_loop3A_544 : vector<1x16xf32> to vector<16xf32>
        %parallel_loop3A_546 = arith.index_cast %parallel_loop3A_193 : i32 to index
        %parallel_loop3A_547 = arith.constant 608 : index
        %parallel_loop3A_548 = tpu.vector_load %arg9[%parallel_loop3A_546, %parallel_loop3A_547] {strides = array<i32>} : memref<22x768xf32, #tpu.memory_space<vmem>>, vector<1x16xf32>,
        %parallel_loop3A_549 = vector.shape_cast %parallel_loop3A_548 : vector<1x16xf32> to vector<16xf32>
        %parallel_loop3A_550 = vector.shape_cast %parallel_loop3A_545 : vector<16xf32> to vector<1x16xf32>
        tpu.vector_store %arg9[%parallel_loop3A_546, %parallel_loop3A_547], %parallel_loop3A_550 {add = true, strides = array<i32>} : memref<22x768xf32, #tpu.memory_space<vmem>>, vector<1x16xf32>,
        %parallel_loop3A_551 = arith.index_cast %parallel_loop3A_199 : i32 to index
        %parallel_loop3A_552 = arith.constant 624 : index
        %parallel_loop3A_553 = tpu.vector_load %arg7[%parallel_loop3A_551, %parallel_loop3A_552] {strides = array<i32>} : memref<77x768xf32, #tpu.memory_space<vmem>>, vector<1x16xf32>,
        %parallel_loop3A_554 = vector.shape_cast %parallel_loop3A_553 : vector<1x16xf32> to vector<16xf32>
        %parallel_loop3A_555 = arith.index_cast %parallel_loop3A_193 : i32 to index
        %parallel_loop3A_556 = arith.constant 624 : index
        %parallel_loop3A_557 = tpu.vector_load %arg9[%parallel_loop3A_555, %parallel_loop3A_556] {strides = array<i32>} : memref<22x768xf32, #tpu.memory_space<vmem>>, vector<1x16xf32>,
        %parallel_loop3A_558 = vector.shape_cast %parallel_loop3A_557 : vector<1x16xf32> to vector<16xf32>
        %parallel_loop3A_559 = vector.shape_cast %parallel_loop3A_554 : vector<16xf32> to vector<1x16xf32>
        tpu.vector_store %arg9[%parallel_loop3A_555, %parallel_loop3A_556], %parallel_loop3A_559 {add = true, strides = array<i32>} : memref<22x768xf32, #tpu.memory_space<vmem>>, vector<1x16xf32>,
        %parallel_loop3A_560 = arith.index_cast %parallel_loop3A_199 : i32 to index
        %parallel_loop3A_561 = arith.constant 640 : index
        %parallel_loop3A_562 = tpu.vector_load %arg7[%parallel_loop3A_560, %parallel_loop3A_561] {strides = array<i32>} : memref<77x768xf32, #tpu.memory_space<vmem>>, vector<1x16xf32>,
        %parallel_loop3A_563 = vector.shape_cast %parallel_loop3A_562 : vector<1x16xf32> to vector<16xf32>
        %parallel_loop3A_564 = arith.index_cast %parallel_loop3A_193 : i32 to index
        %parallel_loop3A_565 = arith.constant 640 : index
        %parallel_loop3A_566 = tpu.vector_load %arg9[%parallel_loop3A_564, %parallel_loop3A_565] {strides = array<i32>} : memref<22x768xf32, #tpu.memory_space<vmem>>, vector<1x16xf32>,
        %parallel_loop3A_567 = vector.shape_cast %parallel_loop3A_566 : vector<1x16xf32> to vector<16xf32>
        %parallel_loop3A_568 = vector.shape_cast %parallel_loop3A_563 : vector<16xf32> to vector<1x16xf32>
        tpu.vector_store %arg9[%parallel_loop3A_564, %parallel_loop3A_565], %parallel_loop3A_568 {add = true, strides = array<i32>} : memref<22x768xf32, #tpu.memory_space<vmem>>, vector<1x16xf32>,
        %parallel_loop3A_569 = arith.index_cast %parallel_loop3A_199 : i32 to index
        %parallel_loop3A_570 = arith.constant 656 : index
        %parallel_loop3A_571 = tpu.vector_load %arg7[%parallel_loop3A_569, %parallel_loop3A_570] {strides = array<i32>} : memref<77x768xf32, #tpu.memory_space<vmem>>, vector<1x16xf32>,
        %parallel_loop3A_572 = vector.shape_cast %parallel_loop3A_571 : vector<1x16xf32> to vector<16xf32>
        %parallel_loop3A_573 = arith.index_cast %parallel_loop3A_193 : i32 to index
        %parallel_loop3A_574 = arith.constant 656 : index
        %parallel_loop3A_575 = tpu.vector_load %arg9[%parallel_loop3A_573, %parallel_loop3A_574] {strides = array<i32>} : memref<22x768xf32, #tpu.memory_space<vmem>>, vector<1x16xf32>,
        %parallel_loop3A_576 = vector.shape_cast %parallel_loop3A_575 : vector<1x16xf32> to vector<16xf32>
        %parallel_loop3A_577 = vector.shape_cast %parallel_loop3A_572 : vector<16xf32> to vector<1x16xf32>
        tpu.vector_store %arg9[%parallel_loop3A_573, %parallel_loop3A_574], %parallel_loop3A_577 {add = true, strides = array<i32>} : memref<22x768xf32, #tpu.memory_space<vmem>>, vector<1x16xf32>,
        %parallel_loop3A_578 = arith.index_cast %parallel_loop3A_199 : i32 to index
        %parallel_loop3A_579 = arith.constant 672 : index
        %parallel_loop3A_580 = tpu.vector_load %arg7[%parallel_loop3A_578, %parallel_loop3A_579] {strides = array<i32>} : memref<77x768xf32, #tpu.memory_space<vmem>>, vector<1x16xf32>,
        %parallel_loop3A_581 = vector.shape_cast %parallel_loop3A_580 : vector<1x16xf32> to vector<16xf32>
        %parallel_loop3A_582 = arith.index_cast %parallel_loop3A_193 : i32 to index
        %parallel_loop3A_583 = arith.constant 672 : index
        %parallel_loop3A_584 = tpu.vector_load %arg9[%parallel_loop3A_582, %parallel_loop3A_583] {strides = array<i32>} : memref<22x768xf32, #tpu.memory_space<vmem>>, vector<1x16xf32>,
        %parallel_loop3A_585 = vector.shape_cast %parallel_loop3A_584 : vector<1x16xf32> to vector<16xf32>
        %parallel_loop3A_586 = vector.shape_cast %parallel_loop3A_581 : vector<16xf32> to vector<1x16xf32>
        tpu.vector_store %arg9[%parallel_loop3A_582, %parallel_loop3A_583], %parallel_loop3A_586 {add = true, strides = array<i32>} : memref<22x768xf32, #tpu.memory_space<vmem>>, vector<1x16xf32>,
        %parallel_loop3A_587 = arith.index_cast %parallel_loop3A_199 : i32 to index
        %parallel_loop3A_588 = arith.constant 688 : index
        %parallel_loop3A_589 = tpu.vector_load %arg7[%parallel_loop3A_587, %parallel_loop3A_588] {strides = array<i32>} : memref<77x768xf32, #tpu.memory_space<vmem>>, vector<1x16xf32>,
        %parallel_loop3A_590 = vector.shape_cast %parallel_loop3A_589 : vector<1x16xf32> to vector<16xf32>
        %parallel_loop3A_591 = arith.index_cast %parallel_loop3A_193 : i32 to index
        %parallel_loop3A_592 = arith.constant 688 : index
        %parallel_loop3A_593 = tpu.vector_load %arg9[%parallel_loop3A_591, %parallel_loop3A_592] {strides = array<i32>} : memref<22x768xf32, #tpu.memory_space<vmem>>, vector<1x16xf32>,
        %parallel_loop3A_594 = vector.shape_cast %parallel_loop3A_593 : vector<1x16xf32> to vector<16xf32>
        %parallel_loop3A_595 = vector.shape_cast %parallel_loop3A_590 : vector<16xf32> to vector<1x16xf32>
        tpu.vector_store %arg9[%parallel_loop3A_591, %parallel_loop3A_592], %parallel_loop3A_595 {add = true, strides = array<i32>} : memref<22x768xf32, #tpu.memory_space<vmem>>, vector<1x16xf32>,
        %parallel_loop3A_596 = arith.index_cast %parallel_loop3A_199 : i32 to index
        %parallel_loop3A_597 = arith.constant 704 : index
        %parallel_loop3A_598 = tpu.vector_load %arg7[%parallel_loop3A_596, %parallel_loop3A_597] {strides = array<i32>} : memref<77x768xf32, #tpu.memory_space<vmem>>, vector<1x16xf32>,
        %parallel_loop3A_599 = vector.shape_cast %parallel_loop3A_598 : vector<1x16xf32> to vector<16xf32>
        %parallel_loop3A_600 = arith.index_cast %parallel_loop3A_193 : i32 to index
        %parallel_loop3A_601 = arith.constant 704 : index
        %parallel_loop3A_602 = tpu.vector_load %arg9[%parallel_loop3A_600, %parallel_loop3A_601] {strides = array<i32>} : memref<22x768xf32, #tpu.memory_space<vmem>>, vector<1x16xf32>,
        %parallel_loop3A_603 = vector.shape_cast %parallel_loop3A_602 : vector<1x16xf32> to vector<16xf32>
        %parallel_loop3A_604 = vector.shape_cast %parallel_loop3A_599 : vector<16xf32> to vector<1x16xf32>
        tpu.vector_store %arg9[%parallel_loop3A_600, %parallel_loop3A_601], %parallel_loop3A_604 {add = true, strides = array<i32>} : memref<22x768xf32, #tpu.memory_space<vmem>>, vector<1x16xf32>,
        %parallel_loop3A_605 = arith.index_cast %parallel_loop3A_199 : i32 to index
        %parallel_loop3A_606 = arith.constant 720 : index
        %parallel_loop3A_607 = tpu.vector_load %arg7[%parallel_loop3A_605, %parallel_loop3A_606] {strides = array<i32>} : memref<77x768xf32, #tpu.memory_space<vmem>>, vector<1x16xf32>,
        %parallel_loop3A_608 = vector.shape_cast %parallel_loop3A_607 : vector<1x16xf32> to vector<16xf32>
        %parallel_loop3A_609 = arith.index_cast %parallel_loop3A_193 : i32 to index
        %parallel_loop3A_610 = arith.constant 720 : index
        %parallel_loop3A_611 = tpu.vector_load %arg9[%parallel_loop3A_609, %parallel_loop3A_610] {strides = array<i32>} : memref<22x768xf32, #tpu.memory_space<vmem>>, vector<1x16xf32>,
        %parallel_loop3A_612 = vector.shape_cast %parallel_loop3A_611 : vector<1x16xf32> to vector<16xf32>
        %parallel_loop3A_613 = vector.shape_cast %parallel_loop3A_608 : vector<16xf32> to vector<1x16xf32>
        tpu.vector_store %arg9[%parallel_loop3A_609, %parallel_loop3A_610], %parallel_loop3A_613 {add = true, strides = array<i32>} : memref<22x768xf32, #tpu.memory_space<vmem>>, vector<1x16xf32>,
        %parallel_loop3A_614 = arith.index_cast %parallel_loop3A_199 : i32 to index
        %parallel_loop3A_615 = arith.constant 736 : index
        %parallel_loop3A_616 = tpu.vector_load %arg7[%parallel_loop3A_614, %parallel_loop3A_615] {strides = array<i32>} : memref<77x768xf32, #tpu.memory_space<vmem>>, vector<1x16xf32>,
        %parallel_loop3A_617 = vector.shape_cast %parallel_loop3A_616 : vector<1x16xf32> to vector<16xf32>
        %parallel_loop3A_618 = arith.index_cast %parallel_loop3A_193 : i32 to index
        %parallel_loop3A_619 = arith.constant 736 : index
        %parallel_loop3A_620 = tpu.vector_load %arg9[%parallel_loop3A_618, %parallel_loop3A_619] {strides = array<i32>} : memref<22x768xf32, #tpu.memory_space<vmem>>, vector<1x16xf32>,
        %parallel_loop3A_621 = vector.shape_cast %parallel_loop3A_620 : vector<1x16xf32> to vector<16xf32>
        %parallel_loop3A_622 = vector.shape_cast %parallel_loop3A_617 : vector<16xf32> to vector<1x16xf32>
        tpu.vector_store %arg9[%parallel_loop3A_618, %parallel_loop3A_619], %parallel_loop3A_622 {add = true, strides = array<i32>} : memref<22x768xf32, #tpu.memory_space<vmem>>, vector<1x16xf32>,
        %parallel_loop3A_623 = arith.index_cast %parallel_loop3A_199 : i32 to index
        %parallel_loop3A_624 = arith.constant 752 : index
        %parallel_loop3A_625 = tpu.vector_load %arg7[%parallel_loop3A_623, %parallel_loop3A_624] {strides = array<i32>} : memref<77x768xf32, #tpu.memory_space<vmem>>, vector<1x16xf32>,
        %parallel_loop3A_626 = vector.shape_cast %parallel_loop3A_625 : vector<1x16xf32> to vector<16xf32>
        %parallel_loop3A_627 = arith.index_cast %parallel_loop3A_193 : i32 to index
        %parallel_loop3A_628 = arith.constant 752 : index
        %parallel_loop3A_629 = tpu.vector_load %arg9[%parallel_loop3A_627, %parallel_loop3A_628] {strides = array<i32>} : memref<22x768xf32, #tpu.memory_space<vmem>>, vector<1x16xf32>,
        %parallel_loop3A_630 = vector.shape_cast %parallel_loop3A_629 : vector<1x16xf32> to vector<16xf32>
        %parallel_loop3A_631 = vector.shape_cast %parallel_loop3A_626 : vector<16xf32> to vector<1x16xf32>
        tpu.vector_store %arg9[%parallel_loop3A_627, %parallel_loop3A_628], %parallel_loop3A_631 {add = true, strides = array<i32>} : memref<22x768xf32, #tpu.memory_space<vmem>>, vector<1x16xf32>,
      } {sc.loop_unroll_factor = 2 : i64, sc.parallel_access}
      %mul3A_113 = arith.constant 22 : i32
      %mul3A_114 = arith.muli %add3A_89, %mul3A_113 : i32
      %add3A_115 = arith.addi %mul3A_2, %mul3A_114 : i32
      %dma_start3A_116 = arith.constant 1 : i32
      %dma_start3A_117 = arith.constant 0 : i32
      %dma_start3A_118 = tpu.memref_slice %arg5[%add3A_115, %dma_start3A_117] : memref<78848x768xf32, #tpu.memory_space<hbm>> -> memref<22x768xf32, #tpu.memory_space<hbm>>
      %dma_start3A_119 = tpu.memref_slice %arg13[%dma_start3A_116] : memref<4x!tpu.dma_semaphore, #tpu.memory_space<semaphore_mem>> -> memref<1x!tpu.dma_semaphore, #tpu.memory_space<semaphore_mem>>
      %dma_start3A_120 = tpu.memref_squeeze %dma_start3A_119 : memref<1x!tpu.dma_semaphore, #tpu.memory_space<semaphore_mem>> -> memref<!tpu.dma_semaphore, #tpu.memory_space<semaphore_mem>>
      %dma_start3A_121 = arith.constant 0 : i32
      %dma_start3A_122 = tpu.memref_slice %arg5[%add3A_115, %dma_start3A_121] : memref<78848x768xf32, #tpu.memory_space<hbm>> -> memref<22x768xf32, #tpu.memory_space<hbm>>
      tpu.enqueue_dma source(%arg9 : memref<22x768xf32, #tpu.memory_space<vmem>>) target(%dma_start3A_122 : memref<22x768xf32, #tpu.memory_space<hbm>>) target_semaphore(%dma_start3A_120 : memref<!tpu.dma_semaphore, #tpu.memory_space<semaphore_mem>>)
      %add3A_123 = arith.constant 2 : i32
      %add3A_124 = arith.addi %add3A_57, %add3A_123 : i32
      %add3A_125 = arith.constant 2 : i32
      %add3A_126 = arith.addi %add3A_124, %add3A_125 : i32
      %lt3A_127 = arith.constant 112 : i32
      %lt3A_128 = arith.cmpi slt, %add3A_126, %lt3A_127 : i32
      %convert_element_type3A_129 = arith.extui %lt3A_128 : i1 to i32
      %cond3A_130 = arith.constant 0 : i32
      %cond3A_131 = arith.cmpi ne, %convert_element_type3A_129, %cond3A_130 : i32
      scf.if %cond3A_131 {
        %ge3A = arith.constant 2 : i32
        %ge3A_193 = arith.cmpi sge, %add3A_124, %ge3A : i32
        %convert_element_type3A_194 = arith.extui %ge3A_193 : i1 to i32
        %cond3A_195 = arith.constant 0 : i32
        %cond3A_196 = arith.cmpi ne, %convert_element_type3A_194, %cond3A_195 : i32
        scf.if %cond3A_196 {
          %dma_wait3A_208 = arith.constant 0 : i32
          %dma_wait3A_209 = arith.constant 0 : i32
          %dma_wait3A_210 = tpu.memref_slice %arg5[%mul3A_2, %dma_wait3A_209] : memref<78848x768xf32, #tpu.memory_space<hbm>> -> memref<22x768xf32, #tpu.memory_space<hbm>>
          %dma_wait3A_211 = tpu.memref_slice %arg13[%dma_wait3A_208] : memref<4x!tpu.dma_semaphore, #tpu.memory_space<semaphore_mem>> -> memref<1x!tpu.dma_semaphore, #tpu.memory_space<semaphore_mem>>
          %dma_wait3A_212 = tpu.memref_squeeze %dma_wait3A_211 : memref<1x!tpu.dma_semaphore, #tpu.memory_space<semaphore_mem>> -> memref<!tpu.dma_semaphore, #tpu.memory_space<semaphore_mem>>
          %dma_wait3A_213 = arith.constant 0 : i32
          %dma_wait3A_214 = tpu.memref_slice %arg5[%mul3A_2, %dma_wait3A_213] : memref<78848x768xf32, #tpu.memory_space<hbm>> -> memref<22x768xf32, #tpu.memory_space<hbm>>
          tpu.wait_dma2 semaphore(%dma_wait3A_212 : memref<!tpu.dma_semaphore, #tpu.memory_space<semaphore_mem>>) src(%arg8 : memref<22x768xf32, #tpu.memory_space<vmem>>) dst(%dma_wait3A_214 : memref<22x768xf32, #tpu.memory_space<hbm>>)
        } else {
        }
        %add3A_197 = arith.constant 2 : i32
        %add3A_198 = arith.addi %add3A_124, %add3A_197 : i32
        %dma_start3A_199 = arith.constant 0 : i32
        %dma_start3A_200 = arith.constant 0 : i32
        %dma_start3A_201 = tpu.memref_slice %arg6[%add3A_198, %dma_start3A_200] : memref<112x22xi32, #tpu.memory_space<vmem>> -> memref<1x22xi32, #tpu.memory_space<vmem>>
        %dma_start3A_202 = tpu.memref_squeeze %dma_start3A_201 : memref<1x22xi32, #tpu.memory_space<vmem>> -> memref<22xi32, #tpu.memory_space<vmem>>
        %dma_start3A_203 = arith.constant 0 : i32
        %dma_start3A_204 = arith.constant 0 : i32
        %dma_start3A_205 = tpu.memref_slice %arg3[%dma_start3A_203, %dma_start3A_204] : memref<49408x768xf32, #tpu.memory_space<hbm>> -> memref<49408x768xf32, #tpu.memory_space<hbm>>
        %dma_start3A_206 = tpu.memref_slice %arg12[%dma_start3A_199] : memref<4x!tpu.dma_semaphore, #tpu.memory_space<semaphore_mem>> -> memref<1x!tpu.dma_semaphore, #tpu.memory_space<semaphore_mem>>
        %dma_start3A_207 = tpu.memref_squeeze %dma_start3A_206 : memref<1x!tpu.dma_semaphore, #tpu.memory_space<semaphore_mem>> -> memref<!tpu.dma_semaphore, #tpu.memory_space<semaphore_mem>>
        tpu.enqueue_indirect_dma source(%dma_start3A_205 : memref<49408x768xf32, #tpu.memory_space<hbm>>) target(%arg8 : memref<22x768xf32, #tpu.memory_space<vmem>>) offsets(%dma_start3A_202 : memref<22xi32, #tpu.memory_space<vmem>>) semaphore(%dma_start3A_207 : memref<!tpu.dma_semaphore, #tpu.memory_space<semaphore_mem>>)
      } else {
      }
      %dma_wait3A_132 = arith.constant 2 : i32
      %dma_wait3A_133 = arith.constant 0 : i32
      %dma_wait3A_134 = arith.constant 0 : i32
      %dma_wait3A_135 = tpu.memref_slice %arg3[%dma_wait3A_133, %dma_wait3A_134] : memref<49408x768xf32, #tpu.memory_space<hbm>> -> memref<22x768xf32, #tpu.memory_space<hbm>>
      %dma_wait3A_136 = tpu.memref_slice %arg12[%dma_wait3A_132] : memref<4x!tpu.dma_semaphore, #tpu.memory_space<semaphore_mem>> -> memref<1x!tpu.dma_semaphore, #tpu.memory_space<semaphore_mem>>
      %dma_wait3A_137 = tpu.memref_squeeze %dma_wait3A_136 : memref<1x!tpu.dma_semaphore, #tpu.memory_space<semaphore_mem>> -> memref<!tpu.dma_semaphore, #tpu.memory_space<semaphore_mem>>
      %dma_wait3A_138 = arith.constant 0 : i32
      %dma_wait3A_139 = arith.constant 0 : i32
      %dma_wait3A_140 = tpu.memref_slice %arg3[%dma_wait3A_138, %dma_wait3A_139] : memref<49408x768xf32, #tpu.memory_space<hbm>> -> memref<22x768xf32, #tpu.memory_space<hbm>>
      tpu.wait_dma2 semaphore(%dma_wait3A_137 : memref<!tpu.dma_semaphore, #tpu.memory_space<semaphore_mem>>) src(%dma_wait3A_140 : memref<22x768xf32, #tpu.memory_space<hbm>>) dst(%arg10 : memref<22x768xf32, #tpu.memory_space<vmem>>)
      %mul3A_141 = arith.constant 22 : i32
      %mul3A_142 = arith.muli %add3A_124, %mul3A_141 : i32
      %rem3A_143 = arith.constant 77 : i32
      %rem3A_144 = arith.remsi %mul3A_142, %rem3A_143 : i32
      %parallel_loop3A_145 = arith.constant 0 : i32
      %parallel_loop3A_146 = arith.constant 22 : i32
      %parallel_loop3A_147 = arith.constant 1 : i32
      scf.for %parallel_loop3A_193 = %parallel_loop3A_145 to %parallel_loop3A_146 step %parallel_loop3A_147  : i32 {
        %parallel_loop3A_194 = arith.addi %rem3A_144, %parallel_loop3A_193 : i32
        %parallel_loop3A_195 = arith.constant 77 : i32
        %parallel_loop3A_196 = arith.cmpi sge, %parallel_loop3A_194, %parallel_loop3A_195 : i32
        %parallel_loop3A_197 = arith.constant 77 : i32
        %parallel_loop3A_198 = arith.subi %parallel_loop3A_194, %parallel_loop3A_197 : i32
        %parallel_loop3A_199 = arith.select %parallel_loop3A_196, %parallel_loop3A_198, %parallel_loop3A_194 : i32
        %parallel_loop3A_200 = arith.index_cast %parallel_loop3A_199 : i32 to index
        %parallel_loop3A_201 = arith.constant 0 : index
        %parallel_loop3A_202 = tpu.vector_load %arg7[%parallel_loop3A_200, %parallel_loop3A_201] {strides = array<i32>} : memref<77x768xf32, #tpu.memory_space<vmem>>, vector<1x16xf32>,
        %parallel_loop3A_203 = vector.shape_cast %parallel_loop3A_202 : vector<1x16xf32> to vector<16xf32>
        %parallel_loop3A_204 = arith.index_cast %parallel_loop3A_193 : i32 to index
        %parallel_loop3A_205 = arith.constant 0 : index
        %parallel_loop3A_206 = tpu.vector_load %arg10[%parallel_loop3A_204, %parallel_loop3A_205] {strides = array<i32>} : memref<22x768xf32, #tpu.memory_space<vmem>>, vector<1x16xf32>,
        %parallel_loop3A_207 = vector.shape_cast %parallel_loop3A_206 : vector<1x16xf32> to vector<16xf32>
        %parallel_loop3A_208 = vector.shape_cast %parallel_loop3A_203 : vector<16xf32> to vector<1x16xf32>
        tpu.vector_store %arg10[%parallel_loop3A_204, %parallel_loop3A_205], %parallel_loop3A_208 {add = true, strides = array<i32>} : memref<22x768xf32, #tpu.memory_space<vmem>>, vector<1x16xf32>,
        %parallel_loop3A_209 = arith.index_cast %parallel_loop3A_199 : i32 to index
        %parallel_loop3A_210 = arith.constant 16 : index
        %parallel_loop3A_211 = tpu.vector_load %arg7[%parallel_loop3A_209, %parallel_loop3A_210] {strides = array<i32>} : memref<77x768xf32, #tpu.memory_space<vmem>>, vector<1x16xf32>,
        %parallel_loop3A_212 = vector.shape_cast %parallel_loop3A_211 : vector<1x16xf32> to vector<16xf32>
        %parallel_loop3A_213 = arith.index_cast %parallel_loop3A_193 : i32 to index
        %parallel_loop3A_214 = arith.constant 16 : index
        %parallel_loop3A_215 = tpu.vector_load %arg10[%parallel_loop3A_213, %parallel_loop3A_214] {strides = array<i32>} : memref<22x768xf32, #tpu.memory_space<vmem>>, vector<1x16xf32>,
        %parallel_loop3A_216 = vector.shape_cast %parallel_loop3A_215 : vector<1x16xf32> to vector<16xf32>
        %parallel_loop3A_217 = vector.shape_cast %parallel_loop3A_212 : vector<16xf32> to vector<1x16xf32>
        tpu.vector_store %arg10[%parallel_loop3A_213, %parallel_loop3A_214], %parallel_loop3A_217 {add = true, strides = array<i32>} : memref<22x768xf32, #tpu.memory_space<vmem>>, vector<1x16xf32>,
        %parallel_loop3A_218 = arith.index_cast %parallel_loop3A_199 : i32 to index
        %parallel_loop3A_219 = arith.constant 32 : index
        %parallel_loop3A_220 = tpu.vector_load %arg7[%parallel_loop3A_218, %parallel_loop3A_219] {strides = array<i32>} : memref<77x768xf32, #tpu.memory_space<vmem>>, vector<1x16xf32>,
        %parallel_loop3A_221 = vector.shape_cast %parallel_loop3A_220 : vector<1x16xf32> to vector<16xf32>
        %parallel_loop3A_222 = arith.index_cast %parallel_loop3A_193 : i32 to index
        %parallel_loop3A_223 = arith.constant 32 : index
        %parallel_loop3A_224 = tpu.vector_load %arg10[%parallel_loop3A_222, %parallel_loop3A_223] {strides = array<i32>} : memref<22x768xf32, #tpu.memory_space<vmem>>, vector<1x16xf32>,
        %parallel_loop3A_225 = vector.shape_cast %parallel_loop3A_224 : vector<1x16xf32> to vector<16xf32>
        %parallel_loop3A_226 = vector.shape_cast %parallel_loop3A_221 : vector<16xf32> to vector<1x16xf32>
        tpu.vector_store %arg10[%parallel_loop3A_222, %parallel_loop3A_223], %parallel_loop3A_226 {add = true, strides = array<i32>} : memref<22x768xf32, #tpu.memory_space<vmem>>, vector<1x16xf32>,
        %parallel_loop3A_227 = arith.index_cast %parallel_loop3A_199 : i32 to index
        %parallel_loop3A_228 = arith.constant 48 : index
        %parallel_loop3A_229 = tpu.vector_load %arg7[%parallel_loop3A_227, %parallel_loop3A_228] {strides = array<i32>} : memref<77x768xf32, #tpu.memory_space<vmem>>, vector<1x16xf32>,
        %parallel_loop3A_230 = vector.shape_cast %parallel_loop3A_229 : vector<1x16xf32> to vector<16xf32>
        %parallel_loop3A_231 = arith.index_cast %parallel_loop3A_193 : i32 to index
        %parallel_loop3A_232 = arith.constant 48 : index
        %parallel_loop3A_233 = tpu.vector_load %arg10[%parallel_loop3A_231, %parallel_loop3A_232] {strides = array<i32>} : memref<22x768xf32, #tpu.memory_space<vmem>>, vector<1x16xf32>,
        %parallel_loop3A_234 = vector.shape_cast %parallel_loop3A_233 : vector<1x16xf32> to vector<16xf32>
        %parallel_loop3A_235 = vector.shape_cast %parallel_loop3A_230 : vector<16xf32> to vector<1x16xf32>
        tpu.vector_store %arg10[%parallel_loop3A_231, %parallel_loop3A_232], %parallel_loop3A_235 {add = true, strides = array<i32>} : memref<22x768xf32, #tpu.memory_space<vmem>>, vector<1x16xf32>,
        %parallel_loop3A_236 = arith.index_cast %parallel_loop3A_199 : i32 to index
        %parallel_loop3A_237 = arith.constant 64 : index
        %parallel_loop3A_238 = tpu.vector_load %arg7[%parallel_loop3A_236, %parallel_loop3A_237] {strides = array<i32>} : memref<77x768xf32, #tpu.memory_space<vmem>>, vector<1x16xf32>,
        %parallel_loop3A_239 = vector.shape_cast %parallel_loop3A_238 : vector<1x16xf32> to vector<16xf32>
        %parallel_loop3A_240 = arith.index_cast %parallel_loop3A_193 : i32 to index
        %parallel_loop3A_241 = arith.constant 64 : index
        %parallel_loop3A_242 = tpu.vector_load %arg10[%parallel_loop3A_240, %parallel_loop3A_241] {strides = array<i32>} : memref<22x768xf32, #tpu.memory_space<vmem>>, vector<1x16xf32>,
        %parallel_loop3A_243 = vector.shape_cast %parallel_loop3A_242 : vector<1x16xf32> to vector<16xf32>
        %parallel_loop3A_244 = vector.shape_cast %parallel_loop3A_239 : vector<16xf32> to vector<1x16xf32>
        tpu.vector_store %arg10[%parallel_loop3A_240, %parallel_loop3A_241], %parallel_loop3A_244 {add = true, strides = array<i32>} : memref<22x768xf32, #tpu.memory_space<vmem>>, vector<1x16xf32>,
        %parallel_loop3A_245 = arith.index_cast %parallel_loop3A_199 : i32 to index
        %parallel_loop3A_246 = arith.constant 80 : index
        %parallel_loop3A_247 = tpu.vector_load %arg7[%parallel_loop3A_245, %parallel_loop3A_246] {strides = array<i32>} : memref<77x768xf32, #tpu.memory_space<vmem>>, vector<1x16xf32>,
        %parallel_loop3A_248 = vector.shape_cast %parallel_loop3A_247 : vector<1x16xf32> to vector<16xf32>
        %parallel_loop3A_249 = arith.index_cast %parallel_loop3A_193 : i32 to index
        %parallel_loop3A_250 = arith.constant 80 : index
        %parallel_loop3A_251 = tpu.vector_load %arg10[%parallel_loop3A_249, %parallel_loop3A_250] {strides = array<i32>} : memref<22x768xf32, #tpu.memory_space<vmem>>, vector<1x16xf32>,
        %parallel_loop3A_252 = vector.shape_cast %parallel_loop3A_251 : vector<1x16xf32> to vector<16xf32>
        %parallel_loop3A_253 = vector.shape_cast %parallel_loop3A_248 : vector<16xf32> to vector<1x16xf32>
        tpu.vector_store %arg10[%parallel_loop3A_249, %parallel_loop3A_250], %parallel_loop3A_253 {add = true, strides = array<i32>} : memref<22x768xf32, #tpu.memory_space<vmem>>, vector<1x16xf32>,
        %parallel_loop3A_254 = arith.index_cast %parallel_loop3A_199 : i32 to index
        %parallel_loop3A_255 = arith.constant 96 : index
        %parallel_loop3A_256 = tpu.vector_load %arg7[%parallel_loop3A_254, %parallel_loop3A_255] {strides = array<i32>} : memref<77x768xf32, #tpu.memory_space<vmem>>, vector<1x16xf32>,
        %parallel_loop3A_257 = vector.shape_cast %parallel_loop3A_256 : vector<1x16xf32> to vector<16xf32>
        %parallel_loop3A_258 = arith.index_cast %parallel_loop3A_193 : i32 to index
        %parallel_loop3A_259 = arith.constant 96 : index
        %parallel_loop3A_260 = tpu.vector_load %arg10[%parallel_loop3A_258, %parallel_loop3A_259] {strides = array<i32>} : memref<22x768xf32, #tpu.memory_space<vmem>>, vector<1x16xf32>,
        %parallel_loop3A_261 = vector.shape_cast %parallel_loop3A_260 : vector<1x16xf32> to vector<16xf32>
        %parallel_loop3A_262 = vector.shape_cast %parallel_loop3A_257 : vector<16xf32> to vector<1x16xf32>
        tpu.vector_store %arg10[%parallel_loop3A_258, %parallel_loop3A_259], %parallel_loop3A_262 {add = true, strides = array<i32>} : memref<22x768xf32, #tpu.memory_space<vmem>>, vector<1x16xf32>,
        %parallel_loop3A_263 = arith.index_cast %parallel_loop3A_199 : i32 to index
        %parallel_loop3A_264 = arith.constant 112 : index
        %parallel_loop3A_265 = tpu.vector_load %arg7[%parallel_loop3A_263, %parallel_loop3A_264] {strides = array<i32>} : memref<77x768xf32, #tpu.memory_space<vmem>>, vector<1x16xf32>,
        %parallel_loop3A_266 = vector.shape_cast %parallel_loop3A_265 : vector<1x16xf32> to vector<16xf32>
        %parallel_loop3A_267 = arith.index_cast %parallel_loop3A_193 : i32 to index
        %parallel_loop3A_268 = arith.constant 112 : index
        %parallel_loop3A_269 = tpu.vector_load %arg10[%parallel_loop3A_267, %parallel_loop3A_268] {strides = array<i32>} : memref<22x768xf32, #tpu.memory_space<vmem>>, vector<1x16xf32>,
        %parallel_loop3A_270 = vector.shape_cast %parallel_loop3A_269 : vector<1x16xf32> to vector<16xf32>
        %parallel_loop3A_271 = vector.shape_cast %parallel_loop3A_266 : vector<16xf32> to vector<1x16xf32>
        tpu.vector_store %arg10[%parallel_loop3A_267, %parallel_loop3A_268], %parallel_loop3A_271 {add = true, strides = array<i32>} : memref<22x768xf32, #tpu.memory_space<vmem>>, vector<1x16xf32>,
        %parallel_loop3A_272 = arith.index_cast %parallel_loop3A_199 : i32 to index
        %parallel_loop3A_273 = arith.constant 128 : index
        %parallel_loop3A_274 = tpu.vector_load %arg7[%parallel_loop3A_272, %parallel_loop3A_273] {strides = array<i32>} : memref<77x768xf32, #tpu.memory_space<vmem>>, vector<1x16xf32>,
        %parallel_loop3A_275 = vector.shape_cast %parallel_loop3A_274 : vector<1x16xf32> to vector<16xf32>
        %parallel_loop3A_276 = arith.index_cast %parallel_loop3A_193 : i32 to index
        %parallel_loop3A_277 = arith.constant 128 : index
        %parallel_loop3A_278 = tpu.vector_load %arg10[%parallel_loop3A_276, %parallel_loop3A_277] {strides = array<i32>} : memref<22x768xf32, #tpu.memory_space<vmem>>, vector<1x16xf32>,
        %parallel_loop3A_279 = vector.shape_cast %parallel_loop3A_278 : vector<1x16xf32> to vector<16xf32>
        %parallel_loop3A_280 = vector.shape_cast %parallel_loop3A_275 : vector<16xf32> to vector<1x16xf32>
        tpu.vector_store %arg10[%parallel_loop3A_276, %parallel_loop3A_277], %parallel_loop3A_280 {add = true, strides = array<i32>} : memref<22x768xf32, #tpu.memory_space<vmem>>, vector<1x16xf32>,
        %parallel_loop3A_281 = arith.index_cast %parallel_loop3A_199 : i32 to index
        %parallel_loop3A_282 = arith.constant 144 : index
        %parallel_loop3A_283 = tpu.vector_load %arg7[%parallel_loop3A_281, %parallel_loop3A_282] {strides = array<i32>} : memref<77x768xf32, #tpu.memory_space<vmem>>, vector<1x16xf32>,
        %parallel_loop3A_284 = vector.shape_cast %parallel_loop3A_283 : vector<1x16xf32> to vector<16xf32>
        %parallel_loop3A_285 = arith.index_cast %parallel_loop3A_193 : i32 to index
        %parallel_loop3A_286 = arith.constant 144 : index
        %parallel_loop3A_287 = tpu.vector_load %arg10[%parallel_loop3A_285, %parallel_loop3A_286] {strides = array<i32>} : memref<22x768xf32, #tpu.memory_space<vmem>>, vector<1x16xf32>,
        %parallel_loop3A_288 = vector.shape_cast %parallel_loop3A_287 : vector<1x16xf32> to vector<16xf32>
        %parallel_loop3A_289 = vector.shape_cast %parallel_loop3A_284 : vector<16xf32> to vector<1x16xf32>
        tpu.vector_store %arg10[%parallel_loop3A_285, %parallel_loop3A_286], %parallel_loop3A_289 {add = true, strides = array<i32>} : memref<22x768xf32, #tpu.memory_space<vmem>>, vector<1x16xf32>,
        %parallel_loop3A_290 = arith.index_cast %parallel_loop3A_199 : i32 to index
        %parallel_loop3A_291 = arith.constant 160 : index
        %parallel_loop3A_292 = tpu.vector_load %arg7[%parallel_loop3A_290, %parallel_loop3A_291] {strides = array<i32>} : memref<77x768xf32, #tpu.memory_space<vmem>>, vector<1x16xf32>,
        %parallel_loop3A_293 = vector.shape_cast %parallel_loop3A_292 : vector<1x16xf32> to vector<16xf32>
        %parallel_loop3A_294 = arith.index_cast %parallel_loop3A_193 : i32 to index
        %parallel_loop3A_295 = arith.constant 160 : index
        %parallel_loop3A_296 = tpu.vector_load %arg10[%parallel_loop3A_294, %parallel_loop3A_295] {strides = array<i32>} : memref<22x768xf32, #tpu.memory_space<vmem>>, vector<1x16xf32>,
        %parallel_loop3A_297 = vector.shape_cast %parallel_loop3A_296 : vector<1x16xf32> to vector<16xf32>
        %parallel_loop3A_298 = vector.shape_cast %parallel_loop3A_293 : vector<16xf32> to vector<1x16xf32>
        tpu.vector_store %arg10[%parallel_loop3A_294, %parallel_loop3A_295], %parallel_loop3A_298 {add = true, strides = array<i32>} : memref<22x768xf32, #tpu.memory_space<vmem>>, vector<1x16xf32>,
        %parallel_loop3A_299 = arith.index_cast %parallel_loop3A_199 : i32 to index
        %parallel_loop3A_300 = arith.constant 176 : index
        %parallel_loop3A_301 = tpu.vector_load %arg7[%parallel_loop3A_299, %parallel_loop3A_300] {strides = array<i32>} : memref<77x768xf32, #tpu.memory_space<vmem>>, vector<1x16xf32>,
        %parallel_loop3A_302 = vector.shape_cast %parallel_loop3A_301 : vector<1x16xf32> to vector<16xf32>
        %parallel_loop3A_303 = arith.index_cast %parallel_loop3A_193 : i32 to index
        %parallel_loop3A_304 = arith.constant 176 : index
        %parallel_loop3A_305 = tpu.vector_load %arg10[%parallel_loop3A_303, %parallel_loop3A_304] {strides = array<i32>} : memref<22x768xf32, #tpu.memory_space<vmem>>, vector<1x16xf32>,
        %parallel_loop3A_306 = vector.shape_cast %parallel_loop3A_305 : vector<1x16xf32> to vector<16xf32>
        %parallel_loop3A_307 = vector.shape_cast %parallel_loop3A_302 : vector<16xf32> to vector<1x16xf32>
        tpu.vector_store %arg10[%parallel_loop3A_303, %parallel_loop3A_304], %parallel_loop3A_307 {add = true, strides = array<i32>} : memref<22x768xf32, #tpu.memory_space<vmem>>, vector<1x16xf32>,
        %parallel_loop3A_308 = arith.index_cast %parallel_loop3A_199 : i32 to index
        %parallel_loop3A_309 = arith.constant 192 : index
        %parallel_loop3A_310 = tpu.vector_load %arg7[%parallel_loop3A_308, %parallel_loop3A_309] {strides = array<i32>} : memref<77x768xf32, #tpu.memory_space<vmem>>, vector<1x16xf32>,
        %parallel_loop3A_311 = vector.shape_cast %parallel_loop3A_310 : vector<1x16xf32> to vector<16xf32>
        %parallel_loop3A_312 = arith.index_cast %parallel_loop3A_193 : i32 to index
        %parallel_loop3A_313 = arith.constant 192 : index
        %parallel_loop3A_314 = tpu.vector_load %arg10[%parallel_loop3A_312, %parallel_loop3A_313] {strides = array<i32>} : memref<22x768xf32, #tpu.memory_space<vmem>>, vector<1x16xf32>,
        %parallel_loop3A_315 = vector.shape_cast %parallel_loop3A_314 : vector<1x16xf32> to vector<16xf32>
        %parallel_loop3A_316 = vector.shape_cast %parallel_loop3A_311 : vector<16xf32> to vector<1x16xf32>
        tpu.vector_store %arg10[%parallel_loop3A_312, %parallel_loop3A_313], %parallel_loop3A_316 {add = true, strides = array<i32>} : memref<22x768xf32, #tpu.memory_space<vmem>>, vector<1x16xf32>,
        %parallel_loop3A_317 = arith.index_cast %parallel_loop3A_199 : i32 to index
        %parallel_loop3A_318 = arith.constant 208 : index
        %parallel_loop3A_319 = tpu.vector_load %arg7[%parallel_loop3A_317, %parallel_loop3A_318] {strides = array<i32>} : memref<77x768xf32, #tpu.memory_space<vmem>>, vector<1x16xf32>,
        %parallel_loop3A_320 = vector.shape_cast %parallel_loop3A_319 : vector<1x16xf32> to vector<16xf32>
        %parallel_loop3A_321 = arith.index_cast %parallel_loop3A_193 : i32 to index
        %parallel_loop3A_322 = arith.constant 208 : index
        %parallel_loop3A_323 = tpu.vector_load %arg10[%parallel_loop3A_321, %parallel_loop3A_322] {strides = array<i32>} : memref<22x768xf32, #tpu.memory_space<vmem>>, vector<1x16xf32>,
        %parallel_loop3A_324 = vector.shape_cast %parallel_loop3A_323 : vector<1x16xf32> to vector<16xf32>
        %parallel_loop3A_325 = vector.shape_cast %parallel_loop3A_320 : vector<16xf32> to vector<1x16xf32>
        tpu.vector_store %arg10[%parallel_loop3A_321, %parallel_loop3A_322], %parallel_loop3A_325 {add = true, strides = array<i32>} : memref<22x768xf32, #tpu.memory_space<vmem>>, vector<1x16xf32>,
        %parallel_loop3A_326 = arith.index_cast %parallel_loop3A_199 : i32 to index
        %parallel_loop3A_327 = arith.constant 224 : index
        %parallel_loop3A_328 = tpu.vector_load %arg7[%parallel_loop3A_326, %parallel_loop3A_327] {strides = array<i32>} : memref<77x768xf32, #tpu.memory_space<vmem>>, vector<1x16xf32>,
        %parallel_loop3A_329 = vector.shape_cast %parallel_loop3A_328 : vector<1x16xf32> to vector<16xf32>
        %parallel_loop3A_330 = arith.index_cast %parallel_loop3A_193 : i32 to index
        %parallel_loop3A_331 = arith.constant 224 : index
        %parallel_loop3A_332 = tpu.vector_load %arg10[%parallel_loop3A_330, %parallel_loop3A_331] {strides = array<i32>} : memref<22x768xf32, #tpu.memory_space<vmem>>, vector<1x16xf32>,
        %parallel_loop3A_333 = vector.shape_cast %parallel_loop3A_332 : vector<1x16xf32> to vector<16xf32>
        %parallel_loop3A_334 = vector.shape_cast %parallel_loop3A_329 : vector<16xf32> to vector<1x16xf32>
        tpu.vector_store %arg10[%parallel_loop3A_330, %parallel_loop3A_331], %parallel_loop3A_334 {add = true, strides = array<i32>} : memref<22x768xf32, #tpu.memory_space<vmem>>, vector<1x16xf32>,
        %parallel_loop3A_335 = arith.index_cast %parallel_loop3A_199 : i32 to index
        %parallel_loop3A_336 = arith.constant 240 : index
        %parallel_loop3A_337 = tpu.vector_load %arg7[%parallel_loop3A_335, %parallel_loop3A_336] {strides = array<i32>} : memref<77x768xf32, #tpu.memory_space<vmem>>, vector<1x16xf32>,
        %parallel_loop3A_338 = vector.shape_cast %parallel_loop3A_337 : vector<1x16xf32> to vector<16xf32>
        %parallel_loop3A_339 = arith.index_cast %parallel_loop3A_193 : i32 to index
        %parallel_loop3A_340 = arith.constant 240 : index
        %parallel_loop3A_341 = tpu.vector_load %arg10[%parallel_loop3A_339, %parallel_loop3A_340] {strides = array<i32>} : memref<22x768xf32, #tpu.memory_space<vmem>>, vector<1x16xf32>,
        %parallel_loop3A_342 = vector.shape_cast %parallel_loop3A_341 : vector<1x16xf32> to vector<16xf32>
        %parallel_loop3A_343 = vector.shape_cast %parallel_loop3A_338 : vector<16xf32> to vector<1x16xf32>
        tpu.vector_store %arg10[%parallel_loop3A_339, %parallel_loop3A_340], %parallel_loop3A_343 {add = true, strides = array<i32>} : memref<22x768xf32, #tpu.memory_space<vmem>>, vector<1x16xf32>,
        %parallel_loop3A_344 = arith.index_cast %parallel_loop3A_199 : i32 to index
        %parallel_loop3A_345 = arith.constant 256 : index
        %parallel_loop3A_346 = tpu.vector_load %arg7[%parallel_loop3A_344, %parallel_loop3A_345] {strides = array<i32>} : memref<77x768xf32, #tpu.memory_space<vmem>>, vector<1x16xf32>,
        %parallel_loop3A_347 = vector.shape_cast %parallel_loop3A_346 : vector<1x16xf32> to vector<16xf32>
        %parallel_loop3A_348 = arith.index_cast %parallel_loop3A_193 : i32 to index
        %parallel_loop3A_349 = arith.constant 256 : index
        %parallel_loop3A_350 = tpu.vector_load %arg10[%parallel_loop3A_348, %parallel_loop3A_349] {strides = array<i32>} : memref<22x768xf32, #tpu.memory_space<vmem>>, vector<1x16xf32>,
        %parallel_loop3A_351 = vector.shape_cast %parallel_loop3A_350 : vector<1x16xf32> to vector<16xf32>
        %parallel_loop3A_352 = vector.shape_cast %parallel_loop3A_347 : vector<16xf32> to vector<1x16xf32>
        tpu.vector_store %arg10[%parallel_loop3A_348, %parallel_loop3A_349], %parallel_loop3A_352 {add = true, strides = array<i32>} : memref<22x768xf32, #tpu.memory_space<vmem>>, vector<1x16xf32>,
        %parallel_loop3A_353 = arith.index_cast %parallel_loop3A_199 : i32 to index
        %parallel_loop3A_354 = arith.constant 272 : index
        %parallel_loop3A_355 = tpu.vector_load %arg7[%parallel_loop3A_353, %parallel_loop3A_354] {strides = array<i32>} : memref<77x768xf32, #tpu.memory_space<vmem>>, vector<1x16xf32>,
        %parallel_loop3A_356 = vector.shape_cast %parallel_loop3A_355 : vector<1x16xf32> to vector<16xf32>
        %parallel_loop3A_357 = arith.index_cast %parallel_loop3A_193 : i32 to index
        %parallel_loop3A_358 = arith.constant 272 : index
        %parallel_loop3A_359 = tpu.vector_load %arg10[%parallel_loop3A_357, %parallel_loop3A_358] {strides = array<i32>} : memref<22x768xf32, #tpu.memory_space<vmem>>, vector<1x16xf32>,
        %parallel_loop3A_360 = vector.shape_cast %parallel_loop3A_359 : vector<1x16xf32> to vector<16xf32>
        %parallel_loop3A_361 = vector.shape_cast %parallel_loop3A_356 : vector<16xf32> to vector<1x16xf32>
        tpu.vector_store %arg10[%parallel_loop3A_357, %parallel_loop3A_358], %parallel_loop3A_361 {add = true, strides = array<i32>} : memref<22x768xf32, #tpu.memory_space<vmem>>, vector<1x16xf32>,
        %parallel_loop3A_362 = arith.index_cast %parallel_loop3A_199 : i32 to index
        %parallel_loop3A_363 = arith.constant 288 : index
        %parallel_loop3A_364 = tpu.vector_load %arg7[%parallel_loop3A_362, %parallel_loop3A_363] {strides = array<i32>} : memref<77x768xf32, #tpu.memory_space<vmem>>, vector<1x16xf32>,
        %parallel_loop3A_365 = vector.shape_cast %parallel_loop3A_364 : vector<1x16xf32> to vector<16xf32>
        %parallel_loop3A_366 = arith.index_cast %parallel_loop3A_193 : i32 to index
        %parallel_loop3A_367 = arith.constant 288 : index
        %parallel_loop3A_368 = tpu.vector_load %arg10[%parallel_loop3A_366, %parallel_loop3A_367] {strides = array<i32>} : memref<22x768xf32, #tpu.memory_space<vmem>>, vector<1x16xf32>,
        %parallel_loop3A_369 = vector.shape_cast %parallel_loop3A_368 : vector<1x16xf32> to vector<16xf32>
        %parallel_loop3A_370 = vector.shape_cast %parallel_loop3A_365 : vector<16xf32> to vector<1x16xf32>
        tpu.vector_store %arg10[%parallel_loop3A_366, %parallel_loop3A_367], %parallel_loop3A_370 {add = true, strides = array<i32>} : memref<22x768xf32, #tpu.memory_space<vmem>>, vector<1x16xf32>,
        %parallel_loop3A_371 = arith.index_cast %parallel_loop3A_199 : i32 to index
        %parallel_loop3A_372 = arith.constant 304 : index
        %parallel_loop3A_373 = tpu.vector_load %arg7[%parallel_loop3A_371, %parallel_loop3A_372] {strides = array<i32>} : memref<77x768xf32, #tpu.memory_space<vmem>>, vector<1x16xf32>,
        %parallel_loop3A_374 = vector.shape_cast %parallel_loop3A_373 : vector<1x16xf32> to vector<16xf32>
        %parallel_loop3A_375 = arith.index_cast %parallel_loop3A_193 : i32 to index
        %parallel_loop3A_376 = arith.constant 304 : index
        %parallel_loop3A_377 = tpu.vector_load %arg10[%parallel_loop3A_375, %parallel_loop3A_376] {strides = array<i32>} : memref<22x768xf32, #tpu.memory_space<vmem>>, vector<1x16xf32>,
        %parallel_loop3A_378 = vector.shape_cast %parallel_loop3A_377 : vector<1x16xf32> to vector<16xf32>
        %parallel_loop3A_379 = vector.shape_cast %parallel_loop3A_374 : vector<16xf32> to vector<1x16xf32>
        tpu.vector_store %arg10[%parallel_loop3A_375, %parallel_loop3A_376], %parallel_loop3A_379 {add = true, strides = array<i32>} : memref<22x768xf32, #tpu.memory_space<vmem>>, vector<1x16xf32>,
        %parallel_loop3A_380 = arith.index_cast %parallel_loop3A_199 : i32 to index
        %parallel_loop3A_381 = arith.constant 320 : index
        %parallel_loop3A_382 = tpu.vector_load %arg7[%parallel_loop3A_380, %parallel_loop3A_381] {strides = array<i32>} : memref<77x768xf32, #tpu.memory_space<vmem>>, vector<1x16xf32>,
        %parallel_loop3A_383 = vector.shape_cast %parallel_loop3A_382 : vector<1x16xf32> to vector<16xf32>
        %parallel_loop3A_384 = arith.index_cast %parallel_loop3A_193 : i32 to index
        %parallel_loop3A_385 = arith.constant 320 : index
        %parallel_loop3A_386 = tpu.vector_load %arg10[%parallel_loop3A_384, %parallel_loop3A_385] {strides = array<i32>} : memref<22x768xf32, #tpu.memory_space<vmem>>, vector<1x16xf32>,
        %parallel_loop3A_387 = vector.shape_cast %parallel_loop3A_386 : vector<1x16xf32> to vector<16xf32>
        %parallel_loop3A_388 = vector.shape_cast %parallel_loop3A_383 : vector<16xf32> to vector<1x16xf32>
        tpu.vector_store %arg10[%parallel_loop3A_384, %parallel_loop3A_385], %parallel_loop3A_388 {add = true, strides = array<i32>} : memref<22x768xf32, #tpu.memory_space<vmem>>, vector<1x16xf32>,
        %parallel_loop3A_389 = arith.index_cast %parallel_loop3A_199 : i32 to index
        %parallel_loop3A_390 = arith.constant 336 : index
        %parallel_loop3A_391 = tpu.vector_load %arg7[%parallel_loop3A_389, %parallel_loop3A_390] {strides = array<i32>} : memref<77x768xf32, #tpu.memory_space<vmem>>, vector<1x16xf32>,
        %parallel_loop3A_392 = vector.shape_cast %parallel_loop3A_391 : vector<1x16xf32> to vector<16xf32>
        %parallel_loop3A_393 = arith.index_cast %parallel_loop3A_193 : i32 to index
        %parallel_loop3A_394 = arith.constant 336 : index
        %parallel_loop3A_395 = tpu.vector_load %arg10[%parallel_loop3A_393, %parallel_loop3A_394] {strides = array<i32>} : memref<22x768xf32, #tpu.memory_space<vmem>>, vector<1x16xf32>,
        %parallel_loop3A_396 = vector.shape_cast %parallel_loop3A_395 : vector<1x16xf32> to vector<16xf32>
        %parallel_loop3A_397 = vector.shape_cast %parallel_loop3A_392 : vector<16xf32> to vector<1x16xf32>
        tpu.vector_store %arg10[%parallel_loop3A_393, %parallel_loop3A_394], %parallel_loop3A_397 {add = true, strides = array<i32>} : memref<22x768xf32, #tpu.memory_space<vmem>>, vector<1x16xf32>,
        %parallel_loop3A_398 = arith.index_cast %parallel_loop3A_199 : i32 to index
        %parallel_loop3A_399 = arith.constant 352 : index
        %parallel_loop3A_400 = tpu.vector_load %arg7[%parallel_loop3A_398, %parallel_loop3A_399] {strides = array<i32>} : memref<77x768xf32, #tpu.memory_space<vmem>>, vector<1x16xf32>,
        %parallel_loop3A_401 = vector.shape_cast %parallel_loop3A_400 : vector<1x16xf32> to vector<16xf32>
        %parallel_loop3A_402 = arith.index_cast %parallel_loop3A_193 : i32 to index
        %parallel_loop3A_403 = arith.constant 352 : index
        %parallel_loop3A_404 = tpu.vector_load %arg10[%parallel_loop3A_402, %parallel_loop3A_403] {strides = array<i32>} : memref<22x768xf32, #tpu.memory_space<vmem>>, vector<1x16xf32>,
        %parallel_loop3A_405 = vector.shape_cast %parallel_loop3A_404 : vector<1x16xf32> to vector<16xf32>
        %parallel_loop3A_406 = vector.shape_cast %parallel_loop3A_401 : vector<16xf32> to vector<1x16xf32>
        tpu.vector_store %arg10[%parallel_loop3A_402, %parallel_loop3A_403], %parallel_loop3A_406 {add = true, strides = array<i32>} : memref<22x768xf32, #tpu.memory_space<vmem>>, vector<1x16xf32>,
        %parallel_loop3A_407 = arith.index_cast %parallel_loop3A_199 : i32 to index
        %parallel_loop3A_408 = arith.constant 368 : index
        %parallel_loop3A_409 = tpu.vector_load %arg7[%parallel_loop3A_407, %parallel_loop3A_408] {strides = array<i32>} : memref<77x768xf32, #tpu.memory_space<vmem>>, vector<1x16xf32>,
        %parallel_loop3A_410 = vector.shape_cast %parallel_loop3A_409 : vector<1x16xf32> to vector<16xf32>
        %parallel_loop3A_411 = arith.index_cast %parallel_loop3A_193 : i32 to index
        %parallel_loop3A_412 = arith.constant 368 : index
        %parallel_loop3A_413 = tpu.vector_load %arg10[%parallel_loop3A_411, %parallel_loop3A_412] {strides = array<i32>} : memref<22x768xf32, #tpu.memory_space<vmem>>, vector<1x16xf32>,
        %parallel_loop3A_414 = vector.shape_cast %parallel_loop3A_413 : vector<1x16xf32> to vector<16xf32>
        %parallel_loop3A_415 = vector.shape_cast %parallel_loop3A_410 : vector<16xf32> to vector<1x16xf32>
        tpu.vector_store %arg10[%parallel_loop3A_411, %parallel_loop3A_412], %parallel_loop3A_415 {add = true, strides = array<i32>} : memref<22x768xf32, #tpu.memory_space<vmem>>, vector<1x16xf32>,
        %parallel_loop3A_416 = arith.index_cast %parallel_loop3A_199 : i32 to index
        %parallel_loop3A_417 = arith.constant 384 : index
        %parallel_loop3A_418 = tpu.vector_load %arg7[%parallel_loop3A_416, %parallel_loop3A_417] {strides = array<i32>} : memref<77x768xf32, #tpu.memory_space<vmem>>, vector<1x16xf32>,
        %parallel_loop3A_419 = vector.shape_cast %parallel_loop3A_418 : vector<1x16xf32> to vector<16xf32>
        %parallel_loop3A_420 = arith.index_cast %parallel_loop3A_193 : i32 to index
        %parallel_loop3A_421 = arith.constant 384 : index
        %parallel_loop3A_422 = tpu.vector_load %arg10[%parallel_loop3A_420, %parallel_loop3A_421] {strides = array<i32>} : memref<22x768xf32, #tpu.memory_space<vmem>>, vector<1x16xf32>,
        %parallel_loop3A_423 = vector.shape_cast %parallel_loop3A_422 : vector<1x16xf32> to vector<16xf32>
        %parallel_loop3A_424 = vector.shape_cast %parallel_loop3A_419 : vector<16xf32> to vector<1x16xf32>
        tpu.vector_store %arg10[%parallel_loop3A_420, %parallel_loop3A_421], %parallel_loop3A_424 {add = true, strides = array<i32>} : memref<22x768xf32, #tpu.memory_space<vmem>>, vector<1x16xf32>,
        %parallel_loop3A_425 = arith.index_cast %parallel_loop3A_199 : i32 to index
        %parallel_loop3A_426 = arith.constant 400 : index
        %parallel_loop3A_427 = tpu.vector_load %arg7[%parallel_loop3A_425, %parallel_loop3A_426] {strides = array<i32>} : memref<77x768xf32, #tpu.memory_space<vmem>>, vector<1x16xf32>,
        %parallel_loop3A_428 = vector.shape_cast %parallel_loop3A_427 : vector<1x16xf32> to vector<16xf32>
        %parallel_loop3A_429 = arith.index_cast %parallel_loop3A_193 : i32 to index
        %parallel_loop3A_430 = arith.constant 400 : index
        %parallel_loop3A_431 = tpu.vector_load %arg10[%parallel_loop3A_429, %parallel_loop3A_430] {strides = array<i32>} : memref<22x768xf32, #tpu.memory_space<vmem>>, vector<1x16xf32>,
        %parallel_loop3A_432 = vector.shape_cast %parallel_loop3A_431 : vector<1x16xf32> to vector<16xf32>
        %parallel_loop3A_433 = vector.shape_cast %parallel_loop3A_428 : vector<16xf32> to vector<1x16xf32>
        tpu.vector_store %arg10[%parallel_loop3A_429, %parallel_loop3A_430], %parallel_loop3A_433 {add = true, strides = array<i32>} : memref<22x768xf32, #tpu.memory_space<vmem>>, vector<1x16xf32>,
        %parallel_loop3A_434 = arith.index_cast %parallel_loop3A_199 : i32 to index
        %parallel_loop3A_435 = arith.constant 416 : index
        %parallel_loop3A_436 = tpu.vector_load %arg7[%parallel_loop3A_434, %parallel_loop3A_435] {strides = array<i32>} : memref<77x768xf32, #tpu.memory_space<vmem>>, vector<1x16xf32>,
        %parallel_loop3A_437 = vector.shape_cast %parallel_loop3A_436 : vector<1x16xf32> to vector<16xf32>
        %parallel_loop3A_438 = arith.index_cast %parallel_loop3A_193 : i32 to index
        %parallel_loop3A_439 = arith.constant 416 : index
        %parallel_loop3A_440 = tpu.vector_load %arg10[%parallel_loop3A_438, %parallel_loop3A_439] {strides = array<i32>} : memref<22x768xf32, #tpu.memory_space<vmem>>, vector<1x16xf32>,
        %parallel_loop3A_441 = vector.shape_cast %parallel_loop3A_440 : vector<1x16xf32> to vector<16xf32>
        %parallel_loop3A_442 = vector.shape_cast %parallel_loop3A_437 : vector<16xf32> to vector<1x16xf32>
        tpu.vector_store %arg10[%parallel_loop3A_438, %parallel_loop3A_439], %parallel_loop3A_442 {add = true, strides = array<i32>} : memref<22x768xf32, #tpu.memory_space<vmem>>, vector<1x16xf32>,
        %parallel_loop3A_443 = arith.index_cast %parallel_loop3A_199 : i32 to index
        %parallel_loop3A_444 = arith.constant 432 : index
        %parallel_loop3A_445 = tpu.vector_load %arg7[%parallel_loop3A_443, %parallel_loop3A_444] {strides = array<i32>} : memref<77x768xf32, #tpu.memory_space<vmem>>, vector<1x16xf32>,
        %parallel_loop3A_446 = vector.shape_cast %parallel_loop3A_445 : vector<1x16xf32> to vector<16xf32>
        %parallel_loop3A_447 = arith.index_cast %parallel_loop3A_193 : i32 to index
        %parallel_loop3A_448 = arith.constant 432 : index
        %parallel_loop3A_449 = tpu.vector_load %arg10[%parallel_loop3A_447, %parallel_loop3A_448] {strides = array<i32>} : memref<22x768xf32, #tpu.memory_space<vmem>>, vector<1x16xf32>,
        %parallel_loop3A_450 = vector.shape_cast %parallel_loop3A_449 : vector<1x16xf32> to vector<16xf32>
        %parallel_loop3A_451 = vector.shape_cast %parallel_loop3A_446 : vector<16xf32> to vector<1x16xf32>
        tpu.vector_store %arg10[%parallel_loop3A_447, %parallel_loop3A_448], %parallel_loop3A_451 {add = true, strides = array<i32>} : memref<22x768xf32, #tpu.memory_space<vmem>>, vector<1x16xf32>,
        %parallel_loop3A_452 = arith.index_cast %parallel_loop3A_199 : i32 to index
        %parallel_loop3A_453 = arith.constant 448 : index
        %parallel_loop3A_454 = tpu.vector_load %arg7[%parallel_loop3A_452, %parallel_loop3A_453] {strides = array<i32>} : memref<77x768xf32, #tpu.memory_space<vmem>>, vector<1x16xf32>,
        %parallel_loop3A_455 = vector.shape_cast %parallel_loop3A_454 : vector<1x16xf32> to vector<16xf32>
        %parallel_loop3A_456 = arith.index_cast %parallel_loop3A_193 : i32 to index
        %parallel_loop3A_457 = arith.constant 448 : index
        %parallel_loop3A_458 = tpu.vector_load %arg10[%parallel_loop3A_456, %parallel_loop3A_457] {strides = array<i32>} : memref<22x768xf32, #tpu.memory_space<vmem>>, vector<1x16xf32>,
        %parallel_loop3A_459 = vector.shape_cast %parallel_loop3A_458 : vector<1x16xf32> to vector<16xf32>
        %parallel_loop3A_460 = vector.shape_cast %parallel_loop3A_455 : vector<16xf32> to vector<1x16xf32>
        tpu.vector_store %arg10[%parallel_loop3A_456, %parallel_loop3A_457], %parallel_loop3A_460 {add = true, strides = array<i32>} : memref<22x768xf32, #tpu.memory_space<vmem>>, vector<1x16xf32>,
        %parallel_loop3A_461 = arith.index_cast %parallel_loop3A_199 : i32 to index
        %parallel_loop3A_462 = arith.constant 464 : index
        %parallel_loop3A_463 = tpu.vector_load %arg7[%parallel_loop3A_461, %parallel_loop3A_462] {strides = array<i32>} : memref<77x768xf32, #tpu.memory_space<vmem>>, vector<1x16xf32>,
        %parallel_loop3A_464 = vector.shape_cast %parallel_loop3A_463 : vector<1x16xf32> to vector<16xf32>
        %parallel_loop3A_465 = arith.index_cast %parallel_loop3A_193 : i32 to index
        %parallel_loop3A_466 = arith.constant 464 : index
        %parallel_loop3A_467 = tpu.vector_load %arg10[%parallel_loop3A_465, %parallel_loop3A_466] {strides = array<i32>} : memref<22x768xf32, #tpu.memory_space<vmem>>, vector<1x16xf32>,
        %parallel_loop3A_468 = vector.shape_cast %parallel_loop3A_467 : vector<1x16xf32> to vector<16xf32>
        %parallel_loop3A_469 = vector.shape_cast %parallel_loop3A_464 : vector<16xf32> to vector<1x16xf32>
        tpu.vector_store %arg10[%parallel_loop3A_465, %parallel_loop3A_466], %parallel_loop3A_469 {add = true, strides = array<i32>} : memref<22x768xf32, #tpu.memory_space<vmem>>, vector<1x16xf32>,
        %parallel_loop3A_470 = arith.index_cast %parallel_loop3A_199 : i32 to index
        %parallel_loop3A_471 = arith.constant 480 : index
        %parallel_loop3A_472 = tpu.vector_load %arg7[%parallel_loop3A_470, %parallel_loop3A_471] {strides = array<i32>} : memref<77x768xf32, #tpu.memory_space<vmem>>, vector<1x16xf32>,
        %parallel_loop3A_473 = vector.shape_cast %parallel_loop3A_472 : vector<1x16xf32> to vector<16xf32>
        %parallel_loop3A_474 = arith.index_cast %parallel_loop3A_193 : i32 to index
        %parallel_loop3A_475 = arith.constant 480 : index
        %parallel_loop3A_476 = tpu.vector_load %arg10[%parallel_loop3A_474, %parallel_loop3A_475] {strides = array<i32>} : memref<22x768xf32, #tpu.memory_space<vmem>>, vector<1x16xf32>,
        %parallel_loop3A_477 = vector.shape_cast %parallel_loop3A_476 : vector<1x16xf32> to vector<16xf32>
        %parallel_loop3A_478 = vector.shape_cast %parallel_loop3A_473 : vector<16xf32> to vector<1x16xf32>
        tpu.vector_store %arg10[%parallel_loop3A_474, %parallel_loop3A_475], %parallel_loop3A_478 {add = true, strides = array<i32>} : memref<22x768xf32, #tpu.memory_space<vmem>>, vector<1x16xf32>,
        %parallel_loop3A_479 = arith.index_cast %parallel_loop3A_199 : i32 to index
        %parallel_loop3A_480 = arith.constant 496 : index
        %parallel_loop3A_481 = tpu.vector_load %arg7[%parallel_loop3A_479, %parallel_loop3A_480] {strides = array<i32>} : memref<77x768xf32, #tpu.memory_space<vmem>>, vector<1x16xf32>,
        %parallel_loop3A_482 = vector.shape_cast %parallel_loop3A_481 : vector<1x16xf32> to vector<16xf32>
        %parallel_loop3A_483 = arith.index_cast %parallel_loop3A_193 : i32 to index
        %parallel_loop3A_484 = arith.constant 496 : index
        %parallel_loop3A_485 = tpu.vector_load %arg10[%parallel_loop3A_483, %parallel_loop3A_484] {strides = array<i32>} : memref<22x768xf32, #tpu.memory_space<vmem>>, vector<1x16xf32>,
        %parallel_loop3A_486 = vector.shape_cast %parallel_loop3A_485 : vector<1x16xf32> to vector<16xf32>
        %parallel_loop3A_487 = vector.shape_cast %parallel_loop3A_482 : vector<16xf32> to vector<1x16xf32>
        tpu.vector_store %arg10[%parallel_loop3A_483, %parallel_loop3A_484], %parallel_loop3A_487 {add = true, strides = array<i32>} : memref<22x768xf32, #tpu.memory_space<vmem>>, vector<1x16xf32>,
        %parallel_loop3A_488 = arith.index_cast %parallel_loop3A_199 : i32 to index
        %parallel_loop3A_489 = arith.constant 512 : index
        %parallel_loop3A_490 = tpu.vector_load %arg7[%parallel_loop3A_488, %parallel_loop3A_489] {strides = array<i32>} : memref<77x768xf32, #tpu.memory_space<vmem>>, vector<1x16xf32>,
        %parallel_loop3A_491 = vector.shape_cast %parallel_loop3A_490 : vector<1x16xf32> to vector<16xf32>
        %parallel_loop3A_492 = arith.index_cast %parallel_loop3A_193 : i32 to index
        %parallel_loop3A_493 = arith.constant 512 : index
        %parallel_loop3A_494 = tpu.vector_load %arg10[%parallel_loop3A_492, %parallel_loop3A_493] {strides = array<i32>} : memref<22x768xf32, #tpu.memory_space<vmem>>, vector<1x16xf32>,
        %parallel_loop3A_495 = vector.shape_cast %parallel_loop3A_494 : vector<1x16xf32> to vector<16xf32>
        %parallel_loop3A_496 = vector.shape_cast %parallel_loop3A_491 : vector<16xf32> to vector<1x16xf32>
        tpu.vector_store %arg10[%parallel_loop3A_492, %parallel_loop3A_493], %parallel_loop3A_496 {add = true, strides = array<i32>} : memref<22x768xf32, #tpu.memory_space<vmem>>, vector<1x16xf32>,
        %parallel_loop3A_497 = arith.index_cast %parallel_loop3A_199 : i32 to index
        %parallel_loop3A_498 = arith.constant 528 : index
        %parallel_loop3A_499 = tpu.vector_load %arg7[%parallel_loop3A_497, %parallel_loop3A_498] {strides = array<i32>} : memref<77x768xf32, #tpu.memory_space<vmem>>, vector<1x16xf32>,
        %parallel_loop3A_500 = vector.shape_cast %parallel_loop3A_499 : vector<1x16xf32> to vector<16xf32>
        %parallel_loop3A_501 = arith.index_cast %parallel_loop3A_193 : i32 to index
        %parallel_loop3A_502 = arith.constant 528 : index
        %parallel_loop3A_503 = tpu.vector_load %arg10[%parallel_loop3A_501, %parallel_loop3A_502] {strides = array<i32>} : memref<22x768xf32, #tpu.memory_space<vmem>>, vector<1x16xf32>,
        %parallel_loop3A_504 = vector.shape_cast %parallel_loop3A_503 : vector<1x16xf32> to vector<16xf32>
        %parallel_loop3A_505 = vector.shape_cast %parallel_loop3A_500 : vector<16xf32> to vector<1x16xf32>
        tpu.vector_store %arg10[%parallel_loop3A_501, %parallel_loop3A_502], %parallel_loop3A_505 {add = true, strides = array<i32>} : memref<22x768xf32, #tpu.memory_space<vmem>>, vector<1x16xf32>,
        %parallel_loop3A_506 = arith.index_cast %parallel_loop3A_199 : i32 to index
        %parallel_loop3A_507 = arith.constant 544 : index
        %parallel_loop3A_508 = tpu.vector_load %arg7[%parallel_loop3A_506, %parallel_loop3A_507] {strides = array<i32>} : memref<77x768xf32, #tpu.memory_space<vmem>>, vector<1x16xf32>,
        %parallel_loop3A_509 = vector.shape_cast %parallel_loop3A_508 : vector<1x16xf32> to vector<16xf32>
        %parallel_loop3A_510 = arith.index_cast %parallel_loop3A_193 : i32 to index
        %parallel_loop3A_511 = arith.constant 544 : index
        %parallel_loop3A_512 = tpu.vector_load %arg10[%parallel_loop3A_510, %parallel_loop3A_511] {strides = array<i32>} : memref<22x768xf32, #tpu.memory_space<vmem>>, vector<1x16xf32>,
        %parallel_loop3A_513 = vector.shape_cast %parallel_loop3A_512 : vector<1x16xf32> to vector<16xf32>
        %parallel_loop3A_514 = vector.shape_cast %parallel_loop3A_509 : vector<16xf32> to vector<1x16xf32>
        tpu.vector_store %arg10[%parallel_loop3A_510, %parallel_loop3A_511], %parallel_loop3A_514 {add = true, strides = array<i32>} : memref<22x768xf32, #tpu.memory_space<vmem>>, vector<1x16xf32>,
        %parallel_loop3A_515 = arith.index_cast %parallel_loop3A_199 : i32 to index
        %parallel_loop3A_516 = arith.constant 560 : index
        %parallel_loop3A_517 = tpu.vector_load %arg7[%parallel_loop3A_515, %parallel_loop3A_516] {strides = array<i32>} : memref<77x768xf32, #tpu.memory_space<vmem>>, vector<1x16xf32>,
        %parallel_loop3A_518 = vector.shape_cast %parallel_loop3A_517 : vector<1x16xf32> to vector<16xf32>
        %parallel_loop3A_519 = arith.index_cast %parallel_loop3A_193 : i32 to index
        %parallel_loop3A_520 = arith.constant 560 : index
        %parallel_loop3A_521 = tpu.vector_load %arg10[%parallel_loop3A_519, %parallel_loop3A_520] {strides = array<i32>} : memref<22x768xf32, #tpu.memory_space<vmem>>, vector<1x16xf32>,
        %parallel_loop3A_522 = vector.shape_cast %parallel_loop3A_521 : vector<1x16xf32> to vector<16xf32>
        %parallel_loop3A_523 = vector.shape_cast %parallel_loop3A_518 : vector<16xf32> to vector<1x16xf32>
        tpu.vector_store %arg10[%parallel_loop3A_519, %parallel_loop3A_520], %parallel_loop3A_523 {add = true, strides = array<i32>} : memref<22x768xf32, #tpu.memory_space<vmem>>, vector<1x16xf32>,
        %parallel_loop3A_524 = arith.index_cast %parallel_loop3A_199 : i32 to index
        %parallel_loop3A_525 = arith.constant 576 : index
        %parallel_loop3A_526 = tpu.vector_load %arg7[%parallel_loop3A_524, %parallel_loop3A_525] {strides = array<i32>} : memref<77x768xf32, #tpu.memory_space<vmem>>, vector<1x16xf32>,
        %parallel_loop3A_527 = vector.shape_cast %parallel_loop3A_526 : vector<1x16xf32> to vector<16xf32>
        %parallel_loop3A_528 = arith.index_cast %parallel_loop3A_193 : i32 to index
        %parallel_loop3A_529 = arith.constant 576 : index
        %parallel_loop3A_530 = tpu.vector_load %arg10[%parallel_loop3A_528, %parallel_loop3A_529] {strides = array<i32>} : memref<22x768xf32, #tpu.memory_space<vmem>>, vector<1x16xf32>,
        %parallel_loop3A_531 = vector.shape_cast %parallel_loop3A_530 : vector<1x16xf32> to vector<16xf32>
        %parallel_loop3A_532 = vector.shape_cast %parallel_loop3A_527 : vector<16xf32> to vector<1x16xf32>
        tpu.vector_store %arg10[%parallel_loop3A_528, %parallel_loop3A_529], %parallel_loop3A_532 {add = true, strides = array<i32>} : memref<22x768xf32, #tpu.memory_space<vmem>>, vector<1x16xf32>,
        %parallel_loop3A_533 = arith.index_cast %parallel_loop3A_199 : i32 to index
        %parallel_loop3A_534 = arith.constant 592 : index
        %parallel_loop3A_535 = tpu.vector_load %arg7[%parallel_loop3A_533, %parallel_loop3A_534] {strides = array<i32>} : memref<77x768xf32, #tpu.memory_space<vmem>>, vector<1x16xf32>,
        %parallel_loop3A_536 = vector.shape_cast %parallel_loop3A_535 : vector<1x16xf32> to vector<16xf32>
        %parallel_loop3A_537 = arith.index_cast %parallel_loop3A_193 : i32 to index
        %parallel_loop3A_538 = arith.constant 592 : index
        %parallel_loop3A_539 = tpu.vector_load %arg10[%parallel_loop3A_537, %parallel_loop3A_538] {strides = array<i32>} : memref<22x768xf32, #tpu.memory_space<vmem>>, vector<1x16xf32>,
        %parallel_loop3A_540 = vector.shape_cast %parallel_loop3A_539 : vector<1x16xf32> to vector<16xf32>
        %parallel_loop3A_541 = vector.shape_cast %parallel_loop3A_536 : vector<16xf32> to vector<1x16xf32>
        tpu.vector_store %arg10[%parallel_loop3A_537, %parallel_loop3A_538], %parallel_loop3A_541 {add = true, strides = array<i32>} : memref<22x768xf32, #tpu.memory_space<vmem>>, vector<1x16xf32>,
        %parallel_loop3A_542 = arith.index_cast %parallel_loop3A_199 : i32 to index
        %parallel_loop3A_543 = arith.constant 608 : index
        %parallel_loop3A_544 = tpu.vector_load %arg7[%parallel_loop3A_542, %parallel_loop3A_543] {strides = array<i32>} : memref<77x768xf32, #tpu.memory_space<vmem>>, vector<1x16xf32>,
        %parallel_loop3A_545 = vector.shape_cast %parallel_loop3A_544 : vector<1x16xf32> to vector<16xf32>
        %parallel_loop3A_546 = arith.index_cast %parallel_loop3A_193 : i32 to index
        %parallel_loop3A_547 = arith.constant 608 : index
        %parallel_loop3A_548 = tpu.vector_load %arg10[%parallel_loop3A_546, %parallel_loop3A_547] {strides = array<i32>} : memref<22x768xf32, #tpu.memory_space<vmem>>, vector<1x16xf32>,
        %parallel_loop3A_549 = vector.shape_cast %parallel_loop3A_548 : vector<1x16xf32> to vector<16xf32>
        %parallel_loop3A_550 = vector.shape_cast %parallel_loop3A_545 : vector<16xf32> to vector<1x16xf32>
        tpu.vector_store %arg10[%parallel_loop3A_546, %parallel_loop3A_547], %parallel_loop3A_550 {add = true, strides = array<i32>} : memref<22x768xf32, #tpu.memory_space<vmem>>, vector<1x16xf32>,
        %parallel_loop3A_551 = arith.index_cast %parallel_loop3A_199 : i32 to index
        %parallel_loop3A_552 = arith.constant 624 : index
        %parallel_loop3A_553 = tpu.vector_load %arg7[%parallel_loop3A_551, %parallel_loop3A_552] {strides = array<i32>} : memref<77x768xf32, #tpu.memory_space<vmem>>, vector<1x16xf32>,
        %parallel_loop3A_554 = vector.shape_cast %parallel_loop3A_553 : vector<1x16xf32> to vector<16xf32>
        %parallel_loop3A_555 = arith.index_cast %parallel_loop3A_193 : i32 to index
        %parallel_loop3A_556 = arith.constant 624 : index
        %parallel_loop3A_557 = tpu.vector_load %arg10[%parallel_loop3A_555, %parallel_loop3A_556] {strides = array<i32>} : memref<22x768xf32, #tpu.memory_space<vmem>>, vector<1x16xf32>,
        %parallel_loop3A_558 = vector.shape_cast %parallel_loop3A_557 : vector<1x16xf32> to vector<16xf32>
        %parallel_loop3A_559 = vector.shape_cast %parallel_loop3A_554 : vector<16xf32> to vector<1x16xf32>
        tpu.vector_store %arg10[%parallel_loop3A_555, %parallel_loop3A_556], %parallel_loop3A_559 {add = true, strides = array<i32>} : memref<22x768xf32, #tpu.memory_space<vmem>>, vector<1x16xf32>,
        %parallel_loop3A_560 = arith.index_cast %parallel_loop3A_199 : i32 to index
        %parallel_loop3A_561 = arith.constant 640 : index
        %parallel_loop3A_562 = tpu.vector_load %arg7[%parallel_loop3A_560, %parallel_loop3A_561] {strides = array<i32>} : memref<77x768xf32, #tpu.memory_space<vmem>>, vector<1x16xf32>,
        %parallel_loop3A_563 = vector.shape_cast %parallel_loop3A_562 : vector<1x16xf32> to vector<16xf32>
        %parallel_loop3A_564 = arith.index_cast %parallel_loop3A_193 : i32 to index
        %parallel_loop3A_565 = arith.constant 640 : index
        %parallel_loop3A_566 = tpu.vector_load %arg10[%parallel_loop3A_564, %parallel_loop3A_565] {strides = array<i32>} : memref<22x768xf32, #tpu.memory_space<vmem>>, vector<1x16xf32>,
        %parallel_loop3A_567 = vector.shape_cast %parallel_loop3A_566 : vector<1x16xf32> to vector<16xf32>
        %parallel_loop3A_568 = vector.shape_cast %parallel_loop3A_563 : vector<16xf32> to vector<1x16xf32>
        tpu.vector_store %arg10[%parallel_loop3A_564, %parallel_loop3A_565], %parallel_loop3A_568 {add = true, strides = array<i32>} : memref<22x768xf32, #tpu.memory_space<vmem>>, vector<1x16xf32>,
        %parallel_loop3A_569 = arith.index_cast %parallel_loop3A_199 : i32 to index
        %parallel_loop3A_570 = arith.constant 656 : index
        %parallel_loop3A_571 = tpu.vector_load %arg7[%parallel_loop3A_569, %parallel_loop3A_570] {strides = array<i32>} : memref<77x768xf32, #tpu.memory_space<vmem>>, vector<1x16xf32>,
        %parallel_loop3A_572 = vector.shape_cast %parallel_loop3A_571 : vector<1x16xf32> to vector<16xf32>
        %parallel_loop3A_573 = arith.index_cast %parallel_loop3A_193 : i32 to index
        %parallel_loop3A_574 = arith.constant 656 : index
        %parallel_loop3A_575 = tpu.vector_load %arg10[%parallel_loop3A_573, %parallel_loop3A_574] {strides = array<i32>} : memref<22x768xf32, #tpu.memory_space<vmem>>, vector<1x16xf32>,
        %parallel_loop3A_576 = vector.shape_cast %parallel_loop3A_575 : vector<1x16xf32> to vector<16xf32>
        %parallel_loop3A_577 = vector.shape_cast %parallel_loop3A_572 : vector<16xf32> to vector<1x16xf32>
        tpu.vector_store %arg10[%parallel_loop3A_573, %parallel_loop3A_574], %parallel_loop3A_577 {add = true, strides = array<i32>} : memref<22x768xf32, #tpu.memory_space<vmem>>, vector<1x16xf32>,
        %parallel_loop3A_578 = arith.index_cast %parallel_loop3A_199 : i32 to index
        %parallel_loop3A_579 = arith.constant 672 : index
        %parallel_loop3A_580 = tpu.vector_load %arg7[%parallel_loop3A_578, %parallel_loop3A_579] {strides = array<i32>} : memref<77x768xf32, #tpu.memory_space<vmem>>, vector<1x16xf32>,
        %parallel_loop3A_581 = vector.shape_cast %parallel_loop3A_580 : vector<1x16xf32> to vector<16xf32>
        %parallel_loop3A_582 = arith.index_cast %parallel_loop3A_193 : i32 to index
        %parallel_loop3A_583 = arith.constant 672 : index
        %parallel_loop3A_584 = tpu.vector_load %arg10[%parallel_loop3A_582, %parallel_loop3A_583] {strides = array<i32>} : memref<22x768xf32, #tpu.memory_space<vmem>>, vector<1x16xf32>,
        %parallel_loop3A_585 = vector.shape_cast %parallel_loop3A_584 : vector<1x16xf32> to vector<16xf32>
        %parallel_loop3A_586 = vector.shape_cast %parallel_loop3A_581 : vector<16xf32> to vector<1x16xf32>
        tpu.vector_store %arg10[%parallel_loop3A_582, %parallel_loop3A_583], %parallel_loop3A_586 {add = true, strides = array<i32>} : memref<22x768xf32, #tpu.memory_space<vmem>>, vector<1x16xf32>,
        %parallel_loop3A_587 = arith.index_cast %parallel_loop3A_199 : i32 to index
        %parallel_loop3A_588 = arith.constant 688 : index
        %parallel_loop3A_589 = tpu.vector_load %arg7[%parallel_loop3A_587, %parallel_loop3A_588] {strides = array<i32>} : memref<77x768xf32, #tpu.memory_space<vmem>>, vector<1x16xf32>,
        %parallel_loop3A_590 = vector.shape_cast %parallel_loop3A_589 : vector<1x16xf32> to vector<16xf32>
        %parallel_loop3A_591 = arith.index_cast %parallel_loop3A_193 : i32 to index
        %parallel_loop3A_592 = arith.constant 688 : index
        %parallel_loop3A_593 = tpu.vector_load %arg10[%parallel_loop3A_591, %parallel_loop3A_592] {strides = array<i32>} : memref<22x768xf32, #tpu.memory_space<vmem>>, vector<1x16xf32>,
        %parallel_loop3A_594 = vector.shape_cast %parallel_loop3A_593 : vector<1x16xf32> to vector<16xf32>
        %parallel_loop3A_595 = vector.shape_cast %parallel_loop3A_590 : vector<16xf32> to vector<1x16xf32>
        tpu.vector_store %arg10[%parallel_loop3A_591, %parallel_loop3A_592], %parallel_loop3A_595 {add = true, strides = array<i32>} : memref<22x768xf32, #tpu.memory_space<vmem>>, vector<1x16xf32>,
        %parallel_loop3A_596 = arith.index_cast %parallel_loop3A_199 : i32 to index
        %parallel_loop3A_597 = arith.constant 704 : index
        %parallel_loop3A_598 = tpu.vector_load %arg7[%parallel_loop3A_596, %parallel_loop3A_597] {strides = array<i32>} : memref<77x768xf32, #tpu.memory_space<vmem>>, vector<1x16xf32>,
        %parallel_loop3A_599 = vector.shape_cast %parallel_loop3A_598 : vector<1x16xf32> to vector<16xf32>
        %parallel_loop3A_600 = arith.index_cast %parallel_loop3A_193 : i32 to index
        %parallel_loop3A_601 = arith.constant 704 : index
        %parallel_loop3A_602 = tpu.vector_load %arg10[%parallel_loop3A_600, %parallel_loop3A_601] {strides = array<i32>} : memref<22x768xf32, #tpu.memory_space<vmem>>, vector<1x16xf32>,
        %parallel_loop3A_603 = vector.shape_cast %parallel_loop3A_602 : vector<1x16xf32> to vector<16xf32>
        %parallel_loop3A_604 = vector.shape_cast %parallel_loop3A_599 : vector<16xf32> to vector<1x16xf32>
        tpu.vector_store %arg10[%parallel_loop3A_600, %parallel_loop3A_601], %parallel_loop3A_604 {add = true, strides = array<i32>} : memref<22x768xf32, #tpu.memory_space<vmem>>, vector<1x16xf32>,
        %parallel_loop3A_605 = arith.index_cast %parallel_loop3A_199 : i32 to index
        %parallel_loop3A_606 = arith.constant 720 : index
        %parallel_loop3A_607 = tpu.vector_load %arg7[%parallel_loop3A_605, %parallel_loop3A_606] {strides = array<i32>} : memref<77x768xf32, #tpu.memory_space<vmem>>, vector<1x16xf32>,
        %parallel_loop3A_608 = vector.shape_cast %parallel_loop3A_607 : vector<1x16xf32> to vector<16xf32>
        %parallel_loop3A_609 = arith.index_cast %parallel_loop3A_193 : i32 to index
        %parallel_loop3A_610 = arith.constant 720 : index
        %parallel_loop3A_611 = tpu.vector_load %arg10[%parallel_loop3A_609, %parallel_loop3A_610] {strides = array<i32>} : memref<22x768xf32, #tpu.memory_space<vmem>>, vector<1x16xf32>,
        %parallel_loop3A_612 = vector.shape_cast %parallel_loop3A_611 : vector<1x16xf32> to vector<16xf32>
        %parallel_loop3A_613 = vector.shape_cast %parallel_loop3A_608 : vector<16xf32> to vector<1x16xf32>
        tpu.vector_store %arg10[%parallel_loop3A_609, %parallel_loop3A_610], %parallel_loop3A_613 {add = true, strides = array<i32>} : memref<22x768xf32, #tpu.memory_space<vmem>>, vector<1x16xf32>,
        %parallel_loop3A_614 = arith.index_cast %parallel_loop3A_199 : i32 to index
        %parallel_loop3A_615 = arith.constant 736 : index
        %parallel_loop3A_616 = tpu.vector_load %arg7[%parallel_loop3A_614, %parallel_loop3A_615] {strides = array<i32>} : memref<77x768xf32, #tpu.memory_space<vmem>>, vector<1x16xf32>,
        %parallel_loop3A_617 = vector.shape_cast %parallel_loop3A_616 : vector<1x16xf32> to vector<16xf32>
        %parallel_loop3A_618 = arith.index_cast %parallel_loop3A_193 : i32 to index
        %parallel_loop3A_619 = arith.constant 736 : index
        %parallel_loop3A_620 = tpu.vector_load %arg10[%parallel_loop3A_618, %parallel_loop3A_619] {strides = array<i32>} : memref<22x768xf32, #tpu.memory_space<vmem>>, vector<1x16xf32>,
        %parallel_loop3A_621 = vector.shape_cast %parallel_loop3A_620 : vector<1x16xf32> to vector<16xf32>
        %parallel_loop3A_622 = vector.shape_cast %parallel_loop3A_617 : vector<16xf32> to vector<1x16xf32>
        tpu.vector_store %arg10[%parallel_loop3A_618, %parallel_loop3A_619], %parallel_loop3A_622 {add = true, strides = array<i32>} : memref<22x768xf32, #tpu.memory_space<vmem>>, vector<1x16xf32>,
        %parallel_loop3A_623 = arith.index_cast %parallel_loop3A_199 : i32 to index
        %parallel_loop3A_624 = arith.constant 752 : index
        %parallel_loop3A_625 = tpu.vector_load %arg7[%parallel_loop3A_623, %parallel_loop3A_624] {strides = array<i32>} : memref<77x768xf32, #tpu.memory_space<vmem>>, vector<1x16xf32>,
        %parallel_loop3A_626 = vector.shape_cast %parallel_loop3A_625 : vector<1x16xf32> to vector<16xf32>
        %parallel_loop3A_627 = arith.index_cast %parallel_loop3A_193 : i32 to index
        %parallel_loop3A_628 = arith.constant 752 : index
        %parallel_loop3A_629 = tpu.vector_load %arg10[%parallel_loop3A_627, %parallel_loop3A_628] {strides = array<i32>} : memref<22x768xf32, #tpu.memory_space<vmem>>, vector<1x16xf32>,
        %parallel_loop3A_630 = vector.shape_cast %parallel_loop3A_629 : vector<1x16xf32> to vector<16xf32>
        %parallel_loop3A_631 = vector.shape_cast %parallel_loop3A_626 : vector<16xf32> to vector<1x16xf32>
        tpu.vector_store %arg10[%parallel_loop3A_627, %parallel_loop3A_628], %parallel_loop3A_631 {add = true, strides = array<i32>} : memref<22x768xf32, #tpu.memory_space<vmem>>, vector<1x16xf32>,
      } {sc.loop_unroll_factor = 2 : i64, sc.parallel_access}
      %mul3A_148 = arith.constant 22 : i32
      %mul3A_149 = arith.muli %add3A_124, %mul3A_148 : i32
      %add3A_150 = arith.addi %mul3A_2, %mul3A_149 : i32
      %dma_start3A_151 = arith.constant 2 : i32
      %dma_start3A_152 = arith.constant 0 : i32
      %dma_start3A_153 = tpu.memref_slice %arg5[%add3A_150, %dma_start3A_152] : memref<78848x768xf32, #tpu.memory_space<hbm>> -> memref<22x768xf32, #tpu.memory_space<hbm>>
      %dma_start3A_154 = tpu.memref_slice %arg13[%dma_start3A_151] : memref<4x!tpu.dma_semaphore, #tpu.memory_space<semaphore_mem>> -> memref<1x!tpu.dma_semaphore, #tpu.memory_space<semaphore_mem>>
      %dma_start3A_155 = tpu.memref_squeeze %dma_start3A_154 : memref<1x!tpu.dma_semaphore, #tpu.memory_space<semaphore_mem>> -> memref<!tpu.dma_semaphore, #tpu.memory_space<semaphore_mem>>
      %dma_start3A_156 = arith.constant 0 : i32
      %dma_start3A_157 = tpu.memref_slice %arg5[%add3A_150, %dma_start3A_156] : memref<78848x768xf32, #tpu.memory_space<hbm>> -> memref<22x768xf32, #tpu.memory_space<hbm>>
      tpu.enqueue_dma source(%arg10 : memref<22x768xf32, #tpu.memory_space<vmem>>) target(%dma_start3A_157 : memref<22x768xf32, #tpu.memory_space<hbm>>) target_semaphore(%dma_start3A_155 : memref<!tpu.dma_semaphore, #tpu.memory_space<semaphore_mem>>)
      %add3A_158 = arith.constant 3 : i32
      %add3A_159 = arith.addi %add3A_57, %add3A_158 : i32
      %add3A_160 = arith.constant 2 : i32
      %add3A_161 = arith.addi %add3A_159, %add3A_160 : i32
      %lt3A_162 = arith.constant 112 : i32
      %lt3A_163 = arith.cmpi slt, %add3A_161, %lt3A_162 : i32
      %convert_element_type3A_164 = arith.extui %lt3A_163 : i1 to i32
      %cond3A_165 = arith.constant 0 : i32
      %cond3A_166 = arith.cmpi ne, %convert_element_type3A_164, %cond3A_165 : i32
      scf.if %cond3A_166 {
        %ge3A = arith.constant 2 : i32
        %ge3A_193 = arith.cmpi sge, %add3A_159, %ge3A : i32
        %convert_element_type3A_194 = arith.extui %ge3A_193 : i1 to i32
        %cond3A_195 = arith.constant 0 : i32
        %cond3A_196 = arith.cmpi ne, %convert_element_type3A_194, %cond3A_195 : i32
        scf.if %cond3A_196 {
          %dma_wait3A_208 = arith.constant 1 : i32
          %dma_wait3A_209 = arith.constant 0 : i32
          %dma_wait3A_210 = tpu.memref_slice %arg5[%mul3A_2, %dma_wait3A_209] : memref<78848x768xf32, #tpu.memory_space<hbm>> -> memref<22x768xf32, #tpu.memory_space<hbm>>
          %dma_wait3A_211 = tpu.memref_slice %arg13[%dma_wait3A_208] : memref<4x!tpu.dma_semaphore, #tpu.memory_space<semaphore_mem>> -> memref<1x!tpu.dma_semaphore, #tpu.memory_space<semaphore_mem>>
          %dma_wait3A_212 = tpu.memref_squeeze %dma_wait3A_211 : memref<1x!tpu.dma_semaphore, #tpu.memory_space<semaphore_mem>> -> memref<!tpu.dma_semaphore, #tpu.memory_space<semaphore_mem>>
          %dma_wait3A_213 = arith.constant 0 : i32
          %dma_wait3A_214 = tpu.memref_slice %arg5[%mul3A_2, %dma_wait3A_213] : memref<78848x768xf32, #tpu.memory_space<hbm>> -> memref<22x768xf32, #tpu.memory_space<hbm>>
          tpu.wait_dma2 semaphore(%dma_wait3A_212 : memref<!tpu.dma_semaphore, #tpu.memory_space<semaphore_mem>>) src(%arg9 : memref<22x768xf32, #tpu.memory_space<vmem>>) dst(%dma_wait3A_214 : memref<22x768xf32, #tpu.memory_space<hbm>>)
        } else {
        }
        %add3A_197 = arith.constant 2 : i32
        %add3A_198 = arith.addi %add3A_159, %add3A_197 : i32
        %dma_start3A_199 = arith.constant 1 : i32
        %dma_start3A_200 = arith.constant 0 : i32
        %dma_start3A_201 = tpu.memref_slice %arg6[%add3A_198, %dma_start3A_200] : memref<112x22xi32, #tpu.memory_space<vmem>> -> memref<1x22xi32, #tpu.memory_space<vmem>>
        %dma_start3A_202 = tpu.memref_squeeze %dma_start3A_201 : memref<1x22xi32, #tpu.memory_space<vmem>> -> memref<22xi32, #tpu.memory_space<vmem>>
        %dma_start3A_203 = arith.constant 0 : i32
        %dma_start3A_204 = arith.constant 0 : i32
        %dma_start3A_205 = tpu.memref_slice %arg3[%dma_start3A_203, %dma_start3A_204] : memref<49408x768xf32, #tpu.memory_space<hbm>> -> memref<49408x768xf32, #tpu.memory_space<hbm>>
        %dma_start3A_206 = tpu.memref_slice %arg12[%dma_start3A_199] : memref<4x!tpu.dma_semaphore, #tpu.memory_space<semaphore_mem>> -> memref<1x!tpu.dma_semaphore, #tpu.memory_space<semaphore_mem>>
        %dma_start3A_207 = tpu.memref_squeeze %dma_start3A_206 : memref<1x!tpu.dma_semaphore, #tpu.memory_space<semaphore_mem>> -> memref<!tpu.dma_semaphore, #tpu.memory_space<semaphore_mem>>
        tpu.enqueue_indirect_dma source(%dma_start3A_205 : memref<49408x768xf32, #tpu.memory_space<hbm>>) target(%arg9 : memref<22x768xf32, #tpu.memory_space<vmem>>) offsets(%dma_start3A_202 : memref<22xi32, #tpu.memory_space<vmem>>) semaphore(%dma_start3A_207 : memref<!tpu.dma_semaphore, #tpu.memory_space<semaphore_mem>>)
      } else {
      }
      %dma_wait3A_167 = arith.constant 3 : i32
      %dma_wait3A_168 = arith.constant 0 : i32
      %dma_wait3A_169 = arith.constant 0 : i32
      %dma_wait3A_170 = tpu.memref_slice %arg3[%dma_wait3A_168, %dma_wait3A_169] : memref<49408x768xf32, #tpu.memory_space<hbm>> -> memref<22x768xf32, #tpu.memory_space<hbm>>
      %dma_wait3A_171 = tpu.memref_slice %arg12[%dma_wait3A_167] : memref<4x!tpu.dma_semaphore, #tpu.memory_space<semaphore_mem>> -> memref<1x!tpu.dma_semaphore, #tpu.memory_space<semaphore_mem>>
      %dma_wait3A_172 = tpu.memref_squeeze %dma_wait3A_171 : memref<1x!tpu.dma_semaphore, #tpu.memory_space<semaphore_mem>> -> memref<!tpu.dma_semaphore, #tpu.memory_space<semaphore_mem>>
      %dma_wait3A_173 = arith.constant 0 : i32
      %dma_wait3A_174 = arith.constant 0 : i32
      %dma_wait3A_175 = tpu.memref_slice %arg3[%dma_wait3A_173, %dma_wait3A_174] : memref<49408x768xf32, #tpu.memory_space<hbm>> -> memref<22x768xf32, #tpu.memory_space<hbm>>
      tpu.wait_dma2 semaphore(%dma_wait3A_172 : memref<!tpu.dma_semaphore, #tpu.memory_space<semaphore_mem>>) src(%dma_wait3A_175 : memref<22x768xf32, #tpu.memory_space<hbm>>) dst(%arg11 : memref<22x768xf32, #tpu.memory_space<vmem>>)
      %mul3A_176 = arith.constant 22 : i32
      %mul3A_177 = arith.muli %add3A_159, %mul3A_176 : i32
      %rem3A_178 = arith.constant 77 : i32
      %rem3A_179 = arith.remsi %mul3A_177, %rem3A_178 : i32
      %parallel_loop3A_180 = arith.constant 0 : i32
      %parallel_loop3A_181 = arith.constant 22 : i32
      %parallel_loop3A_182 = arith.constant 1 : i32
      scf.for %parallel_loop3A_193 = %parallel_loop3A_180 to %parallel_loop3A_181 step %parallel_loop3A_182  : i32 {
        %parallel_loop3A_194 = arith.addi %rem3A_179, %parallel_loop3A_193 : i32
        %parallel_loop3A_195 = arith.constant 77 : i32
        %parallel_loop3A_196 = arith.cmpi sge, %parallel_loop3A_194, %parallel_loop3A_195 : i32
        %parallel_loop3A_197 = arith.constant 77 : i32
        %parallel_loop3A_198 = arith.subi %parallel_loop3A_194, %parallel_loop3A_197 : i32
        %parallel_loop3A_199 = arith.select %parallel_loop3A_196, %parallel_loop3A_198, %parallel_loop3A_194 : i32
        %parallel_loop3A_200 = arith.index_cast %parallel_loop3A_199 : i32 to index
        %parallel_loop3A_201 = arith.constant 0 : index
        %parallel_loop3A_202 = tpu.vector_load %arg7[%parallel_loop3A_200, %parallel_loop3A_201] {strides = array<i32>} : memref<77x768xf32, #tpu.memory_space<vmem>>, vector<1x16xf32>,
        %parallel_loop3A_203 = vector.shape_cast %parallel_loop3A_202 : vector<1x16xf32> to vector<16xf32>
        %parallel_loop3A_204 = arith.index_cast %parallel_loop3A_193 : i32 to index
        %parallel_loop3A_205 = arith.constant 0 : index
        %parallel_loop3A_206 = tpu.vector_load %arg11[%parallel_loop3A_204, %parallel_loop3A_205] {strides = array<i32>} : memref<22x768xf32, #tpu.memory_space<vmem>>, vector<1x16xf32>,
        %parallel_loop3A_207 = vector.shape_cast %parallel_loop3A_206 : vector<1x16xf32> to vector<16xf32>
        %parallel_loop3A_208 = vector.shape_cast %parallel_loop3A_203 : vector<16xf32> to vector<1x16xf32>
        tpu.vector_store %arg11[%parallel_loop3A_204, %parallel_loop3A_205], %parallel_loop3A_208 {add = true, strides = array<i32>} : memref<22x768xf32, #tpu.memory_space<vmem>>, vector<1x16xf32>,
        %parallel_loop3A_209 = arith.index_cast %parallel_loop3A_199 : i32 to index
        %parallel_loop3A_210 = arith.constant 16 : index
        %parallel_loop3A_211 = tpu.vector_load %arg7[%parallel_loop3A_209, %parallel_loop3A_210] {strides = array<i32>} : memref<77x768xf32, #tpu.memory_space<vmem>>, vector<1x16xf32>,
        %parallel_loop3A_212 = vector.shape_cast %parallel_loop3A_211 : vector<1x16xf32> to vector<16xf32>
        %parallel_loop3A_213 = arith.index_cast %parallel_loop3A_193 : i32 to index
        %parallel_loop3A_214 = arith.constant 16 : index
        %parallel_loop3A_215 = tpu.vector_load %arg11[%parallel_loop3A_213, %parallel_loop3A_214] {strides = array<i32>} : memref<22x768xf32, #tpu.memory_space<vmem>>, vector<1x16xf32>,
        %parallel_loop3A_216 = vector.shape_cast %parallel_loop3A_215 : vector<1x16xf32> to vector<16xf32>
        %parallel_loop3A_217 = vector.shape_cast %parallel_loop3A_212 : vector<16xf32> to vector<1x16xf32>
        tpu.vector_store %arg11[%parallel_loop3A_213, %parallel_loop3A_214], %parallel_loop3A_217 {add = true, strides = array<i32>} : memref<22x768xf32, #tpu.memory_space<vmem>>, vector<1x16xf32>,
        %parallel_loop3A_218 = arith.index_cast %parallel_loop3A_199 : i32 to index
        %parallel_loop3A_219 = arith.constant 32 : index
        %parallel_loop3A_220 = tpu.vector_load %arg7[%parallel_loop3A_218, %parallel_loop3A_219] {strides = array<i32>} : memref<77x768xf32, #tpu.memory_space<vmem>>, vector<1x16xf32>,
        %parallel_loop3A_221 = vector.shape_cast %parallel_loop3A_220 : vector<1x16xf32> to vector<16xf32>
        %parallel_loop3A_222 = arith.index_cast %parallel_loop3A_193 : i32 to index
        %parallel_loop3A_223 = arith.constant 32 : index
        %parallel_loop3A_224 = tpu.vector_load %arg11[%parallel_loop3A_222, %parallel_loop3A_223] {strides = array<i32>} : memref<22x768xf32, #tpu.memory_space<vmem>>, vector<1x16xf32>,
        %parallel_loop3A_225 = vector.shape_cast %parallel_loop3A_224 : vector<1x16xf32> to vector<16xf32>
        %parallel_loop3A_226 = vector.shape_cast %parallel_loop3A_221 : vector<16xf32> to vector<1x16xf32>
        tpu.vector_store %arg11[%parallel_loop3A_222, %parallel_loop3A_223], %parallel_loop3A_226 {add = true, strides = array<i32>} : memref<22x768xf32, #tpu.memory_space<vmem>>, vector<1x16xf32>,
        %parallel_loop3A_227 = arith.index_cast %parallel_loop3A_199 : i32 to index
        %parallel_loop3A_228 = arith.constant 48 : index
        %parallel_loop3A_229 = tpu.vector_load %arg7[%parallel_loop3A_227, %parallel_loop3A_228] {strides = array<i32>} : memref<77x768xf32, #tpu.memory_space<vmem>>, vector<1x16xf32>,
        %parallel_loop3A_230 = vector.shape_cast %parallel_loop3A_229 : vector<1x16xf32> to vector<16xf32>
        %parallel_loop3A_231 = arith.index_cast %parallel_loop3A_193 : i32 to index
        %parallel_loop3A_232 = arith.constant 48 : index
        %parallel_loop3A_233 = tpu.vector_load %arg11[%parallel_loop3A_231, %parallel_loop3A_232] {strides = array<i32>} : memref<22x768xf32, #tpu.memory_space<vmem>>, vector<1x16xf32>,
        %parallel_loop3A_234 = vector.shape_cast %parallel_loop3A_233 : vector<1x16xf32> to vector<16xf32>
        %parallel_loop3A_235 = vector.shape_cast %parallel_loop3A_230 : vector<16xf32> to vector<1x16xf32>
        tpu.vector_store %arg11[%parallel_loop3A_231, %parallel_loop3A_232], %parallel_loop3A_235 {add = true, strides = array<i32>} : memref<22x768xf32, #tpu.memory_space<vmem>>, vector<1x16xf32>,
        %parallel_loop3A_236 = arith.index_cast %parallel_loop3A_199 : i32 to index
        %parallel_loop3A_237 = arith.constant 64 : index
        %parallel_loop3A_238 = tpu.vector_load %arg7[%parallel_loop3A_236, %parallel_loop3A_237] {strides = array<i32>} : memref<77x768xf32, #tpu.memory_space<vmem>>, vector<1x16xf32>,
        %parallel_loop3A_239 = vector.shape_cast %parallel_loop3A_238 : vector<1x16xf32> to vector<16xf32>
        %parallel_loop3A_240 = arith.index_cast %parallel_loop3A_193 : i32 to index
        %parallel_loop3A_241 = arith.constant 64 : index
        %parallel_loop3A_242 = tpu.vector_load %arg11[%parallel_loop3A_240, %parallel_loop3A_241] {strides = array<i32>} : memref<22x768xf32, #tpu.memory_space<vmem>>, vector<1x16xf32>,
        %parallel_loop3A_243 = vector.shape_cast %parallel_loop3A_242 : vector<1x16xf32> to vector<16xf32>
        %parallel_loop3A_244 = vector.shape_cast %parallel_loop3A_239 : vector<16xf32> to vector<1x16xf32>
        tpu.vector_store %arg11[%parallel_loop3A_240, %parallel_loop3A_241], %parallel_loop3A_244 {add = true, strides = array<i32>} : memref<22x768xf32, #tpu.memory_space<vmem>>, vector<1x16xf32>,
        %parallel_loop3A_245 = arith.index_cast %parallel_loop3A_199 : i32 to index
        %parallel_loop3A_246 = arith.constant 80 : index
        %parallel_loop3A_247 = tpu.vector_load %arg7[%parallel_loop3A_245, %parallel_loop3A_246] {strides = array<i32>} : memref<77x768xf32, #tpu.memory_space<vmem>>, vector<1x16xf32>,
        %parallel_loop3A_248 = vector.shape_cast %parallel_loop3A_247 : vector<1x16xf32> to vector<16xf32>
        %parallel_loop3A_249 = arith.index_cast %parallel_loop3A_193 : i32 to index
        %parallel_loop3A_250 = arith.constant 80 : index
        %parallel_loop3A_251 = tpu.vector_load %arg11[%parallel_loop3A_249, %parallel_loop3A_250] {strides = array<i32>} : memref<22x768xf32, #tpu.memory_space<vmem>>, vector<1x16xf32>,
        %parallel_loop3A_252 = vector.shape_cast %parallel_loop3A_251 : vector<1x16xf32> to vector<16xf32>
        %parallel_loop3A_253 = vector.shape_cast %parallel_loop3A_248 : vector<16xf32> to vector<1x16xf32>
        tpu.vector_store %arg11[%parallel_loop3A_249, %parallel_loop3A_250], %parallel_loop3A_253 {add = true, strides = array<i32>} : memref<22x768xf32, #tpu.memory_space<vmem>>, vector<1x16xf32>,
        %parallel_loop3A_254 = arith.index_cast %parallel_loop3A_199 : i32 to index
        %parallel_loop3A_255 = arith.constant 96 : index
        %parallel_loop3A_256 = tpu.vector_load %arg7[%parallel_loop3A_254, %parallel_loop3A_255] {strides = array<i32>} : memref<77x768xf32, #tpu.memory_space<vmem>>, vector<1x16xf32>,
        %parallel_loop3A_257 = vector.shape_cast %parallel_loop3A_256 : vector<1x16xf32> to vector<16xf32>
        %parallel_loop3A_258 = arith.index_cast %parallel_loop3A_193 : i32 to index
        %parallel_loop3A_259 = arith.constant 96 : index
        %parallel_loop3A_260 = tpu.vector_load %arg11[%parallel_loop3A_258, %parallel_loop3A_259] {strides = array<i32>} : memref<22x768xf32, #tpu.memory_space<vmem>>, vector<1x16xf32>,
        %parallel_loop3A_261 = vector.shape_cast %parallel_loop3A_260 : vector<1x16xf32> to vector<16xf32>
        %parallel_loop3A_262 = vector.shape_cast %parallel_loop3A_257 : vector<16xf32> to vector<1x16xf32>
        tpu.vector_store %arg11[%parallel_loop3A_258, %parallel_loop3A_259], %parallel_loop3A_262 {add = true, strides = array<i32>} : memref<22x768xf32, #tpu.memory_space<vmem>>, vector<1x16xf32>,
        %parallel_loop3A_263 = arith.index_cast %parallel_loop3A_199 : i32 to index
        %parallel_loop3A_264 = arith.constant 112 : index
        %parallel_loop3A_265 = tpu.vector_load %arg7[%parallel_loop3A_263, %parallel_loop3A_264] {strides = array<i32>} : memref<77x768xf32, #tpu.memory_space<vmem>>, vector<1x16xf32>,
        %parallel_loop3A_266 = vector.shape_cast %parallel_loop3A_265 : vector<1x16xf32> to vector<16xf32>
        %parallel_loop3A_267 = arith.index_cast %parallel_loop3A_193 : i32 to index
        %parallel_loop3A_268 = arith.constant 112 : index
        %parallel_loop3A_269 = tpu.vector_load %arg11[%parallel_loop3A_267, %parallel_loop3A_268] {strides = array<i32>} : memref<22x768xf32, #tpu.memory_space<vmem>>, vector<1x16xf32>,
        %parallel_loop3A_270 = vector.shape_cast %parallel_loop3A_269 : vector<1x16xf32> to vector<16xf32>
        %parallel_loop3A_271 = vector.shape_cast %parallel_loop3A_266 : vector<16xf32> to vector<1x16xf32>
        tpu.vector_store %arg11[%parallel_loop3A_267, %parallel_loop3A_268], %parallel_loop3A_271 {add = true, strides = array<i32>} : memref<22x768xf32, #tpu.memory_space<vmem>>, vector<1x16xf32>,
        %parallel_loop3A_272 = arith.index_cast %parallel_loop3A_199 : i32 to index
        %parallel_loop3A_273 = arith.constant 128 : index
        %parallel_loop3A_274 = tpu.vector_load %arg7[%parallel_loop3A_272, %parallel_loop3A_273] {strides = array<i32>} : memref<77x768xf32, #tpu.memory_space<vmem>>, vector<1x16xf32>,
        %parallel_loop3A_275 = vector.shape_cast %parallel_loop3A_274 : vector<1x16xf32> to vector<16xf32>
        %parallel_loop3A_276 = arith.index_cast %parallel_loop3A_193 : i32 to index
        %parallel_loop3A_277 = arith.constant 128 : index
        %parallel_loop3A_278 = tpu.vector_load %arg11[%parallel_loop3A_276, %parallel_loop3A_277] {strides = array<i32>} : memref<22x768xf32, #tpu.memory_space<vmem>>, vector<1x16xf32>,
        %parallel_loop3A_279 = vector.shape_cast %parallel_loop3A_278 : vector<1x16xf32> to vector<16xf32>
        %parallel_loop3A_280 = vector.shape_cast %parallel_loop3A_275 : vector<16xf32> to vector<1x16xf32>
        tpu.vector_store %arg11[%parallel_loop3A_276, %parallel_loop3A_277], %parallel_loop3A_280 {add = true, strides = array<i32>} : memref<22x768xf32, #tpu.memory_space<vmem>>, vector<1x16xf32>,
        %parallel_loop3A_281 = arith.index_cast %parallel_loop3A_199 : i32 to index
        %parallel_loop3A_282 = arith.constant 144 : index
        %parallel_loop3A_283 = tpu.vector_load %arg7[%parallel_loop3A_281, %parallel_loop3A_282] {strides = array<i32>} : memref<77x768xf32, #tpu.memory_space<vmem>>, vector<1x16xf32>,
        %parallel_loop3A_284 = vector.shape_cast %parallel_loop3A_283 : vector<1x16xf32> to vector<16xf32>
        %parallel_loop3A_285 = arith.index_cast %parallel_loop3A_193 : i32 to index
        %parallel_loop3A_286 = arith.constant 144 : index
        %parallel_loop3A_287 = tpu.vector_load %arg11[%parallel_loop3A_285, %parallel_loop3A_286] {strides = array<i32>} : memref<22x768xf32, #tpu.memory_space<vmem>>, vector<1x16xf32>,
        %parallel_loop3A_288 = vector.shape_cast %parallel_loop3A_287 : vector<1x16xf32> to vector<16xf32>
        %parallel_loop3A_289 = vector.shape_cast %parallel_loop3A_284 : vector<16xf32> to vector<1x16xf32>
        tpu.vector_store %arg11[%parallel_loop3A_285, %parallel_loop3A_286], %parallel_loop3A_289 {add = true, strides = array<i32>} : memref<22x768xf32, #tpu.memory_space<vmem>>, vector<1x16xf32>,
        %parallel_loop3A_290 = arith.index_cast %parallel_loop3A_199 : i32 to index
        %parallel_loop3A_291 = arith.constant 160 : index
        %parallel_loop3A_292 = tpu.vector_load %arg7[%parallel_loop3A_290, %parallel_loop3A_291] {strides = array<i32>} : memref<77x768xf32, #tpu.memory_space<vmem>>, vector<1x16xf32>,
        %parallel_loop3A_293 = vector.shape_cast %parallel_loop3A_292 : vector<1x16xf32> to vector<16xf32>
        %parallel_loop3A_294 = arith.index_cast %parallel_loop3A_193 : i32 to index
        %parallel_loop3A_295 = arith.constant 160 : index
        %parallel_loop3A_296 = tpu.vector_load %arg11[%parallel_loop3A_294, %parallel_loop3A_295] {strides = array<i32>} : memref<22x768xf32, #tpu.memory_space<vmem>>, vector<1x16xf32>,
        %parallel_loop3A_297 = vector.shape_cast %parallel_loop3A_296 : vector<1x16xf32> to vector<16xf32>
        %parallel_loop3A_298 = vector.shape_cast %parallel_loop3A_293 : vector<16xf32> to vector<1x16xf32>
        tpu.vector_store %arg11[%parallel_loop3A_294, %parallel_loop3A_295], %parallel_loop3A_298 {add = true, strides = array<i32>} : memref<22x768xf32, #tpu.memory_space<vmem>>, vector<1x16xf32>,
        %parallel_loop3A_299 = arith.index_cast %parallel_loop3A_199 : i32 to index
        %parallel_loop3A_300 = arith.constant 176 : index
        %parallel_loop3A_301 = tpu.vector_load %arg7[%parallel_loop3A_299, %parallel_loop3A_300] {strides = array<i32>} : memref<77x768xf32, #tpu.memory_space<vmem>>, vector<1x16xf32>,
        %parallel_loop3A_302 = vector.shape_cast %parallel_loop3A_301 : vector<1x16xf32> to vector<16xf32>
        %parallel_loop3A_303 = arith.index_cast %parallel_loop3A_193 : i32 to index
        %parallel_loop3A_304 = arith.constant 176 : index
        %parallel_loop3A_305 = tpu.vector_load %arg11[%parallel_loop3A_303, %parallel_loop3A_304] {strides = array<i32>} : memref<22x768xf32, #tpu.memory_space<vmem>>, vector<1x16xf32>,
        %parallel_loop3A_306 = vector.shape_cast %parallel_loop3A_305 : vector<1x16xf32> to vector<16xf32>
        %parallel_loop3A_307 = vector.shape_cast %parallel_loop3A_302 : vector<16xf32> to vector<1x16xf32>
        tpu.vector_store %arg11[%parallel_loop3A_303, %parallel_loop3A_304], %parallel_loop3A_307 {add = true, strides = array<i32>} : memref<22x768xf32, #tpu.memory_space<vmem>>, vector<1x16xf32>,
        %parallel_loop3A_308 = arith.index_cast %parallel_loop3A_199 : i32 to index
        %parallel_loop3A_309 = arith.constant 192 : index
        %parallel_loop3A_310 = tpu.vector_load %arg7[%parallel_loop3A_308, %parallel_loop3A_309] {strides = array<i32>} : memref<77x768xf32, #tpu.memory_space<vmem>>, vector<1x16xf32>,
        %parallel_loop3A_311 = vector.shape_cast %parallel_loop3A_310 : vector<1x16xf32> to vector<16xf32>
        %parallel_loop3A_312 = arith.index_cast %parallel_loop3A_193 : i32 to index
        %parallel_loop3A_313 = arith.constant 192 : index
        %parallel_loop3A_314 = tpu.vector_load %arg11[%parallel_loop3A_312, %parallel_loop3A_313] {strides = array<i32>} : memref<22x768xf32, #tpu.memory_space<vmem>>, vector<1x16xf32>,
        %parallel_loop3A_315 = vector.shape_cast %parallel_loop3A_314 : vector<1x16xf32> to vector<16xf32>
        %parallel_loop3A_316 = vector.shape_cast %parallel_loop3A_311 : vector<16xf32> to vector<1x16xf32>
        tpu.vector_store %arg11[%parallel_loop3A_312, %parallel_loop3A_313], %parallel_loop3A_316 {add = true, strides = array<i32>} : memref<22x768xf32, #tpu.memory_space<vmem>>, vector<1x16xf32>,
        %parallel_loop3A_317 = arith.index_cast %parallel_loop3A_199 : i32 to index
        %parallel_loop3A_318 = arith.constant 208 : index
        %parallel_loop3A_319 = tpu.vector_load %arg7[%parallel_loop3A_317, %parallel_loop3A_318] {strides = array<i32>} : memref<77x768xf32, #tpu.memory_space<vmem>>, vector<1x16xf32>,
        %parallel_loop3A_320 = vector.shape_cast %parallel_loop3A_319 : vector<1x16xf32> to vector<16xf32>
        %parallel_loop3A_321 = arith.index_cast %parallel_loop3A_193 : i32 to index
        %parallel_loop3A_322 = arith.constant 208 : index
        %parallel_loop3A_323 = tpu.vector_load %arg11[%parallel_loop3A_321, %parallel_loop3A_322] {strides = array<i32>} : memref<22x768xf32, #tpu.memory_space<vmem>>, vector<1x16xf32>,
        %parallel_loop3A_324 = vector.shape_cast %parallel_loop3A_323 : vector<1x16xf32> to vector<16xf32>
        %parallel_loop3A_325 = vector.shape_cast %parallel_loop3A_320 : vector<16xf32> to vector<1x16xf32>
        tpu.vector_store %arg11[%parallel_loop3A_321, %parallel_loop3A_322], %parallel_loop3A_325 {add = true, strides = array<i32>} : memref<22x768xf32, #tpu.memory_space<vmem>>, vector<1x16xf32>,
        %parallel_loop3A_326 = arith.index_cast %parallel_loop3A_199 : i32 to index
        %parallel_loop3A_327 = arith.constant 224 : index
        %parallel_loop3A_328 = tpu.vector_load %arg7[%parallel_loop3A_326, %parallel_loop3A_327] {strides = array<i32>} : memref<77x768xf32, #tpu.memory_space<vmem>>, vector<1x16xf32>,
        %parallel_loop3A_329 = vector.shape_cast %parallel_loop3A_328 : vector<1x16xf32> to vector<16xf32>
        %parallel_loop3A_330 = arith.index_cast %parallel_loop3A_193 : i32 to index
        %parallel_loop3A_331 = arith.constant 224 : index
        %parallel_loop3A_332 = tpu.vector_load %arg11[%parallel_loop3A_330, %parallel_loop3A_331] {strides = array<i32>} : memref<22x768xf32, #tpu.memory_space<vmem>>, vector<1x16xf32>,
        %parallel_loop3A_333 = vector.shape_cast %parallel_loop3A_332 : vector<1x16xf32> to vector<16xf32>
        %parallel_loop3A_334 = vector.shape_cast %parallel_loop3A_329 : vector<16xf32> to vector<1x16xf32>
        tpu.vector_store %arg11[%parallel_loop3A_330, %parallel_loop3A_331], %parallel_loop3A_334 {add = true, strides = array<i32>} : memref<22x768xf32, #tpu.memory_space<vmem>>, vector<1x16xf32>,
        %parallel_loop3A_335 = arith.index_cast %parallel_loop3A_199 : i32 to index
        %parallel_loop3A_336 = arith.constant 240 : index
        %parallel_loop3A_337 = tpu.vector_load %arg7[%parallel_loop3A_335, %parallel_loop3A_336] {strides = array<i32>} : memref<77x768xf32, #tpu.memory_space<vmem>>, vector<1x16xf32>,
        %parallel_loop3A_338 = vector.shape_cast %parallel_loop3A_337 : vector<1x16xf32> to vector<16xf32>
        %parallel_loop3A_339 = arith.index_cast %parallel_loop3A_193 : i32 to index
        %parallel_loop3A_340 = arith.constant 240 : index
        %parallel_loop3A_341 = tpu.vector_load %arg11[%parallel_loop3A_339, %parallel_loop3A_340] {strides = array<i32>} : memref<22x768xf32, #tpu.memory_space<vmem>>, vector<1x16xf32>,
        %parallel_loop3A_342 = vector.shape_cast %parallel_loop3A_341 : vector<1x16xf32> to vector<16xf32>
        %parallel_loop3A_343 = vector.shape_cast %parallel_loop3A_338 : vector<16xf32> to vector<1x16xf32>
        tpu.vector_store %arg11[%parallel_loop3A_339, %parallel_loop3A_340], %parallel_loop3A_343 {add = true, strides = array<i32>} : memref<22x768xf32, #tpu.memory_space<vmem>>, vector<1x16xf32>,
        %parallel_loop3A_344 = arith.index_cast %parallel_loop3A_199 : i32 to index
        %parallel_loop3A_345 = arith.constant 256 : index
        %parallel_loop3A_346 = tpu.vector_load %arg7[%parallel_loop3A_344, %parallel_loop3A_345] {strides = array<i32>} : memref<77x768xf32, #tpu.memory_space<vmem>>, vector<1x16xf32>,
        %parallel_loop3A_347 = vector.shape_cast %parallel_loop3A_346 : vector<1x16xf32> to vector<16xf32>
        %parallel_loop3A_348 = arith.index_cast %parallel_loop3A_193 : i32 to index
        %parallel_loop3A_349 = arith.constant 256 : index
        %parallel_loop3A_350 = tpu.vector_load %arg11[%parallel_loop3A_348, %parallel_loop3A_349] {strides = array<i32>} : memref<22x768xf32, #tpu.memory_space<vmem>>, vector<1x16xf32>,
        %parallel_loop3A_351 = vector.shape_cast %parallel_loop3A_350 : vector<1x16xf32> to vector<16xf32>
        %parallel_loop3A_352 = vector.shape_cast %parallel_loop3A_347 : vector<16xf32> to vector<1x16xf32>
        tpu.vector_store %arg11[%parallel_loop3A_348, %parallel_loop3A_349], %parallel_loop3A_352 {add = true, strides = array<i32>} : memref<22x768xf32, #tpu.memory_space<vmem>>, vector<1x16xf32>,
        %parallel_loop3A_353 = arith.index_cast %parallel_loop3A_199 : i32 to index
        %parallel_loop3A_354 = arith.constant 272 : index
        %parallel_loop3A_355 = tpu.vector_load %arg7[%parallel_loop3A_353, %parallel_loop3A_354] {strides = array<i32>} : memref<77x768xf32, #tpu.memory_space<vmem>>, vector<1x16xf32>,
        %parallel_loop3A_356 = vector.shape_cast %parallel_loop3A_355 : vector<1x16xf32> to vector<16xf32>
        %parallel_loop3A_357 = arith.index_cast %parallel_loop3A_193 : i32 to index
        %parallel_loop3A_358 = arith.constant 272 : index
        %parallel_loop3A_359 = tpu.vector_load %arg11[%parallel_loop3A_357, %parallel_loop3A_358] {strides = array<i32>} : memref<22x768xf32, #tpu.memory_space<vmem>>, vector<1x16xf32>,
        %parallel_loop3A_360 = vector.shape_cast %parallel_loop3A_359 : vector<1x16xf32> to vector<16xf32>
        %parallel_loop3A_361 = vector.shape_cast %parallel_loop3A_356 : vector<16xf32> to vector<1x16xf32>
        tpu.vector_store %arg11[%parallel_loop3A_357, %parallel_loop3A_358], %parallel_loop3A_361 {add = true, strides = array<i32>} : memref<22x768xf32, #tpu.memory_space<vmem>>, vector<1x16xf32>,
        %parallel_loop3A_362 = arith.index_cast %parallel_loop3A_199 : i32 to index
        %parallel_loop3A_363 = arith.constant 288 : index
        %parallel_loop3A_364 = tpu.vector_load %arg7[%parallel_loop3A_362, %parallel_loop3A_363] {strides = array<i32>} : memref<77x768xf32, #tpu.memory_space<vmem>>, vector<1x16xf32>,
        %parallel_loop3A_365 = vector.shape_cast %parallel_loop3A_364 : vector<1x16xf32> to vector<16xf32>
        %parallel_loop3A_366 = arith.index_cast %parallel_loop3A_193 : i32 to index
        %parallel_loop3A_367 = arith.constant 288 : index
        %parallel_loop3A_368 = tpu.vector_load %arg11[%parallel_loop3A_366, %parallel_loop3A_367] {strides = array<i32>} : memref<22x768xf32, #tpu.memory_space<vmem>>, vector<1x16xf32>,
        %parallel_loop3A_369 = vector.shape_cast %parallel_loop3A_368 : vector<1x16xf32> to vector<16xf32>
        %parallel_loop3A_370 = vector.shape_cast %parallel_loop3A_365 : vector<16xf32> to vector<1x16xf32>
        tpu.vector_store %arg11[%parallel_loop3A_366, %parallel_loop3A_367], %parallel_loop3A_370 {add = true, strides = array<i32>} : memref<22x768xf32, #tpu.memory_space<vmem>>, vector<1x16xf32>,
        %parallel_loop3A_371 = arith.index_cast %parallel_loop3A_199 : i32 to index
        %parallel_loop3A_372 = arith.constant 304 : index
        %parallel_loop3A_373 = tpu.vector_load %arg7[%parallel_loop3A_371, %parallel_loop3A_372] {strides = array<i32>} : memref<77x768xf32, #tpu.memory_space<vmem>>, vector<1x16xf32>,
        %parallel_loop3A_374 = vector.shape_cast %parallel_loop3A_373 : vector<1x16xf32> to vector<16xf32>
        %parallel_loop3A_375 = arith.index_cast %parallel_loop3A_193 : i32 to index
        %parallel_loop3A_376 = arith.constant 304 : index
        %parallel_loop3A_377 = tpu.vector_load %arg11[%parallel_loop3A_375, %parallel_loop3A_376] {strides = array<i32>} : memref<22x768xf32, #tpu.memory_space<vmem>>, vector<1x16xf32>,
        %parallel_loop3A_378 = vector.shape_cast %parallel_loop3A_377 : vector<1x16xf32> to vector<16xf32>
        %parallel_loop3A_379 = vector.shape_cast %parallel_loop3A_374 : vector<16xf32> to vector<1x16xf32>
        tpu.vector_store %arg11[%parallel_loop3A_375, %parallel_loop3A_376], %parallel_loop3A_379 {add = true, strides = array<i32>} : memref<22x768xf32, #tpu.memory_space<vmem>>, vector<1x16xf32>,
        %parallel_loop3A_380 = arith.index_cast %parallel_loop3A_199 : i32 to index
        %parallel_loop3A_381 = arith.constant 320 : index
        %parallel_loop3A_382 = tpu.vector_load %arg7[%parallel_loop3A_380, %parallel_loop3A_381] {strides = array<i32>} : memref<77x768xf32, #tpu.memory_space<vmem>>, vector<1x16xf32>,
        %parallel_loop3A_383 = vector.shape_cast %parallel_loop3A_382 : vector<1x16xf32> to vector<16xf32>
        %parallel_loop3A_384 = arith.index_cast %parallel_loop3A_193 : i32 to index
        %parallel_loop3A_385 = arith.constant 320 : index
        %parallel_loop3A_386 = tpu.vector_load %arg11[%parallel_loop3A_384, %parallel_loop3A_385] {strides = array<i32>} : memref<22x768xf32, #tpu.memory_space<vmem>>, vector<1x16xf32>,
        %parallel_loop3A_387 = vector.shape_cast %parallel_loop3A_386 : vector<1x16xf32> to vector<16xf32>
        %parallel_loop3A_388 = vector.shape_cast %parallel_loop3A_383 : vector<16xf32> to vector<1x16xf32>
        tpu.vector_store %arg11[%parallel_loop3A_384, %parallel_loop3A_385], %parallel_loop3A_388 {add = true, strides = array<i32>} : memref<22x768xf32, #tpu.memory_space<vmem>>, vector<1x16xf32>,
        %parallel_loop3A_389 = arith.index_cast %parallel_loop3A_199 : i32 to index
        %parallel_loop3A_390 = arith.constant 336 : index
        %parallel_loop3A_391 = tpu.vector_load %arg7[%parallel_loop3A_389, %parallel_loop3A_390] {strides = array<i32>} : memref<77x768xf32, #tpu.memory_space<vmem>>, vector<1x16xf32>,
        %parallel_loop3A_392 = vector.shape_cast %parallel_loop3A_391 : vector<1x16xf32> to vector<16xf32>
        %parallel_loop3A_393 = arith.index_cast %parallel_loop3A_193 : i32 to index
        %parallel_loop3A_394 = arith.constant 336 : index
        %parallel_loop3A_395 = tpu.vector_load %arg11[%parallel_loop3A_393, %parallel_loop3A_394] {strides = array<i32>} : memref<22x768xf32, #tpu.memory_space<vmem>>, vector<1x16xf32>,
        %parallel_loop3A_396 = vector.shape_cast %parallel_loop3A_395 : vector<1x16xf32> to vector<16xf32>
        %parallel_loop3A_397 = vector.shape_cast %parallel_loop3A_392 : vector<16xf32> to vector<1x16xf32>
        tpu.vector_store %arg11[%parallel_loop3A_393, %parallel_loop3A_394], %parallel_loop3A_397 {add = true, strides = array<i32>} : memref<22x768xf32, #tpu.memory_space<vmem>>, vector<1x16xf32>,
        %parallel_loop3A_398 = arith.index_cast %parallel_loop3A_199 : i32 to index
        %parallel_loop3A_399 = arith.constant 352 : index
        %parallel_loop3A_400 = tpu.vector_load %arg7[%parallel_loop3A_398, %parallel_loop3A_399] {strides = array<i32>} : memref<77x768xf32, #tpu.memory_space<vmem>>, vector<1x16xf32>,
        %parallel_loop3A_401 = vector.shape_cast %parallel_loop3A_400 : vector<1x16xf32> to vector<16xf32>
        %parallel_loop3A_402 = arith.index_cast %parallel_loop3A_193 : i32 to index
        %parallel_loop3A_403 = arith.constant 352 : index
        %parallel_loop3A_404 = tpu.vector_load %arg11[%parallel_loop3A_402, %parallel_loop3A_403] {strides = array<i32>} : memref<22x768xf32, #tpu.memory_space<vmem>>, vector<1x16xf32>,
        %parallel_loop3A_405 = vector.shape_cast %parallel_loop3A_404 : vector<1x16xf32> to vector<16xf32>
        %parallel_loop3A_406 = vector.shape_cast %parallel_loop3A_401 : vector<16xf32> to vector<1x16xf32>
        tpu.vector_store %arg11[%parallel_loop3A_402, %parallel_loop3A_403], %parallel_loop3A_406 {add = true, strides = array<i32>} : memref<22x768xf32, #tpu.memory_space<vmem>>, vector<1x16xf32>,
        %parallel_loop3A_407 = arith.index_cast %parallel_loop3A_199 : i32 to index
        %parallel_loop3A_408 = arith.constant 368 : index
        %parallel_loop3A_409 = tpu.vector_load %arg7[%parallel_loop3A_407, %parallel_loop3A_408] {strides = array<i32>} : memref<77x768xf32, #tpu.memory_space<vmem>>, vector<1x16xf32>,
        %parallel_loop3A_410 = vector.shape_cast %parallel_loop3A_409 : vector<1x16xf32> to vector<16xf32>
        %parallel_loop3A_411 = arith.index_cast %parallel_loop3A_193 : i32 to index
        %parallel_loop3A_412 = arith.constant 368 : index
        %parallel_loop3A_413 = tpu.vector_load %arg11[%parallel_loop3A_411, %parallel_loop3A_412] {strides = array<i32>} : memref<22x768xf32, #tpu.memory_space<vmem>>, vector<1x16xf32>,
        %parallel_loop3A_414 = vector.shape_cast %parallel_loop3A_413 : vector<1x16xf32> to vector<16xf32>
        %parallel_loop3A_415 = vector.shape_cast %parallel_loop3A_410 : vector<16xf32> to vector<1x16xf32>
        tpu.vector_store %arg11[%parallel_loop3A_411, %parallel_loop3A_412], %parallel_loop3A_415 {add = true, strides = array<i32>} : memref<22x768xf32, #tpu.memory_space<vmem>>, vector<1x16xf32>,
        %parallel_loop3A_416 = arith.index_cast %parallel_loop3A_199 : i32 to index
        %parallel_loop3A_417 = arith.constant 384 : index
        %parallel_loop3A_418 = tpu.vector_load %arg7[%parallel_loop3A_416, %parallel_loop3A_417] {strides = array<i32>} : memref<77x768xf32, #tpu.memory_space<vmem>>, vector<1x16xf32>,
        %parallel_loop3A_419 = vector.shape_cast %parallel_loop3A_418 : vector<1x16xf32> to vector<16xf32>
        %parallel_loop3A_420 = arith.index_cast %parallel_loop3A_193 : i32 to index
        %parallel_loop3A_421 = arith.constant 384 : index
        %parallel_loop3A_422 = tpu.vector_load %arg11[%parallel_loop3A_420, %parallel_loop3A_421] {strides = array<i32>} : memref<22x768xf32, #tpu.memory_space<vmem>>, vector<1x16xf32>,
        %parallel_loop3A_423 = vector.shape_cast %parallel_loop3A_422 : vector<1x16xf32> to vector<16xf32>
        %parallel_loop3A_424 = vector.shape_cast %parallel_loop3A_419 : vector<16xf32> to vector<1x16xf32>
        tpu.vector_store %arg11[%parallel_loop3A_420, %parallel_loop3A_421], %parallel_loop3A_424 {add = true, strides = array<i32>} : memref<22x768xf32, #tpu.memory_space<vmem>>, vector<1x16xf32>,
        %parallel_loop3A_425 = arith.index_cast %parallel_loop3A_199 : i32 to index
        %parallel_loop3A_426 = arith.constant 400 : index
        %parallel_loop3A_427 = tpu.vector_load %arg7[%parallel_loop3A_425, %parallel_loop3A_426] {strides = array<i32>} : memref<77x768xf32, #tpu.memory_space<vmem>>, vector<1x16xf32>,
        %parallel_loop3A_428 = vector.shape_cast %parallel_loop3A_427 : vector<1x16xf32> to vector<16xf32>
        %parallel_loop3A_429 = arith.index_cast %parallel_loop3A_193 : i32 to index
        %parallel_loop3A_430 = arith.constant 400 : index
        %parallel_loop3A_431 = tpu.vector_load %arg11[%parallel_loop3A_429, %parallel_loop3A_430] {strides = array<i32>} : memref<22x768xf32, #tpu.memory_space<vmem>>, vector<1x16xf32>,
        %parallel_loop3A_432 = vector.shape_cast %parallel_loop3A_431 : vector<1x16xf32> to vector<16xf32>
        %parallel_loop3A_433 = vector.shape_cast %parallel_loop3A_428 : vector<16xf32> to vector<1x16xf32>
        tpu.vector_store %arg11[%parallel_loop3A_429, %parallel_loop3A_430], %parallel_loop3A_433 {add = true, strides = array<i32>} : memref<22x768xf32, #tpu.memory_space<vmem>>, vector<1x16xf32>,
        %parallel_loop3A_434 = arith.index_cast %parallel_loop3A_199 : i32 to index
        %parallel_loop3A_435 = arith.constant 416 : index
        %parallel_loop3A_436 = tpu.vector_load %arg7[%parallel_loop3A_434, %parallel_loop3A_435] {strides = array<i32>} : memref<77x768xf32, #tpu.memory_space<vmem>>, vector<1x16xf32>,
        %parallel_loop3A_437 = vector.shape_cast %parallel_loop3A_436 : vector<1x16xf32> to vector<16xf32>
        %parallel_loop3A_438 = arith.index_cast %parallel_loop3A_193 : i32 to index
        %parallel_loop3A_439 = arith.constant 416 : index
        %parallel_loop3A_440 = tpu.vector_load %arg11[%parallel_loop3A_438, %parallel_loop3A_439] {strides = array<i32>} : memref<22x768xf32, #tpu.memory_space<vmem>>, vector<1x16xf32>,
        %parallel_loop3A_441 = vector.shape_cast %parallel_loop3A_440 : vector<1x16xf32> to vector<16xf32>
        %parallel_loop3A_442 = vector.shape_cast %parallel_loop3A_437 : vector<16xf32> to vector<1x16xf32>
        tpu.vector_store %arg11[%parallel_loop3A_438, %parallel_loop3A_439], %parallel_loop3A_442 {add = true, strides = array<i32>} : memref<22x768xf32, #tpu.memory_space<vmem>>, vector<1x16xf32>,
        %parallel_loop3A_443 = arith.index_cast %parallel_loop3A_199 : i32 to index
        %parallel_loop3A_444 = arith.constant 432 : index
        %parallel_loop3A_445 = tpu.vector_load %arg7[%parallel_loop3A_443, %parallel_loop3A_444] {strides = array<i32>} : memref<77x768xf32, #tpu.memory_space<vmem>>, vector<1x16xf32>,
        %parallel_loop3A_446 = vector.shape_cast %parallel_loop3A_445 : vector<1x16xf32> to vector<16xf32>
        %parallel_loop3A_447 = arith.index_cast %parallel_loop3A_193 : i32 to index
        %parallel_loop3A_448 = arith.constant 432 : index
        %parallel_loop3A_449 = tpu.vector_load %arg11[%parallel_loop3A_447, %parallel_loop3A_448] {strides = array<i32>} : memref<22x768xf32, #tpu.memory_space<vmem>>, vector<1x16xf32>,
        %parallel_loop3A_450 = vector.shape_cast %parallel_loop3A_449 : vector<1x16xf32> to vector<16xf32>
        %parallel_loop3A_451 = vector.shape_cast %parallel_loop3A_446 : vector<16xf32> to vector<1x16xf32>
        tpu.vector_store %arg11[%parallel_loop3A_447, %parallel_loop3A_448], %parallel_loop3A_451 {add = true, strides = array<i32>} : memref<22x768xf32, #tpu.memory_space<vmem>>, vector<1x16xf32>,
        %parallel_loop3A_452 = arith.index_cast %parallel_loop3A_199 : i32 to index
        %parallel_loop3A_453 = arith.constant 448 : index
        %parallel_loop3A_454 = tpu.vector_load %arg7[%parallel_loop3A_452, %parallel_loop3A_453] {strides = array<i32>} : memref<77x768xf32, #tpu.memory_space<vmem>>, vector<1x16xf32>,
        %parallel_loop3A_455 = vector.shape_cast %parallel_loop3A_454 : vector<1x16xf32> to vector<16xf32>
        %parallel_loop3A_456 = arith.index_cast %parallel_loop3A_193 : i32 to index
        %parallel_loop3A_457 = arith.constant 448 : index
        %parallel_loop3A_458 = tpu.vector_load %arg11[%parallel_loop3A_456, %parallel_loop3A_457] {strides = array<i32>} : memref<22x768xf32, #tpu.memory_space<vmem>>, vector<1x16xf32>,
        %parallel_loop3A_459 = vector.shape_cast %parallel_loop3A_458 : vector<1x16xf32> to vector<16xf32>
        %parallel_loop3A_460 = vector.shape_cast %parallel_loop3A_455 : vector<16xf32> to vector<1x16xf32>
        tpu.vector_store %arg11[%parallel_loop3A_456, %parallel_loop3A_457], %parallel_loop3A_460 {add = true, strides = array<i32>} : memref<22x768xf32, #tpu.memory_space<vmem>>, vector<1x16xf32>,
        %parallel_loop3A_461 = arith.index_cast %parallel_loop3A_199 : i32 to index
        %parallel_loop3A_462 = arith.constant 464 : index
        %parallel_loop3A_463 = tpu.vector_load %arg7[%parallel_loop3A_461, %parallel_loop3A_462] {strides = array<i32>} : memref<77x768xf32, #tpu.memory_space<vmem>>, vector<1x16xf32>,
        %parallel_loop3A_464 = vector.shape_cast %parallel_loop3A_463 : vector<1x16xf32> to vector<16xf32>
        %parallel_loop3A_465 = arith.index_cast %parallel_loop3A_193 : i32 to index
        %parallel_loop3A_466 = arith.constant 464 : index
        %parallel_loop3A_467 = tpu.vector_load %arg11[%parallel_loop3A_465, %parallel_loop3A_466] {strides = array<i32>} : memref<22x768xf32, #tpu.memory_space<vmem>>, vector<1x16xf32>,
        %parallel_loop3A_468 = vector.shape_cast %parallel_loop3A_467 : vector<1x16xf32> to vector<16xf32>
        %parallel_loop3A_469 = vector.shape_cast %parallel_loop3A_464 : vector<16xf32> to vector<1x16xf32>
        tpu.vector_store %arg11[%parallel_loop3A_465, %parallel_loop3A_466], %parallel_loop3A_469 {add = true, strides = array<i32>} : memref<22x768xf32, #tpu.memory_space<vmem>>, vector<1x16xf32>,
        %parallel_loop3A_470 = arith.index_cast %parallel_loop3A_199 : i32 to index
        %parallel_loop3A_471 = arith.constant 480 : index
        %parallel_loop3A_472 = tpu.vector_load %arg7[%parallel_loop3A_470, %parallel_loop3A_471] {strides = array<i32>} : memref<77x768xf32, #tpu.memory_space<vmem>>, vector<1x16xf32>,
        %parallel_loop3A_473 = vector.shape_cast %parallel_loop3A_472 : vector<1x16xf32> to vector<16xf32>
        %parallel_loop3A_474 = arith.index_cast %parallel_loop3A_193 : i32 to index
        %parallel_loop3A_475 = arith.constant 480 : index
        %parallel_loop3A_476 = tpu.vector_load %arg11[%parallel_loop3A_474, %parallel_loop3A_475] {strides = array<i32>} : memref<22x768xf32, #tpu.memory_space<vmem>>, vector<1x16xf32>,
        %parallel_loop3A_477 = vector.shape_cast %parallel_loop3A_476 : vector<1x16xf32> to vector<16xf32>
        %parallel_loop3A_478 = vector.shape_cast %parallel_loop3A_473 : vector<16xf32> to vector<1x16xf32>
        tpu.vector_store %arg11[%parallel_loop3A_474, %parallel_loop3A_475], %parallel_loop3A_478 {add = true, strides = array<i32>} : memref<22x768xf32, #tpu.memory_space<vmem>>, vector<1x16xf32>,
        %parallel_loop3A_479 = arith.index_cast %parallel_loop3A_199 : i32 to index
        %parallel_loop3A_480 = arith.constant 496 : index
        %parallel_loop3A_481 = tpu.vector_load %arg7[%parallel_loop3A_479, %parallel_loop3A_480] {strides = array<i32>} : memref<77x768xf32, #tpu.memory_space<vmem>>, vector<1x16xf32>,
        %parallel_loop3A_482 = vector.shape_cast %parallel_loop3A_481 : vector<1x16xf32> to vector<16xf32>
        %parallel_loop3A_483 = arith.index_cast %parallel_loop3A_193 : i32 to index
        %parallel_loop3A_484 = arith.constant 496 : index
        %parallel_loop3A_485 = tpu.vector_load %arg11[%parallel_loop3A_483, %parallel_loop3A_484] {strides = array<i32>} : memref<22x768xf32, #tpu.memory_space<vmem>>, vector<1x16xf32>,
        %parallel_loop3A_486 = vector.shape_cast %parallel_loop3A_485 : vector<1x16xf32> to vector<16xf32>
        %parallel_loop3A_487 = vector.shape_cast %parallel_loop3A_482 : vector<16xf32> to vector<1x16xf32>
        tpu.vector_store %arg11[%parallel_loop3A_483, %parallel_loop3A_484], %parallel_loop3A_487 {add = true, strides = array<i32>} : memref<22x768xf32, #tpu.memory_space<vmem>>, vector<1x16xf32>,
        %parallel_loop3A_488 = arith.index_cast %parallel_loop3A_199 : i32 to index
        %parallel_loop3A_489 = arith.constant 512 : index
        %parallel_loop3A_490 = tpu.vector_load %arg7[%parallel_loop3A_488, %parallel_loop3A_489] {strides = array<i32>} : memref<77x768xf32, #tpu.memory_space<vmem>>, vector<1x16xf32>,
        %parallel_loop3A_491 = vector.shape_cast %parallel_loop3A_490 : vector<1x16xf32> to vector<16xf32>
        %parallel_loop3A_492 = arith.index_cast %parallel_loop3A_193 : i32 to index
        %parallel_loop3A_493 = arith.constant 512 : index
        %parallel_loop3A_494 = tpu.vector_load %arg11[%parallel_loop3A_492, %parallel_loop3A_493] {strides = array<i32>} : memref<22x768xf32, #tpu.memory_space<vmem>>, vector<1x16xf32>,
        %parallel_loop3A_495 = vector.shape_cast %parallel_loop3A_494 : vector<1x16xf32> to vector<16xf32>
        %parallel_loop3A_496 = vector.shape_cast %parallel_loop3A_491 : vector<16xf32> to vector<1x16xf32>
        tpu.vector_store %arg11[%parallel_loop3A_492, %parallel_loop3A_493], %parallel_loop3A_496 {add = true, strides = array<i32>} : memref<22x768xf32, #tpu.memory_space<vmem>>, vector<1x16xf32>,
        %parallel_loop3A_497 = arith.index_cast %parallel_loop3A_199 : i32 to index
        %parallel_loop3A_498 = arith.constant 528 : index
        %parallel_loop3A_499 = tpu.vector_load %arg7[%parallel_loop3A_497, %parallel_loop3A_498] {strides = array<i32>} : memref<77x768xf32, #tpu.memory_space<vmem>>, vector<1x16xf32>,
        %parallel_loop3A_500 = vector.shape_cast %parallel_loop3A_499 : vector<1x16xf32> to vector<16xf32>
        %parallel_loop3A_501 = arith.index_cast %parallel_loop3A_193 : i32 to index
        %parallel_loop3A_502 = arith.constant 528 : index
        %parallel_loop3A_503 = tpu.vector_load %arg11[%parallel_loop3A_501, %parallel_loop3A_502] {strides = array<i32>} : memref<22x768xf32, #tpu.memory_space<vmem>>, vector<1x16xf32>,
        %parallel_loop3A_504 = vector.shape_cast %parallel_loop3A_503 : vector<1x16xf32> to vector<16xf32>
        %parallel_loop3A_505 = vector.shape_cast %parallel_loop3A_500 : vector<16xf32> to vector<1x16xf32>
        tpu.vector_store %arg11[%parallel_loop3A_501, %parallel_loop3A_502], %parallel_loop3A_505 {add = true, strides = array<i32>} : memref<22x768xf32, #tpu.memory_space<vmem>>, vector<1x16xf32>,
        %parallel_loop3A_506 = arith.index_cast %parallel_loop3A_199 : i32 to index
        %parallel_loop3A_507 = arith.constant 544 : index
        %parallel_loop3A_508 = tpu.vector_load %arg7[%parallel_loop3A_506, %parallel_loop3A_507] {strides = array<i32>} : memref<77x768xf32, #tpu.memory_space<vmem>>, vector<1x16xf32>,
        %parallel_loop3A_509 = vector.shape_cast %parallel_loop3A_508 : vector<1x16xf32> to vector<16xf32>
        %parallel_loop3A_510 = arith.index_cast %parallel_loop3A_193 : i32 to index
        %parallel_loop3A_511 = arith.constant 544 : index
        %parallel_loop3A_512 = tpu.vector_load %arg11[%parallel_loop3A_510, %parallel_loop3A_511] {strides = array<i32>} : memref<22x768xf32, #tpu.memory_space<vmem>>, vector<1x16xf32>,
        %parallel_loop3A_513 = vector.shape_cast %parallel_loop3A_512 : vector<1x16xf32> to vector<16xf32>
        %parallel_loop3A_514 = vector.shape_cast %parallel_loop3A_509 : vector<16xf32> to vector<1x16xf32>
        tpu.vector_store %arg11[%parallel_loop3A_510, %parallel_loop3A_511], %parallel_loop3A_514 {add = true, strides = array<i32>} : memref<22x768xf32, #tpu.memory_space<vmem>>, vector<1x16xf32>,
        %parallel_loop3A_515 = arith.index_cast %parallel_loop3A_199 : i32 to index
        %parallel_loop3A_516 = arith.constant 560 : index
        %parallel_loop3A_517 = tpu.vector_load %arg7[%parallel_loop3A_515, %parallel_loop3A_516] {strides = array<i32>} : memref<77x768xf32, #tpu.memory_space<vmem>>, vector<1x16xf32>,
        %parallel_loop3A_518 = vector.shape_cast %parallel_loop3A_517 : vector<1x16xf32> to vector<16xf32>
        %parallel_loop3A_519 = arith.index_cast %parallel_loop3A_193 : i32 to index
        %parallel_loop3A_520 = arith.constant 560 : index
        %parallel_loop3A_521 = tpu.vector_load %arg11[%parallel_loop3A_519, %parallel_loop3A_520] {strides = array<i32>} : memref<22x768xf32, #tpu.memory_space<vmem>>, vector<1x16xf32>,
        %parallel_loop3A_522 = vector.shape_cast %parallel_loop3A_521 : vector<1x16xf32> to vector<16xf32>
        %parallel_loop3A_523 = vector.shape_cast %parallel_loop3A_518 : vector<16xf32> to vector<1x16xf32>
        tpu.vector_store %arg11[%parallel_loop3A_519, %parallel_loop3A_520], %parallel_loop3A_523 {add = true, strides = array<i32>} : memref<22x768xf32, #tpu.memory_space<vmem>>, vector<1x16xf32>,
        %parallel_loop3A_524 = arith.index_cast %parallel_loop3A_199 : i32 to index
        %parallel_loop3A_525 = arith.constant 576 : index
        %parallel_loop3A_526 = tpu.vector_load %arg7[%parallel_loop3A_524, %parallel_loop3A_525] {strides = array<i32>} : memref<77x768xf32, #tpu.memory_space<vmem>>, vector<1x16xf32>,
        %parallel_loop3A_527 = vector.shape_cast %parallel_loop3A_526 : vector<1x16xf32> to vector<16xf32>
        %parallel_loop3A_528 = arith.index_cast %parallel_loop3A_193 : i32 to index
        %parallel_loop3A_529 = arith.constant 576 : index
        %parallel_loop3A_530 = tpu.vector_load %arg11[%parallel_loop3A_528, %parallel_loop3A_529] {strides = array<i32>} : memref<22x768xf32, #tpu.memory_space<vmem>>, vector<1x16xf32>,
        %parallel_loop3A_531 = vector.shape_cast %parallel_loop3A_530 : vector<1x16xf32> to vector<16xf32>
        %parallel_loop3A_532 = vector.shape_cast %parallel_loop3A_527 : vector<16xf32> to vector<1x16xf32>
        tpu.vector_store %arg11[%parallel_loop3A_528, %parallel_loop3A_529], %parallel_loop3A_532 {add = true, strides = array<i32>} : memref<22x768xf32, #tpu.memory_space<vmem>>, vector<1x16xf32>,
        %parallel_loop3A_533 = arith.index_cast %parallel_loop3A_199 : i32 to index
        %parallel_loop3A_534 = arith.constant 592 : index
        %parallel_loop3A_535 = tpu.vector_load %arg7[%parallel_loop3A_533, %parallel_loop3A_534] {strides = array<i32>} : memref<77x768xf32, #tpu.memory_space<vmem>>, vector<1x16xf32>,
        %parallel_loop3A_536 = vector.shape_cast %parallel_loop3A_535 : vector<1x16xf32> to vector<16xf32>
        %parallel_loop3A_537 = arith.index_cast %parallel_loop3A_193 : i32 to index
        %parallel_loop3A_538 = arith.constant 592 : index
        %parallel_loop3A_539 = tpu.vector_load %arg11[%parallel_loop3A_537, %parallel_loop3A_538] {strides = array<i32>} : memref<22x768xf32, #tpu.memory_space<vmem>>, vector<1x16xf32>,
        %parallel_loop3A_540 = vector.shape_cast %parallel_loop3A_539 : vector<1x16xf32> to vector<16xf32>
        %parallel_loop3A_541 = vector.shape_cast %parallel_loop3A_536 : vector<16xf32> to vector<1x16xf32>
        tpu.vector_store %arg11[%parallel_loop3A_537, %parallel_loop3A_538], %parallel_loop3A_541 {add = true, strides = array<i32>} : memref<22x768xf32, #tpu.memory_space<vmem>>, vector<1x16xf32>,
        %parallel_loop3A_542 = arith.index_cast %parallel_loop3A_199 : i32 to index
        %parallel_loop3A_543 = arith.constant 608 : index
        %parallel_loop3A_544 = tpu.vector_load %arg7[%parallel_loop3A_542, %parallel_loop3A_543] {strides = array<i32>} : memref<77x768xf32, #tpu.memory_space<vmem>>, vector<1x16xf32>,
        %parallel_loop3A_545 = vector.shape_cast %parallel_loop3A_544 : vector<1x16xf32> to vector<16xf32>
        %parallel_loop3A_546 = arith.index_cast %parallel_loop3A_193 : i32 to index
        %parallel_loop3A_547 = arith.constant 608 : index
        %parallel_loop3A_548 = tpu.vector_load %arg11[%parallel_loop3A_546, %parallel_loop3A_547] {strides = array<i32>} : memref<22x768xf32, #tpu.memory_space<vmem>>, vector<1x16xf32>,
        %parallel_loop3A_549 = vector.shape_cast %parallel_loop3A_548 : vector<1x16xf32> to vector<16xf32>
        %parallel_loop3A_550 = vector.shape_cast %parallel_loop3A_545 : vector<16xf32> to vector<1x16xf32>
        tpu.vector_store %arg11[%parallel_loop3A_546, %parallel_loop3A_547], %parallel_loop3A_550 {add = true, strides = array<i32>} : memref<22x768xf32, #tpu.memory_space<vmem>>, vector<1x16xf32>,
        %parallel_loop3A_551 = arith.index_cast %parallel_loop3A_199 : i32 to index
        %parallel_loop3A_552 = arith.constant 624 : index
        %parallel_loop3A_553 = tpu.vector_load %arg7[%parallel_loop3A_551, %parallel_loop3A_552] {strides = array<i32>} : memref<77x768xf32, #tpu.memory_space<vmem>>, vector<1x16xf32>,
        %parallel_loop3A_554 = vector.shape_cast %parallel_loop3A_553 : vector<1x16xf32> to vector<16xf32>
        %parallel_loop3A_555 = arith.index_cast %parallel_loop3A_193 : i32 to index
        %parallel_loop3A_556 = arith.constant 624 : index
        %parallel_loop3A_557 = tpu.vector_load %arg11[%parallel_loop3A_555, %parallel_loop3A_556] {strides = array<i32>} : memref<22x768xf32, #tpu.memory_space<vmem>>, vector<1x16xf32>,
        %parallel_loop3A_558 = vector.shape_cast %parallel_loop3A_557 : vector<1x16xf32> to vector<16xf32>
        %parallel_loop3A_559 = vector.shape_cast %parallel_loop3A_554 : vector<16xf32> to vector<1x16xf32>
        tpu.vector_store %arg11[%parallel_loop3A_555, %parallel_loop3A_556], %parallel_loop3A_559 {add = true, strides = array<i32>} : memref<22x768xf32, #tpu.memory_space<vmem>>, vector<1x16xf32>,
        %parallel_loop3A_560 = arith.index_cast %parallel_loop3A_199 : i32 to index
        %parallel_loop3A_561 = arith.constant 640 : index
        %parallel_loop3A_562 = tpu.vector_load %arg7[%parallel_loop3A_560, %parallel_loop3A_561] {strides = array<i32>} : memref<77x768xf32, #tpu.memory_space<vmem>>, vector<1x16xf32>,
        %parallel_loop3A_563 = vector.shape_cast %parallel_loop3A_562 : vector<1x16xf32> to vector<16xf32>
        %parallel_loop3A_564 = arith.index_cast %parallel_loop3A_193 : i32 to index
        %parallel_loop3A_565 = arith.constant 640 : index
        %parallel_loop3A_566 = tpu.vector_load %arg11[%parallel_loop3A_564, %parallel_loop3A_565] {strides = array<i32>} : memref<22x768xf32, #tpu.memory_space<vmem>>, vector<1x16xf32>,
        %parallel_loop3A_567 = vector.shape_cast %parallel_loop3A_566 : vector<1x16xf32> to vector<16xf32>
        %parallel_loop3A_568 = vector.shape_cast %parallel_loop3A_563 : vector<16xf32> to vector<1x16xf32>
        tpu.vector_store %arg11[%parallel_loop3A_564, %parallel_loop3A_565], %parallel_loop3A_568 {add = true, strides = array<i32>} : memref<22x768xf32, #tpu.memory_space<vmem>>, vector<1x16xf32>,
        %parallel_loop3A_569 = arith.index_cast %parallel_loop3A_199 : i32 to index
        %parallel_loop3A_570 = arith.constant 656 : index
        %parallel_loop3A_571 = tpu.vector_load %arg7[%parallel_loop3A_569, %parallel_loop3A_570] {strides = array<i32>} : memref<77x768xf32, #tpu.memory_space<vmem>>, vector<1x16xf32>,
        %parallel_loop3A_572 = vector.shape_cast %parallel_loop3A_571 : vector<1x16xf32> to vector<16xf32>
        %parallel_loop3A_573 = arith.index_cast %parallel_loop3A_193 : i32 to index
        %parallel_loop3A_574 = arith.constant 656 : index
        %parallel_loop3A_575 = tpu.vector_load %arg11[%parallel_loop3A_573, %parallel_loop3A_574] {strides = array<i32>} : memref<22x768xf32, #tpu.memory_space<vmem>>, vector<1x16xf32>,
        %parallel_loop3A_576 = vector.shape_cast %parallel_loop3A_575 : vector<1x16xf32> to vector<16xf32>
        %parallel_loop3A_577 = vector.shape_cast %parallel_loop3A_572 : vector<16xf32> to vector<1x16xf32>
        tpu.vector_store %arg11[%parallel_loop3A_573, %parallel_loop3A_574], %parallel_loop3A_577 {add = true, strides = array<i32>} : memref<22x768xf32, #tpu.memory_space<vmem>>, vector<1x16xf32>,
        %parallel_loop3A_578 = arith.index_cast %parallel_loop3A_199 : i32 to index
        %parallel_loop3A_579 = arith.constant 672 : index
        %parallel_loop3A_580 = tpu.vector_load %arg7[%parallel_loop3A_578, %parallel_loop3A_579] {strides = array<i32>} : memref<77x768xf32, #tpu.memory_space<vmem>>, vector<1x16xf32>,
        %parallel_loop3A_581 = vector.shape_cast %parallel_loop3A_580 : vector<1x16xf32> to vector<16xf32>
        %parallel_loop3A_582 = arith.index_cast %parallel_loop3A_193 : i32 to index
        %parallel_loop3A_583 = arith.constant 672 : index
        %parallel_loop3A_584 = tpu.vector_load %arg11[%parallel_loop3A_582, %parallel_loop3A_583] {strides = array<i32>} : memref<22x768xf32, #tpu.memory_space<vmem>>, vector<1x16xf32>,
        %parallel_loop3A_585 = vector.shape_cast %parallel_loop3A_584 : vector<1x16xf32> to vector<16xf32>
        %parallel_loop3A_586 = vector.shape_cast %parallel_loop3A_581 : vector<16xf32> to vector<1x16xf32>
        tpu.vector_store %arg11[%parallel_loop3A_582, %parallel_loop3A_583], %parallel_loop3A_586 {add = true, strides = array<i32>} : memref<22x768xf32, #tpu.memory_space<vmem>>, vector<1x16xf32>,
        %parallel_loop3A_587 = arith.index_cast %parallel_loop3A_199 : i32 to index
        %parallel_loop3A_588 = arith.constant 688 : index
        %parallel_loop3A_589 = tpu.vector_load %arg7[%parallel_loop3A_587, %parallel_loop3A_588] {strides = array<i32>} : memref<77x768xf32, #tpu.memory_space<vmem>>, vector<1x16xf32>,
        %parallel_loop3A_590 = vector.shape_cast %parallel_loop3A_589 : vector<1x16xf32> to vector<16xf32>
        %parallel_loop3A_591 = arith.index_cast %parallel_loop3A_193 : i32 to index
        %parallel_loop3A_592 = arith.constant 688 : index
        %parallel_loop3A_593 = tpu.vector_load %arg11[%parallel_loop3A_591, %parallel_loop3A_592] {strides = array<i32>} : memref<22x768xf32, #tpu.memory_space<vmem>>, vector<1x16xf32>,
        %parallel_loop3A_594 = vector.shape_cast %parallel_loop3A_593 : vector<1x16xf32> to vector<16xf32>
        %parallel_loop3A_595 = vector.shape_cast %parallel_loop3A_590 : vector<16xf32> to vector<1x16xf32>
        tpu.vector_store %arg11[%parallel_loop3A_591, %parallel_loop3A_592], %parallel_loop3A_595 {add = true, strides = array<i32>} : memref<22x768xf32, #tpu.memory_space<vmem>>, vector<1x16xf32>,
        %parallel_loop3A_596 = arith.index_cast %parallel_loop3A_199 : i32 to index
        %parallel_loop3A_597 = arith.constant 704 : index
        %parallel_loop3A_598 = tpu.vector_load %arg7[%parallel_loop3A_596, %parallel_loop3A_597] {strides = array<i32>} : memref<77x768xf32, #tpu.memory_space<vmem>>, vector<1x16xf32>,
        %parallel_loop3A_599 = vector.shape_cast %parallel_loop3A_598 : vector<1x16xf32> to vector<16xf32>
        %parallel_loop3A_600 = arith.index_cast %parallel_loop3A_193 : i32 to index
        %parallel_loop3A_601 = arith.constant 704 : index
        %parallel_loop3A_602 = tpu.vector_load %arg11[%parallel_loop3A_600, %parallel_loop3A_601] {strides = array<i32>} : memref<22x768xf32, #tpu.memory_space<vmem>>, vector<1x16xf32>,
        %parallel_loop3A_603 = vector.shape_cast %parallel_loop3A_602 : vector<1x16xf32> to vector<16xf32>
        %parallel_loop3A_604 = vector.shape_cast %parallel_loop3A_599 : vector<16xf32> to vector<1x16xf32>
        tpu.vector_store %arg11[%parallel_loop3A_600, %parallel_loop3A_601], %parallel_loop3A_604 {add = true, strides = array<i32>} : memref<22x768xf32, #tpu.memory_space<vmem>>, vector<1x16xf32>,
        %parallel_loop3A_605 = arith.index_cast %parallel_loop3A_199 : i32 to index
        %parallel_loop3A_606 = arith.constant 720 : index
        %parallel_loop3A_607 = tpu.vector_load %arg7[%parallel_loop3A_605, %parallel_loop3A_606] {strides = array<i32>} : memref<77x768xf32, #tpu.memory_space<vmem>>, vector<1x16xf32>,
        %parallel_loop3A_608 = vector.shape_cast %parallel_loop3A_607 : vector<1x16xf32> to vector<16xf32>
        %parallel_loop3A_609 = arith.index_cast %parallel_loop3A_193 : i32 to index
        %parallel_loop3A_610 = arith.constant 720 : index
        %parallel_loop3A_611 = tpu.vector_load %arg11[%parallel_loop3A_609, %parallel_loop3A_610] {strides = array<i32>} : memref<22x768xf32, #tpu.memory_space<vmem>>, vector<1x16xf32>,
        %parallel_loop3A_612 = vector.shape_cast %parallel_loop3A_611 : vector<1x16xf32> to vector<16xf32>
        %parallel_loop3A_613 = vector.shape_cast %parallel_loop3A_608 : vector<16xf32> to vector<1x16xf32>
        tpu.vector_store %arg11[%parallel_loop3A_609, %parallel_loop3A_610], %parallel_loop3A_613 {add = true, strides = array<i32>} : memref<22x768xf32, #tpu.memory_space<vmem>>, vector<1x16xf32>,
        %parallel_loop3A_614 = arith.index_cast %parallel_loop3A_199 : i32 to index
        %parallel_loop3A_615 = arith.constant 736 : index
        %parallel_loop3A_616 = tpu.vector_load %arg7[%parallel_loop3A_614, %parallel_loop3A_615] {strides = array<i32>} : memref<77x768xf32, #tpu.memory_space<vmem>>, vector<1x16xf32>,
        %parallel_loop3A_617 = vector.shape_cast %parallel_loop3A_616 : vector<1x16xf32> to vector<16xf32>
        %parallel_loop3A_618 = arith.index_cast %parallel_loop3A_193 : i32 to index
        %parallel_loop3A_619 = arith.constant 736 : index
        %parallel_loop3A_620 = tpu.vector_load %arg11[%parallel_loop3A_618, %parallel_loop3A_619] {strides = array<i32>} : memref<22x768xf32, #tpu.memory_space<vmem>>, vector<1x16xf32>,
        %parallel_loop3A_621 = vector.shape_cast %parallel_loop3A_620 : vector<1x16xf32> to vector<16xf32>
        %parallel_loop3A_622 = vector.shape_cast %parallel_loop3A_617 : vector<16xf32> to vector<1x16xf32>
        tpu.vector_store %arg11[%parallel_loop3A_618, %parallel_loop3A_619], %parallel_loop3A_622 {add = true, strides = array<i32>} : memref<22x768xf32, #tpu.memory_space<vmem>>, vector<1x16xf32>,
        %parallel_loop3A_623 = arith.index_cast %parallel_loop3A_199 : i32 to index
        %parallel_loop3A_624 = arith.constant 752 : index
        %parallel_loop3A_625 = tpu.vector_load %arg7[%parallel_loop3A_623, %parallel_loop3A_624] {strides = array<i32>} : memref<77x768xf32, #tpu.memory_space<vmem>>, vector<1x16xf32>,
        %parallel_loop3A_626 = vector.shape_cast %parallel_loop3A_625 : vector<1x16xf32> to vector<16xf32>
        %parallel_loop3A_627 = arith.index_cast %parallel_loop3A_193 : i32 to index
        %parallel_loop3A_628 = arith.constant 752 : index
        %parallel_loop3A_629 = tpu.vector_load %arg11[%parallel_loop3A_627, %parallel_loop3A_628] {strides = array<i32>} : memref<22x768xf32, #tpu.memory_space<vmem>>, vector<1x16xf32>,
        %parallel_loop3A_630 = vector.shape_cast %parallel_loop3A_629 : vector<1x16xf32> to vector<16xf32>
        %parallel_loop3A_631 = vector.shape_cast %parallel_loop3A_626 : vector<16xf32> to vector<1x16xf32>
        tpu.vector_store %arg11[%parallel_loop3A_627, %parallel_loop3A_628], %parallel_loop3A_631 {add = true, strides = array<i32>} : memref<22x768xf32, #tpu.memory_space<vmem>>, vector<1x16xf32>,
      } {sc.loop_unroll_factor = 2 : i64, sc.parallel_access}
      %mul3A_183 = arith.constant 22 : i32
      %mul3A_184 = arith.muli %add3A_159, %mul3A_183 : i32
      %add3A_185 = arith.addi %mul3A_2, %mul3A_184 : i32
      %dma_start3A_186 = arith.constant 3 : i32
      %dma_start3A_187 = arith.constant 0 : i32
      %dma_start3A_188 = tpu.memref_slice %arg5[%add3A_185, %dma_start3A_187] : memref<78848x768xf32, #tpu.memory_space<hbm>> -> memref<22x768xf32, #tpu.memory_space<hbm>>
      %dma_start3A_189 = tpu.memref_slice %arg13[%dma_start3A_186] : memref<4x!tpu.dma_semaphore, #tpu.memory_space<semaphore_mem>> -> memref<1x!tpu.dma_semaphore, #tpu.memory_space<semaphore_mem>>
      %dma_start3A_190 = tpu.memref_squeeze %dma_start3A_189 : memref<1x!tpu.dma_semaphore, #tpu.memory_space<semaphore_mem>> -> memref<!tpu.dma_semaphore, #tpu.memory_space<semaphore_mem>>
      %dma_start3A_191 = arith.constant 0 : i32
      %dma_start3A_192 = tpu.memref_slice %arg5[%add3A_185, %dma_start3A_191] : memref<78848x768xf32, #tpu.memory_space<hbm>> -> memref<22x768xf32, #tpu.memory_space<hbm>>
      tpu.enqueue_dma source(%arg11 : memref<22x768xf32, #tpu.memory_space<vmem>>) target(%dma_start3A_192 : memref<22x768xf32, #tpu.memory_space<hbm>>) target_semaphore(%dma_start3A_190 : memref<!tpu.dma_semaphore, #tpu.memory_space<semaphore_mem>>)
    }
    %scan3A_25 = arith.constant 28 : i32
    %dma_wait3A = arith.constant 0 : i32
    %dma_wait3A_26 = arith.constant 0 : i32
    %dma_wait3A_27 = tpu.memref_slice %arg5[%mul3A_2, %dma_wait3A_26] : memref<78848x768xf32, #tpu.memory_space<hbm>> -> memref<22x768xf32, #tpu.memory_space<hbm>>
    %dma_wait3A_28 = tpu.memref_slice %arg13[%dma_wait3A] : memref<4x!tpu.dma_semaphore, #tpu.memory_space<semaphore_mem>> -> memref<1x!tpu.dma_semaphore, #tpu.memory_space<semaphore_mem>>
    %dma_wait3A_29 = tpu.memref_squeeze %dma_wait3A_28 : memref<1x!tpu.dma_semaphore, #tpu.memory_space<semaphore_mem>> -> memref<!tpu.dma_semaphore, #tpu.memory_space<semaphore_mem>>
    %dma_wait3A_30 = arith.constant 0 : i32
    %dma_wait3A_31 = tpu.memref_slice %arg5[%mul3A_2, %dma_wait3A_30] : memref<78848x768xf32, #tpu.memory_space<hbm>> -> memref<22x768xf32, #tpu.memory_space<hbm>>
    tpu.wait_dma2 semaphore(%dma_wait3A_29 : memref<!tpu.dma_semaphore, #tpu.memory_space<semaphore_mem>>) src(%arg8 : memref<22x768xf32, #tpu.memory_space<vmem>>) dst(%dma_wait3A_31 : memref<22x768xf32, #tpu.memory_space<hbm>>)
    %dma_wait3A_32 = arith.constant 1 : i32
    %dma_wait3A_33 = arith.constant 0 : i32
    %dma_wait3A_34 = tpu.memref_slice %arg5[%mul3A_2, %dma_wait3A_33] : memref<78848x768xf32, #tpu.memory_space<hbm>> -> memref<22x768xf32, #tpu.memory_space<hbm>>
    %dma_wait3A_35 = tpu.memref_slice %arg13[%dma_wait3A_32] : memref<4x!tpu.dma_semaphore, #tpu.memory_space<semaphore_mem>> -> memref<1x!tpu.dma_semaphore, #tpu.memory_space<semaphore_mem>>
    %dma_wait3A_36 = tpu.memref_squeeze %dma_wait3A_35 : memref<1x!tpu.dma_semaphore, #tpu.memory_space<semaphore_mem>> -> memref<!tpu.dma_semaphore, #tpu.memory_space<semaphore_mem>>
    %dma_wait3A_37 = arith.constant 0 : i32
    %dma_wait3A_38 = tpu.memref_slice %arg5[%mul3A_2, %dma_wait3A_37] : memref<78848x768xf32, #tpu.memory_space<hbm>> -> memref<22x768xf32, #tpu.memory_space<hbm>>
    tpu.wait_dma2 semaphore(%dma_wait3A_36 : memref<!tpu.dma_semaphore, #tpu.memory_space<semaphore_mem>>) src(%arg9 : memref<22x768xf32, #tpu.memory_space<vmem>>) dst(%dma_wait3A_38 : memref<22x768xf32, #tpu.memory_space<hbm>>)
    %dma_wait3A_39 = arith.constant 2 : i32
    %dma_wait3A_40 = arith.constant 0 : i32
    %dma_wait3A_41 = tpu.memref_slice %arg5[%mul3A_2, %dma_wait3A_40] : memref<78848x768xf32, #tpu.memory_space<hbm>> -> memref<22x768xf32, #tpu.memory_space<hbm>>
    %dma_wait3A_42 = tpu.memref_slice %arg13[%dma_wait3A_39] : memref<4x!tpu.dma_semaphore, #tpu.memory_space<semaphore_mem>> -> memref<1x!tpu.dma_semaphore, #tpu.memory_space<semaphore_mem>>
    %dma_wait3A_43 = tpu.memref_squeeze %dma_wait3A_42 : memref<1x!tpu.dma_semaphore, #tpu.memory_space<semaphore_mem>> -> memref<!tpu.dma_semaphore, #tpu.memory_space<semaphore_mem>>
    %dma_wait3A_44 = arith.constant 0 : i32
    %dma_wait3A_45 = tpu.memref_slice %arg5[%mul3A_2, %dma_wait3A_44] : memref<78848x768xf32, #tpu.memory_space<hbm>> -> memref<22x768xf32, #tpu.memory_space<hbm>>
    tpu.wait_dma2 semaphore(%dma_wait3A_43 : memref<!tpu.dma_semaphore, #tpu.memory_space<semaphore_mem>>) src(%arg10 : memref<22x768xf32, #tpu.memory_space<vmem>>) dst(%dma_wait3A_45 : memref<22x768xf32, #tpu.memory_space<hbm>>)
    %dma_wait3A_46 = arith.constant 3 : i32
    %dma_wait3A_47 = arith.constant 0 : i32
    %dma_wait3A_48 = tpu.memref_slice %arg5[%mul3A_2, %dma_wait3A_47] : memref<78848x768xf32, #tpu.memory_space<hbm>> -> memref<22x768xf32, #tpu.memory_space<hbm>>
    %dma_wait3A_49 = tpu.memref_slice %arg13[%dma_wait3A_46] : memref<4x!tpu.dma_semaphore, #tpu.memory_space<semaphore_mem>> -> memref<1x!tpu.dma_semaphore, #tpu.memory_space<semaphore_mem>>
    %dma_wait3A_50 = tpu.memref_squeeze %dma_wait3A_49 : memref<1x!tpu.dma_semaphore, #tpu.memory_space<semaphore_mem>> -> memref<!tpu.dma_semaphore, #tpu.memory_space<semaphore_mem>>
    %dma_wait3A_51 = arith.constant 0 : i32
    %dma_wait3A_52 = tpu.memref_slice %arg5[%mul3A_2, %dma_wait3A_51] : memref<78848x768xf32, #tpu.memory_space<hbm>> -> memref<22x768xf32, #tpu.memory_space<hbm>>
    tpu.wait_dma2 semaphore(%dma_wait3A_50 : memref<!tpu.dma_semaphore, #tpu.memory_space<semaphore_mem>>) src(%arg11 : memref<22x768xf32, #tpu.memory_space<vmem>>) dst(%dma_wait3A_52 : memref<22x768xf32, #tpu.memory_space<hbm>>)
    return
  }
}

</mosaic_0001>

<sc_bundles>
// kernel: kernel.3.cloned.1.call-start
scs
__scs_entry_jumppad:
0x0: {  	(pc) =	sbr.rel $0x88, $3  }
0x1: {  	(tag) =	ssettag $0x0;
	lr =	simm.s32 $0x1  }
0x2: {  	[smem:$0x3F9E] =	sst lr;
	_ =	strace $0xD0000000  }
0x3: {  	_ = 	snop  }
0x4: {  	_ = 	snop  }
0x5: {  	_ = 	snop  }
0x6: {  	_ = 	snop  }
0x7: {  	_ = 	snop  }
__scs_overlays_trampoline_lowered:
0x8: {  	[smem:$0x3FAD] =	sst s0  }
0x9: {  	[smem:$0x3FAE] =	sst s1  }
0xa: {  	[smem:$0x3FAF] =	sst s2  }
0xb: {  	[smem:$0x3FB0] =	sst s3  }
0xc: {  	[smem:$0x3FB1] =	sst s4  }
0xd: {  	[smem:$0x3FB2] =	sst s5  }
0xe: {  	[smem:$0x3FB3] =	sst s6  }
0xf: {  	[smem:$0x3FB4] =	sst s7  }
0x10: {  	[smem:$0x3FB5] =	sst s8  }
0x11: {  	[smem:$0x3FB6] =	sst s9;
	s0 =	simm.s32 @!p0 $0x0  }
0x12: {  	s1 =	sld [smem:$0x3F9C];
	s0 =	simm.s32 @p0 $0x1  }
0x13: {  	[smem:$0x3FB7] =	sst s0;
	s0 =	simm.s32 @!p1 $0x0  }
0x14: {  	s2 =	sld [smem:$0x3F9B];
	s0 =	simm.s32 @p1 $0x1  }
0x15: {  	[smem:$0x3FB8] =	sst s0;
	s0 =	simm.s32 @!p2 $0x0  }
0x16: {  	s3 =	sld [smem:$0x3FDB];
	s0 =	simm.s32 @p2 $0x1  }
0x17: {  	s4 =	simm.s32 $0x1BF5;
	[smem:$0x3FBA] =	sst s0  }
0x18: {  	s0 =	sld [smem:$0x3F9D];
	_ =	swait.ge [sflag:s4], $0x0  }
0x19: {  	s7 =	sld [smem:$0x3F9E]  }
0x1a: {  	s8 =	sadd.s32 $0xFFFFE003, lr  }
0x1b: {  	s9 =	sadd.s32 $0xFFFFFEF7, lr;
	s5 =	simm.s32 $0xFFFFFFFF;
	p2 =	slt.u32 s8, $0xFFFFF086  }
0x1c: {  	p1 =	slt.u32 s9, $0xF7A;
	s5 =	simm.s32 @!p2 $0x0  }
0x1d: {  	s5 =	simm.s32 @p1 $0x1;
	p0 =	seq.s32 s7, s2  }
0x1e: {  	s7 =	smul.u32 @!p0 $0xF7A, s2;
	p2 =	seq.s32 @!p0 s5, $0x0  }
0x1f: {  	s9 =	smul.u32 $0xF7A, s1;
	s8 =	simm.s32 @!p0 $0x1BF5;
	p2 =	por !p2, p0  }
0x20: {  	[sflag:s8] =	ssyncset.s32 @!p0 $0xFFFFF086;
	s6 =	sadd.s32 @!p0 s3, s7;
	s7 =	simm.s32 @!p0 $0x108  }
0x21: {  	s3 =	sadd.s32 s3, s9;
	s6 =	sadd.s32 @!p0 $0x88, s6;
	s7 =	simm.s32 @p2 $0x1082  }
0x22: {  	[simem:s7], [sflag:s8] =	dma.local @!p0 [hbm:s6], $0xF7A  }
0x23: {  	s9 =	sor.u32 $0xD0000000, s2;
	s6 =	simm.s32 $0x108;
	_ =	swait.ge @!p0 [sflag:s8], $0x0  }
0x24: {  	s3 =	sadd.s32 $0x88, s3;
	s6 =	simm.s32 @!p1 $0x1082;
	[sflag:s4] =	ssyncset.s32 $0xFFFFF086  }
0x25: {  	[simem:s6], [sflag:s4] =	dma.local [hbm:s3], $0xF7A  }
0x26: {  	[smem:$0x3F9E] =	sst s1;
	(tag) =	ssettag s2;
	_ =	strace s9  }
0x27: {  	s1 =	sld [smem:$0x3FAE]  }
0x28: {  	s2 =	sld [smem:$0x3FAF]  }
0x29: {  	s4 =	sld [smem:$0x3FB1]  }
0x2a: {  	p0 =	seq.s32 s5, $0x0;
	s5 =	sld [smem:$0x3FB2]  }
0x2b: {  	s6 =	sld [smem:$0x3FB3]  }
0x2c: {  	s7 =	sld [smem:$0x3FB4]  }
0x2d: {  	s3 =	simm.s32 $0x108;
	s8 =	sld [smem:$0x3FB5]  }
0x2e: {  	s3 =	simm.s32 @!p0 $0x1082;
	s9 =	sld [smem:$0x3FB6]  }
0x2f: {  	lr =	sadd.s32 s0, s3;
	s0 =	sld [smem:$0x3FAD]  }
0x30: {  	s3 =	sld [smem:$0x3FB0]  }
0x31: {  	[smem:$0x3FB9] =	sst s10  }
0x32: {  	s10 =	sld [smem:$0x3FB7];
	_ =	sdelay $0x3  }
0x33: {  	p0 =	seq.s32 s10, $0x1;
	s10 =	sld [smem:$0x3FB9];
	_ =	sdelay $0x3  }
0x34: {  	[smem:$0x3FB9] =	sst s10  }
0x35: {  	s10 =	sld [smem:$0x3FB8];
	_ =	sdelay $0x3  }
0x36: {  	p1 =	seq.s32 s10, $0x1;
	s10 =	sld [smem:$0x3FB9];
	_ =	sdelay $0x3  }
0x37: {  	[smem:$0x3FB9] =	sst s10  }
0x38: {  	s10 =	sld [smem:$0x3FBA]  }
0x39: {  	_ = 	snop;
	(pc) =	sbr.ind lr, $3  }
0x3a: {  	_ = 	snop  }
0x3b: {  	_ = 	snop  }
0x3c: {  	p2 =	seq.s32 s10, $0x1;
	s10 =	sld [smem:$0x3FB9]  }
0x3d: {  	_ =	shalt  }
0x3e: {  	_ =	shalt  }
0x3f: {  	_ =	shalt  }
0x40: {  	_ =	shalt  }
0x41: {  	_ =	shalt  }
0x42: {  	_ =	shalt  }
0x43: {  	_ =	shalt  }
0x44: {  	_ =	shalt  }
0x45: {  	_ =	shalt  }
0x46: {  	_ =	shalt  }
0x47: {  	_ =	shalt  }
0x48: {  	_ =	shalt  }
0x49: {  	_ =	shalt  }
0x4a: {  	_ =	shalt  }
0x4b: {  	_ =	shalt  }
0x4c: {  	_ =	shalt  }
0x4d: {  	_ =	shalt  }
0x4e: {  	_ =	shalt  }
0x4f: {  	_ =	shalt  }
0x50: {  	_ =	shalt  }
0x51: {  	_ =	shalt  }
0x52: {  	_ =	shalt  }
0x53: {  	_ =	shalt  }
0x54: {  	_ =	shalt  }
0x55: {  	_ =	shalt  }
0x56: {  	_ =	shalt  }
0x57: {  	_ =	shalt  }
0x58: {  	_ =	shalt  }
0x59: {  	_ =	shalt  }
0x5a: {  	_ =	shalt  }
0x5b: {  	_ =	shalt  }
0x5c: {  	_ =	shalt  }
0x5d: {  	_ =	shalt  }
0x5e: {  	_ =	shalt  }
0x5f: {  	_ =	shalt  }
0x60: {  	_ =	shalt  }
0x61: {  	_ =	shalt  }
0x62: {  	_ =	shalt  }
0x63: {  	_ =	shalt  }
0x64: {  	_ =	shalt  }
0x65: {  	_ =	shalt  }
0x66: {  	_ =	shalt  }
0x67: {  	_ =	shalt  }
0x68: {  	_ =	shalt  }
0x69: {  	_ =	shalt  }
0x6a: {  	_ =	shalt  }
0x6b: {  	_ =	shalt  }
0x6c: {  	_ =	shalt  }
0x6d: {  	_ =	shalt  }
0x6e: {  	_ =	shalt  }
0x6f: {  	_ =	shalt  }
0x70: {  	_ =	shalt  }
0x71: {  	_ =	shalt  }
0x72: {  	_ =	shalt  }
0x73: {  	_ =	shalt  }
0x74: {  	_ =	shalt  }
0x75: {  	_ =	shalt  }
0x76: {  	_ =	shalt  }
0x77: {  	_ =	shalt  }
0x78: {  	_ =	shalt  }
0x79: {  	_ =	shalt  }
0x7a: {  	_ =	shalt  }
0x7b: {  	_ =	shalt  }
0x7c: {  	_ =	shalt  }
0x7d: {  	_ =	shalt  }
0x7e: {  	_ =	shalt  }
0x7f: {  	_ =	shalt  }
0x80: {  	_ =	shalt  }
0x81: {  	_ =	shalt  }
0x82: {  	_ =	shalt  }
0x83: {  	_ =	shalt  }
0x84: {  	_ =	shalt  }
0x85: {  	_ =	shalt  }
0x86: {  	_ =	shalt  }
0x87: {  	_ =	shalt  }
.Lfunc_end0:
.L_simem_size_0:
called_computation.1_lowered:
.L_overlay_start_0:
0x88: {  	s2 =	sld [smem:$0x3FD9]  }
0x89: {  	s3 =	sld [smem:$0x3FFE];
	_ =	sdelay $0x1  }
0x8a: {  	s1 =	srdreg.scid  }
0x8b: {  	s0 =	sand.u32 $0x1, s1  }
0x8c: {  	s17 =	sshll.u32 s0, $0xA;
	s2 =	sadd.s32 s3, s2  }
0x8d: {  	s2 =	sadd.s32 s2, s17  }
0x8e: {  	[smem:$0x3FC5] =	sst s2  }
0x8f: {  	_ = 	snop  }
0x90: {  	s2 =	sld [smem:$0x3FD0];
	(tm) =	ssettm $0x1  }
0x91: {  	s18 =	sld [smem:$0x3FFB];
	_ =	sdelay $0x3  }
0x92: {  	_ =	strace s18  }
0x93: {  	s3 =	sld [smem:$0x3FFC];
	_ =	sdelay $0x3  }
0x94: {  	_ =	strace s3  }
0x95: {  	s3 =	sld [smem:$0x3FFD];
	_ =	sdelay $0x3  }
0x96: {  	_ =	strace s3  }
0x97: {  	_ =	strace $0x8FFFFFFF  }
0x98: {  	s19 =	sld [smem:$0x3FDB];
	_ =	sdelay $0x1  }
0x99: {  	s4 =	simm.s32 $_scs_section_size  }
0x9a: {  	s5 =	simm.s32 $_size__tile_overlayer_lowered;
	s6 =	simm.s32 $_tile_overlayer_lowered  }
0x9b: {  	s22 =	simm.s32 $0x1BFF;
	s21 =	sshll.u32 s6, $0x1;
	s3 =	sadd.s32 s4, s19  }
0x9c: {  	s7 =	simm.s32 $0x0;
	s20 =	sshll.u32 s5, $0x1;
	s5 =	sadd.s32 s21, s3  }
0x9d: {  	[timem:s7], [sflag:s22] =	dma.local [hbm:s5], s20  }
0x9e: {  	_ =	swait.ge [sflag:s22], s20  }
0x9f: {  	s4 =	ssub.s32 $0x0, s20;
	[sflag:s22] =	ssyncset.done $0x0  }
0xa0: {  	[sflag:s22] =	ssyncadd.s32 s4;
	_ =	sdelay $0x1  }
0xa1: {  	s23 =	simm.s32 $0x1B8B  }
0xa2: {  	_ =	swait.ge [sflag:s23], $0x1  }
0xa3: {  	[sflag:s23] =	ssyncset.done $0x0  }
0xa4: {  	s25 =	simm.s32 $0x1B8E;
	s24 =	sld [smem:$0x3FFE];
	[sflag:s23] =	ssyncadd.s32 $0xFFFFFFFF  }
0xa5: {  	s26 =	simm.s32 $execute0_lowered;
	[smem:$0x3FD2] =	sst s25  }
0xa6: {  	s5 =	sshll.u32 s26, $0x1;
	_ =	strace $0x80000046;
	[dreg:$0x1] =	wrdreg $0xFFFFFFFF  }
0xa7: {  	s28 =	simm.s32 $_size_execute0_lowered;
	s3 =	sadd.s32 s3, s5;
	[dreg:$0x0] =	wrdreg $0x0  }
0xa8: {  	s5 =	sshll.u32 s28, $0x1;
	[dreg:$0x2] =	wrdreg s3  }
0xa9: {  	[dreg:$0x3] =	wrdreg s5  }
0xaa: {  	[dreg:$0x4] =	wrdreg $0xC0  }
0xab: {  	_ =	task [dreg:s7], $0x5FFFF  }
0xac: {  	[dreg:$0x1] =	wrdreg $0xFFFFFFFF  }
0xad: {  	[dreg:$0x0] =	wrdreg $0x60  }
0xae: {  	[dreg:$0x2] =	wrdreg s24  }
0xaf: {  	[dreg:$0x3] =	wrdreg s2  }
0xb0: {  	[dreg:$0x4] =	wrdreg $0x9  }
0xb1: {  	_ =	task.clear_ibuf [dreg:s7], $0x5FFFF;
	_ =	strace $0x90000046  }
0xb2: {  	s29 =	simm.s32 $0x9;
	_ =	strace $0x80000048  }
0xb3: {  	_ =	swait.ge [sflag:s29], $0x1  }
0xb4: {  	[sflag:s29] =	ssyncadd.s32 $0xFFFFFFFF  }
0xb5: {  	_ =	strace $0x90000048  }
0xb6: {  	_ =	sfence  }
0xb7: {  	s30 =	sld [smem:$0x0];
	_ =	sdelay $0x2  }
0xb8: {  	s31 =	sshll.u32 s1, $0xD;
	s1 =	sshrl.u32 s1, $0x2  }
0xb9: {  	s3 =	sand.u32 $0x4000, s31;
	s1 =	sadd.s32 s1, s30  }
0xba: {  	s0 =	sor.u32 s3, s0;
	s1 =	sshll.u32 s1, $0x11  }
0xbb: {  	s0 =	sor.u32 s1, s0  }
0xbc: {  	s0 =	sadd.s32 $0x8F2B, s0  }
0xbd: {  	[sflag:s0] =	ssyncadd.remote.s32 $0x1  }
0xbe: {  	_ =	sfence.sel $0xFFFF  }
0xbf: {  	[dreg:$0x0] =	wrdreg $0xFFFFFFFF;
	(pc) =	sbr.abs _section_cstart, $3  }
0xc0: {  	[dreg:$0x1] =	wrdreg $0xFFFFFFFF  }
0xc1: {  	_ =	task.clear_ibuf [dreg:s7], $0x2FFFF;
	_ =	strace $0x9FFFFFFF  }
0xc2: {  	(tm) =	ssettm $0x7FFFFFFF  }
0xc3: {  	_ =	shalt  }
tec
execute0_lowered:
.L_overlay_start_1:
0x0: {  	(tag) =	ssettag $0x1  }
0x1: {  	s0 =	srdreg.scid  }
0x2: {  	s2 =	stileid.u32;
	s1 =	rddreg [dreg:$0x0];
	s14 =	simm.s32 $0x16  }
0x3: {  	s21 =	simm.s32 $0x17580;
	s16 =	simm.s32 $0x1;
	s18 =	simm.s32 $0x2  }
0x4: {  	s19 =	simm.s32 $0x3;
	s0 =	sand.u32 $0x1, s0;
	s3 =	sshll.u32 s2, $0x1  }
0x5: {  	s2 =	rddreg [dreg:$0x1];
	s5 =	sor.u32 s0, s3;
	s0 =	ssub.s32 $0x2, s0  }
0x6: {  	s3 =	simm.s32 $0x0;
	s4 =	smul.u32 $0x150, s5;
	s30 =	sshrl.u32 s0, $0x1  }
.Ltmp0:
0x7: {  	[smem:$0x7FF] =	sst s3;
	s0 =	ssub.s32 s0, s30;
	(pc) =	sbr.rel .LBB2_1-.Ltmp0, $4  }
0x8: {  	s7 =	sadd.s32 s4, s1;
	s4 =	sadd.s32 $0x5000, s1;
	s1 =	sadd.s32 $0x800, s1  }
0x9: {  	_ =	strace $0x80000047;
	s0 =	smax.u32 s0, $0x1;
	[dreg:$0x3] =	wrdreg s1  }
0xa: {  	s20 =	simm.s32 $0x4;
	s31 =	sadd.s32 $0x2600, s7;
	[dreg:$0x5] =	wrdreg s0  }
0xb: {  	s6 =	smul.u32 $0x9A0, s5;
	s5 =	simm.s32 $0x0;
	[dreg:$0x4] =	wrdreg s31  }
.LBB2_19:
0xc: {  	s0 =	simm.s32 $0x5  }
0xd: {  	_ =	swait.ge [sflag:s0], $0x4200  }
0xe: {  	[sflag:s0] =	ssyncset.done $0x0  }
0xf: {  	s29 =	simm.s32 $0x6;
	[sflag:s0] =	ssyncadd.s32 $0xFFFFBE00  }
0x10: {  	_ =	swait.ge [sflag:s29], $0x4200  }
0x11: {  	[sflag:s29] =	ssyncset.done $0x0  }
0x12: {  	s30 =	simm.s32 $0x7;
	[sflag:s29] =	ssyncadd.s32 $0xFFFFBE00  }
0x13: {  	_ =	swait.ge [sflag:s30], $0x4200  }
0x14: {  	[sflag:s30] =	ssyncset.done $0x0  }
0x15: {  	s1 =	simm.s32 $0x8;
	[sflag:s30] =	ssyncadd.s32 $0xFFFFBE00  }
0x16: {  	_ =	swait.ge [sflag:s1], $0x4200  }
0x17: {  	s5 =	rddreg [dreg:$0x6]  }
0x18: {  	s31 =	rddreg [dreg:$0x5];
	s5 =	sadd.s32 $0x1, s5  }
0x19: {  	p0 =	sne.s32 s5, s31  }
.Ltmp1:
0x1a: {  	_ = 	snop;
	(pc) =	sbr.rel @!p0 .LBB2_20-.Ltmp1, $3  }
0x1b: {  	_ =	sdelay $0x1  }
0x1c: {  	[sflag:s1] =	ssyncset.done $0x0  }
0x1d: {  	[sflag:s1] =	ssyncadd.s32 $0xFFFFBE00  }
.LBB2_1:
0x1e: {  	[dreg:$0x6] =	wrdreg s5  }
0x1f: {  	s0 =	rddreg [dreg:$0x4];
	s1 =	simm.s32 $0x9  }
0x20: {  	[tilespmem:s3], [sflag:$0x9] =	stream.linear.gather [hbm4b:s0+s3], $0xA80, $0x38;
	[tilespmem:$0x1F980] =	vst v63  }
0x21: {  	_ =	swait.ge [sflag:s1], $0xA80  }
0x22: {  	[sflag:s1] =	ssyncset.done $0x0  }
0x23: {  	s23 =	simm.s32 $0xA80;
	s22 =	rddreg [dreg:$0x3];
	[sflag:s1] =	ssyncadd.s32 $0xFFFFF580  }
0x24: {  	[tilespmem:s23], [sflag:$0x9] =	stream.linear.gather [hbm4b:s22+s3], $0xE700, $0x38;
	[tilespmem:$0x1F980] =	vst v63  }
0x25: {  	_ =	swait.ge [sflag:s1], $0xE700  }
0x26: {  	[sflag:s1] =	ssyncset.done $0x0  }
0x27: {  	s24 =	simm.s32 $0xF180;
	s25 =	simm.s32 $0x18;
	[sflag:s1] =	ssyncadd.s32 $0xFFFF1900  }
0x28: {  	[tilespmem:s24], [sflag:$0x1] =	stream.indirect.gather [hbm4b:s4+s14], $0x300, s3, s14, $0xb8;
	[tilespmem:$0x1F980] =	vst v63  }
0x29: {  	s26 =	simm.s32 $0x13380;
	s28 =	simm.s32 $0x42;
	s29 =	simm.s32 $0x16  }
0x2a: {  	[tilespmem:s26], [sflag:$0x2] =	stream.indirect.gather [hbm4b:s4+s14], $0x300, s25, s14, $0xb8;
	[tilespmem:$0x1F980] =	vst v63  }
0x2b: {  	s30 =	simm.s32 $0x0;
	s31 =	simm.s32 $0x0;
	s26 =	simm.s32 $0x2C  }
.LBB2_2:
0x2c: {  	s0 =	smulhi.u32 $0x3531DEC1, s30;
	s7 =	sshll.u32 s31, $0x2  }
0x2d: {  	p0 =	seq.s32 s31, $0x0;
	s12 =	sor.u32 $0x2, s7  }
0x2e: {  	s1 =	simm.s32 @!p0 $0x7;
	s0 =	sshrl.u32 s0, $0x4;
	s5 =	smul.u32 $0x60, s12  }
0x2f: {  	_ =	swait.ge @!p0 [sflag:s1], $0x4200;
	s0 =	smul.u32 $0x4D, s0  }
0x30: {  	[sflag:s1] =	ssyncset.done @!p0 $0x0  }
0x31: {  	[sflag:s1] =	ssyncadd.s32 @!p0 $0xFFFFBE00;
	s23 =	sshra.s32 s5, $0x2;
	s22 =	ssub.s32 s30, s0  }
0x32: {  	[tilespmem:s21], [sflag:$0x3] =	stream.indirect.gather [hbm4b:s4+s14], $0x300, s23, s14, $0xb8;
	[tilespmem:$0x1F980] =	vst v63  }
0x33: {  	s24 =	sadd.s32 $0xFFFFFFFE, s22  }
0x34: {  	s1 =	sadd.s32 $0x3, s24  }
0x35: {  	s5 =	sadd.s32 $0xFFFFFFB6, s24;
	p1 =	sgt.u32 s1, $0x4C  }
0x36: {  	s1 =	smov.u32 @p1 s5  }
0x37: {  	_ =	swait.ge [sflag:s16], $0x4200;
	s1 =	smul.u32 $0xC00, s1  }
0x38: {  	[sflag:s16] =	ssyncset.done $0x0;
	s0 =	sadd.s32 $0xFFFFFFB5, s24;
	s5 =	sadd.s32 $0x2, s24  }
0x39: {  	[sflag:s16] =	ssyncadd.s32 $0xFFFFBE00;
	p1 =	sgt.u32 s5, $0x4C;
	s25 =	sshra.s32 s1, $0x2  }
0x3a: {  	s5 =	smov.u32 @p1 s0;
	v0 =	vld [tilespmem:s25+$0xA80]  }
0x3b: {  	s8 =	smul.u32 $0xC00, s5;
	_ =	sdelay $0x1  }
0x3c: {  	s21 =	sshra.s32 s8, $0x2  }
0x3d: {  	s10 =	simm.s32 $0xF480;
	v1 =	vld [tilespmem:s21+$0xA80]  }
0x3e: {  	[tilespmem:s10+$0x0] =	vst.add.f32.msk $0xffff, v0  }
0x3f: {  	v0 =	vld [tilespmem:s25+$0xA90];
	_ =	sdelay $0x2  }
0x40: {  	[tilespmem:s10+$0xFFFFFD00] =	vst.add.f32.msk $0xffff, v1  }
0x41: {  	v1 =	vld [tilespmem:s21+$0xA90]  }
0x42: {  	[tilespmem:s10+$0x10] =	vst.add.f32.msk $0xffff, v0  }
0x43: {  	v0 =	vld [tilespmem:s25+$0xAA0];
	_ =	sdelay $0x2  }
0x44: {  	[tilespmem:s10+$0xFFFFFD10] =	vst.add.f32.msk $0xffff, v1  }
0x45: {  	v1 =	vld [tilespmem:s21+$0xAA0]  }
0x46: {  	[tilespmem:s10+$0x20] =	vst.add.f32.msk $0xffff, v0  }
0x47: {  	v0 =	vld [tilespmem:s25+$0xAB0];
	_ =	sdelay $0x2  }
0x48: {  	[tilespmem:s10+$0xFFFFFD20] =	vst.add.f32.msk $0xffff, v1  }
0x49: {  	v1 =	vld [tilespmem:s21+$0xAB0]  }
0x4a: {  	[tilespmem:s10+$0x30] =	vst.add.f32.msk $0xffff, v0  }
0x4b: {  	v0 =	vld [tilespmem:s25+$0xAC0];
	_ =	sdelay $0x2  }
0x4c: {  	[tilespmem:s10+$0xFFFFFD30] =	vst.add.f32.msk $0xffff, v1  }
0x4d: {  	v1 =	vld [tilespmem:s21+$0xAC0]  }
0x4e: {  	[tilespmem:s10+$0x40] =	vst.add.f32.msk $0xffff, v0  }
0x4f: {  	v0 =	vld [tilespmem:s25+$0xAD0];
	_ =	sdelay $0x2  }
0x50: {  	[tilespmem:s10+$0xFFFFFD40] =	vst.add.f32.msk $0xffff, v1  }
0x51: {  	v1 =	vld [tilespmem:s21+$0xAD0]  }
0x52: {  	[tilespmem:s10+$0x50] =	vst.add.f32.msk $0xffff, v0  }
0x53: {  	v0 =	vld [tilespmem:s25+$0xAE0];
	_ =	sdelay $0x2  }
0x54: {  	[tilespmem:s10+$0xFFFFFD50] =	vst.add.f32.msk $0xffff, v1  }
0x55: {  	v1 =	vld [tilespmem:s21+$0xAE0]  }
0x56: {  	[tilespmem:s10+$0x60] =	vst.add.f32.msk $0xffff, v0  }
0x57: {  	v0 =	vld [tilespmem:s25+$0xAF0];
	_ =	sdelay $0x2  }
0x58: {  	[tilespmem:s10+$0xFFFFFD60] =	vst.add.f32.msk $0xffff, v1  }
0x59: {  	v1 =	vld [tilespmem:s21+$0xAF0]  }
0x5a: {  	[tilespmem:s10+$0x70] =	vst.add.f32.msk $0xffff, v0  }
0x5b: {  	v0 =	vld [tilespmem:s25+$0xB00];
	_ =	sdelay $0x2  }
0x5c: {  	[tilespmem:s10+$0xFFFFFD70] =	vst.add.f32.msk $0xffff, v1  }
0x5d: {  	v1 =	vld [tilespmem:s21+$0xB00]  }
0x5e: {  	[tilespmem:s10+$0x80] =	vst.add.f32.msk $0xffff, v0  }
0x5f: {  	v0 =	vld [tilespmem:s25+$0xB10];
	_ =	sdelay $0x2  }
0x60: {  	[tilespmem:s10+$0xFFFFFD80] =	vst.add.f32.msk $0xffff, v1  }
0x61: {  	v1 =	vld [tilespmem:s21+$0xB10]  }
0x62: {  	[tilespmem:s10+$0x90] =	vst.add.f32.msk $0xffff, v0  }
0x63: {  	v0 =	vld [tilespmem:s25+$0xB20];
	_ =	sdelay $0x2  }
0x64: {  	[tilespmem:s10+$0xFFFFFD90] =	vst.add.f32.msk $0xffff, v1  }
0x65: {  	v1 =	vld [tilespmem:s21+$0xB20]  }
0x66: {  	[tilespmem:s10+$0xA0] =	vst.add.f32.msk $0xffff, v0  }
0x67: {  	v0 =	vld [tilespmem:s25+$0xB30];
	_ =	sdelay $0x2  }
0x68: {  	[tilespmem:s10+$0xFFFFFDA0] =	vst.add.f32.msk $0xffff, v1  }
0x69: {  	v1 =	vld [tilespmem:s21+$0xB30]  }
0x6a: {  	[tilespmem:s10+$0xB0] =	vst.add.f32.msk $0xffff, v0  }
0x6b: {  	v0 =	vld [tilespmem:s25+$0xB40];
	_ =	sdelay $0x2  }
0x6c: {  	[tilespmem:s10+$0xFFFFFDB0] =	vst.add.f32.msk $0xffff, v1  }
0x6d: {  	v1 =	vld [tilespmem:s21+$0xB40]  }
0x6e: {  	[tilespmem:s10+$0xC0] =	vst.add.f32.msk $0xffff, v0  }
0x6f: {  	v0 =	vld [tilespmem:s25+$0xB50];
	_ =	sdelay $0x2  }
0x70: {  	[tilespmem:s10+$0xFFFFFDC0] =	vst.add.f32.msk $0xffff, v1  }
0x71: {  	v1 =	vld [tilespmem:s21+$0xB50]  }
0x72: {  	[tilespmem:s10+$0xD0] =	vst.add.f32.msk $0xffff, v0  }
0x73: {  	v0 =	vld [tilespmem:s25+$0xB60];
	_ =	sdelay $0x2  }
0x74: {  	[tilespmem:s10+$0xFFFFFDD0] =	vst.add.f32.msk $0xffff, v1  }
0x75: {  	v1 =	vld [tilespmem:s21+$0xB60]  }
0x76: {  	[tilespmem:s10+$0xE0] =	vst.add.f32.msk $0xffff, v0  }
0x77: {  	v0 =	vld [tilespmem:s25+$0xB70];
	_ =	sdelay $0x2  }
0x78: {  	[tilespmem:s10+$0xFFFFFDE0] =	vst.add.f32.msk $0xffff, v1  }
0x79: {  	v1 =	vld [tilespmem:s21+$0xB70]  }
0x7a: {  	[tilespmem:s10+$0xF0] =	vst.add.f32.msk $0xffff, v0  }
0x7b: {  	v0 =	vld [tilespmem:s25+$0xB80];
	_ =	sdelay $0x2  }
0x7c: {  	[tilespmem:s10+$0xFFFFFDF0] =	vst.add.f32.msk $0xffff, v1  }
0x7d: {  	v1 =	vld [tilespmem:s21+$0xB80]  }
0x7e: {  	[tilespmem:s10+$0x100] =	vst.add.f32.msk $0xffff, v0  }
0x7f: {  	v0 =	vld [tilespmem:s25+$0xB90];
	_ =	sdelay $0x2  }
0x80: {  	[tilespmem:s10+$0xFFFFFE00] =	vst.add.f32.msk $0xffff, v1  }
0x81: {  	v1 =	vld [tilespmem:s21+$0xB90]  }
0x82: {  	[tilespmem:s10+$0x110] =	vst.add.f32.msk $0xffff, v0  }
0x83: {  	v0 =	vld [tilespmem:s25+$0xBA0];
	_ =	sdelay $0x2  }
0x84: {  	[tilespmem:s10+$0xFFFFFE10] =	vst.add.f32.msk $0xffff, v1  }
0x85: {  	v1 =	vld [tilespmem:s21+$0xBA0]  }
0x86: {  	[tilespmem:s10+$0x120] =	vst.add.f32.msk $0xffff, v0  }
0x87: {  	v0 =	vld [tilespmem:s25+$0xBB0];
	_ =	sdelay $0x2  }
0x88: {  	[tilespmem:s10+$0xFFFFFE20] =	vst.add.f32.msk $0xffff, v1  }
0x89: {  	v1 =	vld [tilespmem:s21+$0xBB0]  }
0x8a: {  	[tilespmem:s10+$0x130] =	vst.add.f32.msk $0xffff, v0  }
0x8b: {  	v0 =	vld [tilespmem:s25+$0xBC0];
	_ =	sdelay $0x2  }
0x8c: {  	[tilespmem:s10+$0xFFFFFE30] =	vst.add.f32.msk $0xffff, v1  }
0x8d: {  	v1 =	vld [tilespmem:s21+$0xBC0]  }
0x8e: {  	[tilespmem:s10+$0x140] =	vst.add.f32.msk $0xffff, v0  }
0x8f: {  	v0 =	vld [tilespmem:s25+$0xBD0];
	_ =	sdelay $0x2  }
0x90: {  	[tilespmem:s10+$0xFFFFFE40] =	vst.add.f32.msk $0xffff, v1  }
0x91: {  	v1 =	vld [tilespmem:s21+$0xBD0]  }
0x92: {  	[tilespmem:s10+$0x150] =	vst.add.f32.msk $0xffff, v0  }
0x93: {  	v0 =	vld [tilespmem:s25+$0xBE0];
	_ =	sdelay $0x2  }
0x94: {  	[tilespmem:s10+$0xFFFFFE50] =	vst.add.f32.msk $0xffff, v1  }
0x95: {  	v1 =	vld [tilespmem:s21+$0xBE0]  }
0x96: {  	[tilespmem:s10+$0x160] =	vst.add.f32.msk $0xffff, v0  }
0x97: {  	v0 =	vld [tilespmem:s25+$0xBF0];
	_ =	sdelay $0x2  }
0x98: {  	[tilespmem:s10+$0xFFFFFE60] =	vst.add.f32.msk $0xffff, v1  }
0x99: {  	v1 =	vld [tilespmem:s21+$0xBF0]  }
0x9a: {  	[tilespmem:s10+$0x170] =	vst.add.f32.msk $0xffff, v0  }
0x9b: {  	v0 =	vld [tilespmem:s25+$0xC00];
	_ =	sdelay $0x2  }
0x9c: {  	[tilespmem:s10+$0xFFFFFE70] =	vst.add.f32.msk $0xffff, v1  }
0x9d: {  	v1 =	vld [tilespmem:s21+$0xC00]  }
0x9e: {  	[tilespmem:s10+$0x180] =	vst.add.f32.msk $0xffff, v0  }
0x9f: {  	v0 =	vld [tilespmem:s25+$0xC10];
	_ =	sdelay $0x2  }
0xa0: {  	[tilespmem:s10+$0xFFFFFE80] =	vst.add.f32.msk $0xffff, v1  }
0xa1: {  	v1 =	vld [tilespmem:s21+$0xC10]  }
0xa2: {  	[tilespmem:s10+$0x190] =	vst.add.f32.msk $0xffff, v0  }
0xa3: {  	v0 =	vld [tilespmem:s25+$0xC20];
	_ =	sdelay $0x2  }
0xa4: {  	[tilespmem:s10+$0xFFFFFE90] =	vst.add.f32.msk $0xffff, v1  }
0xa5: {  	v1 =	vld [tilespmem:s21+$0xC20]  }
0xa6: {  	[tilespmem:s10+$0x1A0] =	vst.add.f32.msk $0xffff, v0  }
0xa7: {  	v0 =	vld [tilespmem:s25+$0xC30];
	_ =	sdelay $0x2  }
0xa8: {  	[tilespmem:s10+$0xFFFFFEA0] =	vst.add.f32.msk $0xffff, v1  }
0xa9: {  	v1 =	vld [tilespmem:s21+$0xC30]  }
0xaa: {  	[tilespmem:s10+$0x1B0] =	vst.add.f32.msk $0xffff, v0  }
0xab: {  	v0 =	vld [tilespmem:s25+$0xC40];
	_ =	sdelay $0x2  }
0xac: {  	[tilespmem:s10+$0xFFFFFEB0] =	vst.add.f32.msk $0xffff, v1  }
0xad: {  	v1 =	vld [tilespmem:s21+$0xC40]  }
0xae: {  	[tilespmem:s10+$0x1C0] =	vst.add.f32.msk $0xffff, v0  }
0xaf: {  	v0 =	vld [tilespmem:s25+$0xC50];
	_ =	sdelay $0x2  }
0xb0: {  	[tilespmem:s10+$0xFFFFFEC0] =	vst.add.f32.msk $0xffff, v1  }
0xb1: {  	v1 =	vld [tilespmem:s21+$0xC50]  }
0xb2: {  	[tilespmem:s10+$0x1D0] =	vst.add.f32.msk $0xffff, v0  }
0xb3: {  	v0 =	vld [tilespmem:s25+$0xC60]  }
0xb4: {  	s9 =	sadd.s32 $0x0, s22  }
0xb5: {  	s5 =	sadd.s32 $0x3, s9  }
0xb6: {  	p1 =	sgt.u32 s5, $0x4C;
	s8 =	sadd.s32 $0xFFFFFFB6, s9;
	[tilespmem:s10+$0xFFFFFED0] =	vst.add.f32.msk $0xffff, v1  }
0xb7: {  	s5 =	smov.u32 @p1 s8;
	v1 =	vld [tilespmem:s21+$0xC60]  }
0xb8: {  	s5 =	smul.u32 $0xC00, s5;
	[tilespmem:s10+$0x1E0] =	vst.add.f32.msk $0xffff, v0  }
0xb9: {  	v0 =	vld [tilespmem:s25+$0xC70]  }
0xba: {  	s8 =	sadd.s32 $0x2, s9;
	s23 =	sshra.s32 s5, $0x2  }
0xbb: {  	s1 =	sadd.s32 $0xFFFFFFB5, s9;
	p1 =	sgt.u32 s8, $0x4C;
	v2 =	vld [tilespmem:s23+$0xA80]  }
0xbc: {  	s8 =	smov.u32 @p1 s1;
	[tilespmem:s10+$0xFFFFFEE0] =	vst.add.f32.msk $0xffff, v1  }
0xbd: {  	s1 =	smul.u32 $0xC00, s8;
	v1 =	vld [tilespmem:s21+$0xC70]  }
0xbe: {  	[tilespmem:s10+$0x1F0] =	vst.add.f32.msk $0xffff, v0  }
0xbf: {  	s9 =	sshra.s32 s1, $0x2;
	v0 =	vld [tilespmem:s25+$0xC80]  }
0xc0: {  	s24 =	simm.s32 $0xFA80;
	v3 =	vld [tilespmem:s9+$0xA80]  }
0xc1: {  	[tilespmem:s24+$0x0] =	vst.add.f32.msk $0xffff, v2  }
0xc2: {  	[tilespmem:s10+$0xFFFFFEF0] =	vst.add.f32.msk $0xffff, v1  }
0xc3: {  	v1 =	vld [tilespmem:s23+$0xA90]  }
0xc4: {  	[tilespmem:s10+$0x200] =	vst.add.f32.msk $0xffff, v0  }
0xc5: {  	v0 =	vld [tilespmem:s25+$0xC90]  }
0xc6: {  	[tilespmem:s24+$0xFFFFFD00] =	vst.add.f32.msk $0xffff, v3  }
0xc7: {  	v2 =	vld [tilespmem:s9+$0xA90]  }
0xc8: {  	[tilespmem:s24+$0x10] =	vst.add.f32.msk $0xffff, v1  }
0xc9: {  	v1 =	vld [tilespmem:s23+$0xAA0]  }
0xca: {  	[tilespmem:s10+$0x210] =	vst.add.f32.msk $0xffff, v0  }
0xcb: {  	v0 =	vld [tilespmem:s25+$0xCA0]  }
0xcc: {  	[tilespmem:s24+$0xFFFFFD10] =	vst.add.f32.msk $0xffff, v2  }
0xcd: {  	v2 =	vld [tilespmem:s9+$0xAA0]  }
0xce: {  	[tilespmem:s24+$0x20] =	vst.add.f32.msk $0xffff, v1  }
0xcf: {  	v1 =	vld [tilespmem:s23+$0xAB0]  }
0xd0: {  	[tilespmem:s10+$0x220] =	vst.add.f32.msk $0xffff, v0  }
0xd1: {  	v0 =	vld [tilespmem:s25+$0xCB0]  }
0xd2: {  	[tilespmem:s24+$0xFFFFFD20] =	vst.add.f32.msk $0xffff, v2  }
0xd3: {  	v2 =	vld [tilespmem:s9+$0xAB0]  }
0xd4: {  	[tilespmem:s24+$0x30] =	vst.add.f32.msk $0xffff, v1  }
0xd5: {  	v1 =	vld [tilespmem:s23+$0xAC0]  }
0xd6: {  	[tilespmem:s10+$0x230] =	vst.add.f32.msk $0xffff, v0  }
0xd7: {  	v0 =	vld [tilespmem:s25+$0xCC0]  }
0xd8: {  	[tilespmem:s24+$0xFFFFFD30] =	vst.add.f32.msk $0xffff, v2  }
0xd9: {  	v2 =	vld [tilespmem:s9+$0xAC0]  }
0xda: {  	[tilespmem:s24+$0x40] =	vst.add.f32.msk $0xffff, v1  }
0xdb: {  	v1 =	vld [tilespmem:s23+$0xAD0]  }
0xdc: {  	[tilespmem:s10+$0x240] =	vst.add.f32.msk $0xffff, v0  }
0xdd: {  	v0 =	vld [tilespmem:s25+$0xCD0]  }
0xde: {  	[tilespmem:s24+$0xFFFFFD40] =	vst.add.f32.msk $0xffff, v2  }
0xdf: {  	v2 =	vld [tilespmem:s9+$0xAD0]  }
0xe0: {  	[tilespmem:s24+$0x50] =	vst.add.f32.msk $0xffff, v1  }
0xe1: {  	v1 =	vld [tilespmem:s23+$0xAE0]  }
0xe2: {  	[tilespmem:s10+$0x250] =	vst.add.f32.msk $0xffff, v0  }
0xe3: {  	v0 =	vld [tilespmem:s25+$0xCE0]  }
0xe4: {  	[tilespmem:s24+$0xFFFFFD50] =	vst.add.f32.msk $0xffff, v2  }
0xe5: {  	v2 =	vld [tilespmem:s9+$0xAE0]  }
0xe6: {  	[tilespmem:s24+$0x60] =	vst.add.f32.msk $0xffff, v1  }
0xe7: {  	v1 =	vld [tilespmem:s23+$0xAF0]  }
0xe8: {  	[tilespmem:s10+$0x260] =	vst.add.f32.msk $0xffff, v0  }
0xe9: {  	v0 =	vld [tilespmem:s25+$0xCF0]  }
0xea: {  	[tilespmem:s24+$0xFFFFFD60] =	vst.add.f32.msk $0xffff, v2  }
0xeb: {  	v2 =	vld [tilespmem:s9+$0xAF0]  }
0xec: {  	[tilespmem:s24+$0x70] =	vst.add.f32.msk $0xffff, v1  }
0xed: {  	v1 =	vld [tilespmem:s23+$0xB00]  }
0xee: {  	[tilespmem:s10+$0x270] =	vst.add.f32.msk $0xffff, v0  }
0xef: {  	v0 =	vld [tilespmem:s25+$0xD00]  }
0xf0: {  	[tilespmem:s24+$0xFFFFFD70] =	vst.add.f32.msk $0xffff, v2  }
0xf1: {  	v2 =	vld [tilespmem:s9+$0xB00]  }
0xf2: {  	[tilespmem:s24+$0x80] =	vst.add.f32.msk $0xffff, v1  }
0xf3: {  	v1 =	vld [tilespmem:s23+$0xB10]  }
0xf4: {  	[tilespmem:s10+$0x280] =	vst.add.f32.msk $0xffff, v0  }
0xf5: {  	v0 =	vld [tilespmem:s25+$0xD10]  }
0xf6: {  	[tilespmem:s24+$0xFFFFFD80] =	vst.add.f32.msk $0xffff, v2  }
0xf7: {  	v2 =	vld [tilespmem:s9+$0xB10]  }
0xf8: {  	[tilespmem:s24+$0x90] =	vst.add.f32.msk $0xffff, v1  }
0xf9: {  	v1 =	vld [tilespmem:s23+$0xB20]  }
0xfa: {  	[tilespmem:s10+$0x290] =	vst.add.f32.msk $0xffff, v0  }
0xfb: {  	v0 =	vld [tilespmem:s25+$0xD20]  }
0xfc: {  	[tilespmem:s24+$0xFFFFFD90] =	vst.add.f32.msk $0xffff, v2  }
0xfd: {  	v2 =	vld [tilespmem:s9+$0xB20]  }
0xfe: {  	[tilespmem:s24+$0xA0] =	vst.add.f32.msk $0xffff, v1  }
0xff: {  	v1 =	vld [tilespmem:s23+$0xB30]  }
0x100: {  	[tilespmem:s10+$0x2A0] =	vst.add.f32.msk $0xffff, v0  }
0x101: {  	v0 =	vld [tilespmem:s25+$0xD30]  }
0x102: {  	[tilespmem:s24+$0xFFFFFDA0] =	vst.add.f32.msk $0xffff, v2  }
0x103: {  	v2 =	vld [tilespmem:s9+$0xB30]  }
0x104: {  	[tilespmem:s24+$0xB0] =	vst.add.f32.msk $0xffff, v1  }
0x105: {  	v1 =	vld [tilespmem:s23+$0xB40]  }
0x106: {  	[tilespmem:s10+$0x2B0] =	vst.add.f32.msk $0xffff, v0  }
0x107: {  	v0 =	vld [tilespmem:s25+$0xD40]  }
0x108: {  	[tilespmem:s24+$0xFFFFFDB0] =	vst.add.f32.msk $0xffff, v2  }
0x109: {  	v2 =	vld [tilespmem:s9+$0xB40]  }
0x10a: {  	[tilespmem:s24+$0xC0] =	vst.add.f32.msk $0xffff, v1  }
0x10b: {  	v1 =	vld [tilespmem:s23+$0xB50]  }
0x10c: {  	[tilespmem:s10+$0x2C0] =	vst.add.f32.msk $0xffff, v0  }
0x10d: {  	v0 =	vld [tilespmem:s25+$0xD50]  }
0x10e: {  	[tilespmem:s24+$0xFFFFFDC0] =	vst.add.f32.msk $0xffff, v2  }
0x10f: {  	v2 =	vld [tilespmem:s9+$0xB50]  }
0x110: {  	[tilespmem:s24+$0xD0] =	vst.add.f32.msk $0xffff, v1  }
0x111: {  	v1 =	vld [tilespmem:s23+$0xB60]  }
0x112: {  	[tilespmem:s10+$0x2D0] =	vst.add.f32.msk $0xffff, v0  }
0x113: {  	v0 =	vld [tilespmem:s25+$0xD60]  }
0x114: {  	[tilespmem:s24+$0xFFFFFDD0] =	vst.add.f32.msk $0xffff, v2  }
0x115: {  	v2 =	vld [tilespmem:s9+$0xB60]  }
0x116: {  	[tilespmem:s24+$0xE0] =	vst.add.f32.msk $0xffff, v1  }
0x117: {  	v1 =	vld [tilespmem:s23+$0xB70]  }
0x118: {  	[tilespmem:s10+$0x2E0] =	vst.add.f32.msk $0xffff, v0  }
0x119: {  	v0 =	vld [tilespmem:s25+$0xD70]  }
0x11a: {  	[tilespmem:s24+$0xFFFFFDE0] =	vst.add.f32.msk $0xffff, v2  }
0x11b: {  	v2 =	vld [tilespmem:s9+$0xB70]  }
0x11c: {  	v3 =	vld [tilespmem:s21+$0xC80]  }
0x11d: {  	[tilespmem:s24+$0xF0] =	vst.add.f32.msk $0xffff, v1  }
0x11e: {  	[tilespmem:s10+$0x2F0] =	vst.add.f32.msk $0xffff, v0  }
0x11f: {  	v0 =	vld [tilespmem:s23+$0xB80]  }
0x120: {  	[tilespmem:s24+$0xFFFFFDF0] =	vst.add.f32.msk $0xffff, v2  }
0x121: {  	v1 =	vld [tilespmem:s9+$0xB80]  }
0x122: {  	[tilespmem:s10+$0xFFFFFF00] =	vst.add.f32.msk $0xffff, v3  }
0x123: {  	v2 =	vld [tilespmem:s21+$0xC90]  }
0x124: {  	[tilespmem:s24+$0x100] =	vst.add.f32.msk $0xffff, v0  }
0x125: {  	v0 =	vld [tilespmem:s23+$0xB90]  }
0x126: {  	[tilespmem:s24+$0xFFFFFE00] =	vst.add.f32.msk $0xffff, v1  }
0x127: {  	v1 =	vld [tilespmem:s9+$0xB90]  }
0x128: {  	[tilespmem:s10+$0xFFFFFF10] =	vst.add.f32.msk $0xffff, v2  }
0x129: {  	v2 =	vld [tilespmem:s21+$0xCA0]  }
0x12a: {  	[tilespmem:s24+$0x110] =	vst.add.f32.msk $0xffff, v0  }
0x12b: {  	v0 =	vld [tilespmem:s23+$0xBA0]  }
0x12c: {  	[tilespmem:s24+$0xFFFFFE10] =	vst.add.f32.msk $0xffff, v1  }
0x12d: {  	v1 =	vld [tilespmem:s9+$0xBA0]  }
0x12e: {  	[tilespmem:s10+$0xFFFFFF20] =	vst.add.f32.msk $0xffff, v2  }
0x12f: {  	v2 =	vld [tilespmem:s21+$0xCB0]  }
0x130: {  	[tilespmem:s24+$0x120] =	vst.add.f32.msk $0xffff, v0  }
0x131: {  	v0 =	vld [tilespmem:s23+$0xBB0]  }
0x132: {  	[tilespmem:s24+$0xFFFFFE20] =	vst.add.f32.msk $0xffff, v1  }
0x133: {  	v1 =	vld [tilespmem:s9+$0xBB0]  }
0x134: {  	[tilespmem:s10+$0xFFFFFF30] =	vst.add.f32.msk $0xffff, v2  }
0x135: {  	v2 =	vld [tilespmem:s21+$0xCC0]  }
0x136: {  	[tilespmem:s24+$0x130] =	vst.add.f32.msk $0xffff, v0  }
0x137: {  	v0 =	vld [tilespmem:s23+$0xBC0]  }
0x138: {  	[tilespmem:s24+$0xFFFFFE30] =	vst.add.f32.msk $0xffff, v1  }
0x139: {  	v1 =	vld [tilespmem:s9+$0xBC0]  }
0x13a: {  	[tilespmem:s10+$0xFFFFFF40] =	vst.add.f32.msk $0xffff, v2  }
0x13b: {  	v2 =	vld [tilespmem:s21+$0xCD0]  }
0x13c: {  	[tilespmem:s24+$0x140] =	vst.add.f32.msk $0xffff, v0  }
0x13d: {  	v0 =	vld [tilespmem:s23+$0xBD0]  }
0x13e: {  	[tilespmem:s24+$0xFFFFFE40] =	vst.add.f32.msk $0xffff, v1  }
0x13f: {  	v1 =	vld [tilespmem:s9+$0xBD0]  }
0x140: {  	[tilespmem:s10+$0xFFFFFF50] =	vst.add.f32.msk $0xffff, v2  }
0x141: {  	v2 =	vld [tilespmem:s21+$0xCE0]  }
0x142: {  	[tilespmem:s24+$0x150] =	vst.add.f32.msk $0xffff, v0  }
0x143: {  	v0 =	vld [tilespmem:s23+$0xBE0]  }
0x144: {  	[tilespmem:s24+$0xFFFFFE50] =	vst.add.f32.msk $0xffff, v1  }
0x145: {  	v1 =	vld [tilespmem:s9+$0xBE0]  }
0x146: {  	[tilespmem:s10+$0xFFFFFF60] =	vst.add.f32.msk $0xffff, v2  }
0x147: {  	v2 =	vld [tilespmem:s21+$0xCF0]  }
0x148: {  	[tilespmem:s24+$0x160] =	vst.add.f32.msk $0xffff, v0  }
0x149: {  	v0 =	vld [tilespmem:s23+$0xBF0]  }
0x14a: {  	[tilespmem:s24+$0xFFFFFE60] =	vst.add.f32.msk $0xffff, v1  }
0x14b: {  	v1 =	vld [tilespmem:s9+$0xBF0]  }
0x14c: {  	[tilespmem:s10+$0xFFFFFF70] =	vst.add.f32.msk $0xffff, v2  }
0x14d: {  	v2 =	vld [tilespmem:s21+$0xD00]  }
0x14e: {  	[tilespmem:s24+$0x170] =	vst.add.f32.msk $0xffff, v0  }
0x14f: {  	v0 =	vld [tilespmem:s23+$0xC00]  }
0x150: {  	[tilespmem:s24+$0xFFFFFE70] =	vst.add.f32.msk $0xffff, v1  }
0x151: {  	v1 =	vld [tilespmem:s9+$0xC00]  }
0x152: {  	[tilespmem:s10+$0xFFFFFF80] =	vst.add.f32.msk $0xffff, v2  }
0x153: {  	v2 =	vld [tilespmem:s21+$0xD10]  }
0x154: {  	[tilespmem:s24+$0x180] =	vst.add.f32.msk $0xffff, v0  }
0x155: {  	v0 =	vld [tilespmem:s23+$0xC10]  }
0x156: {  	[tilespmem:s24+$0xFFFFFE80] =	vst.add.f32.msk $0xffff, v1  }
0x157: {  	v1 =	vld [tilespmem:s9+$0xC10]  }
0x158: {  	[tilespmem:s10+$0xFFFFFF90] =	vst.add.f32.msk $0xffff, v2  }
0x159: {  	v2 =	vld [tilespmem:s21+$0xD20]  }
0x15a: {  	[tilespmem:s24+$0x190] =	vst.add.f32.msk $0xffff, v0  }
0x15b: {  	v0 =	vld [tilespmem:s23+$0xC20]  }
0x15c: {  	[tilespmem:s24+$0xFFFFFE90] =	vst.add.f32.msk $0xffff, v1  }
0x15d: {  	v1 =	vld [tilespmem:s9+$0xC20]  }
0x15e: {  	[tilespmem:s10+$0xFFFFFFA0] =	vst.add.f32.msk $0xffff, v2  }
0x15f: {  	v2 =	vld [tilespmem:s21+$0xD30]  }
0x160: {  	[tilespmem:s24+$0x1A0] =	vst.add.f32.msk $0xffff, v0  }
0x161: {  	v0 =	vld [tilespmem:s23+$0xC30]  }
0x162: {  	[tilespmem:s24+$0xFFFFFEA0] =	vst.add.f32.msk $0xffff, v1  }
0x163: {  	v1 =	vld [tilespmem:s9+$0xC30]  }
0x164: {  	[tilespmem:s10+$0xFFFFFFB0] =	vst.add.f32.msk $0xffff, v2  }
0x165: {  	v2 =	vld [tilespmem:s21+$0xD40]  }
0x166: {  	[tilespmem:s24+$0x1B0] =	vst.add.f32.msk $0xffff, v0  }
0x167: {  	v0 =	vld [tilespmem:s23+$0xC40]  }
0x168: {  	[tilespmem:s24+$0xFFFFFEB0] =	vst.add.f32.msk $0xffff, v1  }
0x169: {  	v1 =	vld [tilespmem:s9+$0xC40]  }
0x16a: {  	[tilespmem:s10+$0xFFFFFFC0] =	vst.add.f32.msk $0xffff, v2  }
0x16b: {  	v2 =	vld [tilespmem:s21+$0xD50]  }
0x16c: {  	[tilespmem:s24+$0x1C0] =	vst.add.f32.msk $0xffff, v0  }
0x16d: {  	v3 =	vld [tilespmem:s23+$0xC50]  }
0x16e: {  	s11 =	smulhi.u32 $0x3531DEC1, s28;
	[tilespmem:s24+$0xFFFFFEC0] =	vst.add.f32.msk $0xffff, v1  }
0x16f: {  	s13 =	smulhi.u32 $0x3531DEC1, s26;
	v4 =	vld [tilespmem:s9+$0xC50]  }
0x170: {  	s15 =	smulhi.u32 $0x3531DEC1, s29;
	s0 =	sshrl.u32 s11, $0x4;
	[tilespmem:s10+$0xFFFFFFD0] =	vst.add.f32.msk $0xffff, v2  }
0x171: {  	s0 =	smul.u32 $0x4D, s0;
	s1 =	sshrl.u32 s13, $0x4;
	v0 =	vld [tilespmem:s21+$0xD60]  }
0x172: {  	s17 =	smul.u32 $0x4D, s1;
	s25 =	sshrl.u32 s15, $0x4;
	[tilespmem:s24+$0x1D0] =	vst.add.f32.msk $0xffff, v3  }
0x173: {  	s5 =	smul.u32 $0x4D, s25;
	v1 =	vld [tilespmem:s23+$0xC60]  }
0x174: {  	s8 =	smul.u32 $0x58, s31;
	s1 =	ssub.s32 s30, s0;
	[tilespmem:s24+$0xFFFFFED0] =	vst.add.f32.msk $0xffff, v4  }
0x175: {  	s0 =	ssub.s32 s30, s17;
	s25 =	simm.s32 $0x2;
	s5 =	ssub.s32 s30, s5;
	v2 =	vld [tilespmem:s9+$0xC60]  }
.LBB2_3:
0x176: {  	s11 =	sadd.s32 s25, s22;
	[tilespmem:s10+$0xFFFFFFE0] =	vst.add.f32.msk $0xffff, v0  }
0x177: {  	s13 =	sadd.s32 $0x2, s11;
	s15 =	sadd.s32 $0xFFFFFFB5, s11;
	s17 =	sadd.s32 $0x3, s11;
	v0 =	vld [tilespmem:s21+$0xD70]  }
0x178: {  	s25 =	sadd.s32 $0x2, s25;
	s11 =	sadd.s32 $0xFFFFFFB6, s11;
	p1 =	sgt.u32 s17, $0x4C;
	[tilespmem:s24+$0x1E0] =	vst.add.f32.msk $0xffff, v1  }
0x179: {  	p2 =	sgt.u32 s13, $0x4C;
	s17 =	smov.u32 @p1 s11;
	p1 =	slt.u32 s25, $0x14;
	v1 =	vld [tilespmem:s23+$0xC70]  }
0x17a: {  	s21 =	smov.u32 s9;
	s13 =	smov.u32 @p2 s15;
	s11 =	smul.u32 $0xC00, s17;
	[tilespmem:s24+$0xFFFFFEE0] =	vst.add.f32.msk $0xffff, v2  }
0x17b: {  	s9 =	smul.u32 $0xC00, s13;
	v2 =	vld [tilespmem:s21+$0xC70]  }
0x17c: {  	s11 =	sshra.s32 s11, $0x2;
	[tilespmem:s10+$0xFFFFFFF0] =	vst.add.f32.msk $0xffff, v0;
	s10 =	smov.u32 s24  }
0x17d: {  	s9 =	sshra.s32 s9, $0x2;
	v0 =	vld [tilespmem:s11+$0xA80]  }
0x17e: {  	[tilespmem:s24+$0x1F0] =	vst.add.f32.msk $0xffff, v1  }
0x17f: {  	v1 =	vld [tilespmem:s23+$0xC80]  }
0x180: {  	v3 =	vld [tilespmem:s9+$0xA80]  }
0x181: {  	s24 =	sadd.s32 $0x600, s24;
	[tilespmem:s10+$0xFFFFFEF0] =	vst.add.f32.msk $0xffff, v2  }
0x182: {  	[tilespmem:s24+$0x0] =	vst.add.f32.msk $0xffff, v0  }
0x183: {  	v0 =	vld [tilespmem:s11+$0xA90]  }
0x184: {  	[tilespmem:s10+$0x200] =	vst.add.f32.msk $0xffff, v1  }
0x185: {  	v1 =	vld [tilespmem:s23+$0xC90]  }
0x186: {  	[tilespmem:s24+$0xFFFFFD00] =	vst.add.f32.msk $0xffff, v3  }
0x187: {  	v2 =	vld [tilespmem:s9+$0xA90]  }
0x188: {  	[tilespmem:s24+$0x10] =	vst.add.f32.msk $0xffff, v0  }
0x189: {  	v0 =	vld [tilespmem:s11+$0xAA0]  }
0x18a: {  	[tilespmem:s10+$0x210] =	vst.add.f32.msk $0xffff, v1  }
0x18b: {  	v1 =	vld [tilespmem:s23+$0xCA0]  }
0x18c: {  	[tilespmem:s24+$0xFFFFFD10] =	vst.add.f32.msk $0xffff, v2  }
0x18d: {  	v2 =	vld [tilespmem:s9+$0xAA0]  }
0x18e: {  	[tilespmem:s24+$0x20] =	vst.add.f32.msk $0xffff, v0  }
0x18f: {  	v0 =	vld [tilespmem:s11+$0xAB0]  }
0x190: {  	[tilespmem:s10+$0x220] =	vst.add.f32.msk $0xffff, v1  }
0x191: {  	v1 =	vld [tilespmem:s23+$0xCB0]  }
0x192: {  	[tilespmem:s24+$0xFFFFFD20] =	vst.add.f32.msk $0xffff, v2  }
0x193: {  	v2 =	vld [tilespmem:s9+$0xAB0]  }
0x194: {  	[tilespmem:s24+$0x30] =	vst.add.f32.msk $0xffff, v0  }
0x195: {  	v0 =	vld [tilespmem:s11+$0xAC0]  }
0x196: {  	[tilespmem:s10+$0x230] =	vst.add.f32.msk $0xffff, v1  }
0x197: {  	v1 =	vld [tilespmem:s23+$0xCC0]  }
0x198: {  	[tilespmem:s24+$0xFFFFFD30] =	vst.add.f32.msk $0xffff, v2  }
0x199: {  	v2 =	vld [tilespmem:s9+$0xAC0]  }
0x19a: {  	[tilespmem:s24+$0x40] =	vst.add.f32.msk $0xffff, v0  }
0x19b: {  	v0 =	vld [tilespmem:s11+$0xAD0]  }
0x19c: {  	[tilespmem:s10+$0x240] =	vst.add.f32.msk $0xffff, v1  }
0x19d: {  	v1 =	vld [tilespmem:s23+$0xCD0]  }
0x19e: {  	[tilespmem:s24+$0xFFFFFD40] =	vst.add.f32.msk $0xffff, v2  }
0x19f: {  	v2 =	vld [tilespmem:s9+$0xAD0]  }
0x1a0: {  	[tilespmem:s24+$0x50] =	vst.add.f32.msk $0xffff, v0  }
0x1a1: {  	v0 =	vld [tilespmem:s11+$0xAE0]  }
0x1a2: {  	[tilespmem:s10+$0x250] =	vst.add.f32.msk $0xffff, v1  }
0x1a3: {  	v1 =	vld [tilespmem:s23+$0xCE0]  }
0x1a4: {  	[tilespmem:s24+$0xFFFFFD50] =	vst.add.f32.msk $0xffff, v2  }
0x1a5: {  	v2 =	vld [tilespmem:s9+$0xAE0]  }
0x1a6: {  	[tilespmem:s24+$0x60] =	vst.add.f32.msk $0xffff, v0  }
0x1a7: {  	v0 =	vld [tilespmem:s11+$0xAF0]  }
0x1a8: {  	[tilespmem:s10+$0x260] =	vst.add.f32.msk $0xffff, v1  }
0x1a9: {  	v1 =	vld [tilespmem:s23+$0xCF0]  }
0x1aa: {  	[tilespmem:s24+$0xFFFFFD60] =	vst.add.f32.msk $0xffff, v2  }
0x1ab: {  	v2 =	vld [tilespmem:s9+$0xAF0]  }
0x1ac: {  	[tilespmem:s24+$0x70] =	vst.add.f32.msk $0xffff, v0  }
0x1ad: {  	v0 =	vld [tilespmem:s11+$0xB00]  }
0x1ae: {  	[tilespmem:s10+$0x270] =	vst.add.f32.msk $0xffff, v1  }
0x1af: {  	v1 =	vld [tilespmem:s23+$0xD00]  }
0x1b0: {  	[tilespmem:s24+$0xFFFFFD70] =	vst.add.f32.msk $0xffff, v2  }
0x1b1: {  	v2 =	vld [tilespmem:s9+$0xB00]  }
0x1b2: {  	[tilespmem:s24+$0x80] =	vst.add.f32.msk $0xffff, v0  }
0x1b3: {  	v0 =	vld [tilespmem:s11+$0xB10]  }
0x1b4: {  	[tilespmem:s10+$0x280] =	vst.add.f32.msk $0xffff, v1  }
0x1b5: {  	v1 =	vld [tilespmem:s23+$0xD10]  }
0x1b6: {  	[tilespmem:s24+$0xFFFFFD80] =	vst.add.f32.msk $0xffff, v2  }
0x1b7: {  	v2 =	vld [tilespmem:s9+$0xB10]  }
0x1b8: {  	[tilespmem:s24+$0x90] =	vst.add.f32.msk $0xffff, v0  }
0x1b9: {  	v0 =	vld [tilespmem:s11+$0xB20]  }
0x1ba: {  	[tilespmem:s10+$0x290] =	vst.add.f32.msk $0xffff, v1  }
0x1bb: {  	v1 =	vld [tilespmem:s23+$0xD20]  }
0x1bc: {  	[tilespmem:s24+$0xFFFFFD90] =	vst.add.f32.msk $0xffff, v2  }
0x1bd: {  	v2 =	vld [tilespmem:s9+$0xB20]  }
0x1be: {  	[tilespmem:s24+$0xA0] =	vst.add.f32.msk $0xffff, v0  }
0x1bf: {  	v0 =	vld [tilespmem:s11+$0xB30]  }
0x1c0: {  	[tilespmem:s10+$0x2A0] =	vst.add.f32.msk $0xffff, v1  }
0x1c1: {  	v1 =	vld [tilespmem:s23+$0xD30]  }
0x1c2: {  	[tilespmem:s24+$0xFFFFFDA0] =	vst.add.f32.msk $0xffff, v2  }
0x1c3: {  	v2 =	vld [tilespmem:s9+$0xB30]  }
0x1c4: {  	[tilespmem:s24+$0xB0] =	vst.add.f32.msk $0xffff, v0  }
0x1c5: {  	v0 =	vld [tilespmem:s11+$0xB40]  }
0x1c6: {  	[tilespmem:s10+$0x2B0] =	vst.add.f32.msk $0xffff, v1  }
0x1c7: {  	v1 =	vld [tilespmem:s23+$0xD40]  }
0x1c8: {  	[tilespmem:s24+$0xFFFFFDB0] =	vst.add.f32.msk $0xffff, v2  }
0x1c9: {  	v2 =	vld [tilespmem:s9+$0xB40]  }
0x1ca: {  	[tilespmem:s24+$0xC0] =	vst.add.f32.msk $0xffff, v0  }
0x1cb: {  	v0 =	vld [tilespmem:s11+$0xB50]  }
0x1cc: {  	[tilespmem:s10+$0x2C0] =	vst.add.f32.msk $0xffff, v1  }
0x1cd: {  	v1 =	vld [tilespmem:s23+$0xD50]  }
0x1ce: {  	[tilespmem:s24+$0xFFFFFDC0] =	vst.add.f32.msk $0xffff, v2  }
0x1cf: {  	v2 =	vld [tilespmem:s9+$0xB50]  }
0x1d0: {  	[tilespmem:s24+$0xD0] =	vst.add.f32.msk $0xffff, v0  }
0x1d1: {  	v0 =	vld [tilespmem:s11+$0xB60]  }
0x1d2: {  	[tilespmem:s10+$0x2D0] =	vst.add.f32.msk $0xffff, v1  }
0x1d3: {  	v1 =	vld [tilespmem:s23+$0xD60]  }
0x1d4: {  	[tilespmem:s24+$0xFFFFFDD0] =	vst.add.f32.msk $0xffff, v2  }
0x1d5: {  	v2 =	vld [tilespmem:s9+$0xB60]  }
0x1d6: {  	[tilespmem:s24+$0xE0] =	vst.add.f32.msk $0xffff, v0  }
0x1d7: {  	v0 =	vld [tilespmem:s11+$0xB70]  }
0x1d8: {  	[tilespmem:s10+$0x2E0] =	vst.add.f32.msk $0xffff, v1  }
0x1d9: {  	v1 =	vld [tilespmem:s23+$0xD70];
	s23 =	smov.u32 s11  }
0x1da: {  	[tilespmem:s24+$0xFFFFFDE0] =	vst.add.f32.msk $0xffff, v2  }
0x1db: {  	v2 =	vld [tilespmem:s9+$0xB70]  }
0x1dc: {  	v3 =	vld [tilespmem:s21+$0xC80]  }
0x1dd: {  	[tilespmem:s24+$0xF0] =	vst.add.f32.msk $0xffff, v0  }
0x1de: {  	[tilespmem:s10+$0x2F0] =	vst.add.f32.msk $0xffff, v1  }
0x1df: {  	v0 =	vld [tilespmem:s23+$0xB80]  }
0x1e0: {  	[tilespmem:s24+$0xFFFFFDF0] =	vst.add.f32.msk $0xffff, v2  }
0x1e1: {  	v1 =	vld [tilespmem:s9+$0xB80]  }
0x1e2: {  	[tilespmem:s10+$0xFFFFFF00] =	vst.add.f32.msk $0xffff, v3  }
0x1e3: {  	v2 =	vld [tilespmem:s21+$0xC90]  }
0x1e4: {  	[tilespmem:s24+$0x100] =	vst.add.f32.msk $0xffff, v0  }
0x1e5: {  	v0 =	vld [tilespmem:s23+$0xB90]  }
0x1e6: {  	[tilespmem:s24+$0xFFFFFE00] =	vst.add.f32.msk $0xffff, v1  }
0x1e7: {  	v1 =	vld [tilespmem:s9+$0xB90]  }
0x1e8: {  	[tilespmem:s10+$0xFFFFFF10] =	vst.add.f32.msk $0xffff, v2  }
0x1e9: {  	v2 =	vld [tilespmem:s21+$0xCA0]  }
0x1ea: {  	[tilespmem:s24+$0x110] =	vst.add.f32.msk $0xffff, v0  }
0x1eb: {  	v0 =	vld [tilespmem:s23+$0xBA0]  }
0x1ec: {  	[tilespmem:s24+$0xFFFFFE10] =	vst.add.f32.msk $0xffff, v1  }
0x1ed: {  	v1 =	vld [tilespmem:s9+$0xBA0]  }
0x1ee: {  	[tilespmem:s10+$0xFFFFFF20] =	vst.add.f32.msk $0xffff, v2  }
0x1ef: {  	v2 =	vld [tilespmem:s21+$0xCB0]  }
0x1f0: {  	[tilespmem:s24+$0x120] =	vst.add.f32.msk $0xffff, v0  }
0x1f1: {  	v0 =	vld [tilespmem:s23+$0xBB0]  }
0x1f2: {  	[tilespmem:s24+$0xFFFFFE20] =	vst.add.f32.msk $0xffff, v1  }
0x1f3: {  	v1 =	vld [tilespmem:s9+$0xBB0]  }
0x1f4: {  	[tilespmem:s10+$0xFFFFFF30] =	vst.add.f32.msk $0xffff, v2  }
0x1f5: {  	v2 =	vld [tilespmem:s21+$0xCC0]  }
0x1f6: {  	[tilespmem:s24+$0x130] =	vst.add.f32.msk $0xffff, v0  }
0x1f7: {  	v0 =	vld [tilespmem:s23+$0xBC0]  }
0x1f8: {  	[tilespmem:s24+$0xFFFFFE30] =	vst.add.f32.msk $0xffff, v1  }
0x1f9: {  	v1 =	vld [tilespmem:s9+$0xBC0]  }
0x1fa: {  	[tilespmem:s10+$0xFFFFFF40] =	vst.add.f32.msk $0xffff, v2  }
0x1fb: {  	v2 =	vld [tilespmem:s21+$0xCD0]  }
0x1fc: {  	[tilespmem:s24+$0x140] =	vst.add.f32.msk $0xffff, v0  }
0x1fd: {  	v0 =	vld [tilespmem:s23+$0xBD0]  }
0x1fe: {  	[tilespmem:s24+$0xFFFFFE40] =	vst.add.f32.msk $0xffff, v1  }
0x1ff: {  	v1 =	vld [tilespmem:s9+$0xBD0]  }
0x200: {  	[tilespmem:s10+$0xFFFFFF50] =	vst.add.f32.msk $0xffff, v2  }
0x201: {  	v2 =	vld [tilespmem:s21+$0xCE0]  }
0x202: {  	[tilespmem:s24+$0x150] =	vst.add.f32.msk $0xffff, v0  }
0x203: {  	v0 =	vld [tilespmem:s23+$0xBE0]  }
0x204: {  	[tilespmem:s24+$0xFFFFFE50] =	vst.add.f32.msk $0xffff, v1  }
0x205: {  	v1 =	vld [tilespmem:s9+$0xBE0]  }
0x206: {  	[tilespmem:s10+$0xFFFFFF60] =	vst.add.f32.msk $0xffff, v2  }
0x207: {  	v2 =	vld [tilespmem:s21+$0xCF0]  }
0x208: {  	[tilespmem:s24+$0x160] =	vst.add.f32.msk $0xffff, v0  }
0x209: {  	v0 =	vld [tilespmem:s23+$0xBF0]  }
0x20a: {  	[tilespmem:s24+$0xFFFFFE60] =	vst.add.f32.msk $0xffff, v1  }
0x20b: {  	v1 =	vld [tilespmem:s9+$0xBF0]  }
0x20c: {  	[tilespmem:s10+$0xFFFFFF70] =	vst.add.f32.msk $0xffff, v2  }
0x20d: {  	v2 =	vld [tilespmem:s21+$0xD00]  }
0x20e: {  	[tilespmem:s24+$0x170] =	vst.add.f32.msk $0xffff, v0  }
0x20f: {  	v0 =	vld [tilespmem:s23+$0xC00]  }
0x210: {  	[tilespmem:s24+$0xFFFFFE70] =	vst.add.f32.msk $0xffff, v1  }
0x211: {  	v1 =	vld [tilespmem:s9+$0xC00]  }
0x212: {  	[tilespmem:s10+$0xFFFFFF80] =	vst.add.f32.msk $0xffff, v2  }
0x213: {  	v2 =	vld [tilespmem:s21+$0xD10]  }
0x214: {  	[tilespmem:s24+$0x180] =	vst.add.f32.msk $0xffff, v0  }
0x215: {  	v0 =	vld [tilespmem:s23+$0xC10]  }
0x216: {  	[tilespmem:s24+$0xFFFFFE80] =	vst.add.f32.msk $0xffff, v1  }
0x217: {  	v1 =	vld [tilespmem:s9+$0xC10]  }
0x218: {  	[tilespmem:s10+$0xFFFFFF90] =	vst.add.f32.msk $0xffff, v2  }
0x219: {  	v2 =	vld [tilespmem:s21+$0xD20]  }
0x21a: {  	[tilespmem:s24+$0x190] =	vst.add.f32.msk $0xffff, v0  }
0x21b: {  	v0 =	vld [tilespmem:s23+$0xC20]  }
0x21c: {  	[tilespmem:s24+$0xFFFFFE90] =	vst.add.f32.msk $0xffff, v1  }
0x21d: {  	v1 =	vld [tilespmem:s9+$0xC20]  }
0x21e: {  	[tilespmem:s10+$0xFFFFFFA0] =	vst.add.f32.msk $0xffff, v2  }
0x21f: {  	v2 =	vld [tilespmem:s21+$0xD30]  }
0x220: {  	[tilespmem:s24+$0x1A0] =	vst.add.f32.msk $0xffff, v0  }
0x221: {  	v0 =	vld [tilespmem:s23+$0xC30]  }
0x222: {  	[tilespmem:s24+$0xFFFFFEA0] =	vst.add.f32.msk $0xffff, v1  }
0x223: {  	v1 =	vld [tilespmem:s9+$0xC30]  }
0x224: {  	[tilespmem:s10+$0xFFFFFFB0] =	vst.add.f32.msk $0xffff, v2  }
0x225: {  	v2 =	vld [tilespmem:s21+$0xD40]  }
0x226: {  	[tilespmem:s24+$0x1B0] =	vst.add.f32.msk $0xffff, v0  }
0x227: {  	v0 =	vld [tilespmem:s23+$0xC40]  }
0x228: {  	[tilespmem:s24+$0xFFFFFEB0] =	vst.add.f32.msk $0xffff, v1  }
0x229: {  	v1 =	vld [tilespmem:s9+$0xC40]  }
0x22a: {  	[tilespmem:s10+$0xFFFFFFC0] =	vst.add.f32.msk $0xffff, v2  }
0x22b: {  	v2 =	vld [tilespmem:s21+$0xD50]  }
0x22c: {  	[tilespmem:s24+$0x1C0] =	vst.add.f32.msk $0xffff, v0  }
0x22d: {  	v3 =	vld [tilespmem:s23+$0xC50]  }
0x22e: {  	[tilespmem:s24+$0xFFFFFEC0] =	vst.add.f32.msk $0xffff, v1  }
0x22f: {  	v4 =	vld [tilespmem:s9+$0xC50]  }
0x230: {  	[tilespmem:s10+$0xFFFFFFD0] =	vst.add.f32.msk $0xffff, v2  }
.Ltmp2:
0x231: {  	v0 =	vld [tilespmem:s21+$0xD60];
	(pc) =	sbr.rel @p1 .LBB2_3-.Ltmp2, $4  }
0x232: {  	[tilespmem:s24+$0x1D0] =	vst.add.f32.msk $0xffff, v3  }
0x233: {  	v1 =	vld [tilespmem:s23+$0xC60]  }
0x234: {  	[tilespmem:s24+$0xFFFFFED0] =	vst.add.f32.msk $0xffff, v4  }
0x235: {  	v2 =	vld [tilespmem:s9+$0xC60]  }
0x236: {  	_ =	sdelay $0x1  }
0x237: {  	[tilespmem:s24+$0x1E0] =	vst.add.f32.msk $0xffff, v1  }
0x238: {  	v1 =	vld [tilespmem:s23+$0xC70]  }
0x239: {  	[tilespmem:s24+$0xFFFFFEE0] =	vst.add.f32.msk $0xffff, v2  }
0x23a: {  	v2 =	vld [tilespmem:s9+$0xC70];
	_ =	sdelay $0x2  }
0x23b: {  	[tilespmem:s24+$0x1F0] =	vst.add.f32.msk $0xffff, v1  }
0x23c: {  	v1 =	vld [tilespmem:s23+$0xC80]  }
0x23d: {  	[tilespmem:s24+$0xFFFFFEF0] =	vst.add.f32.msk $0xffff, v2  }
0x23e: {  	v2 =	vld [tilespmem:s9+$0xC80];
	_ =	sdelay $0x2  }
0x23f: {  	[tilespmem:s24+$0x200] =	vst.add.f32.msk $0xffff, v1  }
0x240: {  	v1 =	vld [tilespmem:s23+$0xC90]  }
0x241: {  	[tilespmem:s24+$0xFFFFFF00] =	vst.add.f32.msk $0xffff, v2  }
0x242: {  	v2 =	vld [tilespmem:s9+$0xC90];
	_ =	sdelay $0x2  }
0x243: {  	[tilespmem:s24+$0x210] =	vst.add.f32.msk $0xffff, v1  }
0x244: {  	v1 =	vld [tilespmem:s23+$0xCA0]  }
0x245: {  	[tilespmem:s24+$0xFFFFFF10] =	vst.add.f32.msk $0xffff, v2  }
0x246: {  	v2 =	vld [tilespmem:s9+$0xCA0];
	_ =	sdelay $0x2  }
0x247: {  	[tilespmem:s24+$0x220] =	vst.add.f32.msk $0xffff, v1  }
0x248: {  	v1 =	vld [tilespmem:s23+$0xCB0]  }
0x249: {  	[tilespmem:s24+$0xFFFFFF20] =	vst.add.f32.msk $0xffff, v2  }
0x24a: {  	v2 =	vld [tilespmem:s9+$0xCB0];
	_ =	sdelay $0x2  }
0x24b: {  	[tilespmem:s24+$0x230] =	vst.add.f32.msk $0xffff, v1  }
0x24c: {  	v1 =	vld [tilespmem:s23+$0xCC0]  }
0x24d: {  	[tilespmem:s24+$0xFFFFFF30] =	vst.add.f32.msk $0xffff, v2  }
0x24e: {  	v2 =	vld [tilespmem:s9+$0xCC0];
	_ =	sdelay $0x2  }
0x24f: {  	[tilespmem:s24+$0x240] =	vst.add.f32.msk $0xffff, v1  }
0x250: {  	v1 =	vld [tilespmem:s23+$0xCD0]  }
0x251: {  	[tilespmem:s24+$0xFFFFFF40] =	vst.add.f32.msk $0xffff, v2  }
0x252: {  	v2 =	vld [tilespmem:s9+$0xCD0];
	_ =	sdelay $0x2  }
0x253: {  	[tilespmem:s24+$0x250] =	vst.add.f32.msk $0xffff, v1  }
0x254: {  	v1 =	vld [tilespmem:s23+$0xCE0]  }
0x255: {  	[tilespmem:s24+$0xFFFFFF50] =	vst.add.f32.msk $0xffff, v2  }
0x256: {  	v2 =	vld [tilespmem:s9+$0xCE0];
	_ =	sdelay $0x2  }
0x257: {  	[tilespmem:s24+$0x260] =	vst.add.f32.msk $0xffff, v1  }
0x258: {  	v1 =	vld [tilespmem:s23+$0xCF0]  }
0x259: {  	[tilespmem:s24+$0xFFFFFF60] =	vst.add.f32.msk $0xffff, v2  }
0x25a: {  	v2 =	vld [tilespmem:s9+$0xCF0];
	_ =	sdelay $0x2  }
0x25b: {  	[tilespmem:s24+$0x270] =	vst.add.f32.msk $0xffff, v1  }
0x25c: {  	v1 =	vld [tilespmem:s23+$0xD00]  }
0x25d: {  	[tilespmem:s24+$0xFFFFFF70] =	vst.add.f32.msk $0xffff, v2  }
0x25e: {  	v2 =	vld [tilespmem:s9+$0xD00];
	_ =	sdelay $0x2  }
0x25f: {  	[tilespmem:s24+$0x280] =	vst.add.f32.msk $0xffff, v1  }
0x260: {  	v1 =	vld [tilespmem:s23+$0xD10]  }
0x261: {  	[tilespmem:s24+$0xFFFFFF80] =	vst.add.f32.msk $0xffff, v2  }
0x262: {  	v2 =	vld [tilespmem:s9+$0xD10];
	_ =	sdelay $0x2  }
0x263: {  	[tilespmem:s24+$0x290] =	vst.add.f32.msk $0xffff, v1  }
0x264: {  	v1 =	vld [tilespmem:s23+$0xD20]  }
0x265: {  	[tilespmem:s24+$0xFFFFFF90] =	vst.add.f32.msk $0xffff, v2  }
0x266: {  	v2 =	vld [tilespmem:s9+$0xD20];
	_ =	sdelay $0x2  }
0x267: {  	[tilespmem:s24+$0x2A0] =	vst.add.f32.msk $0xffff, v1  }
0x268: {  	v1 =	vld [tilespmem:s23+$0xD30]  }
0x269: {  	[tilespmem:s24+$0xFFFFFFA0] =	vst.add.f32.msk $0xffff, v2  }
0x26a: {  	v2 =	vld [tilespmem:s9+$0xD30];
	_ =	sdelay $0x2  }
0x26b: {  	[tilespmem:s24+$0x2B0] =	vst.add.f32.msk $0xffff, v1  }
0x26c: {  	v1 =	vld [tilespmem:s23+$0xD40]  }
0x26d: {  	[tilespmem:s24+$0xFFFFFFB0] =	vst.add.f32.msk $0xffff, v2  }
0x26e: {  	v2 =	vld [tilespmem:s9+$0xD40];
	_ =	sdelay $0x2  }
0x26f: {  	[tilespmem:s24+$0x2C0] =	vst.add.f32.msk $0xffff, v1  }
0x270: {  	v1 =	vld [tilespmem:s23+$0xD50]  }
0x271: {  	[tilespmem:s24+$0xFFFFFFC0] =	vst.add.f32.msk $0xffff, v2  }
0x272: {  	v2 =	vld [tilespmem:s9+$0xD50];
	_ =	sdelay $0x2  }
0x273: {  	[tilespmem:s24+$0x2D0] =	vst.add.f32.msk $0xffff, v1  }
0x274: {  	v1 =	vld [tilespmem:s23+$0xD60]  }
0x275: {  	[tilespmem:s24+$0xFFFFFFD0] =	vst.add.f32.msk $0xffff, v2  }
0x276: {  	v2 =	vld [tilespmem:s9+$0xD60]  }
0x277: {  	[tilespmem:s10+$0xFFFFFFE0] =	vst.add.f32.msk $0xffff, v0  }
0x278: {  	v0 =	vld [tilespmem:s21+$0xD70]  }
0x279: {  	[tilespmem:s24+$0x2E0] =	vst.add.f32.msk $0xffff, v1  }
0x27a: {  	v1 =	vld [tilespmem:s23+$0xD70]  }
0x27b: {  	[tilespmem:s24+$0xFFFFFFE0] =	vst.add.f32.msk $0xffff, v2  }
0x27c: {  	v2 =	vld [tilespmem:s9+$0xD70];
	_ =	sdelay $0x1  }
0x27d: {  	s23 =	sadd.s32 s6, s8  }
0x27e: {  	[tilespmem:s10+$0xFFFFFFF0] =	vst.add.f32.msk $0xffff, v0;
	s9 =	smul.u32 $0x60, s23  }
0x27f: {  	s25 =	simm.s32 $0xF180;
	s10 =	sor.u32 $0x3, s7;
	[tilespmem:s24+$0x2F0] =	vst.add.f32.msk $0xffff, v1  }
0x280: {  	s7 =	simm.s32 @!p0 $0x8;
	s11 =	smul.u32 $0x60, s10;
	s9 =	sadd.s32 s2, s9;
	[tilespmem:s24+$0xFFFFFFF0] =	vst.add.f32.msk $0xffff, v2  }
0x281: {  	[hbm4b:s9+s3] =	stream.linear.scatter [tilespmem:s25], [sflag:$0x5], $0x4200, $0x38;
	[tilespmem:$0x1F980] =	vst v63  }
0x282: {  	s15 =	sadd.s32 $0xFFFFFFFE, s5;
	s13 =	sshra.s32 s11, $0x2;
	_ =	swait.ge @!p0 [sflag:s7], $0x4200  }
0x283: {  	s11 =	sadd.s32 $0xFFFFFFCC, s15;
	s9 =	sadd.s32 $0x19, s15;
	[sflag:s7] =	ssyncset.done @!p0 $0x0  }
0x284: {  	s25 =	simm.s32 $0x1B780;
	[sflag:s7] =	ssyncadd.s32 @!p0 $0xFFFFBE00;
	p0 =	sgt.u32 s9, $0x4C  }
0x285: {  	[tilespmem:s25], [sflag:$0x4] =	stream.indirect.gather [hbm4b:s4+s14], $0x300, s13, s14, $0xb8;
	[tilespmem:$0x1F980] =	vst v63  }
0x286: {  	s9 =	smov.u32 @p0 s11  }
0x287: {  	_ =	swait.ge [sflag:s18], $0x4200;
	s9 =	smul.u32 $0xC00, s9  }
0x288: {  	s7 =	sadd.s32 $0xFFFFFFCB, s15;
	s11 =	sadd.s32 $0x18, s15;
	[sflag:s18] =	ssyncset.done $0x0  }
0x289: {  	p0 =	sgt.u32 s11, $0x4C;
	[sflag:s18] =	ssyncadd.s32 $0xFFFFBE00;
	s17 =	sshra.s32 s9, $0x2  }
0x28a: {  	s11 =	smov.u32 @p0 s7;
	v0 =	vld [tilespmem:s17+$0xA80]  }
0x28b: {  	s7 =	smul.u32 $0xC00, s11;
	_ =	sdelay $0x1  }
0x28c: {  	s21 =	sshra.s32 s7, $0x2  }
0x28d: {  	s7 =	simm.s32 $0x13680;
	v1 =	vld [tilespmem:s21+$0xA80]  }
0x28e: {  	[tilespmem:s7+$0x0] =	vst.add.f32.msk $0xffff, v0  }
0x28f: {  	v0 =	vld [tilespmem:s17+$0xA90];
	_ =	sdelay $0x2  }
0x290: {  	[tilespmem:s7+$0xFFFFFD00] =	vst.add.f32.msk $0xffff, v1  }
0x291: {  	v1 =	vld [tilespmem:s21+$0xA90]  }
0x292: {  	[tilespmem:s7+$0x10] =	vst.add.f32.msk $0xffff, v0  }
0x293: {  	v0 =	vld [tilespmem:s17+$0xAA0];
	_ =	sdelay $0x2  }
0x294: {  	[tilespmem:s7+$0xFFFFFD10] =	vst.add.f32.msk $0xffff, v1  }
0x295: {  	v1 =	vld [tilespmem:s21+$0xAA0]  }
0x296: {  	[tilespmem:s7+$0x20] =	vst.add.f32.msk $0xffff, v0  }
0x297: {  	v0 =	vld [tilespmem:s17+$0xAB0];
	_ =	sdelay $0x2  }
0x298: {  	[tilespmem:s7+$0xFFFFFD20] =	vst.add.f32.msk $0xffff, v1  }
0x299: {  	v1 =	vld [tilespmem:s21+$0xAB0]  }
0x29a: {  	[tilespmem:s7+$0x30] =	vst.add.f32.msk $0xffff, v0  }
0x29b: {  	v0 =	vld [tilespmem:s17+$0xAC0];
	_ =	sdelay $0x2  }
0x29c: {  	[tilespmem:s7+$0xFFFFFD30] =	vst.add.f32.msk $0xffff, v1  }
0x29d: {  	v1 =	vld [tilespmem:s21+$0xAC0]  }
0x29e: {  	[tilespmem:s7+$0x40] =	vst.add.f32.msk $0xffff, v0  }
0x29f: {  	v0 =	vld [tilespmem:s17+$0xAD0];
	_ =	sdelay $0x2  }
0x2a0: {  	[tilespmem:s7+$0xFFFFFD40] =	vst.add.f32.msk $0xffff, v1  }
0x2a1: {  	v1 =	vld [tilespmem:s21+$0xAD0]  }
0x2a2: {  	[tilespmem:s7+$0x50] =	vst.add.f32.msk $0xffff, v0  }
0x2a3: {  	v0 =	vld [tilespmem:s17+$0xAE0];
	_ =	sdelay $0x2  }
0x2a4: {  	[tilespmem:s7+$0xFFFFFD50] =	vst.add.f32.msk $0xffff, v1  }
0x2a5: {  	v1 =	vld [tilespmem:s21+$0xAE0]  }
0x2a6: {  	[tilespmem:s7+$0x60] =	vst.add.f32.msk $0xffff, v0  }
0x2a7: {  	v0 =	vld [tilespmem:s17+$0xAF0];
	_ =	sdelay $0x2  }
0x2a8: {  	[tilespmem:s7+$0xFFFFFD60] =	vst.add.f32.msk $0xffff, v1  }
0x2a9: {  	v1 =	vld [tilespmem:s21+$0xAF0]  }
0x2aa: {  	[tilespmem:s7+$0x70] =	vst.add.f32.msk $0xffff, v0  }
0x2ab: {  	v0 =	vld [tilespmem:s17+$0xB00];
	_ =	sdelay $0x2  }
0x2ac: {  	[tilespmem:s7+$0xFFFFFD70] =	vst.add.f32.msk $0xffff, v1  }
0x2ad: {  	v1 =	vld [tilespmem:s21+$0xB00]  }
0x2ae: {  	[tilespmem:s7+$0x80] =	vst.add.f32.msk $0xffff, v0  }
0x2af: {  	v0 =	vld [tilespmem:s17+$0xB10];
	_ =	sdelay $0x2  }
0x2b0: {  	[tilespmem:s7+$0xFFFFFD80] =	vst.add.f32.msk $0xffff, v1  }
0x2b1: {  	v1 =	vld [tilespmem:s21+$0xB10]  }
0x2b2: {  	[tilespmem:s7+$0x90] =	vst.add.f32.msk $0xffff, v0  }
0x2b3: {  	v0 =	vld [tilespmem:s17+$0xB20];
	_ =	sdelay $0x2  }
0x2b4: {  	[tilespmem:s7+$0xFFFFFD90] =	vst.add.f32.msk $0xffff, v1  }
0x2b5: {  	v1 =	vld [tilespmem:s21+$0xB20]  }
0x2b6: {  	[tilespmem:s7+$0xA0] =	vst.add.f32.msk $0xffff, v0  }
0x2b7: {  	v0 =	vld [tilespmem:s17+$0xB30];
	_ =	sdelay $0x2  }
0x2b8: {  	[tilespmem:s7+$0xFFFFFDA0] =	vst.add.f32.msk $0xffff, v1  }
0x2b9: {  	v1 =	vld [tilespmem:s21+$0xB30]  }
0x2ba: {  	[tilespmem:s7+$0xB0] =	vst.add.f32.msk $0xffff, v0  }
0x2bb: {  	v0 =	vld [tilespmem:s17+$0xB40];
	_ =	sdelay $0x2  }
0x2bc: {  	[tilespmem:s7+$0xFFFFFDB0] =	vst.add.f32.msk $0xffff, v1  }
0x2bd: {  	v1 =	vld [tilespmem:s21+$0xB40]  }
0x2be: {  	[tilespmem:s7+$0xC0] =	vst.add.f32.msk $0xffff, v0  }
0x2bf: {  	v0 =	vld [tilespmem:s17+$0xB50];
	_ =	sdelay $0x2  }
0x2c0: {  	[tilespmem:s7+$0xFFFFFDC0] =	vst.add.f32.msk $0xffff, v1  }
0x2c1: {  	v1 =	vld [tilespmem:s21+$0xB50]  }
0x2c2: {  	[tilespmem:s7+$0xD0] =	vst.add.f32.msk $0xffff, v0  }
0x2c3: {  	v0 =	vld [tilespmem:s17+$0xB60];
	_ =	sdelay $0x2  }
0x2c4: {  	[tilespmem:s7+$0xFFFFFDD0] =	vst.add.f32.msk $0xffff, v1  }
0x2c5: {  	v1 =	vld [tilespmem:s21+$0xB60]  }
0x2c6: {  	[tilespmem:s7+$0xE0] =	vst.add.f32.msk $0xffff, v0  }
0x2c7: {  	v0 =	vld [tilespmem:s17+$0xB70];
	_ =	sdelay $0x2  }
0x2c8: {  	[tilespmem:s7+$0xFFFFFDE0] =	vst.add.f32.msk $0xffff, v1  }
0x2c9: {  	v1 =	vld [tilespmem:s21+$0xB70]  }
0x2ca: {  	[tilespmem:s7+$0xF0] =	vst.add.f32.msk $0xffff, v0  }
0x2cb: {  	v0 =	vld [tilespmem:s17+$0xB80];
	_ =	sdelay $0x2  }
0x2cc: {  	[tilespmem:s7+$0xFFFFFDF0] =	vst.add.f32.msk $0xffff, v1  }
0x2cd: {  	v1 =	vld [tilespmem:s21+$0xB80]  }
0x2ce: {  	[tilespmem:s7+$0x100] =	vst.add.f32.msk $0xffff, v0  }
0x2cf: {  	v0 =	vld [tilespmem:s17+$0xB90];
	_ =	sdelay $0x2  }
0x2d0: {  	[tilespmem:s7+$0xFFFFFE00] =	vst.add.f32.msk $0xffff, v1  }
0x2d1: {  	v1 =	vld [tilespmem:s21+$0xB90]  }
0x2d2: {  	[tilespmem:s7+$0x110] =	vst.add.f32.msk $0xffff, v0  }
0x2d3: {  	v0 =	vld [tilespmem:s17+$0xBA0];
	_ =	sdelay $0x2  }
0x2d4: {  	[tilespmem:s7+$0xFFFFFE10] =	vst.add.f32.msk $0xffff, v1  }
0x2d5: {  	v1 =	vld [tilespmem:s21+$0xBA0]  }
0x2d6: {  	[tilespmem:s7+$0x120] =	vst.add.f32.msk $0xffff, v0  }
0x2d7: {  	v0 =	vld [tilespmem:s17+$0xBB0];
	_ =	sdelay $0x2  }
0x2d8: {  	[tilespmem:s7+$0xFFFFFE20] =	vst.add.f32.msk $0xffff, v1  }
0x2d9: {  	v1 =	vld [tilespmem:s21+$0xBB0]  }
0x2da: {  	[tilespmem:s7+$0x130] =	vst.add.f32.msk $0xffff, v0  }
0x2db: {  	v0 =	vld [tilespmem:s17+$0xBC0];
	_ =	sdelay $0x2  }
0x2dc: {  	[tilespmem:s7+$0xFFFFFE30] =	vst.add.f32.msk $0xffff, v1  }
0x2dd: {  	v1 =	vld [tilespmem:s21+$0xBC0]  }
0x2de: {  	[tilespmem:s7+$0x140] =	vst.add.f32.msk $0xffff, v0  }
0x2df: {  	v0 =	vld [tilespmem:s17+$0xBD0];
	_ =	sdelay $0x2  }
0x2e0: {  	[tilespmem:s7+$0xFFFFFE40] =	vst.add.f32.msk $0xffff, v1  }
0x2e1: {  	v1 =	vld [tilespmem:s21+$0xBD0]  }
0x2e2: {  	[tilespmem:s7+$0x150] =	vst.add.f32.msk $0xffff, v0  }
0x2e3: {  	v0 =	vld [tilespmem:s17+$0xBE0];
	_ =	sdelay $0x2  }
0x2e4: {  	[tilespmem:s7+$0xFFFFFE50] =	vst.add.f32.msk $0xffff, v1  }
0x2e5: {  	v1 =	vld [tilespmem:s21+$0xBE0]  }
0x2e6: {  	[tilespmem:s7+$0x160] =	vst.add.f32.msk $0xffff, v0  }
0x2e7: {  	v0 =	vld [tilespmem:s17+$0xBF0];
	_ =	sdelay $0x2  }
0x2e8: {  	[tilespmem:s7+$0xFFFFFE60] =	vst.add.f32.msk $0xffff, v1  }
0x2e9: {  	v1 =	vld [tilespmem:s21+$0xBF0]  }
0x2ea: {  	[tilespmem:s7+$0x170] =	vst.add.f32.msk $0xffff, v0  }
0x2eb: {  	v0 =	vld [tilespmem:s17+$0xC00];
	_ =	sdelay $0x2  }
0x2ec: {  	[tilespmem:s7+$0xFFFFFE70] =	vst.add.f32.msk $0xffff, v1  }
0x2ed: {  	v1 =	vld [tilespmem:s21+$0xC00]  }
0x2ee: {  	[tilespmem:s7+$0x180] =	vst.add.f32.msk $0xffff, v0  }
0x2ef: {  	v0 =	vld [tilespmem:s17+$0xC10];
	_ =	sdelay $0x2  }
0x2f0: {  	[tilespmem:s7+$0xFFFFFE80] =	vst.add.f32.msk $0xffff, v1  }
0x2f1: {  	v1 =	vld [tilespmem:s21+$0xC10]  }
0x2f2: {  	[tilespmem:s7+$0x190] =	vst.add.f32.msk $0xffff, v0  }
0x2f3: {  	v0 =	vld [tilespmem:s17+$0xC20];
	_ =	sdelay $0x2  }
0x2f4: {  	[tilespmem:s7+$0xFFFFFE90] =	vst.add.f32.msk $0xffff, v1  }
0x2f5: {  	v1 =	vld [tilespmem:s21+$0xC20]  }
0x2f6: {  	[tilespmem:s7+$0x1A0] =	vst.add.f32.msk $0xffff, v0  }
0x2f7: {  	v0 =	vld [tilespmem:s17+$0xC30];
	_ =	sdelay $0x2  }
0x2f8: {  	[tilespmem:s7+$0xFFFFFEA0] =	vst.add.f32.msk $0xffff, v1  }
0x2f9: {  	v1 =	vld [tilespmem:s21+$0xC30]  }
0x2fa: {  	[tilespmem:s7+$0x1B0] =	vst.add.f32.msk $0xffff, v0  }
0x2fb: {  	v0 =	vld [tilespmem:s17+$0xC40];
	_ =	sdelay $0x2  }
0x2fc: {  	[tilespmem:s7+$0xFFFFFEB0] =	vst.add.f32.msk $0xffff, v1  }
0x2fd: {  	v1 =	vld [tilespmem:s21+$0xC40]  }
0x2fe: {  	[tilespmem:s7+$0x1C0] =	vst.add.f32.msk $0xffff, v0  }
0x2ff: {  	v0 =	vld [tilespmem:s17+$0xC50];
	_ =	sdelay $0x2  }
0x300: {  	[tilespmem:s7+$0xFFFFFEC0] =	vst.add.f32.msk $0xffff, v1  }
0x301: {  	v1 =	vld [tilespmem:s21+$0xC50]  }
0x302: {  	[tilespmem:s7+$0x1D0] =	vst.add.f32.msk $0xffff, v0  }
0x303: {  	v0 =	vld [tilespmem:s17+$0xC60]  }
0x304: {  	s22 =	sadd.s32 $0x0, s5  }
0x305: {  	s11 =	sadd.s32 $0x19, s22  }
0x306: {  	s13 =	sadd.s32 $0xFFFFFFCC, s22;
	p0 =	sgt.u32 s11, $0x4C;
	[tilespmem:s7+$0xFFFFFED0] =	vst.add.f32.msk $0xffff, v1  }
0x307: {  	s11 =	smov.u32 @p0 s13;
	v1 =	vld [tilespmem:s21+$0xC60]  }
0x308: {  	s13 =	sadd.s32 $0x18, s22;
	s11 =	smul.u32 $0xC00, s11;
	[tilespmem:s7+$0x1E0] =	vst.add.f32.msk $0xffff, v0  }
0x309: {  	s9 =	sadd.s32 $0xFFFFFFCB, s22;
	p0 =	sgt.u32 s13, $0x4C;
	v0 =	vld [tilespmem:s17+$0xC70]  }
0x30a: {  	s13 =	smov.u32 @p0 s9;
	s9 =	sshra.s32 s11, $0x2  }
0x30b: {  	v2 =	vld [tilespmem:s9+$0xA80]  }
0x30c: {  	[tilespmem:s7+$0xFFFFFEE0] =	vst.add.f32.msk $0xffff, v1  }
0x30d: {  	s23 =	smul.u32 $0xC00, s13;
	v1 =	vld [tilespmem:s21+$0xC70]  }
0x30e: {  	[tilespmem:s7+$0x1F0] =	vst.add.f32.msk $0xffff, v0  }
0x30f: {  	s23 =	sshra.s32 s23, $0x2;
	v0 =	vld [tilespmem:s17+$0xC80]  }
0x310: {  	s22 =	simm.s32 $0x13C80;
	v3 =	vld [tilespmem:s23+$0xA80]  }
0x311: {  	[tilespmem:s22+$0x0] =	vst.add.f32.msk $0xffff, v2  }
0x312: {  	[tilespmem:s7+$0xFFFFFEF0] =	vst.add.f32.msk $0xffff, v1  }
0x313: {  	v1 =	vld [tilespmem:s9+$0xA90]  }
0x314: {  	[tilespmem:s7+$0x200] =	vst.add.f32.msk $0xffff, v0  }
0x315: {  	v0 =	vld [tilespmem:s17+$0xC90]  }
0x316: {  	[tilespmem:s22+$0xFFFFFD00] =	vst.add.f32.msk $0xffff, v3  }
0x317: {  	v2 =	vld [tilespmem:s23+$0xA90]  }
0x318: {  	[tilespmem:s22+$0x10] =	vst.add.f32.msk $0xffff, v1  }
0x319: {  	v1 =	vld [tilespmem:s9+$0xAA0]  }
0x31a: {  	[tilespmem:s7+$0x210] =	vst.add.f32.msk $0xffff, v0  }
0x31b: {  	v0 =	vld [tilespmem:s17+$0xCA0]  }
0x31c: {  	[tilespmem:s22+$0xFFFFFD10] =	vst.add.f32.msk $0xffff, v2  }
0x31d: {  	v2 =	vld [tilespmem:s23+$0xAA0]  }
0x31e: {  	[tilespmem:s22+$0x20] =	vst.add.f32.msk $0xffff, v1  }
0x31f: {  	v1 =	vld [tilespmem:s9+$0xAB0]  }
0x320: {  	[tilespmem:s7+$0x220] =	vst.add.f32.msk $0xffff, v0  }
0x321: {  	v0 =	vld [tilespmem:s17+$0xCB0]  }
0x322: {  	[tilespmem:s22+$0xFFFFFD20] =	vst.add.f32.msk $0xffff, v2  }
0x323: {  	v2 =	vld [tilespmem:s23+$0xAB0]  }
0x324: {  	[tilespmem:s22+$0x30] =	vst.add.f32.msk $0xffff, v1  }
0x325: {  	v1 =	vld [tilespmem:s9+$0xAC0]  }
0x326: {  	[tilespmem:s7+$0x230] =	vst.add.f32.msk $0xffff, v0  }
0x327: {  	v0 =	vld [tilespmem:s17+$0xCC0]  }
0x328: {  	[tilespmem:s22+$0xFFFFFD30] =	vst.add.f32.msk $0xffff, v2  }
0x329: {  	v2 =	vld [tilespmem:s23+$0xAC0]  }
0x32a: {  	[tilespmem:s22+$0x40] =	vst.add.f32.msk $0xffff, v1  }
0x32b: {  	v1 =	vld [tilespmem:s9+$0xAD0]  }
0x32c: {  	[tilespmem:s7+$0x240] =	vst.add.f32.msk $0xffff, v0  }
0x32d: {  	v0 =	vld [tilespmem:s17+$0xCD0]  }
0x32e: {  	[tilespmem:s22+$0xFFFFFD40] =	vst.add.f32.msk $0xffff, v2  }
0x32f: {  	v2 =	vld [tilespmem:s23+$0xAD0]  }
0x330: {  	[tilespmem:s22+$0x50] =	vst.add.f32.msk $0xffff, v1  }
0x331: {  	v1 =	vld [tilespmem:s9+$0xAE0]  }
0x332: {  	[tilespmem:s7+$0x250] =	vst.add.f32.msk $0xffff, v0  }
0x333: {  	v0 =	vld [tilespmem:s17+$0xCE0]  }
0x334: {  	[tilespmem:s22+$0xFFFFFD50] =	vst.add.f32.msk $0xffff, v2  }
0x335: {  	v2 =	vld [tilespmem:s23+$0xAE0]  }
0x336: {  	[tilespmem:s22+$0x60] =	vst.add.f32.msk $0xffff, v1  }
0x337: {  	v1 =	vld [tilespmem:s9+$0xAF0]  }
0x338: {  	[tilespmem:s7+$0x260] =	vst.add.f32.msk $0xffff, v0  }
0x339: {  	v0 =	vld [tilespmem:s17+$0xCF0]  }
0x33a: {  	[tilespmem:s22+$0xFFFFFD60] =	vst.add.f32.msk $0xffff, v2  }
0x33b: {  	v2 =	vld [tilespmem:s23+$0xAF0]  }
0x33c: {  	[tilespmem:s22+$0x70] =	vst.add.f32.msk $0xffff, v1  }
0x33d: {  	v1 =	vld [tilespmem:s9+$0xB00]  }
0x33e: {  	[tilespmem:s7+$0x270] =	vst.add.f32.msk $0xffff, v0  }
0x33f: {  	v0 =	vld [tilespmem:s17+$0xD00]  }
0x340: {  	[tilespmem:s22+$0xFFFFFD70] =	vst.add.f32.msk $0xffff, v2  }
0x341: {  	v2 =	vld [tilespmem:s23+$0xB00]  }
0x342: {  	[tilespmem:s22+$0x80] =	vst.add.f32.msk $0xffff, v1  }
0x343: {  	v1 =	vld [tilespmem:s9+$0xB10]  }
0x344: {  	[tilespmem:s7+$0x280] =	vst.add.f32.msk $0xffff, v0  }
0x345: {  	v0 =	vld [tilespmem:s17+$0xD10]  }
0x346: {  	[tilespmem:s22+$0xFFFFFD80] =	vst.add.f32.msk $0xffff, v2  }
0x347: {  	v2 =	vld [tilespmem:s23+$0xB10]  }
0x348: {  	[tilespmem:s22+$0x90] =	vst.add.f32.msk $0xffff, v1  }
0x349: {  	v1 =	vld [tilespmem:s9+$0xB20]  }
0x34a: {  	[tilespmem:s7+$0x290] =	vst.add.f32.msk $0xffff, v0  }
0x34b: {  	v0 =	vld [tilespmem:s17+$0xD20]  }
0x34c: {  	[tilespmem:s22+$0xFFFFFD90] =	vst.add.f32.msk $0xffff, v2  }
0x34d: {  	v2 =	vld [tilespmem:s23+$0xB20]  }
0x34e: {  	[tilespmem:s22+$0xA0] =	vst.add.f32.msk $0xffff, v1  }
0x34f: {  	v1 =	vld [tilespmem:s9+$0xB30]  }
0x350: {  	[tilespmem:s7+$0x2A0] =	vst.add.f32.msk $0xffff, v0  }
0x351: {  	v0 =	vld [tilespmem:s17+$0xD30]  }
0x352: {  	[tilespmem:s22+$0xFFFFFDA0] =	vst.add.f32.msk $0xffff, v2  }
0x353: {  	v2 =	vld [tilespmem:s23+$0xB30]  }
0x354: {  	[tilespmem:s22+$0xB0] =	vst.add.f32.msk $0xffff, v1  }
0x355: {  	v1 =	vld [tilespmem:s9+$0xB40]  }
0x356: {  	[tilespmem:s7+$0x2B0] =	vst.add.f32.msk $0xffff, v0  }
0x357: {  	v0 =	vld [tilespmem:s17+$0xD40]  }
0x358: {  	[tilespmem:s22+$0xFFFFFDB0] =	vst.add.f32.msk $0xffff, v2  }
0x359: {  	v2 =	vld [tilespmem:s23+$0xB40]  }
0x35a: {  	[tilespmem:s22+$0xC0] =	vst.add.f32.msk $0xffff, v1  }
0x35b: {  	v1 =	vld [tilespmem:s9+$0xB50]  }
0x35c: {  	[tilespmem:s7+$0x2C0] =	vst.add.f32.msk $0xffff, v0  }
0x35d: {  	v0 =	vld [tilespmem:s17+$0xD50]  }
0x35e: {  	[tilespmem:s22+$0xFFFFFDC0] =	vst.add.f32.msk $0xffff, v2  }
0x35f: {  	v2 =	vld [tilespmem:s23+$0xB50]  }
0x360: {  	[tilespmem:s22+$0xD0] =	vst.add.f32.msk $0xffff, v1  }
0x361: {  	v1 =	vld [tilespmem:s9+$0xB60]  }
0x362: {  	[tilespmem:s7+$0x2D0] =	vst.add.f32.msk $0xffff, v0  }
0x363: {  	v0 =	vld [tilespmem:s17+$0xD60]  }
0x364: {  	[tilespmem:s22+$0xFFFFFDD0] =	vst.add.f32.msk $0xffff, v2  }
0x365: {  	v2 =	vld [tilespmem:s23+$0xB60]  }
0x366: {  	[tilespmem:s22+$0xE0] =	vst.add.f32.msk $0xffff, v1  }
0x367: {  	v1 =	vld [tilespmem:s9+$0xB70]  }
0x368: {  	[tilespmem:s7+$0x2E0] =	vst.add.f32.msk $0xffff, v0  }
0x369: {  	v0 =	vld [tilespmem:s17+$0xD70]  }
0x36a: {  	[tilespmem:s22+$0xFFFFFDE0] =	vst.add.f32.msk $0xffff, v2  }
0x36b: {  	v2 =	vld [tilespmem:s23+$0xB70]  }
0x36c: {  	v3 =	vld [tilespmem:s21+$0xC80]  }
0x36d: {  	[tilespmem:s22+$0xF0] =	vst.add.f32.msk $0xffff, v1  }
0x36e: {  	[tilespmem:s7+$0x2F0] =	vst.add.f32.msk $0xffff, v0  }
0x36f: {  	v0 =	vld [tilespmem:s9+$0xB80]  }
0x370: {  	[tilespmem:s22+$0xFFFFFDF0] =	vst.add.f32.msk $0xffff, v2  }
0x371: {  	v1 =	vld [tilespmem:s23+$0xB80]  }
0x372: {  	[tilespmem:s7+$0xFFFFFF00] =	vst.add.f32.msk $0xffff, v3  }
0x373: {  	v2 =	vld [tilespmem:s21+$0xC90]  }
0x374: {  	[tilespmem:s22+$0x100] =	vst.add.f32.msk $0xffff, v0  }
0x375: {  	v0 =	vld [tilespmem:s9+$0xB90]  }
0x376: {  	[tilespmem:s22+$0xFFFFFE00] =	vst.add.f32.msk $0xffff, v1  }
0x377: {  	v1 =	vld [tilespmem:s23+$0xB90]  }
0x378: {  	[tilespmem:s7+$0xFFFFFF10] =	vst.add.f32.msk $0xffff, v2  }
0x379: {  	v2 =	vld [tilespmem:s21+$0xCA0]  }
0x37a: {  	[tilespmem:s22+$0x110] =	vst.add.f32.msk $0xffff, v0  }
0x37b: {  	v0 =	vld [tilespmem:s9+$0xBA0]  }
0x37c: {  	[tilespmem:s22+$0xFFFFFE10] =	vst.add.f32.msk $0xffff, v1  }
0x37d: {  	v1 =	vld [tilespmem:s23+$0xBA0]  }
0x37e: {  	[tilespmem:s7+$0xFFFFFF20] =	vst.add.f32.msk $0xffff, v2  }
0x37f: {  	v2 =	vld [tilespmem:s21+$0xCB0]  }
0x380: {  	[tilespmem:s22+$0x120] =	vst.add.f32.msk $0xffff, v0  }
0x381: {  	v0 =	vld [tilespmem:s9+$0xBB0]  }
0x382: {  	[tilespmem:s22+$0xFFFFFE20] =	vst.add.f32.msk $0xffff, v1  }
0x383: {  	v1 =	vld [tilespmem:s23+$0xBB0]  }
0x384: {  	[tilespmem:s7+$0xFFFFFF30] =	vst.add.f32.msk $0xffff, v2  }
0x385: {  	v2 =	vld [tilespmem:s21+$0xCC0]  }
0x386: {  	[tilespmem:s22+$0x130] =	vst.add.f32.msk $0xffff, v0  }
0x387: {  	v0 =	vld [tilespmem:s9+$0xBC0]  }
0x388: {  	[tilespmem:s22+$0xFFFFFE30] =	vst.add.f32.msk $0xffff, v1  }
0x389: {  	v1 =	vld [tilespmem:s23+$0xBC0]  }
0x38a: {  	[tilespmem:s7+$0xFFFFFF40] =	vst.add.f32.msk $0xffff, v2  }
0x38b: {  	v2 =	vld [tilespmem:s21+$0xCD0]  }
0x38c: {  	[tilespmem:s22+$0x140] =	vst.add.f32.msk $0xffff, v0  }
0x38d: {  	v0 =	vld [tilespmem:s9+$0xBD0]  }
0x38e: {  	[tilespmem:s22+$0xFFFFFE40] =	vst.add.f32.msk $0xffff, v1  }
0x38f: {  	v1 =	vld [tilespmem:s23+$0xBD0]  }
0x390: {  	[tilespmem:s7+$0xFFFFFF50] =	vst.add.f32.msk $0xffff, v2  }
0x391: {  	v2 =	vld [tilespmem:s21+$0xCE0]  }
0x392: {  	[tilespmem:s22+$0x150] =	vst.add.f32.msk $0xffff, v0  }
0x393: {  	v0 =	vld [tilespmem:s9+$0xBE0]  }
0x394: {  	[tilespmem:s22+$0xFFFFFE50] =	vst.add.f32.msk $0xffff, v1  }
0x395: {  	v1 =	vld [tilespmem:s23+$0xBE0]  }
0x396: {  	[tilespmem:s7+$0xFFFFFF60] =	vst.add.f32.msk $0xffff, v2  }
0x397: {  	v2 =	vld [tilespmem:s21+$0xCF0]  }
0x398: {  	[tilespmem:s22+$0x160] =	vst.add.f32.msk $0xffff, v0  }
0x399: {  	v0 =	vld [tilespmem:s9+$0xBF0]  }
0x39a: {  	[tilespmem:s22+$0xFFFFFE60] =	vst.add.f32.msk $0xffff, v1  }
0x39b: {  	v1 =	vld [tilespmem:s23+$0xBF0]  }
0x39c: {  	[tilespmem:s7+$0xFFFFFF70] =	vst.add.f32.msk $0xffff, v2  }
0x39d: {  	v2 =	vld [tilespmem:s21+$0xD00]  }
0x39e: {  	[tilespmem:s22+$0x170] =	vst.add.f32.msk $0xffff, v0  }
0x39f: {  	v0 =	vld [tilespmem:s9+$0xC00]  }
0x3a0: {  	[tilespmem:s22+$0xFFFFFE70] =	vst.add.f32.msk $0xffff, v1  }
0x3a1: {  	v1 =	vld [tilespmem:s23+$0xC00]  }
0x3a2: {  	[tilespmem:s7+$0xFFFFFF80] =	vst.add.f32.msk $0xffff, v2  }
0x3a3: {  	v2 =	vld [tilespmem:s21+$0xD10]  }
0x3a4: {  	[tilespmem:s22+$0x180] =	vst.add.f32.msk $0xffff, v0  }
0x3a5: {  	v0 =	vld [tilespmem:s9+$0xC10]  }
0x3a6: {  	[tilespmem:s22+$0xFFFFFE80] =	vst.add.f32.msk $0xffff, v1  }
0x3a7: {  	v1 =	vld [tilespmem:s23+$0xC10]  }
0x3a8: {  	[tilespmem:s7+$0xFFFFFF90] =	vst.add.f32.msk $0xffff, v2  }
0x3a9: {  	v2 =	vld [tilespmem:s21+$0xD20]  }
0x3aa: {  	[tilespmem:s22+$0x190] =	vst.add.f32.msk $0xffff, v0  }
0x3ab: {  	v0 =	vld [tilespmem:s9+$0xC20]  }
0x3ac: {  	[tilespmem:s22+$0xFFFFFE90] =	vst.add.f32.msk $0xffff, v1  }
0x3ad: {  	v1 =	vld [tilespmem:s23+$0xC20]  }
0x3ae: {  	[tilespmem:s7+$0xFFFFFFA0] =	vst.add.f32.msk $0xffff, v2  }
0x3af: {  	v2 =	vld [tilespmem:s21+$0xD30]  }
0x3b0: {  	[tilespmem:s22+$0x1A0] =	vst.add.f32.msk $0xffff, v0  }
0x3b1: {  	v0 =	vld [tilespmem:s9+$0xC30]  }
0x3b2: {  	[tilespmem:s22+$0xFFFFFEA0] =	vst.add.f32.msk $0xffff, v1  }
0x3b3: {  	v1 =	vld [tilespmem:s23+$0xC30]  }
0x3b4: {  	[tilespmem:s7+$0xFFFFFFB0] =	vst.add.f32.msk $0xffff, v2  }
0x3b5: {  	v2 =	vld [tilespmem:s21+$0xD40]  }
0x3b6: {  	[tilespmem:s22+$0x1B0] =	vst.add.f32.msk $0xffff, v0  }
0x3b7: {  	v0 =	vld [tilespmem:s9+$0xC40]  }
0x3b8: {  	[tilespmem:s22+$0xFFFFFEB0] =	vst.add.f32.msk $0xffff, v1  }
0x3b9: {  	v1 =	vld [tilespmem:s23+$0xC40]  }
0x3ba: {  	[tilespmem:s7+$0xFFFFFFC0] =	vst.add.f32.msk $0xffff, v2  }
0x3bb: {  	v2 =	vld [tilespmem:s21+$0xD50]  }
0x3bc: {  	[tilespmem:s22+$0x1C0] =	vst.add.f32.msk $0xffff, v0  }
0x3bd: {  	v3 =	vld [tilespmem:s9+$0xC50]  }
0x3be: {  	[tilespmem:s22+$0xFFFFFEC0] =	vst.add.f32.msk $0xffff, v1  }
0x3bf: {  	v1 =	vld [tilespmem:s23+$0xC50]  }
0x3c0: {  	[tilespmem:s7+$0xFFFFFFD0] =	vst.add.f32.msk $0xffff, v2  }
0x3c1: {  	v0 =	vld [tilespmem:s21+$0xD60]  }
0x3c2: {  	[tilespmem:s22+$0x1D0] =	vst.add.f32.msk $0xffff, v3  }
0x3c3: {  	v2 =	vld [tilespmem:s9+$0xC60]  }
0x3c4: {  	[tilespmem:s22+$0xFFFFFED0] =	vst.add.f32.msk $0xffff, v1  }
0x3c5: {  	s8 =	sadd.s32 $0x16, s8;
	s24 =	simm.s32 $0x2;
	v1 =	vld [tilespmem:s23+$0xC60]  }
.LBB2_5:
0x3c6: {  	s11 =	sadd.s32 s24, s5;
	[tilespmem:s7+$0xFFFFFFE0] =	vst.add.f32.msk $0xffff, v0  }
0x3c7: {  	s13 =	sadd.s32 $0x18, s11;
	s15 =	sadd.s32 $0xFFFFFFCB, s11;
	s17 =	sadd.s32 $0x19, s11;
	v0 =	vld [tilespmem:s21+$0xD70]  }
0x3c8: {  	s24 =	sadd.s32 $0x2, s24;
	s11 =	sadd.s32 $0xFFFFFFCC, s11;
	p0 =	sgt.u32 s17, $0x4C;
	[tilespmem:s22+$0x1E0] =	vst.add.f32.msk $0xffff, v2  }
0x3c9: {  	p1 =	sgt.u32 s13, $0x4C;
	s17 =	smov.u32 @p0 s11;
	p0 =	slt.u32 s24, $0x14;
	v2 =	vld [tilespmem:s9+$0xC70]  }
0x3ca: {  	s21 =	smov.u32 s23;
	s13 =	smov.u32 @p1 s15;
	s11 =	smul.u32 $0xC00, s17;
	[tilespmem:s22+$0xFFFFFEE0] =	vst.add.f32.msk $0xffff, v1  }
0x3cb: {  	s13 =	smul.u32 $0xC00, s13;
	v1 =	vld [tilespmem:s21+$0xC70]  }
0x3cc: {  	s11 =	sshra.s32 s11, $0x2;
	[tilespmem:s7+$0xFFFFFFF0] =	vst.add.f32.msk $0xffff, v0;
	s7 =	smov.u32 s22  }
0x3cd: {  	s23 =	sshra.s32 s13, $0x2;
	v0 =	vld [tilespmem:s11+$0xA80]  }
0x3ce: {  	[tilespmem:s22+$0x1F0] =	vst.add.f32.msk $0xffff, v2  }
0x3cf: {  	v2 =	vld [tilespmem:s9+$0xC80]  }
0x3d0: {  	v3 =	vld [tilespmem:s23+$0xA80]  }
0x3d1: {  	s22 =	sadd.s32 $0x600, s22;
	[tilespmem:s7+$0xFFFFFEF0] =	vst.add.f32.msk $0xffff, v1  }
0x3d2: {  	[tilespmem:s22+$0x0] =	vst.add.f32.msk $0xffff, v0  }
0x3d3: {  	v0 =	vld [tilespmem:s11+$0xA90]  }
0x3d4: {  	[tilespmem:s7+$0x200] =	vst.add.f32.msk $0xffff, v2  }
0x3d5: {  	v1 =	vld [tilespmem:s9+$0xC90]  }
0x3d6: {  	[tilespmem:s22+$0xFFFFFD00] =	vst.add.f32.msk $0xffff, v3  }
0x3d7: {  	v2 =	vld [tilespmem:s23+$0xA90]  }
0x3d8: {  	[tilespmem:s22+$0x10] =	vst.add.f32.msk $0xffff, v0  }
0x3d9: {  	v0 =	vld [tilespmem:s11+$0xAA0]  }
0x3da: {  	[tilespmem:s7+$0x210] =	vst.add.f32.msk $0xffff, v1  }
0x3db: {  	v1 =	vld [tilespmem:s9+$0xCA0]  }
0x3dc: {  	[tilespmem:s22+$0xFFFFFD10] =	vst.add.f32.msk $0xffff, v2  }
0x3dd: {  	v2 =	vld [tilespmem:s23+$0xAA0]  }
0x3de: {  	[tilespmem:s22+$0x20] =	vst.add.f32.msk $0xffff, v0  }
0x3df: {  	v0 =	vld [tilespmem:s11+$0xAB0]  }
0x3e0: {  	[tilespmem:s7+$0x220] =	vst.add.f32.msk $0xffff, v1  }
0x3e1: {  	v1 =	vld [tilespmem:s9+$0xCB0]  }
0x3e2: {  	[tilespmem:s22+$0xFFFFFD20] =	vst.add.f32.msk $0xffff, v2  }
0x3e3: {  	v2 =	vld [tilespmem:s23+$0xAB0]  }
0x3e4: {  	[tilespmem:s22+$0x30] =	vst.add.f32.msk $0xffff, v0  }
0x3e5: {  	v0 =	vld [tilespmem:s11+$0xAC0]  }
0x3e6: {  	[tilespmem:s7+$0x230] =	vst.add.f32.msk $0xffff, v1  }
0x3e7: {  	v1 =	vld [tilespmem:s9+$0xCC0]  }
0x3e8: {  	[tilespmem:s22+$0xFFFFFD30] =	vst.add.f32.msk $0xffff, v2  }
0x3e9: {  	v2 =	vld [tilespmem:s23+$0xAC0]  }
0x3ea: {  	[tilespmem:s22+$0x40] =	vst.add.f32.msk $0xffff, v0  }
0x3eb: {  	v0 =	vld [tilespmem:s11+$0xAD0]  }
0x3ec: {  	[tilespmem:s7+$0x240] =	vst.add.f32.msk $0xffff, v1  }
0x3ed: {  	v1 =	vld [tilespmem:s9+$0xCD0]  }
0x3ee: {  	[tilespmem:s22+$0xFFFFFD40] =	vst.add.f32.msk $0xffff, v2  }
0x3ef: {  	v2 =	vld [tilespmem:s23+$0xAD0]  }
0x3f0: {  	[tilespmem:s22+$0x50] =	vst.add.f32.msk $0xffff, v0  }
0x3f1: {  	v0 =	vld [tilespmem:s11+$0xAE0]  }
0x3f2: {  	[tilespmem:s7+$0x250] =	vst.add.f32.msk $0xffff, v1  }
0x3f3: {  	v1 =	vld [tilespmem:s9+$0xCE0]  }
0x3f4: {  	[tilespmem:s22+$0xFFFFFD50] =	vst.add.f32.msk $0xffff, v2  }
0x3f5: {  	v2 =	vld [tilespmem:s23+$0xAE0]  }
0x3f6: {  	[tilespmem:s22+$0x60] =	vst.add.f32.msk $0xffff, v0  }
0x3f7: {  	v0 =	vld [tilespmem:s11+$0xAF0]  }
0x3f8: {  	[tilespmem:s7+$0x260] =	vst.add.f32.msk $0xffff, v1  }
0x3f9: {  	v1 =	vld [tilespmem:s9+$0xCF0]  }
0x3fa: {  	[tilespmem:s22+$0xFFFFFD60] =	vst.add.f32.msk $0xffff, v2  }
0x3fb: {  	v2 =	vld [tilespmem:s23+$0xAF0]  }
0x3fc: {  	[tilespmem:s22+$0x70] =	vst.add.f32.msk $0xffff, v0  }
0x3fd: {  	v0 =	vld [tilespmem:s11+$0xB00]  }
0x3fe: {  	[tilespmem:s7+$0x270] =	vst.add.f32.msk $0xffff, v1  }
0x3ff: {  	v1 =	vld [tilespmem:s9+$0xD00]  }
0x400: {  	[tilespmem:s22+$0xFFFFFD70] =	vst.add.f32.msk $0xffff, v2  }
0x401: {  	v2 =	vld [tilespmem:s23+$0xB00]  }
0x402: {  	[tilespmem:s22+$0x80] =	vst.add.f32.msk $0xffff, v0  }
0x403: {  	v0 =	vld [tilespmem:s11+$0xB10]  }
0x404: {  	[tilespmem:s7+$0x280] =	vst.add.f32.msk $0xffff, v1  }
0x405: {  	v1 =	vld [tilespmem:s9+$0xD10]  }
0x406: {  	[tilespmem:s22+$0xFFFFFD80] =	vst.add.f32.msk $0xffff, v2  }
0x407: {  	v2 =	vld [tilespmem:s23+$0xB10]  }
0x408: {  	[tilespmem:s22+$0x90] =	vst.add.f32.msk $0xffff, v0  }
0x409: {  	v0 =	vld [tilespmem:s11+$0xB20]  }
0x40a: {  	[tilespmem:s7+$0x290] =	vst.add.f32.msk $0xffff, v1  }
0x40b: {  	v1 =	vld [tilespmem:s9+$0xD20]  }
0x40c: {  	[tilespmem:s22+$0xFFFFFD90] =	vst.add.f32.msk $0xffff, v2  }
0x40d: {  	v2 =	vld [tilespmem:s23+$0xB20]  }
0x40e: {  	[tilespmem:s22+$0xA0] =	vst.add.f32.msk $0xffff, v0  }
0x40f: {  	v0 =	vld [tilespmem:s11+$0xB30]  }
0x410: {  	[tilespmem:s7+$0x2A0] =	vst.add.f32.msk $0xffff, v1  }
0x411: {  	v1 =	vld [tilespmem:s9+$0xD30]  }
0x412: {  	[tilespmem:s22+$0xFFFFFDA0] =	vst.add.f32.msk $0xffff, v2  }
0x413: {  	v2 =	vld [tilespmem:s23+$0xB30]  }
0x414: {  	[tilespmem:s22+$0xB0] =	vst.add.f32.msk $0xffff, v0  }
0x415: {  	v0 =	vld [tilespmem:s11+$0xB40]  }
0x416: {  	[tilespmem:s7+$0x2B0] =	vst.add.f32.msk $0xffff, v1  }
0x417: {  	v1 =	vld [tilespmem:s9+$0xD40]  }
0x418: {  	[tilespmem:s22+$0xFFFFFDB0] =	vst.add.f32.msk $0xffff, v2  }
0x419: {  	v2 =	vld [tilespmem:s23+$0xB40]  }
0x41a: {  	[tilespmem:s22+$0xC0] =	vst.add.f32.msk $0xffff, v0  }
0x41b: {  	v0 =	vld [tilespmem:s11+$0xB50]  }
0x41c: {  	[tilespmem:s7+$0x2C0] =	vst.add.f32.msk $0xffff, v1  }
0x41d: {  	v1 =	vld [tilespmem:s9+$0xD50]  }
0x41e: {  	[tilespmem:s22+$0xFFFFFDC0] =	vst.add.f32.msk $0xffff, v2  }
0x41f: {  	v2 =	vld [tilespmem:s23+$0xB50]  }
0x420: {  	[tilespmem:s22+$0xD0] =	vst.add.f32.msk $0xffff, v0  }
0x421: {  	v0 =	vld [tilespmem:s11+$0xB60]  }
0x422: {  	[tilespmem:s7+$0x2D0] =	vst.add.f32.msk $0xffff, v1  }
0x423: {  	v1 =	vld [tilespmem:s9+$0xD60]  }
0x424: {  	[tilespmem:s22+$0xFFFFFDD0] =	vst.add.f32.msk $0xffff, v2  }
0x425: {  	v2 =	vld [tilespmem:s23+$0xB60]  }
0x426: {  	[tilespmem:s22+$0xE0] =	vst.add.f32.msk $0xffff, v0  }
0x427: {  	v0 =	vld [tilespmem:s11+$0xB70]  }
0x428: {  	[tilespmem:s7+$0x2E0] =	vst.add.f32.msk $0xffff, v1  }
0x429: {  	v1 =	vld [tilespmem:s9+$0xD70];
	s9 =	smov.u32 s11  }
0x42a: {  	[tilespmem:s22+$0xFFFFFDE0] =	vst.add.f32.msk $0xffff, v2  }
0x42b: {  	v2 =	vld [tilespmem:s23+$0xB70]  }
0x42c: {  	v3 =	vld [tilespmem:s21+$0xC80]  }
0x42d: {  	[tilespmem:s22+$0xF0] =	vst.add.f32.msk $0xffff, v0  }
0x42e: {  	[tilespmem:s7+$0x2F0] =	vst.add.f32.msk $0xffff, v1  }
0x42f: {  	v0 =	vld [tilespmem:s9+$0xB80]  }
0x430: {  	[tilespmem:s22+$0xFFFFFDF0] =	vst.add.f32.msk $0xffff, v2  }
0x431: {  	v1 =	vld [tilespmem:s23+$0xB80]  }
0x432: {  	[tilespmem:s7+$0xFFFFFF00] =	vst.add.f32.msk $0xffff, v3  }
0x433: {  	v2 =	vld [tilespmem:s21+$0xC90]  }
0x434: {  	[tilespmem:s22+$0x100] =	vst.add.f32.msk $0xffff, v0  }
0x435: {  	v0 =	vld [tilespmem:s9+$0xB90]  }
0x436: {  	[tilespmem:s22+$0xFFFFFE00] =	vst.add.f32.msk $0xffff, v1  }
0x437: {  	v1 =	vld [tilespmem:s23+$0xB90]  }
0x438: {  	[tilespmem:s7+$0xFFFFFF10] =	vst.add.f32.msk $0xffff, v2  }
0x439: {  	v2 =	vld [tilespmem:s21+$0xCA0]  }
0x43a: {  	[tilespmem:s22+$0x110] =	vst.add.f32.msk $0xffff, v0  }
0x43b: {  	v0 =	vld [tilespmem:s9+$0xBA0]  }
0x43c: {  	[tilespmem:s22+$0xFFFFFE10] =	vst.add.f32.msk $0xffff, v1  }
0x43d: {  	v1 =	vld [tilespmem:s23+$0xBA0]  }
0x43e: {  	[tilespmem:s7+$0xFFFFFF20] =	vst.add.f32.msk $0xffff, v2  }
0x43f: {  	v2 =	vld [tilespmem:s21+$0xCB0]  }
0x440: {  	[tilespmem:s22+$0x120] =	vst.add.f32.msk $0xffff, v0  }
0x441: {  	v0 =	vld [tilespmem:s9+$0xBB0]  }
0x442: {  	[tilespmem:s22+$0xFFFFFE20] =	vst.add.f32.msk $0xffff, v1  }
0x443: {  	v1 =	vld [tilespmem:s23+$0xBB0]  }
0x444: {  	[tilespmem:s7+$0xFFFFFF30] =	vst.add.f32.msk $0xffff, v2  }
0x445: {  	v2 =	vld [tilespmem:s21+$0xCC0]  }
0x446: {  	[tilespmem:s22+$0x130] =	vst.add.f32.msk $0xffff, v0  }
0x447: {  	v0 =	vld [tilespmem:s9+$0xBC0]  }
0x448: {  	[tilespmem:s22+$0xFFFFFE30] =	vst.add.f32.msk $0xffff, v1  }
0x449: {  	v1 =	vld [tilespmem:s23+$0xBC0]  }
0x44a: {  	[tilespmem:s7+$0xFFFFFF40] =	vst.add.f32.msk $0xffff, v2  }
0x44b: {  	v2 =	vld [tilespmem:s21+$0xCD0]  }
0x44c: {  	[tilespmem:s22+$0x140] =	vst.add.f32.msk $0xffff, v0  }
0x44d: {  	v0 =	vld [tilespmem:s9+$0xBD0]  }
0x44e: {  	[tilespmem:s22+$0xFFFFFE40] =	vst.add.f32.msk $0xffff, v1  }
0x44f: {  	v1 =	vld [tilespmem:s23+$0xBD0]  }
0x450: {  	[tilespmem:s7+$0xFFFFFF50] =	vst.add.f32.msk $0xffff, v2  }
0x451: {  	v2 =	vld [tilespmem:s21+$0xCE0]  }
0x452: {  	[tilespmem:s22+$0x150] =	vst.add.f32.msk $0xffff, v0  }
0x453: {  	v0 =	vld [tilespmem:s9+$0xBE0]  }
0x454: {  	[tilespmem:s22+$0xFFFFFE50] =	vst.add.f32.msk $0xffff, v1  }
0x455: {  	v1 =	vld [tilespmem:s23+$0xBE0]  }
0x456: {  	[tilespmem:s7+$0xFFFFFF60] =	vst.add.f32.msk $0xffff, v2  }
0x457: {  	v2 =	vld [tilespmem:s21+$0xCF0]  }
0x458: {  	[tilespmem:s22+$0x160] =	vst.add.f32.msk $0xffff, v0  }
0x459: {  	v0 =	vld [tilespmem:s9+$0xBF0]  }
0x45a: {  	[tilespmem:s22+$0xFFFFFE60] =	vst.add.f32.msk $0xffff, v1  }
0x45b: {  	v1 =	vld [tilespmem:s23+$0xBF0]  }
0x45c: {  	[tilespmem:s7+$0xFFFFFF70] =	vst.add.f32.msk $0xffff, v2  }
0x45d: {  	v2 =	vld [tilespmem:s21+$0xD00]  }
0x45e: {  	[tilespmem:s22+$0x170] =	vst.add.f32.msk $0xffff, v0  }
0x45f: {  	v0 =	vld [tilespmem:s9+$0xC00]  }
0x460: {  	[tilespmem:s22+$0xFFFFFE70] =	vst.add.f32.msk $0xffff, v1  }
0x461: {  	v1 =	vld [tilespmem:s23+$0xC00]  }
0x462: {  	[tilespmem:s7+$0xFFFFFF80] =	vst.add.f32.msk $0xffff, v2  }
0x463: {  	v2 =	vld [tilespmem:s21+$0xD10]  }
0x464: {  	[tilespmem:s22+$0x180] =	vst.add.f32.msk $0xffff, v0  }
0x465: {  	v0 =	vld [tilespmem:s9+$0xC10]  }
0x466: {  	[tilespmem:s22+$0xFFFFFE80] =	vst.add.f32.msk $0xffff, v1  }
0x467: {  	v1 =	vld [tilespmem:s23+$0xC10]  }
0x468: {  	[tilespmem:s7+$0xFFFFFF90] =	vst.add.f32.msk $0xffff, v2  }
0x469: {  	v2 =	vld [tilespmem:s21+$0xD20]  }
0x46a: {  	[tilespmem:s22+$0x190] =	vst.add.f32.msk $0xffff, v0  }
0x46b: {  	v0 =	vld [tilespmem:s9+$0xC20]  }
0x46c: {  	[tilespmem:s22+$0xFFFFFE90] =	vst.add.f32.msk $0xffff, v1  }
0x46d: {  	v1 =	vld [tilespmem:s23+$0xC20]  }
0x46e: {  	[tilespmem:s7+$0xFFFFFFA0] =	vst.add.f32.msk $0xffff, v2  }
0x46f: {  	v2 =	vld [tilespmem:s21+$0xD30]  }
0x470: {  	[tilespmem:s22+$0x1A0] =	vst.add.f32.msk $0xffff, v0  }
0x471: {  	v0 =	vld [tilespmem:s9+$0xC30]  }
0x472: {  	[tilespmem:s22+$0xFFFFFEA0] =	vst.add.f32.msk $0xffff, v1  }
0x473: {  	v1 =	vld [tilespmem:s23+$0xC30]  }
0x474: {  	[tilespmem:s7+$0xFFFFFFB0] =	vst.add.f32.msk $0xffff, v2  }
0x475: {  	v2 =	vld [tilespmem:s21+$0xD40]  }
0x476: {  	[tilespmem:s22+$0x1B0] =	vst.add.f32.msk $0xffff, v0  }
0x477: {  	v0 =	vld [tilespmem:s9+$0xC40]  }
0x478: {  	[tilespmem:s22+$0xFFFFFEB0] =	vst.add.f32.msk $0xffff, v1  }
0x479: {  	v1 =	vld [tilespmem:s23+$0xC40]  }
0x47a: {  	[tilespmem:s7+$0xFFFFFFC0] =	vst.add.f32.msk $0xffff, v2  }
0x47b: {  	v2 =	vld [tilespmem:s21+$0xD50]  }
0x47c: {  	[tilespmem:s22+$0x1C0] =	vst.add.f32.msk $0xffff, v0  }
0x47d: {  	v3 =	vld [tilespmem:s9+$0xC50]  }
0x47e: {  	[tilespmem:s22+$0xFFFFFEC0] =	vst.add.f32.msk $0xffff, v1  }
0x47f: {  	v1 =	vld [tilespmem:s23+$0xC50]  }
0x480: {  	[tilespmem:s7+$0xFFFFFFD0] =	vst.add.f32.msk $0xffff, v2  }
.Ltmp3:
0x481: {  	v0 =	vld [tilespmem:s21+$0xD60];
	(pc) =	sbr.rel @p0 .LBB2_5-.Ltmp3, $4  }
0x482: {  	[tilespmem:s22+$0x1D0] =	vst.add.f32.msk $0xffff, v3  }
0x483: {  	v2 =	vld [tilespmem:s9+$0xC60]  }
0x484: {  	[tilespmem:s22+$0xFFFFFED0] =	vst.add.f32.msk $0xffff, v1  }
0x485: {  	v1 =	vld [tilespmem:s23+$0xC60]  }
0x486: {  	_ =	sdelay $0x1  }
0x487: {  	[tilespmem:s22+$0x1E0] =	vst.add.f32.msk $0xffff, v2  }
0x488: {  	v2 =	vld [tilespmem:s9+$0xC70]  }
0x489: {  	[tilespmem:s22+$0xFFFFFEE0] =	vst.add.f32.msk $0xffff, v1  }
0x48a: {  	v1 =	vld [tilespmem:s23+$0xC70];
	_ =	sdelay $0x2  }
0x48b: {  	[tilespmem:s22+$0x1F0] =	vst.add.f32.msk $0xffff, v2  }
0x48c: {  	v2 =	vld [tilespmem:s9+$0xC80]  }
0x48d: {  	[tilespmem:s22+$0xFFFFFEF0] =	vst.add.f32.msk $0xffff, v1  }
0x48e: {  	v1 =	vld [tilespmem:s23+$0xC80];
	_ =	sdelay $0x2  }
0x48f: {  	[tilespmem:s22+$0x200] =	vst.add.f32.msk $0xffff, v2  }
0x490: {  	v2 =	vld [tilespmem:s9+$0xC90]  }
0x491: {  	[tilespmem:s22+$0xFFFFFF00] =	vst.add.f32.msk $0xffff, v1  }
0x492: {  	v1 =	vld [tilespmem:s23+$0xC90];
	_ =	sdelay $0x2  }
0x493: {  	[tilespmem:s22+$0x210] =	vst.add.f32.msk $0xffff, v2  }
0x494: {  	v2 =	vld [tilespmem:s9+$0xCA0]  }
0x495: {  	[tilespmem:s22+$0xFFFFFF10] =	vst.add.f32.msk $0xffff, v1  }
0x496: {  	v1 =	vld [tilespmem:s23+$0xCA0];
	_ =	sdelay $0x2  }
0x497: {  	[tilespmem:s22+$0x220] =	vst.add.f32.msk $0xffff, v2  }
0x498: {  	v2 =	vld [tilespmem:s9+$0xCB0]  }
0x499: {  	[tilespmem:s22+$0xFFFFFF20] =	vst.add.f32.msk $0xffff, v1  }
0x49a: {  	v1 =	vld [tilespmem:s23+$0xCB0];
	_ =	sdelay $0x2  }
0x49b: {  	[tilespmem:s22+$0x230] =	vst.add.f32.msk $0xffff, v2  }
0x49c: {  	v2 =	vld [tilespmem:s9+$0xCC0]  }
0x49d: {  	[tilespmem:s22+$0xFFFFFF30] =	vst.add.f32.msk $0xffff, v1  }
0x49e: {  	v1 =	vld [tilespmem:s23+$0xCC0];
	_ =	sdelay $0x2  }
0x49f: {  	[tilespmem:s22+$0x240] =	vst.add.f32.msk $0xffff, v2  }
0x4a0: {  	v2 =	vld [tilespmem:s9+$0xCD0]  }
0x4a1: {  	[tilespmem:s22+$0xFFFFFF40] =	vst.add.f32.msk $0xffff, v1  }
0x4a2: {  	v1 =	vld [tilespmem:s23+$0xCD0];
	_ =	sdelay $0x2  }
0x4a3: {  	[tilespmem:s22+$0x250] =	vst.add.f32.msk $0xffff, v2  }
0x4a4: {  	v2 =	vld [tilespmem:s9+$0xCE0]  }
0x4a5: {  	[tilespmem:s22+$0xFFFFFF50] =	vst.add.f32.msk $0xffff, v1  }
0x4a6: {  	v1 =	vld [tilespmem:s23+$0xCE0];
	_ =	sdelay $0x2  }
0x4a7: {  	[tilespmem:s22+$0x260] =	vst.add.f32.msk $0xffff, v2  }
0x4a8: {  	v2 =	vld [tilespmem:s9+$0xCF0]  }
0x4a9: {  	[tilespmem:s22+$0xFFFFFF60] =	vst.add.f32.msk $0xffff, v1  }
0x4aa: {  	v1 =	vld [tilespmem:s23+$0xCF0];
	_ =	sdelay $0x2  }
0x4ab: {  	[tilespmem:s22+$0x270] =	vst.add.f32.msk $0xffff, v2  }
0x4ac: {  	v2 =	vld [tilespmem:s9+$0xD00]  }
0x4ad: {  	[tilespmem:s22+$0xFFFFFF70] =	vst.add.f32.msk $0xffff, v1  }
0x4ae: {  	v1 =	vld [tilespmem:s23+$0xD00];
	_ =	sdelay $0x2  }
0x4af: {  	[tilespmem:s22+$0x280] =	vst.add.f32.msk $0xffff, v2  }
0x4b0: {  	v2 =	vld [tilespmem:s9+$0xD10]  }
0x4b1: {  	[tilespmem:s22+$0xFFFFFF80] =	vst.add.f32.msk $0xffff, v1  }
0x4b2: {  	v1 =	vld [tilespmem:s23+$0xD10];
	_ =	sdelay $0x2  }
0x4b3: {  	[tilespmem:s22+$0x290] =	vst.add.f32.msk $0xffff, v2  }
0x4b4: {  	v2 =	vld [tilespmem:s9+$0xD20]  }
0x4b5: {  	[tilespmem:s22+$0xFFFFFF90] =	vst.add.f32.msk $0xffff, v1  }
0x4b6: {  	v1 =	vld [tilespmem:s23+$0xD20];
	_ =	sdelay $0x2  }
0x4b7: {  	[tilespmem:s22+$0x2A0] =	vst.add.f32.msk $0xffff, v2  }
0x4b8: {  	v2 =	vld [tilespmem:s9+$0xD30]  }
0x4b9: {  	[tilespmem:s22+$0xFFFFFFA0] =	vst.add.f32.msk $0xffff, v1  }
0x4ba: {  	v1 =	vld [tilespmem:s23+$0xD30];
	_ =	sdelay $0x2  }
0x4bb: {  	[tilespmem:s22+$0x2B0] =	vst.add.f32.msk $0xffff, v2  }
0x4bc: {  	v2 =	vld [tilespmem:s9+$0xD40]  }
0x4bd: {  	[tilespmem:s22+$0xFFFFFFB0] =	vst.add.f32.msk $0xffff, v1  }
0x4be: {  	v1 =	vld [tilespmem:s23+$0xD40];
	_ =	sdelay $0x2  }
0x4bf: {  	[tilespmem:s22+$0x2C0] =	vst.add.f32.msk $0xffff, v2  }
0x4c0: {  	v2 =	vld [tilespmem:s9+$0xD50]  }
0x4c1: {  	[tilespmem:s22+$0xFFFFFFC0] =	vst.add.f32.msk $0xffff, v1  }
0x4c2: {  	v1 =	vld [tilespmem:s23+$0xD50];
	_ =	sdelay $0x2  }
0x4c3: {  	[tilespmem:s22+$0x2D0] =	vst.add.f32.msk $0xffff, v2  }
0x4c4: {  	v2 =	vld [tilespmem:s9+$0xD60]  }
0x4c5: {  	[tilespmem:s22+$0xFFFFFFD0] =	vst.add.f32.msk $0xffff, v1  }
0x4c6: {  	v1 =	vld [tilespmem:s23+$0xD60]  }
0x4c7: {  	[tilespmem:s7+$0xFFFFFFE0] =	vst.add.f32.msk $0xffff, v0  }
0x4c8: {  	v0 =	vld [tilespmem:s21+$0xD70]  }
0x4c9: {  	[tilespmem:s22+$0x2E0] =	vst.add.f32.msk $0xffff, v2  }
0x4ca: {  	v2 =	vld [tilespmem:s9+$0xD70]  }
0x4cb: {  	[tilespmem:s22+$0xFFFFFFE0] =	vst.add.f32.msk $0xffff, v1  }
0x4cc: {  	v1 =	vld [tilespmem:s23+$0xD70];
	_ =	sdelay $0x1  }
0x4cd: {  	s5 =	sadd.s32 s6, s8  }
0x4ce: {  	s5 =	smul.u32 $0x60, s5;
	[tilespmem:s7+$0xFFFFFFF0] =	vst.add.f32.msk $0xffff, v0  }
0x4cf: {  	[tilespmem:s22+$0x2F0] =	vst.add.f32.msk $0xffff, v2  }
0x4d0: {  	s24 =	simm.s32 $0x13380;
	p1 =	seq.s32 s31, $0x1B;
	s5 =	sadd.s32 s2, s5;
	[tilespmem:s22+$0xFFFFFFF0] =	vst.add.f32.msk $0xffff, v1  }
0x4d1: {  	[hbm4b:s5+s3] =	stream.linear.scatter [tilespmem:s24], [sflag:$0x6], $0x4200, $0x38;
	[tilespmem:$0x1F980] =	vst v63  }
0x4d2: {  	s5 =	simm.s32 @!p1 $0x5  }
0x4d3: {  	s7 =	smul.u32 @!p1 $0x180, s31;
	_ =	swait.ge @!p1 [sflag:s5], $0x4200  }
0x4d4: {  	[sflag:s5] =	ssyncset.done @!p1 $0x0  }
0x4d5: {  	[sflag:s5] =	ssyncadd.s32 @!p1 $0xFFFFBE00;
	s5 =	sshra.s32 @!p1 s7, $0x2  }
0x4d6: {  	s9 =	simm.s32 @!p1 $0xF180;
	s7 =	simm.s32 @!p1 $0x16;
	s8 =	sadd.s32 @!p1 $0x60, s5  }
0x4d7: {  	[tilespmem:s9], [sflag:$0x1] =	stream.indirect.gather @!p1 [hbm4b:s4+s7], $0x300, s8, s7, $0xb8;
	[tilespmem:$0x1F980] =	vst v63  }
0x4d8: {  	s8 =	sadd.s32 $0xFFFFFFDF, s0  }
0x4d9: {  	s9 =	sadd.s32 $0x4E, s8  }
0x4da: {  	s11 =	sadd.s32 $0x1, s8;
	p0 =	sgt.u32 s9, $0x4C  }
0x4db: {  	s13 =	sadd.s32 $0x4D, s8;
	s9 =	smov.u32 @p0 s11  }
0x4dc: {  	_ =	swait.ge [sflag:s19], $0x4200;
	p0 =	sgt.u32 s13, $0x4C;
	s9 =	smul.u32 $0xC00, s9  }
0x4dd: {  	[sflag:s19] =	ssyncset.done $0x0;
	s13 =	smov.u32 @p0 s8  }
0x4de: {  	[sflag:s19] =	ssyncadd.s32 $0xFFFFBE00;
	s8 =	smul.u32 $0xC00, s13;
	s24 =	sshra.s32 s9, $0x2  }
0x4df: {  	v0 =	vld [tilespmem:s24+$0xA80]  }
0x4e0: {  	s8 =	sshra.s32 s8, $0x2  }
0x4e1: {  	v1 =	vld [tilespmem:s8+$0xA80];
	_ =	sdelay $0x1  }
0x4e2: {  	s21 =	simm.s32 $0x17880  }
0x4e3: {  	[tilespmem:s21+$0x0] =	vst.add.f32.msk $0xffff, v0  }
0x4e4: {  	v0 =	vld [tilespmem:s24+$0xA90]  }
0x4e5: {  	[tilespmem:s21+$0xFFFFFD00] =	vst.add.f32.msk $0xffff, v1  }
0x4e6: {  	v1 =	vld [tilespmem:s8+$0xA90];
	_ =	sdelay $0x2  }
0x4e7: {  	[tilespmem:s21+$0x10] =	vst.add.f32.msk $0xffff, v0  }
0x4e8: {  	v0 =	vld [tilespmem:s24+$0xAA0]  }
0x4e9: {  	[tilespmem:s21+$0xFFFFFD10] =	vst.add.f32.msk $0xffff, v1  }
0x4ea: {  	v1 =	vld [tilespmem:s8+$0xAA0];
	_ =	sdelay $0x2  }
0x4eb: {  	[tilespmem:s21+$0x20] =	vst.add.f32.msk $0xffff, v0  }
0x4ec: {  	v0 =	vld [tilespmem:s24+$0xAB0]  }
0x4ed: {  	[tilespmem:s21+$0xFFFFFD20] =	vst.add.f32.msk $0xffff, v1  }
0x4ee: {  	v1 =	vld [tilespmem:s8+$0xAB0];
	_ =	sdelay $0x2  }
0x4ef: {  	[tilespmem:s21+$0x30] =	vst.add.f32.msk $0xffff, v0  }
0x4f0: {  	v0 =	vld [tilespmem:s24+$0xAC0]  }
0x4f1: {  	[tilespmem:s21+$0xFFFFFD30] =	vst.add.f32.msk $0xffff, v1  }
0x4f2: {  	v1 =	vld [tilespmem:s8+$0xAC0];
	_ =	sdelay $0x2  }
0x4f3: {  	[tilespmem:s21+$0x40] =	vst.add.f32.msk $0xffff, v0  }
0x4f4: {  	v0 =	vld [tilespmem:s24+$0xAD0]  }
0x4f5: {  	[tilespmem:s21+$0xFFFFFD40] =	vst.add.f32.msk $0xffff, v1  }
0x4f6: {  	v1 =	vld [tilespmem:s8+$0xAD0];
	_ =	sdelay $0x2  }
0x4f7: {  	[tilespmem:s21+$0x50] =	vst.add.f32.msk $0xffff, v0  }
0x4f8: {  	v0 =	vld [tilespmem:s24+$0xAE0]  }
0x4f9: {  	[tilespmem:s21+$0xFFFFFD50] =	vst.add.f32.msk $0xffff, v1  }
0x4fa: {  	v1 =	vld [tilespmem:s8+$0xAE0];
	_ =	sdelay $0x2  }
0x4fb: {  	[tilespmem:s21+$0x60] =	vst.add.f32.msk $0xffff, v0  }
0x4fc: {  	v0 =	vld [tilespmem:s24+$0xAF0]  }
0x4fd: {  	[tilespmem:s21+$0xFFFFFD60] =	vst.add.f32.msk $0xffff, v1  }
0x4fe: {  	v1 =	vld [tilespmem:s8+$0xAF0];
	_ =	sdelay $0x2  }
0x4ff: {  	[tilespmem:s21+$0x70] =	vst.add.f32.msk $0xffff, v0  }
0x500: {  	v0 =	vld [tilespmem:s24+$0xB00]  }
0x501: {  	[tilespmem:s21+$0xFFFFFD70] =	vst.add.f32.msk $0xffff, v1  }
0x502: {  	v1 =	vld [tilespmem:s8+$0xB00];
	_ =	sdelay $0x2  }
0x503: {  	[tilespmem:s21+$0x80] =	vst.add.f32.msk $0xffff, v0  }
0x504: {  	v0 =	vld [tilespmem:s24+$0xB10]  }
0x505: {  	[tilespmem:s21+$0xFFFFFD80] =	vst.add.f32.msk $0xffff, v1  }
0x506: {  	v1 =	vld [tilespmem:s8+$0xB10];
	_ =	sdelay $0x2  }
0x507: {  	[tilespmem:s21+$0x90] =	vst.add.f32.msk $0xffff, v0  }
0x508: {  	v0 =	vld [tilespmem:s24+$0xB20]  }
0x509: {  	[tilespmem:s21+$0xFFFFFD90] =	vst.add.f32.msk $0xffff, v1  }
0x50a: {  	v1 =	vld [tilespmem:s8+$0xB20];
	_ =	sdelay $0x2  }
0x50b: {  	[tilespmem:s21+$0xA0] =	vst.add.f32.msk $0xffff, v0  }
0x50c: {  	v0 =	vld [tilespmem:s24+$0xB30]  }
0x50d: {  	[tilespmem:s21+$0xFFFFFDA0] =	vst.add.f32.msk $0xffff, v1  }
0x50e: {  	v1 =	vld [tilespmem:s8+$0xB30];
	_ =	sdelay $0x2  }
0x50f: {  	[tilespmem:s21+$0xB0] =	vst.add.f32.msk $0xffff, v0  }
0x510: {  	v0 =	vld [tilespmem:s24+$0xB40]  }
0x511: {  	[tilespmem:s21+$0xFFFFFDB0] =	vst.add.f32.msk $0xffff, v1  }
0x512: {  	v1 =	vld [tilespmem:s8+$0xB40];
	_ =	sdelay $0x2  }
0x513: {  	[tilespmem:s21+$0xC0] =	vst.add.f32.msk $0xffff, v0  }
0x514: {  	v0 =	vld [tilespmem:s24+$0xB50]  }
0x515: {  	[tilespmem:s21+$0xFFFFFDC0] =	vst.add.f32.msk $0xffff, v1  }
0x516: {  	v1 =	vld [tilespmem:s8+$0xB50];
	_ =	sdelay $0x2  }
0x517: {  	[tilespmem:s21+$0xD0] =	vst.add.f32.msk $0xffff, v0  }
0x518: {  	v0 =	vld [tilespmem:s24+$0xB60]  }
0x519: {  	[tilespmem:s21+$0xFFFFFDD0] =	vst.add.f32.msk $0xffff, v1  }
0x51a: {  	v1 =	vld [tilespmem:s8+$0xB60];
	_ =	sdelay $0x2  }
0x51b: {  	[tilespmem:s21+$0xE0] =	vst.add.f32.msk $0xffff, v0  }
0x51c: {  	v0 =	vld [tilespmem:s24+$0xB70]  }
0x51d: {  	[tilespmem:s21+$0xFFFFFDE0] =	vst.add.f32.msk $0xffff, v1  }
0x51e: {  	v1 =	vld [tilespmem:s8+$0xB70];
	_ =	sdelay $0x2  }
0x51f: {  	[tilespmem:s21+$0xF0] =	vst.add.f32.msk $0xffff, v0  }
0x520: {  	v0 =	vld [tilespmem:s24+$0xB80]  }
0x521: {  	[tilespmem:s21+$0xFFFFFDF0] =	vst.add.f32.msk $0xffff, v1  }
0x522: {  	v1 =	vld [tilespmem:s8+$0xB80];
	_ =	sdelay $0x2  }
0x523: {  	[tilespmem:s21+$0x100] =	vst.add.f32.msk $0xffff, v0  }
0x524: {  	v0 =	vld [tilespmem:s24+$0xB90]  }
0x525: {  	[tilespmem:s21+$0xFFFFFE00] =	vst.add.f32.msk $0xffff, v1  }
0x526: {  	v1 =	vld [tilespmem:s8+$0xB90];
	_ =	sdelay $0x2  }
0x527: {  	[tilespmem:s21+$0x110] =	vst.add.f32.msk $0xffff, v0  }
0x528: {  	v0 =	vld [tilespmem:s24+$0xBA0]  }
0x529: {  	[tilespmem:s21+$0xFFFFFE10] =	vst.add.f32.msk $0xffff, v1  }
0x52a: {  	v1 =	vld [tilespmem:s8+$0xBA0];
	_ =	sdelay $0x2  }
0x52b: {  	[tilespmem:s21+$0x120] =	vst.add.f32.msk $0xffff, v0  }
0x52c: {  	v0 =	vld [tilespmem:s24+$0xBB0]  }
0x52d: {  	[tilespmem:s21+$0xFFFFFE20] =	vst.add.f32.msk $0xffff, v1  }
0x52e: {  	v1 =	vld [tilespmem:s8+$0xBB0];
	_ =	sdelay $0x2  }
0x52f: {  	[tilespmem:s21+$0x130] =	vst.add.f32.msk $0xffff, v0  }
0x530: {  	v0 =	vld [tilespmem:s24+$0xBC0]  }
0x531: {  	[tilespmem:s21+$0xFFFFFE30] =	vst.add.f32.msk $0xffff, v1  }
0x532: {  	v1 =	vld [tilespmem:s8+$0xBC0];
	_ =	sdelay $0x2  }
0x533: {  	[tilespmem:s21+$0x140] =	vst.add.f32.msk $0xffff, v0  }
0x534: {  	v0 =	vld [tilespmem:s24+$0xBD0]  }
0x535: {  	[tilespmem:s21+$0xFFFFFE40] =	vst.add.f32.msk $0xffff, v1  }
0x536: {  	v1 =	vld [tilespmem:s8+$0xBD0];
	_ =	sdelay $0x2  }
0x537: {  	[tilespmem:s21+$0x150] =	vst.add.f32.msk $0xffff, v0  }
0x538: {  	v0 =	vld [tilespmem:s24+$0xBE0]  }
0x539: {  	[tilespmem:s21+$0xFFFFFE50] =	vst.add.f32.msk $0xffff, v1  }
0x53a: {  	v1 =	vld [tilespmem:s8+$0xBE0];
	_ =	sdelay $0x2  }
0x53b: {  	[tilespmem:s21+$0x160] =	vst.add.f32.msk $0xffff, v0  }
0x53c: {  	v0 =	vld [tilespmem:s24+$0xBF0]  }
0x53d: {  	[tilespmem:s21+$0xFFFFFE60] =	vst.add.f32.msk $0xffff, v1  }
0x53e: {  	v1 =	vld [tilespmem:s8+$0xBF0];
	_ =	sdelay $0x2  }
0x53f: {  	[tilespmem:s21+$0x170] =	vst.add.f32.msk $0xffff, v0  }
0x540: {  	v0 =	vld [tilespmem:s24+$0xC00]  }
0x541: {  	[tilespmem:s21+$0xFFFFFE70] =	vst.add.f32.msk $0xffff, v1  }
0x542: {  	v1 =	vld [tilespmem:s8+$0xC00];
	_ =	sdelay $0x2  }
0x543: {  	[tilespmem:s21+$0x180] =	vst.add.f32.msk $0xffff, v0  }
0x544: {  	v0 =	vld [tilespmem:s24+$0xC10]  }
0x545: {  	[tilespmem:s21+$0xFFFFFE80] =	vst.add.f32.msk $0xffff, v1  }
0x546: {  	v1 =	vld [tilespmem:s8+$0xC10];
	_ =	sdelay $0x2  }
0x547: {  	[tilespmem:s21+$0x190] =	vst.add.f32.msk $0xffff, v0  }
0x548: {  	v0 =	vld [tilespmem:s24+$0xC20]  }
0x549: {  	[tilespmem:s21+$0xFFFFFE90] =	vst.add.f32.msk $0xffff, v1  }
0x54a: {  	v1 =	vld [tilespmem:s8+$0xC20];
	_ =	sdelay $0x2  }
0x54b: {  	[tilespmem:s21+$0x1A0] =	vst.add.f32.msk $0xffff, v0  }
0x54c: {  	v0 =	vld [tilespmem:s24+$0xC30]  }
0x54d: {  	[tilespmem:s21+$0xFFFFFEA0] =	vst.add.f32.msk $0xffff, v1  }
0x54e: {  	v1 =	vld [tilespmem:s8+$0xC30];
	_ =	sdelay $0x2  }
0x54f: {  	[tilespmem:s21+$0x1B0] =	vst.add.f32.msk $0xffff, v0  }
0x550: {  	v0 =	vld [tilespmem:s24+$0xC40]  }
0x551: {  	[tilespmem:s21+$0xFFFFFEB0] =	vst.add.f32.msk $0xffff, v1  }
0x552: {  	v1 =	vld [tilespmem:s8+$0xC40];
	_ =	sdelay $0x2  }
0x553: {  	[tilespmem:s21+$0x1C0] =	vst.add.f32.msk $0xffff, v0  }
0x554: {  	v0 =	vld [tilespmem:s24+$0xC50]  }
0x555: {  	[tilespmem:s21+$0xFFFFFEC0] =	vst.add.f32.msk $0xffff, v1  }
0x556: {  	v1 =	vld [tilespmem:s8+$0xC50]  }
0x557: {  	p2 =	por $0x1, $0x1  }
.Ltmp4:
0x558: {  	_ = 	snop;
	(pc) =	sbr.rel @!p2 .LBB2_7-.Ltmp4, $4  }
0x559: {  	[tilespmem:s21+$0x1D0] =	vst.add.f32.msk $0xffff, v0  }
0x55a: {  	v2 =	vld [tilespmem:s24+$0xC60]  }
0x55b: {  	[tilespmem:s21+$0xFFFFFED0] =	vst.add.f32.msk $0xffff, v1  }
0x55c: {  	s12 =	smul.u32 $0x16, s12;
	p0 =	por $0x0, $0x0;
	v1 =	vld [tilespmem:s8+$0xC60]  }
0x55d: {  	s9 =	sadd.s32 $0xFFFFFFE1, s0  }
0x55e: {  	s11 =	sadd.s32 $0x4E, s9  }
0x55f: {  	s13 =	sadd.s32 $0x1, s9;
	p2 =	sgt.u32 s11, $0x4C;
	[tilespmem:s21+$0x1E0] =	vst.add.f32.msk $0xffff, v2  }
0x560: {  	s11 =	smov.u32 @p2 s13;
	v0 =	vld [tilespmem:s24+$0xC70]  }
0x561: {  	s13 =	sadd.s32 $0x4D, s9;
	s11 =	smul.u32 $0xC00, s11  }
0x562: {  	p2 =	sgt.u32 s13, $0x4C;
	[tilespmem:s21+$0xFFFFFEE0] =	vst.add.f32.msk $0xffff, v1  }
0x563: {  	s13 =	smov.u32 @p2 s9;
	v1 =	vld [tilespmem:s8+$0xC70];
	s9 =	sshra.s32 s11, $0x2  }
0x564: {  	s23 =	smul.u32 $0xC00, s13;
	v2 =	vld [tilespmem:s9+$0xA80]  }
0x565: {  	[tilespmem:s21+$0x1F0] =	vst.add.f32.msk $0xffff, v0  }
0x566: {  	s23 =	sshra.s32 s23, $0x2;
	v0 =	vld [tilespmem:s24+$0xC80]  }
0x567: {  	v3 =	vld [tilespmem:s23+$0xA80]  }
0x568: {  	s22 =	simm.s32 $0x17E80;
	[tilespmem:s21+$0xFFFFFEF0] =	vst.add.f32.msk $0xffff, v1  }
0x569: {  	[tilespmem:s22+$0x0] =	vst.add.f32.msk $0xffff, v2  }
0x56a: {  	v1 =	vld [tilespmem:s9+$0xA90]  }
0x56b: {  	[tilespmem:s21+$0x200] =	vst.add.f32.msk $0xffff, v0  }
0x56c: {  	v0 =	vld [tilespmem:s24+$0xC90]  }
0x56d: {  	[tilespmem:s22+$0xFFFFFD00] =	vst.add.f32.msk $0xffff, v3  }
0x56e: {  	v2 =	vld [tilespmem:s23+$0xA90]  }
0x56f: {  	[tilespmem:s22+$0x10] =	vst.add.f32.msk $0xffff, v1  }
0x570: {  	v1 =	vld [tilespmem:s9+$0xAA0]  }
0x571: {  	[tilespmem:s21+$0x210] =	vst.add.f32.msk $0xffff, v0  }
0x572: {  	v0 =	vld [tilespmem:s24+$0xCA0]  }
0x573: {  	[tilespmem:s22+$0xFFFFFD10] =	vst.add.f32.msk $0xffff, v2  }
0x574: {  	v2 =	vld [tilespmem:s23+$0xAA0]  }
0x575: {  	[tilespmem:s22+$0x20] =	vst.add.f32.msk $0xffff, v1  }
0x576: {  	v1 =	vld [tilespmem:s9+$0xAB0]  }
0x577: {  	[tilespmem:s21+$0x220] =	vst.add.f32.msk $0xffff, v0  }
0x578: {  	v0 =	vld [tilespmem:s24+$0xCB0]  }
0x579: {  	[tilespmem:s22+$0xFFFFFD20] =	vst.add.f32.msk $0xffff, v2  }
0x57a: {  	v2 =	vld [tilespmem:s23+$0xAB0]  }
0x57b: {  	[tilespmem:s22+$0x30] =	vst.add.f32.msk $0xffff, v1  }
0x57c: {  	v1 =	vld [tilespmem:s9+$0xAC0]  }
0x57d: {  	[tilespmem:s21+$0x230] =	vst.add.f32.msk $0xffff, v0  }
0x57e: {  	v0 =	vld [tilespmem:s24+$0xCC0]  }
0x57f: {  	[tilespmem:s22+$0xFFFFFD30] =	vst.add.f32.msk $0xffff, v2  }
0x580: {  	v2 =	vld [tilespmem:s23+$0xAC0]  }
0x581: {  	[tilespmem:s22+$0x40] =	vst.add.f32.msk $0xffff, v1  }
0x582: {  	v1 =	vld [tilespmem:s9+$0xAD0]  }
0x583: {  	[tilespmem:s21+$0x240] =	vst.add.f32.msk $0xffff, v0  }
0x584: {  	v0 =	vld [tilespmem:s24+$0xCD0]  }
0x585: {  	[tilespmem:s22+$0xFFFFFD40] =	vst.add.f32.msk $0xffff, v2  }
0x586: {  	v2 =	vld [tilespmem:s23+$0xAD0]  }
0x587: {  	[tilespmem:s22+$0x50] =	vst.add.f32.msk $0xffff, v1  }
0x588: {  	v1 =	vld [tilespmem:s9+$0xAE0]  }
0x589: {  	[tilespmem:s21+$0x250] =	vst.add.f32.msk $0xffff, v0  }
0x58a: {  	v0 =	vld [tilespmem:s24+$0xCE0]  }
0x58b: {  	[tilespmem:s22+$0xFFFFFD50] =	vst.add.f32.msk $0xffff, v2  }
0x58c: {  	v2 =	vld [tilespmem:s23+$0xAE0]  }
0x58d: {  	[tilespmem:s22+$0x60] =	vst.add.f32.msk $0xffff, v1  }
0x58e: {  	v1 =	vld [tilespmem:s9+$0xAF0]  }
0x58f: {  	[tilespmem:s21+$0x260] =	vst.add.f32.msk $0xffff, v0  }
0x590: {  	v0 =	vld [tilespmem:s24+$0xCF0]  }
0x591: {  	[tilespmem:s22+$0xFFFFFD60] =	vst.add.f32.msk $0xffff, v2  }
0x592: {  	v2 =	vld [tilespmem:s23+$0xAF0]  }
0x593: {  	[tilespmem:s22+$0x70] =	vst.add.f32.msk $0xffff, v1  }
0x594: {  	v1 =	vld [tilespmem:s9+$0xB00]  }
0x595: {  	[tilespmem:s21+$0x270] =	vst.add.f32.msk $0xffff, v0  }
0x596: {  	v0 =	vld [tilespmem:s24+$0xD00]  }
0x597: {  	[tilespmem:s22+$0xFFFFFD70] =	vst.add.f32.msk $0xffff, v2  }
0x598: {  	v2 =	vld [tilespmem:s23+$0xB00]  }
0x599: {  	[tilespmem:s22+$0x80] =	vst.add.f32.msk $0xffff, v1  }
0x59a: {  	v1 =	vld [tilespmem:s9+$0xB10]  }
0x59b: {  	[tilespmem:s21+$0x280] =	vst.add.f32.msk $0xffff, v0  }
0x59c: {  	v0 =	vld [tilespmem:s24+$0xD10]  }
0x59d: {  	[tilespmem:s22+$0xFFFFFD80] =	vst.add.f32.msk $0xffff, v2  }
0x59e: {  	v2 =	vld [tilespmem:s23+$0xB10]  }
0x59f: {  	[tilespmem:s22+$0x90] =	vst.add.f32.msk $0xffff, v1  }
0x5a0: {  	v1 =	vld [tilespmem:s9+$0xB20]  }
0x5a1: {  	[tilespmem:s21+$0x290] =	vst.add.f32.msk $0xffff, v0  }
0x5a2: {  	v0 =	vld [tilespmem:s24+$0xD20]  }
0x5a3: {  	[tilespmem:s22+$0xFFFFFD90] =	vst.add.f32.msk $0xffff, v2  }
0x5a4: {  	v2 =	vld [tilespmem:s23+$0xB20]  }
0x5a5: {  	[tilespmem:s22+$0xA0] =	vst.add.f32.msk $0xffff, v1  }
0x5a6: {  	v1 =	vld [tilespmem:s9+$0xB30]  }
0x5a7: {  	[tilespmem:s21+$0x2A0] =	vst.add.f32.msk $0xffff, v0  }
0x5a8: {  	v0 =	vld [tilespmem:s24+$0xD30]  }
0x5a9: {  	[tilespmem:s22+$0xFFFFFDA0] =	vst.add.f32.msk $0xffff, v2  }
0x5aa: {  	v2 =	vld [tilespmem:s23+$0xB30]  }
0x5ab: {  	[tilespmem:s22+$0xB0] =	vst.add.f32.msk $0xffff, v1  }
0x5ac: {  	v1 =	vld [tilespmem:s9+$0xB40]  }
0x5ad: {  	[tilespmem:s21+$0x2B0] =	vst.add.f32.msk $0xffff, v0  }
0x5ae: {  	v0 =	vld [tilespmem:s24+$0xD40]  }
0x5af: {  	[tilespmem:s22+$0xFFFFFDB0] =	vst.add.f32.msk $0xffff, v2  }
0x5b0: {  	v2 =	vld [tilespmem:s23+$0xB40]  }
0x5b1: {  	[tilespmem:s22+$0xC0] =	vst.add.f32.msk $0xffff, v1  }
0x5b2: {  	v1 =	vld [tilespmem:s9+$0xB50]  }
0x5b3: {  	[tilespmem:s21+$0x2C0] =	vst.add.f32.msk $0xffff, v0  }
0x5b4: {  	v0 =	vld [tilespmem:s24+$0xD50]  }
0x5b5: {  	[tilespmem:s22+$0xFFFFFDC0] =	vst.add.f32.msk $0xffff, v2  }
0x5b6: {  	v2 =	vld [tilespmem:s23+$0xB50]  }
0x5b7: {  	[tilespmem:s22+$0xD0] =	vst.add.f32.msk $0xffff, v1  }
0x5b8: {  	v1 =	vld [tilespmem:s9+$0xB60]  }
0x5b9: {  	[tilespmem:s21+$0x2D0] =	vst.add.f32.msk $0xffff, v0  }
0x5ba: {  	v0 =	vld [tilespmem:s24+$0xD60]  }
0x5bb: {  	[tilespmem:s22+$0xFFFFFDD0] =	vst.add.f32.msk $0xffff, v2  }
0x5bc: {  	v2 =	vld [tilespmem:s23+$0xB60]  }
0x5bd: {  	[tilespmem:s22+$0xE0] =	vst.add.f32.msk $0xffff, v1  }
0x5be: {  	v1 =	vld [tilespmem:s9+$0xB70]  }
0x5bf: {  	[tilespmem:s21+$0x2E0] =	vst.add.f32.msk $0xffff, v0  }
0x5c0: {  	v0 =	vld [tilespmem:s24+$0xD70]  }
0x5c1: {  	[tilespmem:s22+$0xFFFFFDE0] =	vst.add.f32.msk $0xffff, v2  }
0x5c2: {  	v2 =	vld [tilespmem:s23+$0xB70]  }
0x5c3: {  	v3 =	vld [tilespmem:s8+$0xC80]  }
0x5c4: {  	[tilespmem:s22+$0xF0] =	vst.add.f32.msk $0xffff, v1  }
0x5c5: {  	[tilespmem:s21+$0x2F0] =	vst.add.f32.msk $0xffff, v0  }
0x5c6: {  	v0 =	vld [tilespmem:s9+$0xB80]  }
0x5c7: {  	[tilespmem:s22+$0xFFFFFDF0] =	vst.add.f32.msk $0xffff, v2  }
0x5c8: {  	v1 =	vld [tilespmem:s23+$0xB80]  }
0x5c9: {  	[tilespmem:s21+$0xFFFFFF00] =	vst.add.f32.msk $0xffff, v3  }
0x5ca: {  	v2 =	vld [tilespmem:s8+$0xC90]  }
0x5cb: {  	[tilespmem:s22+$0x100] =	vst.add.f32.msk $0xffff, v0  }
0x5cc: {  	v0 =	vld [tilespmem:s9+$0xB90]  }
0x5cd: {  	[tilespmem:s22+$0xFFFFFE00] =	vst.add.f32.msk $0xffff, v1  }
0x5ce: {  	v1 =	vld [tilespmem:s23+$0xB90]  }
0x5cf: {  	[tilespmem:s21+$0xFFFFFF10] =	vst.add.f32.msk $0xffff, v2  }
0x5d0: {  	v2 =	vld [tilespmem:s8+$0xCA0]  }
0x5d1: {  	[tilespmem:s22+$0x110] =	vst.add.f32.msk $0xffff, v0  }
0x5d2: {  	v0 =	vld [tilespmem:s9+$0xBA0]  }
0x5d3: {  	[tilespmem:s22+$0xFFFFFE10] =	vst.add.f32.msk $0xffff, v1  }
0x5d4: {  	v1 =	vld [tilespmem:s23+$0xBA0]  }
0x5d5: {  	[tilespmem:s21+$0xFFFFFF20] =	vst.add.f32.msk $0xffff, v2  }
0x5d6: {  	v2 =	vld [tilespmem:s8+$0xCB0]  }
0x5d7: {  	[tilespmem:s22+$0x120] =	vst.add.f32.msk $0xffff, v0  }
0x5d8: {  	v0 =	vld [tilespmem:s9+$0xBB0]  }
0x5d9: {  	[tilespmem:s22+$0xFFFFFE20] =	vst.add.f32.msk $0xffff, v1  }
0x5da: {  	v1 =	vld [tilespmem:s23+$0xBB0]  }
0x5db: {  	[tilespmem:s21+$0xFFFFFF30] =	vst.add.f32.msk $0xffff, v2  }
0x5dc: {  	v2 =	vld [tilespmem:s8+$0xCC0]  }
0x5dd: {  	[tilespmem:s22+$0x130] =	vst.add.f32.msk $0xffff, v0  }
0x5de: {  	v0 =	vld [tilespmem:s9+$0xBC0]  }
0x5df: {  	[tilespmem:s22+$0xFFFFFE30] =	vst.add.f32.msk $0xffff, v1  }
0x5e0: {  	v1 =	vld [tilespmem:s23+$0xBC0]  }
0x5e1: {  	[tilespmem:s21+$0xFFFFFF40] =	vst.add.f32.msk $0xffff, v2  }
0x5e2: {  	v2 =	vld [tilespmem:s8+$0xCD0]  }
0x5e3: {  	[tilespmem:s22+$0x140] =	vst.add.f32.msk $0xffff, v0  }
0x5e4: {  	v0 =	vld [tilespmem:s9+$0xBD0]  }
0x5e5: {  	[tilespmem:s22+$0xFFFFFE40] =	vst.add.f32.msk $0xffff, v1  }
0x5e6: {  	v1 =	vld [tilespmem:s23+$0xBD0]  }
0x5e7: {  	[tilespmem:s21+$0xFFFFFF50] =	vst.add.f32.msk $0xffff, v2  }
0x5e8: {  	v2 =	vld [tilespmem:s8+$0xCE0]  }
0x5e9: {  	[tilespmem:s22+$0x150] =	vst.add.f32.msk $0xffff, v0  }
0x5ea: {  	v0 =	vld [tilespmem:s9+$0xBE0]  }
0x5eb: {  	[tilespmem:s22+$0xFFFFFE50] =	vst.add.f32.msk $0xffff, v1  }
0x5ec: {  	v1 =	vld [tilespmem:s23+$0xBE0]  }
0x5ed: {  	[tilespmem:s21+$0xFFFFFF60] =	vst.add.f32.msk $0xffff, v2  }
0x5ee: {  	v2 =	vld [tilespmem:s8+$0xCF0]  }
0x5ef: {  	[tilespmem:s22+$0x160] =	vst.add.f32.msk $0xffff, v0  }
0x5f0: {  	v0 =	vld [tilespmem:s9+$0xBF0]  }
0x5f1: {  	[tilespmem:s22+$0xFFFFFE60] =	vst.add.f32.msk $0xffff, v1  }
0x5f2: {  	v1 =	vld [tilespmem:s23+$0xBF0]  }
0x5f3: {  	[tilespmem:s21+$0xFFFFFF70] =	vst.add.f32.msk $0xffff, v2  }
0x5f4: {  	v2 =	vld [tilespmem:s8+$0xD00]  }
0x5f5: {  	[tilespmem:s22+$0x170] =	vst.add.f32.msk $0xffff, v0  }
0x5f6: {  	v0 =	vld [tilespmem:s9+$0xC00]  }
0x5f7: {  	[tilespmem:s22+$0xFFFFFE70] =	vst.add.f32.msk $0xffff, v1  }
0x5f8: {  	v1 =	vld [tilespmem:s23+$0xC00]  }
0x5f9: {  	[tilespmem:s21+$0xFFFFFF80] =	vst.add.f32.msk $0xffff, v2  }
0x5fa: {  	v2 =	vld [tilespmem:s8+$0xD10]  }
0x5fb: {  	[tilespmem:s22+$0x180] =	vst.add.f32.msk $0xffff, v0  }
0x5fc: {  	v0 =	vld [tilespmem:s9+$0xC10]  }
0x5fd: {  	[tilespmem:s22+$0xFFFFFE80] =	vst.add.f32.msk $0xffff, v1  }
0x5fe: {  	v1 =	vld [tilespmem:s23+$0xC10]  }
0x5ff: {  	[tilespmem:s21+$0xFFFFFF90] =	vst.add.f32.msk $0xffff, v2  }
0x600: {  	v2 =	vld [tilespmem:s8+$0xD20]  }
0x601: {  	[tilespmem:s22+$0x190] =	vst.add.f32.msk $0xffff, v0  }
0x602: {  	v0 =	vld [tilespmem:s9+$0xC20]  }
0x603: {  	[tilespmem:s22+$0xFFFFFE90] =	vst.add.f32.msk $0xffff, v1  }
0x604: {  	v1 =	vld [tilespmem:s23+$0xC20]  }
0x605: {  	[tilespmem:s21+$0xFFFFFFA0] =	vst.add.f32.msk $0xffff, v2  }
0x606: {  	v2 =	vld [tilespmem:s8+$0xD30]  }
0x607: {  	[tilespmem:s22+$0x1A0] =	vst.add.f32.msk $0xffff, v0  }
0x608: {  	v0 =	vld [tilespmem:s9+$0xC30]  }
0x609: {  	[tilespmem:s22+$0xFFFFFEA0] =	vst.add.f32.msk $0xffff, v1  }
0x60a: {  	v1 =	vld [tilespmem:s23+$0xC30]  }
0x60b: {  	[tilespmem:s21+$0xFFFFFFB0] =	vst.add.f32.msk $0xffff, v2  }
0x60c: {  	v2 =	vld [tilespmem:s8+$0xD40]  }
0x60d: {  	[tilespmem:s22+$0x1B0] =	vst.add.f32.msk $0xffff, v0  }
0x60e: {  	v0 =	vld [tilespmem:s9+$0xC40]  }
0x60f: {  	[tilespmem:s22+$0xFFFFFEB0] =	vst.add.f32.msk $0xffff, v1  }
0x610: {  	v1 =	vld [tilespmem:s23+$0xC40]  }
0x611: {  	[tilespmem:s21+$0xFFFFFFC0] =	vst.add.f32.msk $0xffff, v2  }
0x612: {  	v2 =	vld [tilespmem:s8+$0xD50]  }
0x613: {  	[tilespmem:s22+$0x1C0] =	vst.add.f32.msk $0xffff, v0  }
0x614: {  	v3 =	vld [tilespmem:s9+$0xC50]  }
0x615: {  	[tilespmem:s22+$0xFFFFFEC0] =	vst.add.f32.msk $0xffff, v1  }
0x616: {  	v1 =	vld [tilespmem:s23+$0xC50]  }
0x617: {  	p3 =	por $0x1, $0x1;
	[tilespmem:s21+$0xFFFFFFD0] =	vst.add.f32.msk $0xffff, v2  }
.Ltmp5:
0x618: {  	v0 =	vld [tilespmem:s8+$0xD60];
	(pc) =	sbr.rel @!p3 .LBB2_9-.Ltmp5, $4  }
0x619: {  	[tilespmem:s22+$0x1D0] =	vst.add.f32.msk $0xffff, v3  }
0x61a: {  	v2 =	vld [tilespmem:s9+$0xC60]  }
0x61b: {  	[tilespmem:s22+$0xFFFFFED0] =	vst.add.f32.msk $0xffff, v1  }
0x61c: {  	p2 =	por $0x1, $0x1;
	s24 =	simm.s32 $0xFFFFFFE3;
	v1 =	vld [tilespmem:s23+$0xC60]  }
.LBB2_10:
0x61d: {  	s11 =	sadd.s32 s24, s0;
	[tilespmem:s21+$0xFFFFFFE0] =	vst.add.f32.msk $0xffff, v0  }
0x61e: {  	s13 =	sadd.s32 $0x4D, s11;
	s15 =	sadd.s32 $0x4E, s11;
	v0 =	vld [tilespmem:s8+$0xD70];
	s8 =	smov.u32 s23  }
0x61f: {  	s17 =	sadd.s32 $0x1, s11;
	s23 =	sadd.s32 $0x21, s24;
	p3 =	sgt.u32 s15, $0x4C;
	[tilespmem:s22+$0x1E0] =	vst.add.f32.msk $0xffff, v2  }
0x620: {  	p4 =	sgt.u32 s13, $0x4C;
	s15 =	smov.u32 @p3 s17;
	p3 =	slt.u32 s23, $0x14;
	v2 =	vld [tilespmem:s9+$0xC70]  }
0x621: {  	s13 =	smov.u32 @p4 s11;
	s11 =	smul.u32 $0xC00, s15;
	[tilespmem:s22+$0xFFFFFEE0] =	vst.add.f32.msk $0xffff, v1  }
0x622: {  	s13 =	smul.u32 $0xC00, s13;
	v1 =	vld [tilespmem:s8+$0xC70]  }
0x623: {  	s11 =	sshra.s32 s11, $0x2;
	[tilespmem:s21+$0xFFFFFFF0] =	vst.add.f32.msk $0xffff, v0;
	s21 =	smov.u32 s22  }
0x624: {  	s23 =	sshra.s32 s13, $0x2;
	v0 =	vld [tilespmem:s11+$0xA80]  }
0x625: {  	[tilespmem:s22+$0x1F0] =	vst.add.f32.msk $0xffff, v2  }
0x626: {  	v2 =	vld [tilespmem:s9+$0xC80]  }
0x627: {  	v3 =	vld [tilespmem:s23+$0xA80]  }
0x628: {  	s22 =	sadd.s32 $0x600, s22;
	[tilespmem:s21+$0xFFFFFEF0] =	vst.add.f32.msk $0xffff, v1  }
0x629: {  	[tilespmem:s22+$0x0] =	vst.add.f32.msk $0xffff, v0  }
0x62a: {  	v0 =	vld [tilespmem:s11+$0xA90]  }
0x62b: {  	[tilespmem:s21+$0x200] =	vst.add.f32.msk $0xffff, v2  }
0x62c: {  	v1 =	vld [tilespmem:s9+$0xC90]  }
0x62d: {  	[tilespmem:s22+$0xFFFFFD00] =	vst.add.f32.msk $0xffff, v3  }
0x62e: {  	v2 =	vld [tilespmem:s23+$0xA90]  }
0x62f: {  	[tilespmem:s22+$0x10] =	vst.add.f32.msk $0xffff, v0  }
0x630: {  	v0 =	vld [tilespmem:s11+$0xAA0]  }
0x631: {  	[tilespmem:s21+$0x210] =	vst.add.f32.msk $0xffff, v1  }
0x632: {  	v1 =	vld [tilespmem:s9+$0xCA0]  }
0x633: {  	[tilespmem:s22+$0xFFFFFD10] =	vst.add.f32.msk $0xffff, v2  }
0x634: {  	v2 =	vld [tilespmem:s23+$0xAA0]  }
0x635: {  	[tilespmem:s22+$0x20] =	vst.add.f32.msk $0xffff, v0  }
0x636: {  	v0 =	vld [tilespmem:s11+$0xAB0]  }
0x637: {  	[tilespmem:s21+$0x220] =	vst.add.f32.msk $0xffff, v1  }
0x638: {  	v1 =	vld [tilespmem:s9+$0xCB0]  }
0x639: {  	[tilespmem:s22+$0xFFFFFD20] =	vst.add.f32.msk $0xffff, v2  }
0x63a: {  	v2 =	vld [tilespmem:s23+$0xAB0]  }
0x63b: {  	[tilespmem:s22+$0x30] =	vst.add.f32.msk $0xffff, v0  }
0x63c: {  	v0 =	vld [tilespmem:s11+$0xAC0]  }
0x63d: {  	[tilespmem:s21+$0x230] =	vst.add.f32.msk $0xffff, v1  }
0x63e: {  	v1 =	vld [tilespmem:s9+$0xCC0]  }
0x63f: {  	[tilespmem:s22+$0xFFFFFD30] =	vst.add.f32.msk $0xffff, v2  }
0x640: {  	v2 =	vld [tilespmem:s23+$0xAC0]  }
0x641: {  	[tilespmem:s22+$0x40] =	vst.add.f32.msk $0xffff, v0  }
0x642: {  	v0 =	vld [tilespmem:s11+$0xAD0]  }
0x643: {  	[tilespmem:s21+$0x240] =	vst.add.f32.msk $0xffff, v1  }
0x644: {  	v1 =	vld [tilespmem:s9+$0xCD0]  }
0x645: {  	[tilespmem:s22+$0xFFFFFD40] =	vst.add.f32.msk $0xffff, v2  }
0x646: {  	v2 =	vld [tilespmem:s23+$0xAD0]  }
0x647: {  	[tilespmem:s22+$0x50] =	vst.add.f32.msk $0xffff, v0  }
0x648: {  	v0 =	vld [tilespmem:s11+$0xAE0]  }
0x649: {  	[tilespmem:s21+$0x250] =	vst.add.f32.msk $0xffff, v1  }
0x64a: {  	v1 =	vld [tilespmem:s9+$0xCE0]  }
0x64b: {  	[tilespmem:s22+$0xFFFFFD50] =	vst.add.f32.msk $0xffff, v2  }
0x64c: {  	v2 =	vld [tilespmem:s23+$0xAE0]  }
0x64d: {  	[tilespmem:s22+$0x60] =	vst.add.f32.msk $0xffff, v0  }
0x64e: {  	v0 =	vld [tilespmem:s11+$0xAF0]  }
0x64f: {  	[tilespmem:s21+$0x260] =	vst.add.f32.msk $0xffff, v1  }
0x650: {  	v1 =	vld [tilespmem:s9+$0xCF0]  }
0x651: {  	[tilespmem:s22+$0xFFFFFD60] =	vst.add.f32.msk $0xffff, v2  }
0x652: {  	v2 =	vld [tilespmem:s23+$0xAF0]  }
0x653: {  	[tilespmem:s22+$0x70] =	vst.add.f32.msk $0xffff, v0  }
0x654: {  	v0 =	vld [tilespmem:s11+$0xB00]  }
0x655: {  	[tilespmem:s21+$0x270] =	vst.add.f32.msk $0xffff, v1  }
0x656: {  	v1 =	vld [tilespmem:s9+$0xD00]  }
0x657: {  	[tilespmem:s22+$0xFFFFFD70] =	vst.add.f32.msk $0xffff, v2  }
0x658: {  	v2 =	vld [tilespmem:s23+$0xB00]  }
0x659: {  	[tilespmem:s22+$0x80] =	vst.add.f32.msk $0xffff, v0  }
0x65a: {  	v0 =	vld [tilespmem:s11+$0xB10]  }
0x65b: {  	[tilespmem:s21+$0x280] =	vst.add.f32.msk $0xffff, v1  }
0x65c: {  	v1 =	vld [tilespmem:s9+$0xD10]  }
0x65d: {  	[tilespmem:s22+$0xFFFFFD80] =	vst.add.f32.msk $0xffff, v2  }
0x65e: {  	v2 =	vld [tilespmem:s23+$0xB10]  }
0x65f: {  	[tilespmem:s22+$0x90] =	vst.add.f32.msk $0xffff, v0  }
0x660: {  	v0 =	vld [tilespmem:s11+$0xB20]  }
0x661: {  	[tilespmem:s21+$0x290] =	vst.add.f32.msk $0xffff, v1  }
0x662: {  	v1 =	vld [tilespmem:s9+$0xD20]  }
0x663: {  	[tilespmem:s22+$0xFFFFFD90] =	vst.add.f32.msk $0xffff, v2  }
0x664: {  	v2 =	vld [tilespmem:s23+$0xB20]  }
0x665: {  	[tilespmem:s22+$0xA0] =	vst.add.f32.msk $0xffff, v0  }
0x666: {  	v0 =	vld [tilespmem:s11+$0xB30]  }
0x667: {  	[tilespmem:s21+$0x2A0] =	vst.add.f32.msk $0xffff, v1  }
0x668: {  	v1 =	vld [tilespmem:s9+$0xD30]  }
0x669: {  	[tilespmem:s22+$0xFFFFFDA0] =	vst.add.f32.msk $0xffff, v2  }
0x66a: {  	v2 =	vld [tilespmem:s23+$0xB30]  }
0x66b: {  	[tilespmem:s22+$0xB0] =	vst.add.f32.msk $0xffff, v0  }
0x66c: {  	v0 =	vld [tilespmem:s11+$0xB40]  }
0x66d: {  	[tilespmem:s21+$0x2B0] =	vst.add.f32.msk $0xffff, v1  }
0x66e: {  	v1 =	vld [tilespmem:s9+$0xD40]  }
0x66f: {  	[tilespmem:s22+$0xFFFFFDB0] =	vst.add.f32.msk $0xffff, v2  }
0x670: {  	v2 =	vld [tilespmem:s23+$0xB40]  }
0x671: {  	[tilespmem:s22+$0xC0] =	vst.add.f32.msk $0xffff, v0  }
0x672: {  	v0 =	vld [tilespmem:s11+$0xB50]  }
0x673: {  	[tilespmem:s21+$0x2C0] =	vst.add.f32.msk $0xffff, v1  }
0x674: {  	v1 =	vld [tilespmem:s9+$0xD50]  }
0x675: {  	[tilespmem:s22+$0xFFFFFDC0] =	vst.add.f32.msk $0xffff, v2  }
0x676: {  	v2 =	vld [tilespmem:s23+$0xB50]  }
0x677: {  	[tilespmem:s22+$0xD0] =	vst.add.f32.msk $0xffff, v0  }
0x678: {  	v0 =	vld [tilespmem:s11+$0xB60]  }
0x679: {  	[tilespmem:s21+$0x2D0] =	vst.add.f32.msk $0xffff, v1  }
0x67a: {  	v1 =	vld [tilespmem:s9+$0xD60]  }
0x67b: {  	[tilespmem:s22+$0xFFFFFDD0] =	vst.add.f32.msk $0xffff, v2  }
0x67c: {  	v2 =	vld [tilespmem:s23+$0xB60]  }
0x67d: {  	[tilespmem:s22+$0xE0] =	vst.add.f32.msk $0xffff, v0  }
0x67e: {  	v0 =	vld [tilespmem:s11+$0xB70]  }
0x67f: {  	[tilespmem:s21+$0x2E0] =	vst.add.f32.msk $0xffff, v1  }
0x680: {  	v1 =	vld [tilespmem:s9+$0xD70];
	s9 =	smov.u32 s11  }
0x681: {  	[tilespmem:s22+$0xFFFFFDE0] =	vst.add.f32.msk $0xffff, v2  }
0x682: {  	v2 =	vld [tilespmem:s23+$0xB70]  }
0x683: {  	v3 =	vld [tilespmem:s8+$0xC80]  }
0x684: {  	[tilespmem:s22+$0xF0] =	vst.add.f32.msk $0xffff, v0  }
0x685: {  	[tilespmem:s21+$0x2F0] =	vst.add.f32.msk $0xffff, v1  }
0x686: {  	v0 =	vld [tilespmem:s9+$0xB80]  }
0x687: {  	[tilespmem:s22+$0xFFFFFDF0] =	vst.add.f32.msk $0xffff, v2  }
0x688: {  	v1 =	vld [tilespmem:s23+$0xB80]  }
0x689: {  	[tilespmem:s21+$0xFFFFFF00] =	vst.add.f32.msk $0xffff, v3  }
0x68a: {  	v2 =	vld [tilespmem:s8+$0xC90]  }
0x68b: {  	[tilespmem:s22+$0x100] =	vst.add.f32.msk $0xffff, v0  }
0x68c: {  	v0 =	vld [tilespmem:s9+$0xB90]  }
0x68d: {  	[tilespmem:s22+$0xFFFFFE00] =	vst.add.f32.msk $0xffff, v1  }
0x68e: {  	v1 =	vld [tilespmem:s23+$0xB90]  }
0x68f: {  	[tilespmem:s21+$0xFFFFFF10] =	vst.add.f32.msk $0xffff, v2  }
0x690: {  	v2 =	vld [tilespmem:s8+$0xCA0]  }
0x691: {  	[tilespmem:s22+$0x110] =	vst.add.f32.msk $0xffff, v0  }
0x692: {  	v0 =	vld [tilespmem:s9+$0xBA0]  }
0x693: {  	[tilespmem:s22+$0xFFFFFE10] =	vst.add.f32.msk $0xffff, v1  }
0x694: {  	v1 =	vld [tilespmem:s23+$0xBA0]  }
0x695: {  	[tilespmem:s21+$0xFFFFFF20] =	vst.add.f32.msk $0xffff, v2  }
0x696: {  	v2 =	vld [tilespmem:s8+$0xCB0]  }
0x697: {  	[tilespmem:s22+$0x120] =	vst.add.f32.msk $0xffff, v0  }
0x698: {  	v0 =	vld [tilespmem:s9+$0xBB0]  }
0x699: {  	[tilespmem:s22+$0xFFFFFE20] =	vst.add.f32.msk $0xffff, v1  }
0x69a: {  	v1 =	vld [tilespmem:s23+$0xBB0]  }
0x69b: {  	[tilespmem:s21+$0xFFFFFF30] =	vst.add.f32.msk $0xffff, v2  }
0x69c: {  	v2 =	vld [tilespmem:s8+$0xCC0]  }
0x69d: {  	[tilespmem:s22+$0x130] =	vst.add.f32.msk $0xffff, v0  }
0x69e: {  	v0 =	vld [tilespmem:s9+$0xBC0]  }
0x69f: {  	[tilespmem:s22+$0xFFFFFE30] =	vst.add.f32.msk $0xffff, v1  }
0x6a0: {  	v1 =	vld [tilespmem:s23+$0xBC0]  }
0x6a1: {  	[tilespmem:s21+$0xFFFFFF40] =	vst.add.f32.msk $0xffff, v2  }
0x6a2: {  	v2 =	vld [tilespmem:s8+$0xCD0]  }
0x6a3: {  	[tilespmem:s22+$0x140] =	vst.add.f32.msk $0xffff, v0  }
0x6a4: {  	v0 =	vld [tilespmem:s9+$0xBD0]  }
0x6a5: {  	[tilespmem:s22+$0xFFFFFE40] =	vst.add.f32.msk $0xffff, v1  }
0x6a6: {  	v1 =	vld [tilespmem:s23+$0xBD0]  }
0x6a7: {  	[tilespmem:s21+$0xFFFFFF50] =	vst.add.f32.msk $0xffff, v2  }
0x6a8: {  	v2 =	vld [tilespmem:s8+$0xCE0]  }
0x6a9: {  	[tilespmem:s22+$0x150] =	vst.add.f32.msk $0xffff, v0  }
0x6aa: {  	v0 =	vld [tilespmem:s9+$0xBE0]  }
0x6ab: {  	[tilespmem:s22+$0xFFFFFE50] =	vst.add.f32.msk $0xffff, v1  }
0x6ac: {  	v1 =	vld [tilespmem:s23+$0xBE0]  }
0x6ad: {  	[tilespmem:s21+$0xFFFFFF60] =	vst.add.f32.msk $0xffff, v2  }
0x6ae: {  	v2 =	vld [tilespmem:s8+$0xCF0]  }
0x6af: {  	[tilespmem:s22+$0x160] =	vst.add.f32.msk $0xffff, v0  }
0x6b0: {  	v0 =	vld [tilespmem:s9+$0xBF0]  }
0x6b1: {  	[tilespmem:s22+$0xFFFFFE60] =	vst.add.f32.msk $0xffff, v1  }
0x6b2: {  	v1 =	vld [tilespmem:s23+$0xBF0]  }
0x6b3: {  	[tilespmem:s21+$0xFFFFFF70] =	vst.add.f32.msk $0xffff, v2  }
0x6b4: {  	v2 =	vld [tilespmem:s8+$0xD00]  }
0x6b5: {  	[tilespmem:s22+$0x170] =	vst.add.f32.msk $0xffff, v0  }
0x6b6: {  	v0 =	vld [tilespmem:s9+$0xC00]  }
0x6b7: {  	[tilespmem:s22+$0xFFFFFE70] =	vst.add.f32.msk $0xffff, v1  }
0x6b8: {  	v1 =	vld [tilespmem:s23+$0xC00]  }
0x6b9: {  	[tilespmem:s21+$0xFFFFFF80] =	vst.add.f32.msk $0xffff, v2  }
0x6ba: {  	v2 =	vld [tilespmem:s8+$0xD10]  }
0x6bb: {  	[tilespmem:s22+$0x180] =	vst.add.f32.msk $0xffff, v0  }
0x6bc: {  	v0 =	vld [tilespmem:s9+$0xC10]  }
0x6bd: {  	[tilespmem:s22+$0xFFFFFE80] =	vst.add.f32.msk $0xffff, v1  }
0x6be: {  	v1 =	vld [tilespmem:s23+$0xC10]  }
0x6bf: {  	[tilespmem:s21+$0xFFFFFF90] =	vst.add.f32.msk $0xffff, v2  }
0x6c0: {  	v2 =	vld [tilespmem:s8+$0xD20]  }
0x6c1: {  	[tilespmem:s22+$0x190] =	vst.add.f32.msk $0xffff, v0  }
0x6c2: {  	v0 =	vld [tilespmem:s9+$0xC20]  }
0x6c3: {  	[tilespmem:s22+$0xFFFFFE90] =	vst.add.f32.msk $0xffff, v1  }
0x6c4: {  	v1 =	vld [tilespmem:s23+$0xC20]  }
0x6c5: {  	[tilespmem:s21+$0xFFFFFFA0] =	vst.add.f32.msk $0xffff, v2  }
0x6c6: {  	v2 =	vld [tilespmem:s8+$0xD30]  }
0x6c7: {  	[tilespmem:s22+$0x1A0] =	vst.add.f32.msk $0xffff, v0  }
0x6c8: {  	v0 =	vld [tilespmem:s9+$0xC30]  }
0x6c9: {  	[tilespmem:s22+$0xFFFFFEA0] =	vst.add.f32.msk $0xffff, v1  }
0x6ca: {  	v1 =	vld [tilespmem:s23+$0xC30]  }
0x6cb: {  	[tilespmem:s21+$0xFFFFFFB0] =	vst.add.f32.msk $0xffff, v2  }
0x6cc: {  	v2 =	vld [tilespmem:s8+$0xD40]  }
0x6cd: {  	[tilespmem:s22+$0x1B0] =	vst.add.f32.msk $0xffff, v0  }
0x6ce: {  	v0 =	vld [tilespmem:s9+$0xC40]  }
0x6cf: {  	[tilespmem:s22+$0xFFFFFEB0] =	vst.add.f32.msk $0xffff, v1  }
0x6d0: {  	v1 =	vld [tilespmem:s23+$0xC40]  }
0x6d1: {  	[tilespmem:s21+$0xFFFFFFC0] =	vst.add.f32.msk $0xffff, v2  }
0x6d2: {  	v2 =	vld [tilespmem:s8+$0xD50]  }
0x6d3: {  	[tilespmem:s22+$0x1C0] =	vst.add.f32.msk $0xffff, v0  }
0x6d4: {  	v3 =	vld [tilespmem:s9+$0xC50]  }
0x6d5: {  	[tilespmem:s22+$0xFFFFFEC0] =	vst.add.f32.msk $0xffff, v1  }
0x6d6: {  	v1 =	vld [tilespmem:s23+$0xC50]  }
0x6d7: {  	[tilespmem:s21+$0xFFFFFFD0] =	vst.add.f32.msk $0xffff, v2  }
.Ltmp6:
0x6d8: {  	v0 =	vld [tilespmem:s8+$0xD60];
	(pc) =	sbr.rel @p3 .LBB2_10-.Ltmp6, $4  }
0x6d9: {  	[tilespmem:s22+$0x1D0] =	vst.add.f32.msk $0xffff, v3  }
0x6da: {  	v2 =	vld [tilespmem:s9+$0xC60]  }
0x6db: {  	[tilespmem:s22+$0xFFFFFED0] =	vst.add.f32.msk $0xffff, v1  }
0x6dc: {  	s24 =	sadd.s32 $0x2, s24;
	v1 =	vld [tilespmem:s23+$0xC60]  }
0x6dd: {  	s0 =	smov.u32 s21;
	s11 =	smov.u32 s8  }
0x6de: {  	s8 =	smov.u32 s23;
	s21 =	smov.u32 s22;
	s24 =	smov.u32 s9  }
.LBB2_12:
0x6df: {  	[tilespmem:s21+$0x1E0] =	vst.add.f32.msk $0xffff, v2  }
0x6e0: {  	v2 =	vld [tilespmem:s24+$0xC70]  }
0x6e1: {  	[tilespmem:s21+$0xFFFFFEE0] =	vst.add.f32.msk $0xffff, v1  }
0x6e2: {  	v1 =	vld [tilespmem:s8+$0xC70];
	_ =	sdelay $0x2  }
0x6e3: {  	[tilespmem:s21+$0x1F0] =	vst.add.f32.msk $0xffff, v2  }
0x6e4: {  	v2 =	vld [tilespmem:s24+$0xC80]  }
0x6e5: {  	[tilespmem:s21+$0xFFFFFEF0] =	vst.add.f32.msk $0xffff, v1  }
0x6e6: {  	v1 =	vld [tilespmem:s8+$0xC80];
	_ =	sdelay $0x2  }
0x6e7: {  	[tilespmem:s21+$0x200] =	vst.add.f32.msk $0xffff, v2  }
0x6e8: {  	v2 =	vld [tilespmem:s24+$0xC90]  }
0x6e9: {  	[tilespmem:s21+$0xFFFFFF00] =	vst.add.f32.msk $0xffff, v1  }
0x6ea: {  	v1 =	vld [tilespmem:s8+$0xC90];
	_ =	sdelay $0x2  }
0x6eb: {  	[tilespmem:s21+$0x210] =	vst.add.f32.msk $0xffff, v2  }
0x6ec: {  	v2 =	vld [tilespmem:s24+$0xCA0]  }
0x6ed: {  	[tilespmem:s21+$0xFFFFFF10] =	vst.add.f32.msk $0xffff, v1  }
0x6ee: {  	v1 =	vld [tilespmem:s8+$0xCA0];
	_ =	sdelay $0x2  }
0x6ef: {  	[tilespmem:s21+$0x220] =	vst.add.f32.msk $0xffff, v2  }
0x6f0: {  	v2 =	vld [tilespmem:s24+$0xCB0]  }
0x6f1: {  	[tilespmem:s21+$0xFFFFFF20] =	vst.add.f32.msk $0xffff, v1  }
0x6f2: {  	v1 =	vld [tilespmem:s8+$0xCB0];
	_ =	sdelay $0x2  }
0x6f3: {  	[tilespmem:s21+$0x230] =	vst.add.f32.msk $0xffff, v2  }
0x6f4: {  	v2 =	vld [tilespmem:s24+$0xCC0]  }
0x6f5: {  	[tilespmem:s21+$0xFFFFFF30] =	vst.add.f32.msk $0xffff, v1  }
0x6f6: {  	v1 =	vld [tilespmem:s8+$0xCC0];
	_ =	sdelay $0x2  }
0x6f7: {  	[tilespmem:s21+$0x240] =	vst.add.f32.msk $0xffff, v2  }
0x6f8: {  	v2 =	vld [tilespmem:s24+$0xCD0]  }
0x6f9: {  	[tilespmem:s21+$0xFFFFFF40] =	vst.add.f32.msk $0xffff, v1  }
0x6fa: {  	v1 =	vld [tilespmem:s8+$0xCD0];
	_ =	sdelay $0x2  }
0x6fb: {  	[tilespmem:s21+$0x250] =	vst.add.f32.msk $0xffff, v2  }
0x6fc: {  	v2 =	vld [tilespmem:s24+$0xCE0]  }
0x6fd: {  	[tilespmem:s21+$0xFFFFFF50] =	vst.add.f32.msk $0xffff, v1  }
0x6fe: {  	v1 =	vld [tilespmem:s8+$0xCE0];
	_ =	sdelay $0x2  }
0x6ff: {  	[tilespmem:s21+$0x260] =	vst.add.f32.msk $0xffff, v2  }
0x700: {  	v2 =	vld [tilespmem:s24+$0xCF0]  }
0x701: {  	[tilespmem:s21+$0xFFFFFF60] =	vst.add.f32.msk $0xffff, v1  }
0x702: {  	v1 =	vld [tilespmem:s8+$0xCF0];
	_ =	sdelay $0x2  }
0x703: {  	[tilespmem:s21+$0x270] =	vst.add.f32.msk $0xffff, v2  }
0x704: {  	v2 =	vld [tilespmem:s24+$0xD00]  }
0x705: {  	[tilespmem:s21+$0xFFFFFF70] =	vst.add.f32.msk $0xffff, v1  }
0x706: {  	v1 =	vld [tilespmem:s8+$0xD00];
	_ =	sdelay $0x2  }
0x707: {  	[tilespmem:s21+$0x280] =	vst.add.f32.msk $0xffff, v2  }
0x708: {  	v2 =	vld [tilespmem:s24+$0xD10]  }
0x709: {  	[tilespmem:s21+$0xFFFFFF80] =	vst.add.f32.msk $0xffff, v1  }
0x70a: {  	v1 =	vld [tilespmem:s8+$0xD10];
	_ =	sdelay $0x2  }
0x70b: {  	[tilespmem:s21+$0x290] =	vst.add.f32.msk $0xffff, v2  }
0x70c: {  	v2 =	vld [tilespmem:s24+$0xD20]  }
0x70d: {  	[tilespmem:s21+$0xFFFFFF90] =	vst.add.f32.msk $0xffff, v1  }
0x70e: {  	v1 =	vld [tilespmem:s8+$0xD20];
	_ =	sdelay $0x2  }
0x70f: {  	[tilespmem:s21+$0x2A0] =	vst.add.f32.msk $0xffff, v2  }
0x710: {  	v2 =	vld [tilespmem:s24+$0xD30]  }
0x711: {  	[tilespmem:s21+$0xFFFFFFA0] =	vst.add.f32.msk $0xffff, v1  }
0x712: {  	v1 =	vld [tilespmem:s8+$0xD30];
	_ =	sdelay $0x2  }
0x713: {  	[tilespmem:s21+$0x2B0] =	vst.add.f32.msk $0xffff, v2  }
0x714: {  	v2 =	vld [tilespmem:s24+$0xD40]  }
0x715: {  	[tilespmem:s21+$0xFFFFFFB0] =	vst.add.f32.msk $0xffff, v1  }
0x716: {  	v1 =	vld [tilespmem:s8+$0xD40];
	_ =	sdelay $0x2  }
0x717: {  	[tilespmem:s21+$0x2C0] =	vst.add.f32.msk $0xffff, v2  }
0x718: {  	v2 =	vld [tilespmem:s24+$0xD50]  }
0x719: {  	[tilespmem:s21+$0xFFFFFFC0] =	vst.add.f32.msk $0xffff, v1  }
0x71a: {  	v1 =	vld [tilespmem:s8+$0xD50];
	_ =	sdelay $0x2  }
0x71b: {  	[tilespmem:s21+$0x2D0] =	vst.add.f32.msk $0xffff, v2  }
0x71c: {  	v2 =	vld [tilespmem:s24+$0xD60]  }
0x71d: {  	[tilespmem:s21+$0xFFFFFFD0] =	vst.add.f32.msk $0xffff, v1  }
0x71e: {  	v1 =	vld [tilespmem:s8+$0xD60]  }
0x71f: {  	[tilespmem:s0+$0xFFFFFFE0] =	vst.add.f32.msk @p2 $0xffff, v0  }
0x720: {  	v0 =	vld @p2 [tilespmem:s11+$0xD70]  }
0x721: {  	[tilespmem:s21+$0x2E0] =	vst.add.f32.msk $0xffff, v2  }
0x722: {  	v2 =	vld [tilespmem:s24+$0xD70]  }
0x723: {  	[tilespmem:s21+$0xFFFFFFE0] =	vst.add.f32.msk $0xffff, v1  }
0x724: {  	v1 =	vld [tilespmem:s8+$0xD70];
	_ =	sdelay $0x1  }
0x725: {  	s23 =	sadd.s32 s6, s12  }
0x726: {  	[tilespmem:s0+$0xFFFFFFF0] =	vst.add.f32.msk @p2 $0xffff, v0;
	s24 =	smul.u32 $0x60, s23  }
0x727: {  	[tilespmem:s21+$0x2F0] =	vst.add.f32.msk $0xffff, v2  }
0x728: {  	s0 =	sadd.s32 s2, s24;
	[tilespmem:s21+$0xFFFFFFF0] =	vst.add.f32.msk $0xffff, v1;
	s21 =	simm.s32 $0x17580  }
0x729: {  	[hbm4b:s0+s3] =	stream.linear.scatter [tilespmem:s21], [sflag:$0x7], $0x4200, $0x38;
	[tilespmem:$0x1F980] =	vst v63  }
0x72a: {  	s0 =	simm.s32 @!p1 $0x6  }
0x72b: {  	_ =	swait.ge @!p1 [sflag:s0], $0x4200  }
0x72c: {  	[sflag:s0] =	ssyncset.done @!p1 $0x0  }
0x72d: {  	[sflag:s0] =	ssyncadd.s32 @!p1 $0xFFFFBE00;
	s0 =	sadd.s32 @!p1 $0x78, s5;
	s5 =	simm.s32 @!p1 $0x13380  }
0x72e: {  	[tilespmem:s5], [sflag:$0x2] =	stream.indirect.gather @!p1 [hbm4b:s4+s7], $0x300, s0, s7, $0xb8;
	[tilespmem:$0x1F980] =	vst v63  }
0x72f: {  	s0 =	sadd.s32 $0xFFFFFFF5, s1  }
0x730: {  	s5 =	sadd.s32 $0x4E, s0  }
0x731: {  	s7 =	sadd.s32 $0x1, s0;
	p1 =	sgt.u32 s5, $0x4C  }
0x732: {  	s8 =	sadd.s32 $0x4D, s0;
	s5 =	smov.u32 @p1 s7  }
0x733: {  	_ =	swait.ge [sflag:s20], $0x4200;
	p1 =	sgt.u32 s8, $0x4C;
	s5 =	smul.u32 $0xC00, s5  }
0x734: {  	[sflag:s20] =	ssyncset.done $0x0;
	s8 =	smov.u32 @p1 s0  }
0x735: {  	[sflag:s20] =	ssyncadd.s32 $0xFFFFBE00;
	s0 =	smul.u32 $0xC00, s8;
	s12 =	sshra.s32 s5, $0x2  }
0x736: {  	v0 =	vld [tilespmem:s12+$0xA80]  }
0x737: {  	s0 =	sshra.s32 s0, $0x2  }
0x738: {  	v1 =	vld [tilespmem:s0+$0xA80];
	_ =	sdelay $0x1  }
0x739: {  	s5 =	simm.s32 $0x1BA80  }
0x73a: {  	[tilespmem:s5+$0x0] =	vst.add.f32.msk $0xffff, v0  }
0x73b: {  	v0 =	vld [tilespmem:s12+$0xA90]  }
0x73c: {  	[tilespmem:s5+$0xFFFFFD00] =	vst.add.f32.msk $0xffff, v1  }
0x73d: {  	v1 =	vld [tilespmem:s0+$0xA90];
	_ =	sdelay $0x2  }
0x73e: {  	[tilespmem:s5+$0x10] =	vst.add.f32.msk $0xffff, v0  }
0x73f: {  	v0 =	vld [tilespmem:s12+$0xAA0]  }
0x740: {  	[tilespmem:s5+$0xFFFFFD10] =	vst.add.f32.msk $0xffff, v1  }
0x741: {  	v1 =	vld [tilespmem:s0+$0xAA0];
	_ =	sdelay $0x2  }
0x742: {  	[tilespmem:s5+$0x20] =	vst.add.f32.msk $0xffff, v0  }
0x743: {  	v0 =	vld [tilespmem:s12+$0xAB0]  }
0x744: {  	[tilespmem:s5+$0xFFFFFD20] =	vst.add.f32.msk $0xffff, v1  }
0x745: {  	v1 =	vld [tilespmem:s0+$0xAB0];
	_ =	sdelay $0x2  }
0x746: {  	[tilespmem:s5+$0x30] =	vst.add.f32.msk $0xffff, v0  }
0x747: {  	v0 =	vld [tilespmem:s12+$0xAC0]  }
0x748: {  	[tilespmem:s5+$0xFFFFFD30] =	vst.add.f32.msk $0xffff, v1  }
0x749: {  	v1 =	vld [tilespmem:s0+$0xAC0];
	_ =	sdelay $0x2  }
0x74a: {  	[tilespmem:s5+$0x40] =	vst.add.f32.msk $0xffff, v0  }
0x74b: {  	v0 =	vld [tilespmem:s12+$0xAD0]  }
0x74c: {  	[tilespmem:s5+$0xFFFFFD40] =	vst.add.f32.msk $0xffff, v1  }
0x74d: {  	v1 =	vld [tilespmem:s0+$0xAD0];
	_ =	sdelay $0x2  }
0x74e: {  	[tilespmem:s5+$0x50] =	vst.add.f32.msk $0xffff, v0  }
0x74f: {  	v0 =	vld [tilespmem:s12+$0xAE0]  }
0x750: {  	[tilespmem:s5+$0xFFFFFD50] =	vst.add.f32.msk $0xffff, v1  }
0x751: {  	v1 =	vld [tilespmem:s0+$0xAE0];
	_ =	sdelay $0x2  }
0x752: {  	[tilespmem:s5+$0x60] =	vst.add.f32.msk $0xffff, v0  }
0x753: {  	v0 =	vld [tilespmem:s12+$0xAF0]  }
0x754: {  	[tilespmem:s5+$0xFFFFFD60] =	vst.add.f32.msk $0xffff, v1  }
0x755: {  	v1 =	vld [tilespmem:s0+$0xAF0];
	_ =	sdelay $0x2  }
0x756: {  	[tilespmem:s5+$0x70] =	vst.add.f32.msk $0xffff, v0  }
0x757: {  	v0 =	vld [tilespmem:s12+$0xB00]  }
0x758: {  	[tilespmem:s5+$0xFFFFFD70] =	vst.add.f32.msk $0xffff, v1  }
0x759: {  	v1 =	vld [tilespmem:s0+$0xB00];
	_ =	sdelay $0x2  }
0x75a: {  	[tilespmem:s5+$0x80] =	vst.add.f32.msk $0xffff, v0  }
0x75b: {  	v0 =	vld [tilespmem:s12+$0xB10]  }
0x75c: {  	[tilespmem:s5+$0xFFFFFD80] =	vst.add.f32.msk $0xffff, v1  }
0x75d: {  	v1 =	vld [tilespmem:s0+$0xB10];
	_ =	sdelay $0x2  }
0x75e: {  	[tilespmem:s5+$0x90] =	vst.add.f32.msk $0xffff, v0  }
0x75f: {  	v0 =	vld [tilespmem:s12+$0xB20]  }
0x760: {  	[tilespmem:s5+$0xFFFFFD90] =	vst.add.f32.msk $0xffff, v1  }
0x761: {  	v1 =	vld [tilespmem:s0+$0xB20];
	_ =	sdelay $0x2  }
0x762: {  	[tilespmem:s5+$0xA0] =	vst.add.f32.msk $0xffff, v0  }
0x763: {  	v0 =	vld [tilespmem:s12+$0xB30]  }
0x764: {  	[tilespmem:s5+$0xFFFFFDA0] =	vst.add.f32.msk $0xffff, v1  }
0x765: {  	v1 =	vld [tilespmem:s0+$0xB30];
	_ =	sdelay $0x2  }
0x766: {  	[tilespmem:s5+$0xB0] =	vst.add.f32.msk $0xffff, v0  }
0x767: {  	v0 =	vld [tilespmem:s12+$0xB40]  }
0x768: {  	[tilespmem:s5+$0xFFFFFDB0] =	vst.add.f32.msk $0xffff, v1  }
0x769: {  	v1 =	vld [tilespmem:s0+$0xB40];
	_ =	sdelay $0x2  }
0x76a: {  	[tilespmem:s5+$0xC0] =	vst.add.f32.msk $0xffff, v0  }
0x76b: {  	v0 =	vld [tilespmem:s12+$0xB50]  }
0x76c: {  	[tilespmem:s5+$0xFFFFFDC0] =	vst.add.f32.msk $0xffff, v1  }
0x76d: {  	v1 =	vld [tilespmem:s0+$0xB50];
	_ =	sdelay $0x2  }
0x76e: {  	[tilespmem:s5+$0xD0] =	vst.add.f32.msk $0xffff, v0  }
0x76f: {  	v0 =	vld [tilespmem:s12+$0xB60]  }
0x770: {  	[tilespmem:s5+$0xFFFFFDD0] =	vst.add.f32.msk $0xffff, v1  }
0x771: {  	v1 =	vld [tilespmem:s0+$0xB60];
	_ =	sdelay $0x2  }
0x772: {  	[tilespmem:s5+$0xE0] =	vst.add.f32.msk $0xffff, v0  }
0x773: {  	v0 =	vld [tilespmem:s12+$0xB70]  }
0x774: {  	[tilespmem:s5+$0xFFFFFDE0] =	vst.add.f32.msk $0xffff, v1  }
0x775: {  	v1 =	vld [tilespmem:s0+$0xB70];
	_ =	sdelay $0x2  }
0x776: {  	[tilespmem:s5+$0xF0] =	vst.add.f32.msk $0xffff, v0  }
0x777: {  	v0 =	vld [tilespmem:s12+$0xB80]  }
0x778: {  	[tilespmem:s5+$0xFFFFFDF0] =	vst.add.f32.msk $0xffff, v1  }
0x779: {  	v1 =	vld [tilespmem:s0+$0xB80];
	_ =	sdelay $0x2  }
0x77a: {  	[tilespmem:s5+$0x100] =	vst.add.f32.msk $0xffff, v0  }
0x77b: {  	v0 =	vld [tilespmem:s12+$0xB90]  }
0x77c: {  	[tilespmem:s5+$0xFFFFFE00] =	vst.add.f32.msk $0xffff, v1  }
0x77d: {  	v1 =	vld [tilespmem:s0+$0xB90];
	_ =	sdelay $0x2  }
0x77e: {  	[tilespmem:s5+$0x110] =	vst.add.f32.msk $0xffff, v0  }
0x77f: {  	v0 =	vld [tilespmem:s12+$0xBA0]  }
0x780: {  	[tilespmem:s5+$0xFFFFFE10] =	vst.add.f32.msk $0xffff, v1  }
0x781: {  	v1 =	vld [tilespmem:s0+$0xBA0];
	_ =	sdelay $0x2  }
0x782: {  	[tilespmem:s5+$0x120] =	vst.add.f32.msk $0xffff, v0  }
0x783: {  	v0 =	vld [tilespmem:s12+$0xBB0]  }
0x784: {  	[tilespmem:s5+$0xFFFFFE20] =	vst.add.f32.msk $0xffff, v1  }
0x785: {  	v1 =	vld [tilespmem:s0+$0xBB0];
	_ =	sdelay $0x2  }
0x786: {  	[tilespmem:s5+$0x130] =	vst.add.f32.msk $0xffff, v0  }
0x787: {  	v0 =	vld [tilespmem:s12+$0xBC0]  }
0x788: {  	[tilespmem:s5+$0xFFFFFE30] =	vst.add.f32.msk $0xffff, v1  }
0x789: {  	v1 =	vld [tilespmem:s0+$0xBC0];
	_ =	sdelay $0x2  }
0x78a: {  	[tilespmem:s5+$0x140] =	vst.add.f32.msk $0xffff, v0  }
0x78b: {  	v0 =	vld [tilespmem:s12+$0xBD0]  }
0x78c: {  	[tilespmem:s5+$0xFFFFFE40] =	vst.add.f32.msk $0xffff, v1  }
0x78d: {  	v1 =	vld [tilespmem:s0+$0xBD0];
	_ =	sdelay $0x2  }
0x78e: {  	[tilespmem:s5+$0x150] =	vst.add.f32.msk $0xffff, v0  }
0x78f: {  	v0 =	vld [tilespmem:s12+$0xBE0]  }
0x790: {  	[tilespmem:s5+$0xFFFFFE50] =	vst.add.f32.msk $0xffff, v1  }
0x791: {  	v1 =	vld [tilespmem:s0+$0xBE0];
	_ =	sdelay $0x2  }
0x792: {  	[tilespmem:s5+$0x160] =	vst.add.f32.msk $0xffff, v0  }
0x793: {  	v0 =	vld [tilespmem:s12+$0xBF0]  }
0x794: {  	[tilespmem:s5+$0xFFFFFE60] =	vst.add.f32.msk $0xffff, v1  }
0x795: {  	v1 =	vld [tilespmem:s0+$0xBF0];
	_ =	sdelay $0x2  }
0x796: {  	[tilespmem:s5+$0x170] =	vst.add.f32.msk $0xffff, v0  }
0x797: {  	v0 =	vld [tilespmem:s12+$0xC00]  }
0x798: {  	[tilespmem:s5+$0xFFFFFE70] =	vst.add.f32.msk $0xffff, v1  }
0x799: {  	v1 =	vld [tilespmem:s0+$0xC00];
	_ =	sdelay $0x2  }
0x79a: {  	[tilespmem:s5+$0x180] =	vst.add.f32.msk $0xffff, v0  }
0x79b: {  	v0 =	vld [tilespmem:s12+$0xC10]  }
0x79c: {  	[tilespmem:s5+$0xFFFFFE80] =	vst.add.f32.msk $0xffff, v1  }
0x79d: {  	v1 =	vld [tilespmem:s0+$0xC10];
	_ =	sdelay $0x2  }
0x79e: {  	[tilespmem:s5+$0x190] =	vst.add.f32.msk $0xffff, v0  }
0x79f: {  	v0 =	vld [tilespmem:s12+$0xC20]  }
0x7a0: {  	[tilespmem:s5+$0xFFFFFE90] =	vst.add.f32.msk $0xffff, v1  }
0x7a1: {  	v1 =	vld [tilespmem:s0+$0xC20];
	_ =	sdelay $0x2  }
0x7a2: {  	[tilespmem:s5+$0x1A0] =	vst.add.f32.msk $0xffff, v0  }
0x7a3: {  	v0 =	vld [tilespmem:s12+$0xC30]  }
0x7a4: {  	[tilespmem:s5+$0xFFFFFEA0] =	vst.add.f32.msk $0xffff, v1  }
0x7a5: {  	v1 =	vld [tilespmem:s0+$0xC30];
	_ =	sdelay $0x2  }
0x7a6: {  	[tilespmem:s5+$0x1B0] =	vst.add.f32.msk $0xffff, v0  }
0x7a7: {  	v0 =	vld [tilespmem:s12+$0xC40]  }
0x7a8: {  	[tilespmem:s5+$0xFFFFFEB0] =	vst.add.f32.msk $0xffff, v1  }
0x7a9: {  	v1 =	vld [tilespmem:s0+$0xC40];
	_ =	sdelay $0x2  }
0x7aa: {  	[tilespmem:s5+$0x1C0] =	vst.add.f32.msk $0xffff, v0  }
0x7ab: {  	v0 =	vld [tilespmem:s12+$0xC50]  }
0x7ac: {  	[tilespmem:s5+$0xFFFFFEC0] =	vst.add.f32.msk $0xffff, v1  }
0x7ad: {  	v1 =	vld [tilespmem:s0+$0xC50]  }
0x7ae: {  	p1 =	por $0x1, $0x1  }
.Ltmp7:
0x7af: {  	_ = 	snop;
	(pc) =	sbr.rel @!p1 .LBB2_13-.Ltmp7, $4  }
0x7b0: {  	[tilespmem:s5+$0x1D0] =	vst.add.f32.msk $0xffff, v0  }
0x7b1: {  	v2 =	vld [tilespmem:s12+$0xC60]  }
0x7b2: {  	[tilespmem:s5+$0xFFFFFED0] =	vst.add.f32.msk $0xffff, v1  }
0x7b3: {  	s7 =	smul.u32 $0x16, s10;
	v1 =	vld [tilespmem:s0+$0xC60]  }
0x7b4: {  	s8 =	sadd.s32 $0xFFFFFFF7, s1  }
0x7b5: {  	s9 =	sadd.s32 $0x4E, s8  }
0x7b6: {  	s10 =	sadd.s32 $0x1, s8;
	p0 =	sgt.u32 s9, $0x4C;
	[tilespmem:s5+$0x1E0] =	vst.add.f32.msk $0xffff, v2  }
0x7b7: {  	s9 =	smov.u32 @p0 s10;
	v0 =	vld [tilespmem:s12+$0xC70]  }
0x7b8: {  	s10 =	sadd.s32 $0x4D, s8;
	s9 =	smul.u32 $0xC00, s9  }
0x7b9: {  	p0 =	sgt.u32 s10, $0x4C;
	[tilespmem:s5+$0xFFFFFEE0] =	vst.add.f32.msk $0xffff, v1  }
0x7ba: {  	s10 =	smov.u32 @p0 s8;
	v1 =	vld [tilespmem:s0+$0xC70];
	s8 =	sshra.s32 s9, $0x2  }
0x7bb: {  	s24 =	smul.u32 $0xC00, s10;
	v2 =	vld [tilespmem:s8+$0xA80]  }
0x7bc: {  	[tilespmem:s5+$0x1F0] =	vst.add.f32.msk $0xffff, v0  }
0x7bd: {  	s10 =	sshra.s32 s24, $0x2;
	v0 =	vld [tilespmem:s12+$0xC80]  }
0x7be: {  	v3 =	vld [tilespmem:s10+$0xA80]  }
0x7bf: {  	s9 =	simm.s32 $0x1C080;
	[tilespmem:s5+$0xFFFFFEF0] =	vst.add.f32.msk $0xffff, v1  }
0x7c0: {  	[tilespmem:s9+$0x0] =	vst.add.f32.msk $0xffff, v2  }
0x7c1: {  	v1 =	vld [tilespmem:s8+$0xA90]  }
0x7c2: {  	[tilespmem:s5+$0x200] =	vst.add.f32.msk $0xffff, v0  }
0x7c3: {  	v0 =	vld [tilespmem:s12+$0xC90]  }
0x7c4: {  	[tilespmem:s9+$0xFFFFFD00] =	vst.add.f32.msk $0xffff, v3  }
0x7c5: {  	v2 =	vld [tilespmem:s10+$0xA90]  }
0x7c6: {  	[tilespmem:s9+$0x10] =	vst.add.f32.msk $0xffff, v1  }
0x7c7: {  	v1 =	vld [tilespmem:s8+$0xAA0]  }
0x7c8: {  	[tilespmem:s5+$0x210] =	vst.add.f32.msk $0xffff, v0  }
0x7c9: {  	v0 =	vld [tilespmem:s12+$0xCA0]  }
0x7ca: {  	[tilespmem:s9+$0xFFFFFD10] =	vst.add.f32.msk $0xffff, v2  }
0x7cb: {  	v2 =	vld [tilespmem:s10+$0xAA0]  }
0x7cc: {  	[tilespmem:s9+$0x20] =	vst.add.f32.msk $0xffff, v1  }
0x7cd: {  	v1 =	vld [tilespmem:s8+$0xAB0]  }
0x7ce: {  	[tilespmem:s5+$0x220] =	vst.add.f32.msk $0xffff, v0  }
0x7cf: {  	v0 =	vld [tilespmem:s12+$0xCB0]  }
0x7d0: {  	[tilespmem:s9+$0xFFFFFD20] =	vst.add.f32.msk $0xffff, v2  }
0x7d1: {  	v2 =	vld [tilespmem:s10+$0xAB0]  }
0x7d2: {  	[tilespmem:s9+$0x30] =	vst.add.f32.msk $0xffff, v1  }
0x7d3: {  	v1 =	vld [tilespmem:s8+$0xAC0]  }
0x7d4: {  	[tilespmem:s5+$0x230] =	vst.add.f32.msk $0xffff, v0  }
0x7d5: {  	v0 =	vld [tilespmem:s12+$0xCC0]  }
0x7d6: {  	[tilespmem:s9+$0xFFFFFD30] =	vst.add.f32.msk $0xffff, v2  }
0x7d7: {  	v2 =	vld [tilespmem:s10+$0xAC0]  }
0x7d8: {  	[tilespmem:s9+$0x40] =	vst.add.f32.msk $0xffff, v1  }
0x7d9: {  	v1 =	vld [tilespmem:s8+$0xAD0]  }
0x7da: {  	[tilespmem:s5+$0x240] =	vst.add.f32.msk $0xffff, v0  }
0x7db: {  	v0 =	vld [tilespmem:s12+$0xCD0]  }
0x7dc: {  	[tilespmem:s9+$0xFFFFFD40] =	vst.add.f32.msk $0xffff, v2  }
0x7dd: {  	v2 =	vld [tilespmem:s10+$0xAD0]  }
0x7de: {  	[tilespmem:s9+$0x50] =	vst.add.f32.msk $0xffff, v1  }
0x7df: {  	v1 =	vld [tilespmem:s8+$0xAE0]  }
0x7e0: {  	[tilespmem:s5+$0x250] =	vst.add.f32.msk $0xffff, v0  }
0x7e1: {  	v0 =	vld [tilespmem:s12+$0xCE0]  }
0x7e2: {  	[tilespmem:s9+$0xFFFFFD50] =	vst.add.f32.msk $0xffff, v2  }
0x7e3: {  	v2 =	vld [tilespmem:s10+$0xAE0]  }
0x7e4: {  	[tilespmem:s9+$0x60] =	vst.add.f32.msk $0xffff, v1  }
0x7e5: {  	v1 =	vld [tilespmem:s8+$0xAF0]  }
0x7e6: {  	[tilespmem:s5+$0x260] =	vst.add.f32.msk $0xffff, v0  }
0x7e7: {  	v0 =	vld [tilespmem:s12+$0xCF0]  }
0x7e8: {  	[tilespmem:s9+$0xFFFFFD60] =	vst.add.f32.msk $0xffff, v2  }
0x7e9: {  	v2 =	vld [tilespmem:s10+$0xAF0]  }
0x7ea: {  	[tilespmem:s9+$0x70] =	vst.add.f32.msk $0xffff, v1  }
0x7eb: {  	v1 =	vld [tilespmem:s8+$0xB00]  }
0x7ec: {  	[tilespmem:s5+$0x270] =	vst.add.f32.msk $0xffff, v0  }
0x7ed: {  	v0 =	vld [tilespmem:s12+$0xD00]  }
0x7ee: {  	[tilespmem:s9+$0xFFFFFD70] =	vst.add.f32.msk $0xffff, v2  }
0x7ef: {  	v2 =	vld [tilespmem:s10+$0xB00]  }
0x7f0: {  	[tilespmem:s9+$0x80] =	vst.add.f32.msk $0xffff, v1  }
0x7f1: {  	v1 =	vld [tilespmem:s8+$0xB10]  }
0x7f2: {  	[tilespmem:s5+$0x280] =	vst.add.f32.msk $0xffff, v0  }
0x7f3: {  	v0 =	vld [tilespmem:s12+$0xD10]  }
0x7f4: {  	[tilespmem:s9+$0xFFFFFD80] =	vst.add.f32.msk $0xffff, v2  }
0x7f5: {  	v2 =	vld [tilespmem:s10+$0xB10]  }
0x7f6: {  	[tilespmem:s9+$0x90] =	vst.add.f32.msk $0xffff, v1  }
0x7f7: {  	v1 =	vld [tilespmem:s8+$0xB20]  }
0x7f8: {  	[tilespmem:s5+$0x290] =	vst.add.f32.msk $0xffff, v0  }
0x7f9: {  	v0 =	vld [tilespmem:s12+$0xD20]  }
0x7fa: {  	[tilespmem:s9+$0xFFFFFD90] =	vst.add.f32.msk $0xffff, v2  }
0x7fb: {  	v2 =	vld [tilespmem:s10+$0xB20]  }
0x7fc: {  	[tilespmem:s9+$0xA0] =	vst.add.f32.msk $0xffff, v1  }
0x7fd: {  	v1 =	vld [tilespmem:s8+$0xB30]  }
0x7fe: {  	[tilespmem:s5+$0x2A0] =	vst.add.f32.msk $0xffff, v0  }
0x7ff: {  	v0 =	vld [tilespmem:s12+$0xD30]  }
0x800: {  	[tilespmem:s9+$0xFFFFFDA0] =	vst.add.f32.msk $0xffff, v2  }
0x801: {  	v2 =	vld [tilespmem:s10+$0xB30]  }
0x802: {  	[tilespmem:s9+$0xB0] =	vst.add.f32.msk $0xffff, v1  }
0x803: {  	v1 =	vld [tilespmem:s8+$0xB40]  }
0x804: {  	[tilespmem:s5+$0x2B0] =	vst.add.f32.msk $0xffff, v0  }
0x805: {  	v0 =	vld [tilespmem:s12+$0xD40]  }
0x806: {  	[tilespmem:s9+$0xFFFFFDB0] =	vst.add.f32.msk $0xffff, v2  }
0x807: {  	v2 =	vld [tilespmem:s10+$0xB40]  }
0x808: {  	[tilespmem:s9+$0xC0] =	vst.add.f32.msk $0xffff, v1  }
0x809: {  	v1 =	vld [tilespmem:s8+$0xB50]  }
0x80a: {  	[tilespmem:s5+$0x2C0] =	vst.add.f32.msk $0xffff, v0  }
0x80b: {  	v0 =	vld [tilespmem:s12+$0xD50]  }
0x80c: {  	[tilespmem:s9+$0xFFFFFDC0] =	vst.add.f32.msk $0xffff, v2  }
0x80d: {  	v2 =	vld [tilespmem:s10+$0xB50]  }
0x80e: {  	[tilespmem:s9+$0xD0] =	vst.add.f32.msk $0xffff, v1  }
0x80f: {  	v1 =	vld [tilespmem:s8+$0xB60]  }
0x810: {  	[tilespmem:s5+$0x2D0] =	vst.add.f32.msk $0xffff, v0  }
0x811: {  	v0 =	vld [tilespmem:s12+$0xD60]  }
0x812: {  	[tilespmem:s9+$0xFFFFFDD0] =	vst.add.f32.msk $0xffff, v2  }
0x813: {  	v2 =	vld [tilespmem:s10+$0xB60]  }
0x814: {  	[tilespmem:s9+$0xE0] =	vst.add.f32.msk $0xffff, v1  }
0x815: {  	v1 =	vld [tilespmem:s8+$0xB70]  }
0x816: {  	[tilespmem:s5+$0x2E0] =	vst.add.f32.msk $0xffff, v0  }
0x817: {  	v0 =	vld [tilespmem:s12+$0xD70]  }
0x818: {  	[tilespmem:s9+$0xFFFFFDE0] =	vst.add.f32.msk $0xffff, v2  }
0x819: {  	v2 =	vld [tilespmem:s10+$0xB70]  }
0x81a: {  	v3 =	vld [tilespmem:s0+$0xC80]  }
0x81b: {  	[tilespmem:s9+$0xF0] =	vst.add.f32.msk $0xffff, v1  }
0x81c: {  	[tilespmem:s5+$0x2F0] =	vst.add.f32.msk $0xffff, v0  }
0x81d: {  	v0 =	vld [tilespmem:s8+$0xB80]  }
0x81e: {  	[tilespmem:s9+$0xFFFFFDF0] =	vst.add.f32.msk $0xffff, v2  }
0x81f: {  	v1 =	vld [tilespmem:s10+$0xB80]  }
0x820: {  	[tilespmem:s5+$0xFFFFFF00] =	vst.add.f32.msk $0xffff, v3  }
0x821: {  	v2 =	vld [tilespmem:s0+$0xC90]  }
0x822: {  	[tilespmem:s9+$0x100] =	vst.add.f32.msk $0xffff, v0  }
0x823: {  	v0 =	vld [tilespmem:s8+$0xB90]  }
0x824: {  	[tilespmem:s9+$0xFFFFFE00] =	vst.add.f32.msk $0xffff, v1  }
0x825: {  	v1 =	vld [tilespmem:s10+$0xB90]  }
0x826: {  	[tilespmem:s5+$0xFFFFFF10] =	vst.add.f32.msk $0xffff, v2  }
0x827: {  	v2 =	vld [tilespmem:s0+$0xCA0]  }
0x828: {  	[tilespmem:s9+$0x110] =	vst.add.f32.msk $0xffff, v0  }
0x829: {  	v0 =	vld [tilespmem:s8+$0xBA0]  }
0x82a: {  	[tilespmem:s9+$0xFFFFFE10] =	vst.add.f32.msk $0xffff, v1  }
0x82b: {  	v1 =	vld [tilespmem:s10+$0xBA0]  }
0x82c: {  	[tilespmem:s5+$0xFFFFFF20] =	vst.add.f32.msk $0xffff, v2  }
0x82d: {  	v2 =	vld [tilespmem:s0+$0xCB0]  }
0x82e: {  	[tilespmem:s9+$0x120] =	vst.add.f32.msk $0xffff, v0  }
0x82f: {  	v0 =	vld [tilespmem:s8+$0xBB0]  }
0x830: {  	[tilespmem:s9+$0xFFFFFE20] =	vst.add.f32.msk $0xffff, v1  }
0x831: {  	v1 =	vld [tilespmem:s10+$0xBB0]  }
0x832: {  	[tilespmem:s5+$0xFFFFFF30] =	vst.add.f32.msk $0xffff, v2  }
0x833: {  	v2 =	vld [tilespmem:s0+$0xCC0]  }
0x834: {  	[tilespmem:s9+$0x130] =	vst.add.f32.msk $0xffff, v0  }
0x835: {  	v0 =	vld [tilespmem:s8+$0xBC0]  }
0x836: {  	[tilespmem:s9+$0xFFFFFE30] =	vst.add.f32.msk $0xffff, v1  }
0x837: {  	v1 =	vld [tilespmem:s10+$0xBC0]  }
0x838: {  	[tilespmem:s5+$0xFFFFFF40] =	vst.add.f32.msk $0xffff, v2  }
0x839: {  	v2 =	vld [tilespmem:s0+$0xCD0]  }
0x83a: {  	[tilespmem:s9+$0x140] =	vst.add.f32.msk $0xffff, v0  }
0x83b: {  	v0 =	vld [tilespmem:s8+$0xBD0]  }
0x83c: {  	[tilespmem:s9+$0xFFFFFE40] =	vst.add.f32.msk $0xffff, v1  }
0x83d: {  	v1 =	vld [tilespmem:s10+$0xBD0]  }
0x83e: {  	[tilespmem:s5+$0xFFFFFF50] =	vst.add.f32.msk $0xffff, v2  }
0x83f: {  	v2 =	vld [tilespmem:s0+$0xCE0]  }
0x840: {  	[tilespmem:s9+$0x150] =	vst.add.f32.msk $0xffff, v0  }
0x841: {  	v0 =	vld [tilespmem:s8+$0xBE0]  }
0x842: {  	[tilespmem:s9+$0xFFFFFE50] =	vst.add.f32.msk $0xffff, v1  }
0x843: {  	v1 =	vld [tilespmem:s10+$0xBE0]  }
0x844: {  	[tilespmem:s5+$0xFFFFFF60] =	vst.add.f32.msk $0xffff, v2  }
0x845: {  	v2 =	vld [tilespmem:s0+$0xCF0]  }
0x846: {  	[tilespmem:s9+$0x160] =	vst.add.f32.msk $0xffff, v0  }
0x847: {  	v0 =	vld [tilespmem:s8+$0xBF0]  }
0x848: {  	[tilespmem:s9+$0xFFFFFE60] =	vst.add.f32.msk $0xffff, v1  }
0x849: {  	v1 =	vld [tilespmem:s10+$0xBF0]  }
0x84a: {  	[tilespmem:s5+$0xFFFFFF70] =	vst.add.f32.msk $0xffff, v2  }
0x84b: {  	v2 =	vld [tilespmem:s0+$0xD00]  }
0x84c: {  	[tilespmem:s9+$0x170] =	vst.add.f32.msk $0xffff, v0  }
0x84d: {  	v0 =	vld [tilespmem:s8+$0xC00]  }
0x84e: {  	[tilespmem:s9+$0xFFFFFE70] =	vst.add.f32.msk $0xffff, v1  }
0x84f: {  	v1 =	vld [tilespmem:s10+$0xC00]  }
0x850: {  	[tilespmem:s5+$0xFFFFFF80] =	vst.add.f32.msk $0xffff, v2  }
0x851: {  	v2 =	vld [tilespmem:s0+$0xD10]  }
0x852: {  	[tilespmem:s9+$0x180] =	vst.add.f32.msk $0xffff, v0  }
0x853: {  	v0 =	vld [tilespmem:s8+$0xC10]  }
0x854: {  	[tilespmem:s9+$0xFFFFFE80] =	vst.add.f32.msk $0xffff, v1  }
0x855: {  	v1 =	vld [tilespmem:s10+$0xC10]  }
0x856: {  	[tilespmem:s5+$0xFFFFFF90] =	vst.add.f32.msk $0xffff, v2  }
0x857: {  	v2 =	vld [tilespmem:s0+$0xD20]  }
0x858: {  	[tilespmem:s9+$0x190] =	vst.add.f32.msk $0xffff, v0  }
0x859: {  	v0 =	vld [tilespmem:s8+$0xC20]  }
0x85a: {  	[tilespmem:s9+$0xFFFFFE90] =	vst.add.f32.msk $0xffff, v1  }
0x85b: {  	v1 =	vld [tilespmem:s10+$0xC20]  }
0x85c: {  	[tilespmem:s5+$0xFFFFFFA0] =	vst.add.f32.msk $0xffff, v2  }
0x85d: {  	v2 =	vld [tilespmem:s0+$0xD30]  }
0x85e: {  	[tilespmem:s9+$0x1A0] =	vst.add.f32.msk $0xffff, v0  }
0x85f: {  	v0 =	vld [tilespmem:s8+$0xC30]  }
0x860: {  	[tilespmem:s9+$0xFFFFFEA0] =	vst.add.f32.msk $0xffff, v1  }
0x861: {  	v1 =	vld [tilespmem:s10+$0xC30]  }
0x862: {  	[tilespmem:s5+$0xFFFFFFB0] =	vst.add.f32.msk $0xffff, v2  }
0x863: {  	v2 =	vld [tilespmem:s0+$0xD40]  }
0x864: {  	[tilespmem:s9+$0x1B0] =	vst.add.f32.msk $0xffff, v0  }
0x865: {  	v0 =	vld [tilespmem:s8+$0xC40]  }
0x866: {  	[tilespmem:s9+$0xFFFFFEB0] =	vst.add.f32.msk $0xffff, v1  }
0x867: {  	v1 =	vld [tilespmem:s10+$0xC40]  }
0x868: {  	[tilespmem:s5+$0xFFFFFFC0] =	vst.add.f32.msk $0xffff, v2  }
0x869: {  	v2 =	vld [tilespmem:s0+$0xD50]  }
0x86a: {  	[tilespmem:s9+$0x1C0] =	vst.add.f32.msk $0xffff, v0  }
0x86b: {  	v3 =	vld [tilespmem:s8+$0xC50]  }
0x86c: {  	[tilespmem:s9+$0xFFFFFEC0] =	vst.add.f32.msk $0xffff, v1  }
0x86d: {  	v1 =	vld [tilespmem:s10+$0xC50]  }
0x86e: {  	p1 =	por $0x1, $0x1;
	[tilespmem:s5+$0xFFFFFFD0] =	vst.add.f32.msk $0xffff, v2  }
.Ltmp8:
0x86f: {  	v0 =	vld [tilespmem:s0+$0xD60];
	(pc) =	sbr.rel @!p1 .LBB2_15-.Ltmp8, $4  }
0x870: {  	[tilespmem:s9+$0x1D0] =	vst.add.f32.msk $0xffff, v3  }
0x871: {  	v2 =	vld [tilespmem:s8+$0xC60]  }
0x872: {  	[tilespmem:s9+$0xFFFFFED0] =	vst.add.f32.msk $0xffff, v1  }
0x873: {  	p0 =	por $0x1, $0x1;
	s12 =	simm.s32 $0xFFFFFFF9;
	v1 =	vld [tilespmem:s10+$0xC60]  }
.LBB2_16:
0x874: {  	s11 =	sadd.s32 s12, s1;
	[tilespmem:s5+$0xFFFFFFE0] =	vst.add.f32.msk $0xffff, v0  }
0x875: {  	s13 =	sadd.s32 $0x4D, s11;
	s15 =	sadd.s32 $0x4E, s11;
	v0 =	vld [tilespmem:s0+$0xD70];
	s0 =	smov.u32 s10  }
0x876: {  	s17 =	sadd.s32 $0xB, s12;
	s10 =	sadd.s32 $0x1, s11;
	p1 =	sgt.u32 s15, $0x4C;
	[tilespmem:s9+$0x1E0] =	vst.add.f32.msk $0xffff, v2  }
0x877: {  	p2 =	sgt.u32 s13, $0x4C;
	s15 =	smov.u32 @p1 s10;
	p1 =	slt.u32 s17, $0x14;
	v2 =	vld [tilespmem:s8+$0xC70]  }
0x878: {  	s13 =	smov.u32 @p2 s11;
	s10 =	smul.u32 $0xC00, s15;
	[tilespmem:s9+$0xFFFFFEE0] =	vst.add.f32.msk $0xffff, v1  }
0x879: {  	s13 =	smul.u32 $0xC00, s13;
	v1 =	vld [tilespmem:s0+$0xC70]  }
0x87a: {  	s11 =	sshra.s32 s10, $0x2;
	[tilespmem:s5+$0xFFFFFFF0] =	vst.add.f32.msk $0xffff, v0;
	s5 =	smov.u32 s9  }
0x87b: {  	s10 =	sshra.s32 s13, $0x2;
	v0 =	vld [tilespmem:s11+$0xA80]  }
0x87c: {  	[tilespmem:s9+$0x1F0] =	vst.add.f32.msk $0xffff, v2  }
0x87d: {  	v2 =	vld [tilespmem:s8+$0xC80]  }
0x87e: {  	v3 =	vld [tilespmem:s10+$0xA80]  }
0x87f: {  	s9 =	sadd.s32 $0x600, s9;
	[tilespmem:s5+$0xFFFFFEF0] =	vst.add.f32.msk $0xffff, v1  }
0x880: {  	[tilespmem:s9+$0x0] =	vst.add.f32.msk $0xffff, v0  }
0x881: {  	v0 =	vld [tilespmem:s11+$0xA90]  }
0x882: {  	[tilespmem:s5+$0x200] =	vst.add.f32.msk $0xffff, v2  }
0x883: {  	v1 =	vld [tilespmem:s8+$0xC90]  }
0x884: {  	[tilespmem:s9+$0xFFFFFD00] =	vst.add.f32.msk $0xffff, v3  }
0x885: {  	v2 =	vld [tilespmem:s10+$0xA90]  }
0x886: {  	[tilespmem:s9+$0x10] =	vst.add.f32.msk $0xffff, v0  }
0x887: {  	v0 =	vld [tilespmem:s11+$0xAA0]  }
0x888: {  	[tilespmem:s5+$0x210] =	vst.add.f32.msk $0xffff, v1  }
0x889: {  	v1 =	vld [tilespmem:s8+$0xCA0]  }
0x88a: {  	[tilespmem:s9+$0xFFFFFD10] =	vst.add.f32.msk $0xffff, v2  }
0x88b: {  	v2 =	vld [tilespmem:s10+$0xAA0]  }
0x88c: {  	[tilespmem:s9+$0x20] =	vst.add.f32.msk $0xffff, v0  }
0x88d: {  	v0 =	vld [tilespmem:s11+$0xAB0]  }
0x88e: {  	[tilespmem:s5+$0x220] =	vst.add.f32.msk $0xffff, v1  }
0x88f: {  	v1 =	vld [tilespmem:s8+$0xCB0]  }
0x890: {  	[tilespmem:s9+$0xFFFFFD20] =	vst.add.f32.msk $0xffff, v2  }
0x891: {  	v2 =	vld [tilespmem:s10+$0xAB0]  }
0x892: {  	[tilespmem:s9+$0x30] =	vst.add.f32.msk $0xffff, v0  }
0x893: {  	v0 =	vld [tilespmem:s11+$0xAC0]  }
0x894: {  	[tilespmem:s5+$0x230] =	vst.add.f32.msk $0xffff, v1  }
0x895: {  	v1 =	vld [tilespmem:s8+$0xCC0]  }
0x896: {  	[tilespmem:s9+$0xFFFFFD30] =	vst.add.f32.msk $0xffff, v2  }
0x897: {  	v2 =	vld [tilespmem:s10+$0xAC0]  }
0x898: {  	[tilespmem:s9+$0x40] =	vst.add.f32.msk $0xffff, v0  }
0x899: {  	v0 =	vld [tilespmem:s11+$0xAD0]  }
0x89a: {  	[tilespmem:s5+$0x240] =	vst.add.f32.msk $0xffff, v1  }
0x89b: {  	v1 =	vld [tilespmem:s8+$0xCD0]  }
0x89c: {  	[tilespmem:s9+$0xFFFFFD40] =	vst.add.f32.msk $0xffff, v2  }
0x89d: {  	v2 =	vld [tilespmem:s10+$0xAD0]  }
0x89e: {  	[tilespmem:s9+$0x50] =	vst.add.f32.msk $0xffff, v0  }
0x89f: {  	v0 =	vld [tilespmem:s11+$0xAE0]  }
0x8a0: {  	[tilespmem:s5+$0x250] =	vst.add.f32.msk $0xffff, v1  }
0x8a1: {  	v1 =	vld [tilespmem:s8+$0xCE0]  }
0x8a2: {  	[tilespmem:s9+$0xFFFFFD50] =	vst.add.f32.msk $0xffff, v2  }
0x8a3: {  	v2 =	vld [tilespmem:s10+$0xAE0]  }
0x8a4: {  	[tilespmem:s9+$0x60] =	vst.add.f32.msk $0xffff, v0  }
0x8a5: {  	v0 =	vld [tilespmem:s11+$0xAF0]  }
0x8a6: {  	[tilespmem:s5+$0x260] =	vst.add.f32.msk $0xffff, v1  }
0x8a7: {  	v1 =	vld [tilespmem:s8+$0xCF0]  }
0x8a8: {  	[tilespmem:s9+$0xFFFFFD60] =	vst.add.f32.msk $0xffff, v2  }
0x8a9: {  	v2 =	vld [tilespmem:s10+$0xAF0]  }
0x8aa: {  	[tilespmem:s9+$0x70] =	vst.add.f32.msk $0xffff, v0  }
0x8ab: {  	v0 =	vld [tilespmem:s11+$0xB00]  }
0x8ac: {  	[tilespmem:s5+$0x270] =	vst.add.f32.msk $0xffff, v1  }
0x8ad: {  	v1 =	vld [tilespmem:s8+$0xD00]  }
0x8ae: {  	[tilespmem:s9+$0xFFFFFD70] =	vst.add.f32.msk $0xffff, v2  }
0x8af: {  	v2 =	vld [tilespmem:s10+$0xB00]  }
0x8b0: {  	[tilespmem:s9+$0x80] =	vst.add.f32.msk $0xffff, v0  }
0x8b1: {  	v0 =	vld [tilespmem:s11+$0xB10]  }
0x8b2: {  	[tilespmem:s5+$0x280] =	vst.add.f32.msk $0xffff, v1  }
0x8b3: {  	v1 =	vld [tilespmem:s8+$0xD10]  }
0x8b4: {  	[tilespmem:s9+$0xFFFFFD80] =	vst.add.f32.msk $0xffff, v2  }
0x8b5: {  	v2 =	vld [tilespmem:s10+$0xB10]  }
0x8b6: {  	[tilespmem:s9+$0x90] =	vst.add.f32.msk $0xffff, v0  }
0x8b7: {  	v0 =	vld [tilespmem:s11+$0xB20]  }
0x8b8: {  	[tilespmem:s5+$0x290] =	vst.add.f32.msk $0xffff, v1  }
0x8b9: {  	v1 =	vld [tilespmem:s8+$0xD20]  }
0x8ba: {  	[tilespmem:s9+$0xFFFFFD90] =	vst.add.f32.msk $0xffff, v2  }
0x8bb: {  	v2 =	vld [tilespmem:s10+$0xB20]  }
0x8bc: {  	[tilespmem:s9+$0xA0] =	vst.add.f32.msk $0xffff, v0  }
0x8bd: {  	v0 =	vld [tilespmem:s11+$0xB30]  }
0x8be: {  	[tilespmem:s5+$0x2A0] =	vst.add.f32.msk $0xffff, v1  }
0x8bf: {  	v1 =	vld [tilespmem:s8+$0xD30]  }
0x8c0: {  	[tilespmem:s9+$0xFFFFFDA0] =	vst.add.f32.msk $0xffff, v2  }
0x8c1: {  	v2 =	vld [tilespmem:s10+$0xB30]  }
0x8c2: {  	[tilespmem:s9+$0xB0] =	vst.add.f32.msk $0xffff, v0  }
0x8c3: {  	v0 =	vld [tilespmem:s11+$0xB40]  }
0x8c4: {  	[tilespmem:s5+$0x2B0] =	vst.add.f32.msk $0xffff, v1  }
0x8c5: {  	v1 =	vld [tilespmem:s8+$0xD40]  }
0x8c6: {  	[tilespmem:s9+$0xFFFFFDB0] =	vst.add.f32.msk $0xffff, v2  }
0x8c7: {  	v2 =	vld [tilespmem:s10+$0xB40]  }
0x8c8: {  	[tilespmem:s9+$0xC0] =	vst.add.f32.msk $0xffff, v0  }
0x8c9: {  	v0 =	vld [tilespmem:s11+$0xB50]  }
0x8ca: {  	[tilespmem:s5+$0x2C0] =	vst.add.f32.msk $0xffff, v1  }
0x8cb: {  	v1 =	vld [tilespmem:s8+$0xD50]  }
0x8cc: {  	[tilespmem:s9+$0xFFFFFDC0] =	vst.add.f32.msk $0xffff, v2  }
0x8cd: {  	v2 =	vld [tilespmem:s10+$0xB50]  }
0x8ce: {  	[tilespmem:s9+$0xD0] =	vst.add.f32.msk $0xffff, v0  }
0x8cf: {  	v0 =	vld [tilespmem:s11+$0xB60]  }
0x8d0: {  	[tilespmem:s5+$0x2D0] =	vst.add.f32.msk $0xffff, v1  }
0x8d1: {  	v1 =	vld [tilespmem:s8+$0xD60]  }
0x8d2: {  	[tilespmem:s9+$0xFFFFFDD0] =	vst.add.f32.msk $0xffff, v2  }
0x8d3: {  	v2 =	vld [tilespmem:s10+$0xB60]  }
0x8d4: {  	[tilespmem:s9+$0xE0] =	vst.add.f32.msk $0xffff, v0  }
0x8d5: {  	v0 =	vld [tilespmem:s11+$0xB70]  }
0x8d6: {  	[tilespmem:s5+$0x2E0] =	vst.add.f32.msk $0xffff, v1  }
0x8d7: {  	v1 =	vld [tilespmem:s8+$0xD70];
	s8 =	smov.u32 s11  }
0x8d8: {  	[tilespmem:s9+$0xFFFFFDE0] =	vst.add.f32.msk $0xffff, v2  }
0x8d9: {  	v2 =	vld [tilespmem:s10+$0xB70]  }
0x8da: {  	v3 =	vld [tilespmem:s0+$0xC80]  }
0x8db: {  	[tilespmem:s9+$0xF0] =	vst.add.f32.msk $0xffff, v0  }
0x8dc: {  	[tilespmem:s5+$0x2F0] =	vst.add.f32.msk $0xffff, v1  }
0x8dd: {  	v0 =	vld [tilespmem:s8+$0xB80]  }
0x8de: {  	[tilespmem:s9+$0xFFFFFDF0] =	vst.add.f32.msk $0xffff, v2  }
0x8df: {  	v1 =	vld [tilespmem:s10+$0xB80]  }
0x8e0: {  	[tilespmem:s5+$0xFFFFFF00] =	vst.add.f32.msk $0xffff, v3  }
0x8e1: {  	v2 =	vld [tilespmem:s0+$0xC90]  }
0x8e2: {  	[tilespmem:s9+$0x100] =	vst.add.f32.msk $0xffff, v0  }
0x8e3: {  	v0 =	vld [tilespmem:s8+$0xB90]  }
0x8e4: {  	[tilespmem:s9+$0xFFFFFE00] =	vst.add.f32.msk $0xffff, v1  }
0x8e5: {  	v1 =	vld [tilespmem:s10+$0xB90]  }
0x8e6: {  	[tilespmem:s5+$0xFFFFFF10] =	vst.add.f32.msk $0xffff, v2  }
0x8e7: {  	v2 =	vld [tilespmem:s0+$0xCA0]  }
0x8e8: {  	[tilespmem:s9+$0x110] =	vst.add.f32.msk $0xffff, v0  }
0x8e9: {  	v0 =	vld [tilespmem:s8+$0xBA0]  }
0x8ea: {  	[tilespmem:s9+$0xFFFFFE10] =	vst.add.f32.msk $0xffff, v1  }
0x8eb: {  	v1 =	vld [tilespmem:s10+$0xBA0]  }
0x8ec: {  	[tilespmem:s5+$0xFFFFFF20] =	vst.add.f32.msk $0xffff, v2  }
0x8ed: {  	v2 =	vld [tilespmem:s0+$0xCB0]  }
0x8ee: {  	[tilespmem:s9+$0x120] =	vst.add.f32.msk $0xffff, v0  }
0x8ef: {  	v0 =	vld [tilespmem:s8+$0xBB0]  }
0x8f0: {  	[tilespmem:s9+$0xFFFFFE20] =	vst.add.f32.msk $0xffff, v1  }
0x8f1: {  	v1 =	vld [tilespmem:s10+$0xBB0]  }
0x8f2: {  	[tilespmem:s5+$0xFFFFFF30] =	vst.add.f32.msk $0xffff, v2  }
0x8f3: {  	v2 =	vld [tilespmem:s0+$0xCC0]  }
0x8f4: {  	[tilespmem:s9+$0x130] =	vst.add.f32.msk $0xffff, v0  }
0x8f5: {  	v0 =	vld [tilespmem:s8+$0xBC0]  }
0x8f6: {  	[tilespmem:s9+$0xFFFFFE30] =	vst.add.f32.msk $0xffff, v1  }
0x8f7: {  	v1 =	vld [tilespmem:s10+$0xBC0]  }
0x8f8: {  	[tilespmem:s5+$0xFFFFFF40] =	vst.add.f32.msk $0xffff, v2  }
0x8f9: {  	v2 =	vld [tilespmem:s0+$0xCD0]  }
0x8fa: {  	[tilespmem:s9+$0x140] =	vst.add.f32.msk $0xffff, v0  }
0x8fb: {  	v0 =	vld [tilespmem:s8+$0xBD0]  }
0x8fc: {  	[tilespmem:s9+$0xFFFFFE40] =	vst.add.f32.msk $0xffff, v1  }
0x8fd: {  	v1 =	vld [tilespmem:s10+$0xBD0]  }
0x8fe: {  	[tilespmem:s5+$0xFFFFFF50] =	vst.add.f32.msk $0xffff, v2  }
0x8ff: {  	v2 =	vld [tilespmem:s0+$0xCE0]  }
0x900: {  	[tilespmem:s9+$0x150] =	vst.add.f32.msk $0xffff, v0  }
0x901: {  	v0 =	vld [tilespmem:s8+$0xBE0]  }
0x902: {  	[tilespmem:s9+$0xFFFFFE50] =	vst.add.f32.msk $0xffff, v1  }
0x903: {  	v1 =	vld [tilespmem:s10+$0xBE0]  }
0x904: {  	[tilespmem:s5+$0xFFFFFF60] =	vst.add.f32.msk $0xffff, v2  }
0x905: {  	v2 =	vld [tilespmem:s0+$0xCF0]  }
0x906: {  	[tilespmem:s9+$0x160] =	vst.add.f32.msk $0xffff, v0  }
0x907: {  	v0 =	vld [tilespmem:s8+$0xBF0]  }
0x908: {  	[tilespmem:s9+$0xFFFFFE60] =	vst.add.f32.msk $0xffff, v1  }
0x909: {  	v1 =	vld [tilespmem:s10+$0xBF0]  }
0x90a: {  	[tilespmem:s5+$0xFFFFFF70] =	vst.add.f32.msk $0xffff, v2  }
0x90b: {  	v2 =	vld [tilespmem:s0+$0xD00]  }
0x90c: {  	[tilespmem:s9+$0x170] =	vst.add.f32.msk $0xffff, v0  }
0x90d: {  	v0 =	vld [tilespmem:s8+$0xC00]  }
0x90e: {  	[tilespmem:s9+$0xFFFFFE70] =	vst.add.f32.msk $0xffff, v1  }
0x90f: {  	v1 =	vld [tilespmem:s10+$0xC00]  }
0x910: {  	[tilespmem:s5+$0xFFFFFF80] =	vst.add.f32.msk $0xffff, v2  }
0x911: {  	v2 =	vld [tilespmem:s0+$0xD10]  }
0x912: {  	[tilespmem:s9+$0x180] =	vst.add.f32.msk $0xffff, v0  }
0x913: {  	v0 =	vld [tilespmem:s8+$0xC10]  }
0x914: {  	[tilespmem:s9+$0xFFFFFE80] =	vst.add.f32.msk $0xffff, v1  }
0x915: {  	v1 =	vld [tilespmem:s10+$0xC10]  }
0x916: {  	[tilespmem:s5+$0xFFFFFF90] =	vst.add.f32.msk $0xffff, v2  }
0x917: {  	v2 =	vld [tilespmem:s0+$0xD20]  }
0x918: {  	[tilespmem:s9+$0x190] =	vst.add.f32.msk $0xffff, v0  }
0x919: {  	v0 =	vld [tilespmem:s8+$0xC20]  }
0x91a: {  	[tilespmem:s9+$0xFFFFFE90] =	vst.add.f32.msk $0xffff, v1  }
0x91b: {  	v1 =	vld [tilespmem:s10+$0xC20]  }
0x91c: {  	[tilespmem:s5+$0xFFFFFFA0] =	vst.add.f32.msk $0xffff, v2  }
0x91d: {  	v2 =	vld [tilespmem:s0+$0xD30]  }
0x91e: {  	[tilespmem:s9+$0x1A0] =	vst.add.f32.msk $0xffff, v0  }
0x91f: {  	v0 =	vld [tilespmem:s8+$0xC30]  }
0x920: {  	[tilespmem:s9+$0xFFFFFEA0] =	vst.add.f32.msk $0xffff, v1  }
0x921: {  	v1 =	vld [tilespmem:s10+$0xC30]  }
0x922: {  	[tilespmem:s5+$0xFFFFFFB0] =	vst.add.f32.msk $0xffff, v2  }
0x923: {  	v2 =	vld [tilespmem:s0+$0xD40]  }
0x924: {  	[tilespmem:s9+$0x1B0] =	vst.add.f32.msk $0xffff, v0  }
0x925: {  	v0 =	vld [tilespmem:s8+$0xC40]  }
0x926: {  	[tilespmem:s9+$0xFFFFFEB0] =	vst.add.f32.msk $0xffff, v1  }
0x927: {  	v1 =	vld [tilespmem:s10+$0xC40]  }
0x928: {  	[tilespmem:s5+$0xFFFFFFC0] =	vst.add.f32.msk $0xffff, v2  }
0x929: {  	v2 =	vld [tilespmem:s0+$0xD50]  }
0x92a: {  	[tilespmem:s9+$0x1C0] =	vst.add.f32.msk $0xffff, v0  }
0x92b: {  	v3 =	vld [tilespmem:s8+$0xC50]  }
0x92c: {  	[tilespmem:s9+$0xFFFFFEC0] =	vst.add.f32.msk $0xffff, v1  }
0x92d: {  	v1 =	vld [tilespmem:s10+$0xC50]  }
0x92e: {  	[tilespmem:s5+$0xFFFFFFD0] =	vst.add.f32.msk $0xffff, v2  }
.Ltmp9:
0x92f: {  	v0 =	vld [tilespmem:s0+$0xD60];
	(pc) =	sbr.rel @p1 .LBB2_16-.Ltmp9, $4  }
0x930: {  	[tilespmem:s9+$0x1D0] =	vst.add.f32.msk $0xffff, v3  }
0x931: {  	v2 =	vld [tilespmem:s8+$0xC60]  }
0x932: {  	[tilespmem:s9+$0xFFFFFED0] =	vst.add.f32.msk $0xffff, v1  }
0x933: {  	s12 =	sadd.s32 $0x2, s12;
	v1 =	vld [tilespmem:s10+$0xC60]  }
0x934: {  	s1 =	smov.u32 s5;
	s11 =	smov.u32 s0  }
0x935: {  	s0 =	smov.u32 s10;
	s5 =	smov.u32 s9;
	s12 =	smov.u32 s8  }
.LBB2_18:
0x936: {  	[tilespmem:s5+$0x1E0] =	vst.add.f32.msk $0xffff, v2  }
0x937: {  	v2 =	vld [tilespmem:s12+$0xC70]  }
0x938: {  	[tilespmem:s5+$0xFFFFFEE0] =	vst.add.f32.msk $0xffff, v1  }
0x939: {  	v1 =	vld [tilespmem:s0+$0xC70];
	_ =	sdelay $0x2  }
0x93a: {  	[tilespmem:s5+$0x1F0] =	vst.add.f32.msk $0xffff, v2  }
0x93b: {  	v2 =	vld [tilespmem:s12+$0xC80]  }
0x93c: {  	[tilespmem:s5+$0xFFFFFEF0] =	vst.add.f32.msk $0xffff, v1  }
0x93d: {  	v1 =	vld [tilespmem:s0+$0xC80];
	_ =	sdelay $0x2  }
0x93e: {  	[tilespmem:s5+$0x200] =	vst.add.f32.msk $0xffff, v2  }
0x93f: {  	v2 =	vld [tilespmem:s12+$0xC90]  }
0x940: {  	[tilespmem:s5+$0xFFFFFF00] =	vst.add.f32.msk $0xffff, v1  }
0x941: {  	v1 =	vld [tilespmem:s0+$0xC90];
	_ =	sdelay $0x2  }
0x942: {  	[tilespmem:s5+$0x210] =	vst.add.f32.msk $0xffff, v2  }
0x943: {  	v2 =	vld [tilespmem:s12+$0xCA0]  }
0x944: {  	[tilespmem:s5+$0xFFFFFF10] =	vst.add.f32.msk $0xffff, v1  }
0x945: {  	v1 =	vld [tilespmem:s0+$0xCA0];
	_ =	sdelay $0x2  }
0x946: {  	[tilespmem:s5+$0x220] =	vst.add.f32.msk $0xffff, v2  }
0x947: {  	v2 =	vld [tilespmem:s12+$0xCB0]  }
0x948: {  	[tilespmem:s5+$0xFFFFFF20] =	vst.add.f32.msk $0xffff, v1  }
0x949: {  	v1 =	vld [tilespmem:s0+$0xCB0];
	_ =	sdelay $0x2  }
0x94a: {  	[tilespmem:s5+$0x230] =	vst.add.f32.msk $0xffff, v2  }
0x94b: {  	v2 =	vld [tilespmem:s12+$0xCC0]  }
0x94c: {  	[tilespmem:s5+$0xFFFFFF30] =	vst.add.f32.msk $0xffff, v1  }
0x94d: {  	v1 =	vld [tilespmem:s0+$0xCC0];
	_ =	sdelay $0x2  }
0x94e: {  	[tilespmem:s5+$0x240] =	vst.add.f32.msk $0xffff, v2  }
0x94f: {  	v2 =	vld [tilespmem:s12+$0xCD0]  }
0x950: {  	[tilespmem:s5+$0xFFFFFF40] =	vst.add.f32.msk $0xffff, v1  }
0x951: {  	v1 =	vld [tilespmem:s0+$0xCD0];
	_ =	sdelay $0x2  }
0x952: {  	[tilespmem:s5+$0x250] =	vst.add.f32.msk $0xffff, v2  }
0x953: {  	v2 =	vld [tilespmem:s12+$0xCE0]  }
0x954: {  	[tilespmem:s5+$0xFFFFFF50] =	vst.add.f32.msk $0xffff, v1  }
0x955: {  	v1 =	vld [tilespmem:s0+$0xCE0];
	_ =	sdelay $0x2  }
0x956: {  	[tilespmem:s5+$0x260] =	vst.add.f32.msk $0xffff, v2  }
0x957: {  	v2 =	vld [tilespmem:s12+$0xCF0]  }
0x958: {  	[tilespmem:s5+$0xFFFFFF60] =	vst.add.f32.msk $0xffff, v1  }
0x959: {  	v1 =	vld [tilespmem:s0+$0xCF0];
	_ =	sdelay $0x2  }
0x95a: {  	[tilespmem:s5+$0x270] =	vst.add.f32.msk $0xffff, v2  }
0x95b: {  	v2 =	vld [tilespmem:s12+$0xD00]  }
0x95c: {  	[tilespmem:s5+$0xFFFFFF70] =	vst.add.f32.msk $0xffff, v1  }
0x95d: {  	v1 =	vld [tilespmem:s0+$0xD00];
	_ =	sdelay $0x2  }
0x95e: {  	[tilespmem:s5+$0x280] =	vst.add.f32.msk $0xffff, v2  }
0x95f: {  	v2 =	vld [tilespmem:s12+$0xD10]  }
0x960: {  	[tilespmem:s5+$0xFFFFFF80] =	vst.add.f32.msk $0xffff, v1  }
0x961: {  	v1 =	vld [tilespmem:s0+$0xD10];
	_ =	sdelay $0x2  }
0x962: {  	[tilespmem:s5+$0x290] =	vst.add.f32.msk $0xffff, v2  }
0x963: {  	v2 =	vld [tilespmem:s12+$0xD20]  }
0x964: {  	[tilespmem:s5+$0xFFFFFF90] =	vst.add.f32.msk $0xffff, v1  }
0x965: {  	v1 =	vld [tilespmem:s0+$0xD20];
	_ =	sdelay $0x2  }
0x966: {  	[tilespmem:s5+$0x2A0] =	vst.add.f32.msk $0xffff, v2  }
0x967: {  	v2 =	vld [tilespmem:s12+$0xD30]  }
0x968: {  	[tilespmem:s5+$0xFFFFFFA0] =	vst.add.f32.msk $0xffff, v1  }
0x969: {  	v1 =	vld [tilespmem:s0+$0xD30];
	_ =	sdelay $0x2  }
0x96a: {  	[tilespmem:s5+$0x2B0] =	vst.add.f32.msk $0xffff, v2  }
0x96b: {  	v2 =	vld [tilespmem:s12+$0xD40]  }
0x96c: {  	[tilespmem:s5+$0xFFFFFFB0] =	vst.add.f32.msk $0xffff, v1  }
0x96d: {  	v1 =	vld [tilespmem:s0+$0xD40];
	_ =	sdelay $0x2  }
0x96e: {  	[tilespmem:s5+$0x2C0] =	vst.add.f32.msk $0xffff, v2  }
0x96f: {  	v2 =	vld [tilespmem:s12+$0xD50]  }
0x970: {  	[tilespmem:s5+$0xFFFFFFC0] =	vst.add.f32.msk $0xffff, v1  }
0x971: {  	v1 =	vld [tilespmem:s0+$0xD50];
	_ =	sdelay $0x2  }
0x972: {  	[tilespmem:s5+$0x2D0] =	vst.add.f32.msk $0xffff, v2  }
0x973: {  	v2 =	vld [tilespmem:s12+$0xD60]  }
0x974: {  	[tilespmem:s5+$0xFFFFFFD0] =	vst.add.f32.msk $0xffff, v1  }
0x975: {  	v1 =	vld [tilespmem:s0+$0xD60]  }
0x976: {  	[tilespmem:s1+$0xFFFFFFE0] =	vst.add.f32.msk @p0 $0xffff, v0  }
0x977: {  	v0 =	vld @p0 [tilespmem:s11+$0xD70]  }
0x978: {  	[tilespmem:s5+$0x2E0] =	vst.add.f32.msk $0xffff, v2  }
0x979: {  	v2 =	vld [tilespmem:s12+$0xD70]  }
0x97a: {  	[tilespmem:s5+$0xFFFFFFE0] =	vst.add.f32.msk $0xffff, v1  }
0x97b: {  	s24 =	sadd.s32 s6, s7;
	s31 =	sadd.s32 $0x1, s31;
	v1 =	vld [tilespmem:s0+$0xD70]  }
0x97c: {  	[tilespmem:s1+$0xFFFFFFF0] =	vst.add.f32.msk @p0 $0xffff, v0;
	p0 =	sne.s32 s31, $0x1C;
	s0 =	smul.u32 $0x60, s24  }
.Ltmp10:
0x97d: {  	_ = 	snop;
	(pc) =	sbr.rel @p0 .LBB2_2-.Ltmp10, $4  }
.Ltmp11:
0x97e: {  	_ = 	snop;
	(pc) =	sbr.rel @!p0 .LBB2_19-.Ltmp11, $4  }
0x97f: {  	s30 =	sadd.s32 $0x58, s30;
	s29 =	sadd.s32 $0x58, s29;
	[tilespmem:s5+$0x2F0] =	vst.add.f32.msk $0xffff, v2  }
0x980: {  	s26 =	sadd.s32 $0x58, s26;
	s28 =	sadd.s32 $0x58, s28;
	s0 =	sadd.s32 s2, s0;
	[tilespmem:s5+$0xFFFFFFF0] =	vst.add.f32.msk $0xffff, v1  }
0x981: {  	[hbm4b:s0+s3] =	stream.linear.scatter [tilespmem:s25], [sflag:$0x8], $0x4200, $0x38;
	[tilespmem:$0x1F980] =	vst v63  }
0x982: {  	_ = 	snop  }
.LBB2_7:
.Ltmp12:
0x983: {  	(pc) =	sbr.rel .LBB2_12-.Ltmp12, $2  }
0x984: {  	_ =	sdelay $0x2  }
0x985: {  	p2 =	por $0x0, $0x0  }
.LBB2_13:
.Ltmp13:
0x986: {  	(pc) =	sbr.rel .LBB2_18-.Ltmp13, $2  }
0x987: {  	_ =	sdelay $0x2  }
0x988: {  	_ = 	snop  }
.LBB2_9:
.Ltmp14:
0x989: {  	(pc) =	sbr.rel .LBB2_12-.Ltmp14, $3  }
0x98a: {  	_ =	sdelay $0x1  }
0x98b: {  	s11 =	smov.u32 s8;
	s0 =	simm.s32 $0x17880  }
0x98c: {  	s8 =	smov.u32 s23;
	s21 =	simm.s32 $0x17E80;
	s24 =	smov.u32 s9  }
.LBB2_15:
.Ltmp15:
0x98d: {  	(pc) =	sbr.rel .LBB2_18-.Ltmp15, $3  }
0x98e: {  	_ =	sdelay $0x1  }
0x98f: {  	s11 =	smov.u32 s0;
	s1 =	simm.s32 $0x1BA80  }
0x990: {  	s0 =	smov.u32 s10;
	s5 =	simm.s32 $0x1C080;
	s12 =	smov.u32 s8  }
.LBB2_20:
0x991: {  	_ =	sfence.sel $0x180000  }
0x992: {  	[bflag:$0x0] =	sbarrier.arrive $0xFFFF  }
0x993: {  	_ =	strace $0x90000047  }
0x994: {  	s0 =	stileid.u32;
	[bflag:$0x2] =	sbarrier.arrive $0xFFFF  }
0x995: {  	p0 =	sne.s32 s0, $0x0;
	s0 =	rddreg [dreg:$0x2]  }
0x996: {  	s0 =	sadd.s32 @!p0 $0x100000, s0  }
0x997: {  	[sflag:s0] =	ssyncadd.tile.s32 @!p0 $0x1;
	_ =	shalt  }
.Lfunc_end2:
_tile_overlayer_lowered:
.L_overlay_start_2:
0x998: {  	(tag) =	ssettag $0x2  }
0x999: {  	s0 =	rddreg [dreg:$0x0];
	s2 =	stileid.u32  }
0x99a: {  	s1 =	rddreg [dreg:$0x1];
	p0 =	sne.s32 s2, $0x0  }
0x99b: {  	s3 =	rddreg [dreg:$0x2];
	[bflag:$0x3] =	sbarrier.arrive $0xFFFF;
	s2 =	simm.s32 @!p0 $0x1C09  }
0x99c: {  	[timem:s3], [sflag:s2] =	dma.local @!p0 [hbm:s0], s1  }
0x99d: {  	s0 =	simm.s32 @!p0 $0x9  }
0x99e: {  	_ =	swait.ge @!p0 [sflag:s0], s1  }
0x99f: {  	s1 =	ssub.s32 @!p0 $0x0, s1;
	[sflag:s0] =	ssyncset.done @!p0 $0x0  }
0x9a0: {  	[sflag:s0] =	ssyncadd.s32 @!p0 s1  }
0x9a1: {  	[bflag:$0x3] =	sbarrier.arrive $0xFFFF  }
0x9a2: {  	_ =	shalt  }

// kernel: sparse-core-data-format-call.cloned.1.call-start
scs
called_computation_lowered:
.L_overlay_start_0:
0x0: {  	s2 =	sld [smem:$0x3FD9]  }
0x1: {  	s3 =	sld [smem:$0x3FFE];
	_ =	sdelay $0x1  }
0x2: {  	s1 =	srdreg.scid  }
0x3: {  	s0 =	sand.u32 $0x1, s1  }
0x4: {  	s18 =	sshll.u32 s0, $0xA;
	s2 =	sadd.s32 s3, s2  }
0x5: {  	s2 =	sadd.s32 s2, s18  }
0x6: {  	[smem:$0x3FC5] =	sst s2  }
0x7: {  	_ = 	snop  }
0x8: {  	s2 =	sld [smem:$0x3FD0];
	(tm) =	ssettm $0x1  }
0x9: {  	s19 =	sld [smem:$0x3FFB];
	_ =	sdelay $0x3  }
0xa: {  	_ =	strace s19  }
0xb: {  	s3 =	sld [smem:$0x3FFC];
	_ =	sdelay $0x3  }
0xc: {  	_ =	strace s3  }
0xd: {  	s3 =	sld [smem:$0x3FFD];
	_ =	sdelay $0x3  }
0xe: {  	_ =	strace s3  }
0xf: {  	_ =	strace $0x8FFFFFFF  }
0x10: {  	s20 =	sld [smem:$0x3FDB];
	_ =	sdelay $0x1  }
0x11: {  	s4 =	simm.s32 $_scs_section_size  }
0x12: {  	s5 =	simm.s32 $_size__tile_overlayer_lowered;
	s6 =	simm.s32 $_tile_overlayer_lowered  }
0x13: {  	s23 =	simm.s32 $0x1BFF;
	s22 =	sshll.u32 s6, $0x1;
	s3 =	sadd.s32 s4, s20  }
0x14: {  	s7 =	simm.s32 $0x0;
	s21 =	sshll.u32 s5, $0x1;
	s5 =	sadd.s32 s22, s3  }
0x15: {  	[timem:s7], [sflag:s23] =	dma.local [hbm:s5], s21  }
0x16: {  	_ =	swait.ge [sflag:s23], s21  }
0x17: {  	s4 =	ssub.s32 $0x0, s21;
	[sflag:s23] =	ssyncset.done $0x0  }
0x18: {  	[sflag:s23] =	ssyncadd.s32 s4;
	_ =	sdelay $0x1  }
0x19: {  	s24 =	simm.s32 $0x1B8B  }
0x1a: {  	_ =	swait.ge [sflag:s24], $0x1  }
0x1b: {  	[sflag:s24] =	ssyncset.done $0x0  }
0x1c: {  	s26 =	simm.s32 $0x1B8E;
	s25 =	sld [smem:$0x3FFE];
	[sflag:s24] =	ssyncadd.s32 $0xFFFFFFFF  }
0x1d: {  	s27 =	simm.s32 $execute0_lowered;
	[smem:$0x3FD2] =	sst s26  }
0x1e: {  	s5 =	sshll.u32 s27, $0x1;
	_ =	strace $0x80000049;
	[dreg:$0x1] =	wrdreg $0xFFFFFFFF  }
0x1f: {  	s28 =	simm.s32 $_size_execute0_lowered;
	s3 =	sadd.s32 s3, s5;
	[dreg:$0x0] =	wrdreg $0x0  }
0x20: {  	s5 =	sshll.u32 s28, $0x1;
	[dreg:$0x2] =	wrdreg s3  }
0x21: {  	[dreg:$0x3] =	wrdreg s5  }
0x22: {  	[dreg:$0x4] =	wrdreg $0xC0  }
0x23: {  	_ =	task [dreg:s7], $0x5FFFF  }
0x24: {  	[dreg:$0x1] =	wrdreg $0xFFFFFFFF  }
0x25: {  	[dreg:$0x0] =	wrdreg $0x60  }
0x26: {  	[dreg:$0x2] =	wrdreg s25  }
0x27: {  	[dreg:$0x3] =	wrdreg s2  }
0x28: {  	[dreg:$0x4] =	wrdreg $0x9  }
0x29: {  	_ =	task.clear_ibuf [dreg:s7], $0x5FFFF;
	_ =	strace $0x90000049  }
0x2a: {  	s29 =	simm.s32 $0x9;
	_ =	strace $0x8000004B  }
0x2b: {  	_ =	swait.ge [sflag:s29], $0x1  }
0x2c: {  	[sflag:s29] =	ssyncadd.s32 $0xFFFFFFFF  }
0x2d: {  	_ =	strace $0x9000004B  }
0x2e: {  	_ =	sfence  }
0x2f: {  	s30 =	sld [smem:$0x0];
	_ =	sdelay $0x2  }
0x30: {  	s31 =	sshll.u32 s1, $0xD;
	s1 =	sshrl.u32 s1, $0x2  }
0x31: {  	s3 =	sand.u32 $0x4000, s31;
	s1 =	sadd.s32 s1, s30  }
0x32: {  	s0 =	sor.u32 s3, s0;
	s1 =	sshll.u32 s1, $0x11  }
0x33: {  	s0 =	sor.u32 s1, s0  }
0x34: {  	s0 =	sadd.s32 $0x8F2B, s0  }
0x35: {  	[sflag:s0] =	ssyncadd.remote.s32 $0x1  }
0x36: {  	_ =	sfence.sel $0xFFFF  }
0x37: {  	[dreg:$0x0] =	wrdreg $0xFFFFFFFF;
	(pc) =	sbr.abs _section_cstart, $3  }
0x38: {  	[dreg:$0x1] =	wrdreg $0xFFFFFFFF  }
0x39: {  	_ =	task.clear_ibuf [dreg:s7], $0x2FFFF;
	_ =	strace $0x9FFFFFFF  }
0x3a: {  	(tm) =	ssettm $0x7FFFFFFF  }
0x3b: {  	_ =	shalt  }
tec
execute0_lowered:
.L_overlay_start_1:
0x0: {  	(tag) =	ssettag $0x1  }
0x1: {  	s0 =	stileid.u32  }
0x2: {  	s1 =	srdreg.scid;
	s2 =	sshll.u32 s0, $0x7  }
0x3: {  	s7 =	rddreg [dreg:$0x0];
	s3 =	sshll.u32 s1, $0x4;
	s1 =	sand.u32 $0x380, s2  }
0x4: {  	s8 =	simm.s32 $0x2;
	s30 =	sand.u32 $0x10, s3;
	s31 =	ssub.s32 $0x400, s1  }
0x5: {  	s16 =	simm.s32 $0x0;
	s2 =	sor.u32 s0, s30;
	s4 =	sand.u32 $0x380, s31  }
0x6: {  	s2 =	sshrl.u32 s2, $0x3;
	p0 =	sne.s32 s4, $0x0;
	s4 =	simm.s32 $0x1  }
0x7: {  	s3 =	sshrl.u32 s31, $0xA;
	s5 =	ssub.s32 $0x50, s2;
	s4 =	simm.s32 @!p0 $0x0  }
0x8: {  	s9 =	simm.s32 $0x1800;
	s5 =	sshrl.u32 s5, $0x2;
	s3 =	sadd.s32 s4, s3  }
0x9: {  	s10 =	simm.s32 $0x0;
	s15 =	simm.s32 $0x0;
	s6 =	smul.u32 s3, s5  }
.Ltmp0:
0xa: {  	s17 =	simm.s32 $0x0;
	s4 =	rddreg [dreg:$0x1];
	(pc) =	sbr.rel .LBB1_1-.Ltmp0, $4  }
0xb: {  	s11 =	simm.s32 $0x0;
	s14 =	simm.s32 $0x0;
	s3 =	rddreg [dreg:$0x2]  }
0xc: {  	_ =	strace $0x8000004A;
	s5 =	simm.s32 $0x1;
	s6 =	smul.u32 $0x6, s6  }
0xd: {  	s7 =	sadd.s32 $0x800, s7;
	s13 =	smov.u32 s1;
	[sflag:s5] =	ssyncpa.u1 $0x0  }
0xe: {  	s12 =	smov.u32 s2;
	[sflag:s8] =	ssyncpa.u1 $0x0;
	s8 =	sor.u32 $0x1, s6  }
.LBB1_4:
0xf: {  	_ =	sdelay $0x2  }
0x10: {  	s21 =	sshrl.u32 s17, $0x3  }
0x11: {  	[tilespmem:v0+s20+$0xFFFFFFD0 ss:$0x1] =	vst.idx.msk $0xffff, v7;
	s22 =	sshll.u32 s16, $0x3;
	s21 =	smul.u32 $0x1800, s21  }
0x12: {  	v56 =	vld.idx.msk [tilespmem:v1+s19+$0x0 ss:$0x1], $0xffff;
	[tilespmem:v0+s20+$0xFFFFFFE0 ss:$0x1] =	vst.idx.msk $0xffff, v5;
	s27 =	sshll.u32 s17, $0x7;
	s22 =	sand.u32 $0xFFFFFC00, s22  }
0x13: {  	v57 =	vld.idx.msk [tilespmem:v1+s19+$0xFFFFFF90 ss:$0x1], $0xffff;
	[tilespmem:v0+s20+$0xFFFFFFF0 ss:$0x1] =	vst.idx.msk $0xffff, v4;
	s17 =	sand.u32 $0x380, s27;
	s21 =	sadd.s32 s21, s22  }
0x14: {  	v58 =	vld.idx.msk [tilespmem:v1+s19+$0xFFFFFFA0 ss:$0x1], $0xffff;
	[tilespmem:v0+s20+$0x0 ss:$0x1] =	vst.idx.msk $0xffff, v2;
	s28 =	sand.u32 $0x7F, s16;
	s17 =	sor.u32 s17, s21  }
0x15: {  	v59 =	vld.idx.msk [tilespmem:v1+s19+$0xFFFFFFB0 ss:$0x1], $0xffff;
	[tilespmem:v0+s20+$0x10 ss:$0x1] =	vst.idx.msk $0xffff, v3;
	s16 =	sor.u32 s28, s17  }
0x16: {  	v60 =	vld.idx.msk [tilespmem:v1+s19+$0xFFFFFFC0 ss:$0x1], $0xffff;
	[tilespmem:v0+s20+$0x20 ss:$0x1] =	vst.idx.msk $0xffff, v6;
	s29 =	smulhi.u32 $0xAAAAAAAB, s16  }
0x17: {  	v61 =	vld.idx.msk [tilespmem:v1+s19+$0xFFFFFFD0 ss:$0x1], $0xffff;
	[tilespmem:v0+s19+$0x30 ss:$0x1] =	vst.idx.msk $0xffff, v56;
	s17 =	smulhi.u32 $0xAAAAAAAB, s17  }
0x18: {  	v62 =	vld.idx.msk [tilespmem:v1+s19+$0xFFFFFFE0 ss:$0x1], $0xffff;
	[tilespmem:v0+s19+$0xFFFFFFC0 ss:$0x1] =	vst.idx.msk $0xffff, v57;
	s20 =	sshrl.u32 s29, $0x9  }
0x19: {  	v63 =	vld.idx.msk [tilespmem:v1+s19+$0xFFFFFFF0 ss:$0x1], $0xffff;
	[tilespmem:v0+s19+$0xFFFFFFD0 ss:$0x1] =	vst.idx.msk $0xffff, v58;
	s17 =	sshrl.u32 s17, $0x9;
	s20 =	smul.u32 $0x300, s20  }
0x1a: {  	s15 =	smul.u32 $0x18000, s15;
	[tilespmem:v0+s19+$0xFFFFFFE0 ss:$0x1] =	vst.idx.msk $0xffff, v59;
	s17 =	sand.u32 $0x3FF, s17  }
0x1b: {  	[tilespmem:v0+s19+$0xFFFFFFF0 ss:$0x1] =	vst.idx.msk $0xffff, v60;
	s17 =	smul.u32 $0x60, s17;
	s16 =	ssub.s32 s16, s20  }
0x1c: {  	s15 =	sadd.s32 s4, s15;
	[tilespmem:v0+s19+$0x0 ss:$0x1] =	vst.idx.msk $0xffff, v61;
	s20 =	sand.u32 $0x7, s16  }
0x1d: {  	[tilespmem:v0+s19+$0x10 ss:$0x1] =	vst.idx.msk $0xffff, v62;
	s15 =	sadd.s32 s17, s15;
	s16 =	sshrl.u32 s16, $0x3;
	s30 =	sshll.u32 s20, $0x12  }
0x1e: {  	[tilespmem:v0+s19+$0x20 ss:$0x1] =	vst.idx.msk $0xffff, v63;
	s15 =	sadd.s32 s16, s15;
	s31 =	sor.u32 $0x400, s30  }
0x1f: {  	[hbm4b:s15+s31] =	stream.strided.scatter [tilespmem:s18], [sflag:$0x2], $0x4000, s9, s31, $0x38;
	[tilespmem:$0x10000] =	vst v63  }
.LBB1_5:
0x20: {  	s18 =	sadd.s32 $0x80, s11  }
0x21: {  	s15 =	sadd.s32 $0x4, s12;
	s19 =	smov.u32 s12;
	p1 =	sgt.s32 s18, $0x2FF  }
0x22: {  	s19 =	smov.u32 @p1 s15  }
0x23: {  	s21 =	smov.u32 s13;
	s15 =	sadd.s32 $0x400, s13;
	p2 =	sgt.s32 s19, $0x4C  }
0x24: {  	s21 =	smov.u32 @p2 s15  }
0x25: {  	s18 =	simm.s32 @p1 $0x0;
	p1 =	sgt.s32 s21, $0x3FF  }
0x26: {  	p0 =	slt.u32 s14, $0x2;
	s21 =	smov.u32 @p1 s1;
	p1 =	sne.s32 s14, s8  }
.Ltmp1:
0x27: {  	s20 =	simm.s32 @!p0 $0x2;
	(pc) =	sbr.rel @!p1 .LBB1_6-.Ltmp1, $4  }
0x28: {  	s16 =	smov.u32 s11;
	s17 =	smov.u32 s13;
	_ =	swait.ge @!p0 [sflag:s20], $0x4000  }
0x29: {  	s10 =	sadd.s32 $0x4000, s10;
	[sflag:s20] =	ssyncset.done @!p0 $0x0;
	s11 =	smov.u32 s18  }
0x2a: {  	s19 =	smov.u32 @p2 s2;
	s15 =	smov.u32 s12;
	[sflag:s20] =	ssyncadd.s32 @!p0 $0xFFFFC000  }
0x2b: {  	s12 =	smov.u32 s19;
	s14 =	sadd.s32 $0x1, s14;
	s13 =	smov.u32 s21  }
.LBB1_1:
0x2c: {  	p0 =	sge.u32 s14, s6  }
0x2d: {  	s18 =	sshrl.u32 @!p0 s12, $0x3  }
0x2e: {  	s19 =	sshll.u32 @!p0 s11, $0x3;
	s18 =	smul.u32 @!p0 $0x1800, s18  }
0x2f: {  	s20 =	sshll.u32 @!p0 s12, $0x7;
	s19 =	sand.u32 @!p0 $0xFFFFFC00, s19  }
0x30: {  	s18 =	sadd.s32 @!p0 s18, s19;
	s19 =	sand.u32 @!p0 $0x380, s20  }
0x31: {  	s18 =	sor.u32 @!p0 s19, s18  }
0x32: {  	s19 =	sand.u32 @!p0 $0x7F, s11;
	s20 =	smulhi.u32 @!p0 $0xAAAAAAAB, s18  }
0x33: {  	s18 =	sor.u32 @!p0 s19, s18  }
0x34: {  	s19 =	smulhi.u32 @!p0 $0xAAAAAAAB, s18;
	s20 =	sshrl.u32 @!p0 s20, $0x9  }
0x35: {  	s21 =	smulhi.u32 @!p0 $0x3333334, s20;
	_ =	sdelay $0x1  }
0x36: {  	s19 =	sshrl.u32 @!p0 s19, $0x9;
	s21 =	smul.u32 @!p0 $0x50, s21  }
0x37: {  	s31 =	sadd.s32 $0xFFFFFFFF, s14;
	s19 =	smul.u32 @!p0 $0x300, s19  }
0x38: {  	s22 =	sxor.u32 @!p0 $0xFFFFFFFF, s14;
	s20 =	ssub.s32 @!p0 s20, s21;
	s21 =	smul.u32 @!p0 $0x1E00, s13  }
0x39: {  	s22 =	sshll.u32 @!p0 s22, $0xE;
	s18 =	ssub.s32 @!p0 s18, s19;
	s19 =	smul.u32 @!p0 $0x60, s20  }
0x3a: {  	s20 =	sand.u32 @!p0 $0x4000, s22;
	s22 =	sand.u32 @!p0 $0x7, s18;
	s21 =	sadd.s32 @!p0 s7, s21  }
0x3b: {  	s18 =	sshrl.u32 @!p0 s18, $0x3;
	s19 =	sadd.s32 @!p0 s19, s21;
	s21 =	sshll.u32 @!p0 s22, $0x12  }
0x3c: {  	s18 =	sadd.s32 @!p0 s18, s19;
	s19 =	sor.u32 @!p0 $0x80, s21;
	s21 =	simm.s32 @!p0 $0xF000  }
0x3d: {  	[tilespmem:s20], [sflag:$0x1] =	stream.strided.gather @!p0 [hbm4b:s18+s19], $0x4000, s21, s19, $0x38;
	[tilespmem:$0x10000] =	vst v63  }
0x3e: {  	p0 =	sge.u32 s31, s6  }
.Ltmp2:
0x3f: {  	_ = 	snop;
	(pc) =	sbr.rel @p0 .LBB1_5-.Ltmp2, $1  }
0x40: {  	_ =	sdelay $0x3  }
0x41: {  	s18 =	sand.u32 $0x4000, s10  }
0x42: {  	s19 =	sor.u32 $0x70, s18  }
0x43: {  	v1 =	vmov s19;
	_ =	sdelay $0x1  }
0x44: {  	_ =	swait.ge [sflag:s5], $0x4000  }
0x45: {  	[sflag:s5] =	ssyncset.done $0x0  }
0x46: {  	s20 =	simm.s32 $0x0;
	[sflag:s5] =	ssyncadd.s32 $0xFFFFC000  }
0x47: {  	s18 =	sor.u32 $0x8040, s18;
	v6 =	vld.idx.msk [tilespmem:v1+s20+$0x0 ss:$0x1], $0xffff  }
0x48: {  	v0 =	vmov s18;
	v8 =	vld.idx.msk [tilespmem:v1+s20+$0xFFFFFF90 ss:$0x1], $0xffff  }
0x49: {  	v7 =	vld.idx.msk [tilespmem:v1+s20+$0xFFFFFFA0 ss:$0x1], $0xffff  }
0x4a: {  	v5 =	vld.idx.msk [tilespmem:v1+s20+$0xFFFFFFB0 ss:$0x1], $0xffff  }
0x4b: {  	v4 =	vld.idx.msk [tilespmem:v1+s20+$0xFFFFFFC0 ss:$0x1], $0xffff  }
0x4c: {  	s31 =	sshll.u32 s14, $0xE;
	v2 =	vld.idx.msk [tilespmem:v1+s20+$0xFFFFFFD0 ss:$0x1], $0xffff  }
0x4d: {  	s18 =	sand.u32 $0x4000, s31;
	v3 =	vld.idx.msk [tilespmem:v1+s20+$0xFFFFFFE0 ss:$0x1], $0xffff;
	[tilespmem:v0+s20+$0x30 ss:$0x1] =	vst.idx.msk $0xffff, v6  }
0x4e: {  	s21 =	simm.s32 $0x400;
	s19 =	simm.s32 $0x80;
	s18 =	sor.u32 $0x8000, s18;
	[tilespmem:v0+s20+$0xFFFFFFC0 ss:$0x1] =	vst.idx.msk $0xffff, v8;
	v6 =	vld.idx.msk [tilespmem:v1+s20+$0xFFFFFFF0 ss:$0x1], $0xffff  }
.LBB1_3:
0x4f: {  	p0 =	sne.s32 s21, $0xFE00;
	v8 =	vld.idx.msk [tilespmem:v1+s19+$0x0 ss:$0x1], $0xffff;
	[tilespmem:v0+s20+$0xFFFFFFD0 ss:$0x1] =	vst.idx.msk $0xffff, v7  }
0x50: {  	v9 =	vld.idx.msk [tilespmem:v1+s19+$0xFFFFFF90 ss:$0x1], $0xffff;
	[tilespmem:v0+s20+$0xFFFFFFE0 ss:$0x1] =	vst.idx.msk $0xffff, v5  }
0x51: {  	v7 =	vld.idx.msk [tilespmem:v1+s19+$0xFFFFFFA0 ss:$0x1], $0xffff;
	[tilespmem:v0+s20+$0xFFFFFFF0 ss:$0x1] =	vst.idx.msk $0xffff, v4  }
.Ltmp3:
0x52: {  	v5 =	vld.idx.msk [tilespmem:v1+s19+$0xFFFFFFB0 ss:$0x1], $0xffff;
	[tilespmem:v0+s20+$0x0 ss:$0x1] =	vst.idx.msk $0xffff, v2;
	(pc) =	sbr.rel @p0 .LBB1_3-.Ltmp3, $4  }
0x53: {  	v4 =	vld.idx.msk [tilespmem:v1+s19+$0xFFFFFFC0 ss:$0x1], $0xffff;
	[tilespmem:v0+s20+$0x10 ss:$0x1] =	vst.idx.msk $0xffff, v3  }
0x54: {  	v2 =	vld.idx.msk [tilespmem:v1+s19+$0xFFFFFFD0 ss:$0x1], $0xffff;
	[tilespmem:v0+s20+$0x20 ss:$0x1] =	vst.idx.msk $0xffff, v6;
	s20 =	smov.u32 s19  }
0x55: {  	v3 =	vld.idx.msk [tilespmem:v1+s20+$0xFFFFFFE0 ss:$0x1], $0xffff;
	[tilespmem:v0+s20+$0x30 ss:$0x1] =	vst.idx.msk $0xffff, v8  }
0x56: {  	s19 =	sshra.s32 s21, $0x2;
	s21 =	sadd.s32 $0x200, s21;
	[tilespmem:v0+s20+$0xFFFFFFC0 ss:$0x1] =	vst.idx.msk $0xffff, v9;
	v6 =	vld.idx.msk [tilespmem:v1+s20+$0xFFFFFFF0 ss:$0x1], $0xffff  }
.Ltmp4:
0x57: {  	_ = 	snop;
	(pc) =	sbr.rel .LBB1_4-.Ltmp4, $1  }
0x58: {  	_ =	sdelay $0x3  }
.LBB1_6:
0x59: {  	_ =	sfence.sel $0x180000  }
0x5a: {  	s1 =	simm.s32 $0x1;
	[bflag:$0x0] =	sbarrier.arrive $0xFFFF  }
0x5b: {  	s31 =	simm.s32 $0x2;
	[sflag:s1] =	ssyncpa.u1 $0x1  }
0x5c: {  	[sflag:s31] =	ssyncpa.u1 $0x1  }
0x5d: {  	p0 =	sne.s32 s0, $0x0;
	_ =	strace $0x9000004A  }
0x5e: {  	s0 =	sadd.s32 @!p0 $0x100000, s3;
	[bflag:$0x2] =	sbarrier.arrive $0xFFFF  }
0x5f: {  	[sflag:s0] =	ssyncadd.tile.s32 @!p0 $0x1;
	_ =	shalt  }
.Lfunc_end1:
_tile_overlayer_lowered:
.L_overlay_start_2:
0x60: {  	(tag) =	ssettag $0x2  }
0x61: {  	s0 =	rddreg [dreg:$0x0];
	s2 =	stileid.u32  }
0x62: {  	s1 =	rddreg [dreg:$0x1];
	p0 =	sne.s32 s2, $0x0  }
0x63: {  	s3 =	rddreg [dreg:$0x2];
	[bflag:$0x3] =	sbarrier.arrive $0xFFFF;
	s2 =	simm.s32 @!p0 $0x1C01  }
0x64: {  	[timem:s3], [sflag:s2] =	dma.local @!p0 [hbm:s0], s1  }
0x65: {  	s0 =	simm.s32 @!p0 $0x1  }
0x66: {  	_ =	swait.ge @!p0 [sflag:s0], s1  }
0x67: {  	s1 =	ssub.s32 @!p0 $0x0, s1;
	[sflag:s0] =	ssyncset.done @!p0 $0x0  }
0x68: {  	[sflag:s0] =	ssyncadd.s32 @!p0 s1  }
0x69: {  	[bflag:$0x3] =	sbarrier.arrive $0xFFFF  }
0x6a: {  	_ =	shalt  }

</sc_bundles>
